<compile_context>
chip_gen: v7x
topology: tpu7x:2x2x1
jax: 0.10.2.dev20260603
libtpu: 0.0.44.dev20260713+nightly
codegen_flags: <defaults>
</compile_context>

<pallas_src>
import functools

import jax
import jax.numpy as jnp
from jax import lax
from jax.experimental import pallas as pl
from jax.experimental.pallas import tpu as pltpu
from jax.experimental.pallas import tpu_sc as plsc

_NUM_VARS = 64
_K = 32
_V = 256
_B = 512
_NW = 32
_VARS_PER_W = _NUM_VARS // _NW
_CHUNK = 128


def _sc_gather(table, inputs_t):
    mesh = plsc.VectorSubcoreMesh(core_axis_name="c", subcore_axis_name="s")

    @functools.partial(
        pl.kernel, mesh=mesh,
        compiler_params=pltpu.CompilerParams(use_tc_tiling_on_sc=False),
        out_type=jax.ShapeDtypeStruct((_NUM_VARS, _B, _K), jnp.float32),
        scratch_types=[
            pltpu.VMEM((_B,), jnp.int32),
            pltpu.VMEM((_B, _K), jnp.float32),
            pltpu.SemaphoreType.DMA,
        ],
    )
    def k(table_hbm, inp_hbm, out_hbm, idx_v, rows_v, sem):
        wid = lax.axis_index("s") * 2 + lax.axis_index("c")
        for j in range(_VARS_PER_W):
            v = wid * _VARS_PER_W + j
            pltpu.sync_copy(inp_hbm.at[v], idx_v)
            base = v * _V
            for i in range(_B // 16):
                sl = pl.ds(i * 16, 16)
                idx_v[sl] = idx_v[sl] + base
            for c in range(_B // _CHUNK):
                sl = pl.ds(c * _CHUNK, _CHUNK)
                pltpu.async_copy(table_hbm.at[idx_v.at[sl]],
                                 rows_v.at[sl], sem).wait()
            pltpu.sync_copy(rows_v, out_hbm.at[v])

    return k(table, inputs_t)


def _circuit_body(leaf_ref, xg_ref, w1_ref, w2_ref, w3_ref, w4_ref,
                  w5_ref, w6_ref, wr_ref, out_ref):
    xs = []
    for v in range(_NUM_VARS):
        leaf_v = leaf_ref[v]
        mlf = jnp.max(leaf_v, axis=1, keepdims=True)
        lse = jnp.log(jnp.sum(jnp.exp(leaf_v - mlf), axis=1, keepdims=True)) + mlf
        g = xg_ref[v].T
        xs.append(g - lse)

    for w_ref in (w1_ref, w2_ref, w3_ref, w4_ref, w5_ref, w6_ref):
        r_count = w_ref.shape[0]
        nxt = []
        for r in range(r_count):
            lft = xs[2 * r]
            rgt = xs[2 * r + 1]
            m_l = jnp.max(lft, axis=0, keepdims=True)
            m_r = jnp.max(rgt, axis=0, keepdims=True)
            e_l = jnp.exp(lft - m_l).astype(jnp.bfloat16)
            e_r = jnp.exp(rgt - m_r).astype(jnp.bfloat16)
            prod = (e_l[:, None, :] * e_r[None, :, :]).reshape(_K * _K, _B)
            w_v = w_ref[r]
            m_w = jnp.max(w_v, axis=1, keepdims=True)
            w_e = jnp.exp(w_v - m_w)
            w_p = (w_e / jnp.sum(w_e, axis=1, keepdims=True)).astype(jnp.bfloat16)
            dot = jnp.dot(w_p, prod, preferred_element_type=jnp.float32)
            nxt.append(jnp.log(dot + 1e-37) + (m_l + m_r))
        xs = nxt

    wr_col = wr_ref[...]
    m_w = jnp.max(wr_col)
    lse_w = jnp.log(jnp.sum(jnp.exp(wr_col - m_w))) + m_w
    t = xs[0] + (wr_col - lse_w)
    m_t = jnp.max(t, axis=0, keepdims=True)
    out_ref[...] = jnp.log(jnp.sum(jnp.exp(t - m_t), axis=0, keepdims=True)) + m_t


def kernel(inputs, leaf_logits, w1, w2, w3, w4, w5, w6, wr):
    table = leaf_logits.transpose(0, 2, 1).reshape(_NUM_VARS * _V, _K)
    xg = _sc_gather(table, inputs.T)
    lls = pl.pallas_call(
        _circuit_body,
        out_shape=jax.ShapeDtypeStruct((1, _B), jnp.float32),
    )(leaf_logits, xg, w1, w2, w3, w4, w5, w6, wr[:, None])
    return lls.reshape(_B, 1)

# --- scband reference (transcript-rebuilt; emitter-appended) ---
"""Pipeline reference for scband-tensor-circuit-23175643529499 (READ-ONLY COPY).

The authoritative reference and input builder live on the scoring server;
editing this copy changes nothing except your own understanding.
"""

import jax, jax.numpy as jnp
import numpy as np

NUM_VARS = 64
K = 32
V = 256
B = 512


def setup_inputs(seed: int = 0) -> dict:
    key = jax.random.key(seed)
    ks = jax.random.split(key, 10)
    inp = {}
    inp["inputs"] = jax.random.randint(ks[0], (B, NUM_VARS), 0, V, dtype=jnp.int32)
    inp["leaf_logits"] = jax.random.normal(ks[1], (NUM_VARS, K, V), dtype=jnp.float32)
    R = NUM_VARS
    lvl = 1
    i = 2
    while R > 1:
        R //= 2
        inp[f"w{lvl}"] = jax.random.normal(ks[i], (R, K, K * K), dtype=jnp.float32)
        lvl += 1
        i += 1
    inp["wr"] = jax.random.normal(ks[i], (K,), dtype=jnp.float32)
    return inp


def reference(inputs, leaf_logits, w1, w2, w3, w4, w5, w6, wr):
    # --- input layer: categorical leaf log-likelihoods (gather from leaf tables) ---
    # inputs: [B, num_vars] -> permuted to [num_vars, B] as in the torch forward
    Bsz = inputs.shape[0]
    lp = jax.nn.log_softmax(leaf_logits, axis=-1)  # normalized leaf params [V_vars, K, V]
    idx = jnp.broadcast_to(inputs.T[:, None, :], (NUM_VARS, K, Bsz))
    x = jnp.take_along_axis(lp, idx, axis=2)  # node_mars for input layer: [num_vars, K, B]

    # --- inner layers: alternating ProdLayer / SumLayer over a binary region tree ---
    for w in (w1, w2, w3, w4, w5, w6):
        left = x[0::2]   # [R, K, B]
        right = x[1::2]  # [R, K, B]
        # ProdLayer: element_mars = sum of child log-marginals over K x K pairings
        e = (left[:, :, None, :] + right[:, None, :, :]).reshape(left.shape[0], K * K, Bsz)
        # SumLayer: log-sum-exp mixture with normalized (softmaxed) sum params
        m = jnp.max(e, axis=1, keepdims=True)           # [R, 1, B] stability shift
        wp = jax.nn.softmax(w, axis=-1)                  # [R, K, K*K]
        x = jnp.log(jnp.einsum('rkc,rcb->rkb', wp, jnp.exp(e - m)) + 1e-37) + m

    # --- root sum node -> log-likelihoods, permuted back to [B, num_roots] ---
    root = jax.nn.log_softmax(wr)                        # [K]
    lls = jax.nn.logsumexp(root[:, None] + x[0], axis=0)  # [B]
    return lls[:, None]

if __name__ == "__main__":
    import jax
    _d = setup_inputs()
    print(jax.jit(kernel)(*tuple(_d.values())))

</pallas_src>

<mosaic_0001>
#map = affine_map<(d0, d1) -> (0, 0)>
#map1 = affine_map<(d0, d1) -> (0, 0, 0)>
module attributes {stable_mosaic.version = 14 : i64} {
  func.func @k(%arg0: i32, %arg1: i32, %arg2: memref<16384x32xf32, #tpu.memory_space<hbm>>, %arg3: memref<64x512xi32, #tpu.memory_space<hbm>>, %arg4: memref<64x512x32xf32, #tpu.memory_space<hbm>>, %arg5: memref<512xi32, #tpu.memory_space<vmem>>, %arg6: memref<512x32xf32, #tpu.memory_space<vmem>>, %arg7: memref<!tpu.dma_semaphore, #tpu.memory_space<semaphore_mem>>) attributes {dimension_semantics = [#tpu.dimension_semantics<core_parallel>, #tpu.dimension_semantics<subcore_parallel>], iteration_bounds = array<i64: 2, 16>, scalar_prefetch = 0 : i64, scratch_operands = 3 : i64, tpu.core_type = #tpu.core_type<sc_vector_subcore>, window_params = [{transform_indices = #map}, {transform_indices = #map}, {transform_indices = #map1}]} {
    %mul3A = arith.constant 2 : i32
    %mul3A_0 = arith.muli %arg1, %mul3A : i32
    %add3A = arith.addi %mul3A_0, %arg0 : i32
    %mul3A_1 = arith.constant 2 : i32
    %mul3A_2 = arith.muli %add3A, %mul3A_1 : i32
    %add3A_3 = arith.constant 0 : i32
    %add3A_4 = arith.addi %mul3A_2, %add3A_3 : i32
    "tpu.region"() ({
      %run_scoped3A = tpu.sem_alloc : memref<!tpu.dma_semaphore, #tpu.memory_space<semaphore_mem>>
      %dma_start3A_713 = arith.constant 0 : i32
      %dma_start3A_714 = tpu.memref_slice %arg3[%add3A_4, %dma_start3A_713] : memref<64x512xi32, #tpu.memory_space<hbm>> -> memref<1x512xi32, #tpu.memory_space<hbm>>
      %dma_start3A_715 = tpu.memref_squeeze %dma_start3A_714 : memref<1x512xi32, #tpu.memory_space<hbm>> -> memref<512xi32, #tpu.memory_space<hbm>>
      %dma_start3A_716 = arith.constant 0 : i32
      %dma_start3A_717 = tpu.memref_slice %arg3[%add3A_4, %dma_start3A_716] : memref<64x512xi32, #tpu.memory_space<hbm>> -> memref<1x512xi32, #tpu.memory_space<hbm>>
      %dma_start3A_718 = tpu.memref_squeeze %dma_start3A_717 : memref<1x512xi32, #tpu.memory_space<hbm>> -> memref<512xi32, #tpu.memory_space<hbm>>
      tpu.enqueue_dma source(%dma_start3A_718 : memref<512xi32, #tpu.memory_space<hbm>>) target(%arg5 : memref<512xi32, #tpu.memory_space<vmem>>) target_semaphore(%run_scoped3A : memref<!tpu.dma_semaphore, #tpu.memory_space<semaphore_mem>>)
      %dma_wait3A_719 = arith.constant 0 : i32
      %dma_wait3A_720 = tpu.memref_slice %arg3[%add3A_4, %dma_wait3A_719] : memref<64x512xi32, #tpu.memory_space<hbm>> -> memref<1x512xi32, #tpu.memory_space<hbm>>
      %dma_wait3A_721 = tpu.memref_squeeze %dma_wait3A_720 : memref<1x512xi32, #tpu.memory_space<hbm>> -> memref<512xi32, #tpu.memory_space<hbm>>
      %dma_wait3A_722 = arith.constant 0 : i32
      %dma_wait3A_723 = tpu.memref_slice %arg3[%add3A_4, %dma_wait3A_722] : memref<64x512xi32, #tpu.memory_space<hbm>> -> memref<1x512xi32, #tpu.memory_space<hbm>>
      %dma_wait3A_724 = tpu.memref_squeeze %dma_wait3A_723 : memref<1x512xi32, #tpu.memory_space<hbm>> -> memref<512xi32, #tpu.memory_space<hbm>>
      tpu.wait_dma2 semaphore(%run_scoped3A : memref<!tpu.dma_semaphore, #tpu.memory_space<semaphore_mem>>) src(%dma_wait3A_724 : memref<512xi32, #tpu.memory_space<hbm>>) dst(%arg5 : memref<512xi32, #tpu.memory_space<vmem>>)
      tpu.yield
    }) : () -> ()
    %mul3A_5 = arith.constant 256 : i32
    %mul3A_6 = arith.muli %add3A_4, %mul3A_5 : i32
    %get3A = arith.constant 0 : index
    %get3A_7 = tpu.vector_load %arg5[%get3A] {strides = array<i32>} : memref<512xi32, #tpu.memory_space<vmem>>, vector<16xi32>,
    %get3A_8 = vector.shape_cast %get3A_7 : vector<16xi32> to vector<16xi32>
    %add3A_9 = vector.broadcast %mul3A_6 : i32 to vector<16xi32>
    %add3A_10 = arith.addi %get3A_8, %add3A_9 : vector<16xi32>
    %swap3A = arith.constant 0 : index
    %swap3A_11 = tpu.vector_load %arg5[%swap3A] {strides = array<i32>} : memref<512xi32, #tpu.memory_space<vmem>>, vector<16xi32>,
    %swap3A_12 = vector.shape_cast %swap3A_11 : vector<16xi32> to vector<16xi32>
    %swap3A_13 = vector.shape_cast %add3A_10 : vector<16xi32> to vector<16xi32>
    tpu.vector_store %arg5[%swap3A], %swap3A_13 {strides = array<i32>} : memref<512xi32, #tpu.memory_space<vmem>>, vector<16xi32>,
    %get3A_14 = arith.constant 16 : index
    %get3A_15 = tpu.vector_load %arg5[%get3A_14] {strides = array<i32>} : memref<512xi32, #tpu.memory_space<vmem>>, vector<16xi32>,
    %get3A_16 = vector.shape_cast %get3A_15 : vector<16xi32> to vector<16xi32>
    %add3A_17 = vector.broadcast %mul3A_6 : i32 to vector<16xi32>
    %add3A_18 = arith.addi %get3A_16, %add3A_17 : vector<16xi32>
    %swap3A_19 = arith.constant 16 : index
    %swap3A_20 = tpu.vector_load %arg5[%swap3A_19] {strides = array<i32>} : memref<512xi32, #tpu.memory_space<vmem>>, vector<16xi32>,
    %swap3A_21 = vector.shape_cast %swap3A_20 : vector<16xi32> to vector<16xi32>
    %swap3A_22 = vector.shape_cast %add3A_18 : vector<16xi32> to vector<16xi32>
    tpu.vector_store %arg5[%swap3A_19], %swap3A_22 {strides = array<i32>} : memref<512xi32, #tpu.memory_space<vmem>>, vector<16xi32>,
    %get3A_23 = arith.constant 32 : index
    %get3A_24 = tpu.vector_load %arg5[%get3A_23] {strides = array<i32>} : memref<512xi32, #tpu.memory_space<vmem>>, vector<16xi32>,
    %get3A_25 = vector.shape_cast %get3A_24 : vector<16xi32> to vector<16xi32>
    %add3A_26 = vector.broadcast %mul3A_6 : i32 to vector<16xi32>
    %add3A_27 = arith.addi %get3A_25, %add3A_26 : vector<16xi32>
    %swap3A_28 = arith.constant 32 : index
    %swap3A_29 = tpu.vector_load %arg5[%swap3A_28] {strides = array<i32>} : memref<512xi32, #tpu.memory_space<vmem>>, vector<16xi32>,
    %swap3A_30 = vector.shape_cast %swap3A_29 : vector<16xi32> to vector<16xi32>
    %swap3A_31 = vector.shape_cast %add3A_27 : vector<16xi32> to vector<16xi32>
    tpu.vector_store %arg5[%swap3A_28], %swap3A_31 {strides = array<i32>} : memref<512xi32, #tpu.memory_space<vmem>>, vector<16xi32>,
    %get3A_32 = arith.constant 48 : index
    %get3A_33 = tpu.vector_load %arg5[%get3A_32] {strides = array<i32>} : memref<512xi32, #tpu.memory_space<vmem>>, vector<16xi32>,
    %get3A_34 = vector.shape_cast %get3A_33 : vector<16xi32> to vector<16xi32>
    %add3A_35 = vector.broadcast %mul3A_6 : i32 to vector<16xi32>
    %add3A_36 = arith.addi %get3A_34, %add3A_35 : vector<16xi32>
    %swap3A_37 = arith.constant 48 : index
    %swap3A_38 = tpu.vector_load %arg5[%swap3A_37] {strides = array<i32>} : memref<512xi32, #tpu.memory_space<vmem>>, vector<16xi32>,
    %swap3A_39 = vector.shape_cast %swap3A_38 : vector<16xi32> to vector<16xi32>
    %swap3A_40 = vector.shape_cast %add3A_36 : vector<16xi32> to vector<16xi32>
    tpu.vector_store %arg5[%swap3A_37], %swap3A_40 {strides = array<i32>} : memref<512xi32, #tpu.memory_space<vmem>>, vector<16xi32>,
    %get3A_41 = arith.constant 64 : index
    %get3A_42 = tpu.vector_load %arg5[%get3A_41] {strides = array<i32>} : memref<512xi32, #tpu.memory_space<vmem>>, vector<16xi32>,
    %get3A_43 = vector.shape_cast %get3A_42 : vector<16xi32> to vector<16xi32>
    %add3A_44 = vector.broadcast %mul3A_6 : i32 to vector<16xi32>
    %add3A_45 = arith.addi %get3A_43, %add3A_44 : vector<16xi32>
    %swap3A_46 = arith.constant 64 : index
    %swap3A_47 = tpu.vector_load %arg5[%swap3A_46] {strides = array<i32>} : memref<512xi32, #tpu.memory_space<vmem>>, vector<16xi32>,
    %swap3A_48 = vector.shape_cast %swap3A_47 : vector<16xi32> to vector<16xi32>
    %swap3A_49 = vector.shape_cast %add3A_45 : vector<16xi32> to vector<16xi32>
    tpu.vector_store %arg5[%swap3A_46], %swap3A_49 {strides = array<i32>} : memref<512xi32, #tpu.memory_space<vmem>>, vector<16xi32>,
    %get3A_50 = arith.constant 80 : index
    %get3A_51 = tpu.vector_load %arg5[%get3A_50] {strides = array<i32>} : memref<512xi32, #tpu.memory_space<vmem>>, vector<16xi32>,
    %get3A_52 = vector.shape_cast %get3A_51 : vector<16xi32> to vector<16xi32>
    %add3A_53 = vector.broadcast %mul3A_6 : i32 to vector<16xi32>
    %add3A_54 = arith.addi %get3A_52, %add3A_53 : vector<16xi32>
    %swap3A_55 = arith.constant 80 : index
    %swap3A_56 = tpu.vector_load %arg5[%swap3A_55] {strides = array<i32>} : memref<512xi32, #tpu.memory_space<vmem>>, vector<16xi32>,
    %swap3A_57 = vector.shape_cast %swap3A_56 : vector<16xi32> to vector<16xi32>
    %swap3A_58 = vector.shape_cast %add3A_54 : vector<16xi32> to vector<16xi32>
    tpu.vector_store %arg5[%swap3A_55], %swap3A_58 {strides = array<i32>} : memref<512xi32, #tpu.memory_space<vmem>>, vector<16xi32>,
    %get3A_59 = arith.constant 96 : index
    %get3A_60 = tpu.vector_load %arg5[%get3A_59] {strides = array<i32>} : memref<512xi32, #tpu.memory_space<vmem>>, vector<16xi32>,
    %get3A_61 = vector.shape_cast %get3A_60 : vector<16xi32> to vector<16xi32>
    %add3A_62 = vector.broadcast %mul3A_6 : i32 to vector<16xi32>
    %add3A_63 = arith.addi %get3A_61, %add3A_62 : vector<16xi32>
    %swap3A_64 = arith.constant 96 : index
    %swap3A_65 = tpu.vector_load %arg5[%swap3A_64] {strides = array<i32>} : memref<512xi32, #tpu.memory_space<vmem>>, vector<16xi32>,
    %swap3A_66 = vector.shape_cast %swap3A_65 : vector<16xi32> to vector<16xi32>
    %swap3A_67 = vector.shape_cast %add3A_63 : vector<16xi32> to vector<16xi32>
    tpu.vector_store %arg5[%swap3A_64], %swap3A_67 {strides = array<i32>} : memref<512xi32, #tpu.memory_space<vmem>>, vector<16xi32>,
    %get3A_68 = arith.constant 112 : index
    %get3A_69 = tpu.vector_load %arg5[%get3A_68] {strides = array<i32>} : memref<512xi32, #tpu.memory_space<vmem>>, vector<16xi32>,
    %get3A_70 = vector.shape_cast %get3A_69 : vector<16xi32> to vector<16xi32>
    %add3A_71 = vector.broadcast %mul3A_6 : i32 to vector<16xi32>
    %add3A_72 = arith.addi %get3A_70, %add3A_71 : vector<16xi32>
    %swap3A_73 = arith.constant 112 : index
    %swap3A_74 = tpu.vector_load %arg5[%swap3A_73] {strides = array<i32>} : memref<512xi32, #tpu.memory_space<vmem>>, vector<16xi32>,
    %swap3A_75 = vector.shape_cast %swap3A_74 : vector<16xi32> to vector<16xi32>
    %swap3A_76 = vector.shape_cast %add3A_72 : vector<16xi32> to vector<16xi32>
    tpu.vector_store %arg5[%swap3A_73], %swap3A_76 {strides = array<i32>} : memref<512xi32, #tpu.memory_space<vmem>>, vector<16xi32>,
    %get3A_77 = arith.constant 128 : index
    %get3A_78 = tpu.vector_load %arg5[%get3A_77] {strides = array<i32>} : memref<512xi32, #tpu.memory_space<vmem>>, vector<16xi32>,
    %get3A_79 = vector.shape_cast %get3A_78 : vector<16xi32> to vector<16xi32>
    %add3A_80 = vector.broadcast %mul3A_6 : i32 to vector<16xi32>
    %add3A_81 = arith.addi %get3A_79, %add3A_80 : vector<16xi32>
    %swap3A_82 = arith.constant 128 : index
    %swap3A_83 = tpu.vector_load %arg5[%swap3A_82] {strides = array<i32>} : memref<512xi32, #tpu.memory_space<vmem>>, vector<16xi32>,
    %swap3A_84 = vector.shape_cast %swap3A_83 : vector<16xi32> to vector<16xi32>
    %swap3A_85 = vector.shape_cast %add3A_81 : vector<16xi32> to vector<16xi32>
    tpu.vector_store %arg5[%swap3A_82], %swap3A_85 {strides = array<i32>} : memref<512xi32, #tpu.memory_space<vmem>>, vector<16xi32>,
    %get3A_86 = arith.constant 144 : index
    %get3A_87 = tpu.vector_load %arg5[%get3A_86] {strides = array<i32>} : memref<512xi32, #tpu.memory_space<vmem>>, vector<16xi32>,
    %get3A_88 = vector.shape_cast %get3A_87 : vector<16xi32> to vector<16xi32>
    %add3A_89 = vector.broadcast %mul3A_6 : i32 to vector<16xi32>
    %add3A_90 = arith.addi %get3A_88, %add3A_89 : vector<16xi32>
    %swap3A_91 = arith.constant 144 : index
    %swap3A_92 = tpu.vector_load %arg5[%swap3A_91] {strides = array<i32>} : memref<512xi32, #tpu.memory_space<vmem>>, vector<16xi32>,
    %swap3A_93 = vector.shape_cast %swap3A_92 : vector<16xi32> to vector<16xi32>
    %swap3A_94 = vector.shape_cast %add3A_90 : vector<16xi32> to vector<16xi32>
    tpu.vector_store %arg5[%swap3A_91], %swap3A_94 {strides = array<i32>} : memref<512xi32, #tpu.memory_space<vmem>>, vector<16xi32>,
    %get3A_95 = arith.constant 160 : index
    %get3A_96 = tpu.vector_load %arg5[%get3A_95] {strides = array<i32>} : memref<512xi32, #tpu.memory_space<vmem>>, vector<16xi32>,
    %get3A_97 = vector.shape_cast %get3A_96 : vector<16xi32> to vector<16xi32>
    %add3A_98 = vector.broadcast %mul3A_6 : i32 to vector<16xi32>
    %add3A_99 = arith.addi %get3A_97, %add3A_98 : vector<16xi32>
    %swap3A_100 = arith.constant 160 : index
    %swap3A_101 = tpu.vector_load %arg5[%swap3A_100] {strides = array<i32>} : memref<512xi32, #tpu.memory_space<vmem>>, vector<16xi32>,
    %swap3A_102 = vector.shape_cast %swap3A_101 : vector<16xi32> to vector<16xi32>
    %swap3A_103 = vector.shape_cast %add3A_99 : vector<16xi32> to vector<16xi32>
    tpu.vector_store %arg5[%swap3A_100], %swap3A_103 {strides = array<i32>} : memref<512xi32, #tpu.memory_space<vmem>>, vector<16xi32>,
    %get3A_104 = arith.constant 176 : index
    %get3A_105 = tpu.vector_load %arg5[%get3A_104] {strides = array<i32>} : memref<512xi32, #tpu.memory_space<vmem>>, vector<16xi32>,
    %get3A_106 = vector.shape_cast %get3A_105 : vector<16xi32> to vector<16xi32>
    %add3A_107 = vector.broadcast %mul3A_6 : i32 to vector<16xi32>
    %add3A_108 = arith.addi %get3A_106, %add3A_107 : vector<16xi32>
    %swap3A_109 = arith.constant 176 : index
    %swap3A_110 = tpu.vector_load %arg5[%swap3A_109] {strides = array<i32>} : memref<512xi32, #tpu.memory_space<vmem>>, vector<16xi32>,
    %swap3A_111 = vector.shape_cast %swap3A_110 : vector<16xi32> to vector<16xi32>
    %swap3A_112 = vector.shape_cast %add3A_108 : vector<16xi32> to vector<16xi32>
    tpu.vector_store %arg5[%swap3A_109], %swap3A_112 {strides = array<i32>} : memref<512xi32, #tpu.memory_space<vmem>>, vector<16xi32>,
    %get3A_113 = arith.constant 192 : index
    %get3A_114 = tpu.vector_load %arg5[%get3A_113] {strides = array<i32>} : memref<512xi32, #tpu.memory_space<vmem>>, vector<16xi32>,
    %get3A_115 = vector.shape_cast %get3A_114 : vector<16xi32> to vector<16xi32>
    %add3A_116 = vector.broadcast %mul3A_6 : i32 to vector<16xi32>
    %add3A_117 = arith.addi %get3A_115, %add3A_116 : vector<16xi32>
    %swap3A_118 = arith.constant 192 : index
    %swap3A_119 = tpu.vector_load %arg5[%swap3A_118] {strides = array<i32>} : memref<512xi32, #tpu.memory_space<vmem>>, vector<16xi32>,
    %swap3A_120 = vector.shape_cast %swap3A_119 : vector<16xi32> to vector<16xi32>
    %swap3A_121 = vector.shape_cast %add3A_117 : vector<16xi32> to vector<16xi32>
    tpu.vector_store %arg5[%swap3A_118], %swap3A_121 {strides = array<i32>} : memref<512xi32, #tpu.memory_space<vmem>>, vector<16xi32>,
    %get3A_122 = arith.constant 208 : index
    %get3A_123 = tpu.vector_load %arg5[%get3A_122] {strides = array<i32>} : memref<512xi32, #tpu.memory_space<vmem>>, vector<16xi32>,
    %get3A_124 = vector.shape_cast %get3A_123 : vector<16xi32> to vector<16xi32>
    %add3A_125 = vector.broadcast %mul3A_6 : i32 to vector<16xi32>
    %add3A_126 = arith.addi %get3A_124, %add3A_125 : vector<16xi32>
    %swap3A_127 = arith.constant 208 : index
    %swap3A_128 = tpu.vector_load %arg5[%swap3A_127] {strides = array<i32>} : memref<512xi32, #tpu.memory_space<vmem>>, vector<16xi32>,
    %swap3A_129 = vector.shape_cast %swap3A_128 : vector<16xi32> to vector<16xi32>
    %swap3A_130 = vector.shape_cast %add3A_126 : vector<16xi32> to vector<16xi32>
    tpu.vector_store %arg5[%swap3A_127], %swap3A_130 {strides = array<i32>} : memref<512xi32, #tpu.memory_space<vmem>>, vector<16xi32>,
    %get3A_131 = arith.constant 224 : index
    %get3A_132 = tpu.vector_load %arg5[%get3A_131] {strides = array<i32>} : memref<512xi32, #tpu.memory_space<vmem>>, vector<16xi32>,
    %get3A_133 = vector.shape_cast %get3A_132 : vector<16xi32> to vector<16xi32>
    %add3A_134 = vector.broadcast %mul3A_6 : i32 to vector<16xi32>
    %add3A_135 = arith.addi %get3A_133, %add3A_134 : vector<16xi32>
    %swap3A_136 = arith.constant 224 : index
    %swap3A_137 = tpu.vector_load %arg5[%swap3A_136] {strides = array<i32>} : memref<512xi32, #tpu.memory_space<vmem>>, vector<16xi32>,
    %swap3A_138 = vector.shape_cast %swap3A_137 : vector<16xi32> to vector<16xi32>
    %swap3A_139 = vector.shape_cast %add3A_135 : vector<16xi32> to vector<16xi32>
    tpu.vector_store %arg5[%swap3A_136], %swap3A_139 {strides = array<i32>} : memref<512xi32, #tpu.memory_space<vmem>>, vector<16xi32>,
    %get3A_140 = arith.constant 240 : index
    %get3A_141 = tpu.vector_load %arg5[%get3A_140] {strides = array<i32>} : memref<512xi32, #tpu.memory_space<vmem>>, vector<16xi32>,
    %get3A_142 = vector.shape_cast %get3A_141 : vector<16xi32> to vector<16xi32>
    %add3A_143 = vector.broadcast %mul3A_6 : i32 to vector<16xi32>
    %add3A_144 = arith.addi %get3A_142, %add3A_143 : vector<16xi32>
    %swap3A_145 = arith.constant 240 : index
    %swap3A_146 = tpu.vector_load %arg5[%swap3A_145] {strides = array<i32>} : memref<512xi32, #tpu.memory_space<vmem>>, vector<16xi32>,
    %swap3A_147 = vector.shape_cast %swap3A_146 : vector<16xi32> to vector<16xi32>
    %swap3A_148 = vector.shape_cast %add3A_144 : vector<16xi32> to vector<16xi32>
    tpu.vector_store %arg5[%swap3A_145], %swap3A_148 {strides = array<i32>} : memref<512xi32, #tpu.memory_space<vmem>>, vector<16xi32>,
    %get3A_149 = arith.constant 256 : index
    %get3A_150 = tpu.vector_load %arg5[%get3A_149] {strides = array<i32>} : memref<512xi32, #tpu.memory_space<vmem>>, vector<16xi32>,
    %get3A_151 = vector.shape_cast %get3A_150 : vector<16xi32> to vector<16xi32>
    %add3A_152 = vector.broadcast %mul3A_6 : i32 to vector<16xi32>
    %add3A_153 = arith.addi %get3A_151, %add3A_152 : vector<16xi32>
    %swap3A_154 = arith.constant 256 : index
    %swap3A_155 = tpu.vector_load %arg5[%swap3A_154] {strides = array<i32>} : memref<512xi32, #tpu.memory_space<vmem>>, vector<16xi32>,
    %swap3A_156 = vector.shape_cast %swap3A_155 : vector<16xi32> to vector<16xi32>
    %swap3A_157 = vector.shape_cast %add3A_153 : vector<16xi32> to vector<16xi32>
    tpu.vector_store %arg5[%swap3A_154], %swap3A_157 {strides = array<i32>} : memref<512xi32, #tpu.memory_space<vmem>>, vector<16xi32>,
    %get3A_158 = arith.constant 272 : index
    %get3A_159 = tpu.vector_load %arg5[%get3A_158] {strides = array<i32>} : memref<512xi32, #tpu.memory_space<vmem>>, vector<16xi32>,
    %get3A_160 = vector.shape_cast %get3A_159 : vector<16xi32> to vector<16xi32>
    %add3A_161 = vector.broadcast %mul3A_6 : i32 to vector<16xi32>
    %add3A_162 = arith.addi %get3A_160, %add3A_161 : vector<16xi32>
    %swap3A_163 = arith.constant 272 : index
    %swap3A_164 = tpu.vector_load %arg5[%swap3A_163] {strides = array<i32>} : memref<512xi32, #tpu.memory_space<vmem>>, vector<16xi32>,
    %swap3A_165 = vector.shape_cast %swap3A_164 : vector<16xi32> to vector<16xi32>
    %swap3A_166 = vector.shape_cast %add3A_162 : vector<16xi32> to vector<16xi32>
    tpu.vector_store %arg5[%swap3A_163], %swap3A_166 {strides = array<i32>} : memref<512xi32, #tpu.memory_space<vmem>>, vector<16xi32>,
    %get3A_167 = arith.constant 288 : index
    %get3A_168 = tpu.vector_load %arg5[%get3A_167] {strides = array<i32>} : memref<512xi32, #tpu.memory_space<vmem>>, vector<16xi32>,
    %get3A_169 = vector.shape_cast %get3A_168 : vector<16xi32> to vector<16xi32>
    %add3A_170 = vector.broadcast %mul3A_6 : i32 to vector<16xi32>
    %add3A_171 = arith.addi %get3A_169, %add3A_170 : vector<16xi32>
    %swap3A_172 = arith.constant 288 : index
    %swap3A_173 = tpu.vector_load %arg5[%swap3A_172] {strides = array<i32>} : memref<512xi32, #tpu.memory_space<vmem>>, vector<16xi32>,
    %swap3A_174 = vector.shape_cast %swap3A_173 : vector<16xi32> to vector<16xi32>
    %swap3A_175 = vector.shape_cast %add3A_171 : vector<16xi32> to vector<16xi32>
    tpu.vector_store %arg5[%swap3A_172], %swap3A_175 {strides = array<i32>} : memref<512xi32, #tpu.memory_space<vmem>>, vector<16xi32>,
    %get3A_176 = arith.constant 304 : index
    %get3A_177 = tpu.vector_load %arg5[%get3A_176] {strides = array<i32>} : memref<512xi32, #tpu.memory_space<vmem>>, vector<16xi32>,
    %get3A_178 = vector.shape_cast %get3A_177 : vector<16xi32> to vector<16xi32>
    %add3A_179 = vector.broadcast %mul3A_6 : i32 to vector<16xi32>
    %add3A_180 = arith.addi %get3A_178, %add3A_179 : vector<16xi32>
    %swap3A_181 = arith.constant 304 : index
    %swap3A_182 = tpu.vector_load %arg5[%swap3A_181] {strides = array<i32>} : memref<512xi32, #tpu.memory_space<vmem>>, vector<16xi32>,
    %swap3A_183 = vector.shape_cast %swap3A_182 : vector<16xi32> to vector<16xi32>
    %swap3A_184 = vector.shape_cast %add3A_180 : vector<16xi32> to vector<16xi32>
    tpu.vector_store %arg5[%swap3A_181], %swap3A_184 {strides = array<i32>} : memref<512xi32, #tpu.memory_space<vmem>>, vector<16xi32>,
    %get3A_185 = arith.constant 320 : index
    %get3A_186 = tpu.vector_load %arg5[%get3A_185] {strides = array<i32>} : memref<512xi32, #tpu.memory_space<vmem>>, vector<16xi32>,
    %get3A_187 = vector.shape_cast %get3A_186 : vector<16xi32> to vector<16xi32>
    %add3A_188 = vector.broadcast %mul3A_6 : i32 to vector<16xi32>
    %add3A_189 = arith.addi %get3A_187, %add3A_188 : vector<16xi32>
    %swap3A_190 = arith.constant 320 : index
    %swap3A_191 = tpu.vector_load %arg5[%swap3A_190] {strides = array<i32>} : memref<512xi32, #tpu.memory_space<vmem>>, vector<16xi32>,
    %swap3A_192 = vector.shape_cast %swap3A_191 : vector<16xi32> to vector<16xi32>
    %swap3A_193 = vector.shape_cast %add3A_189 : vector<16xi32> to vector<16xi32>
    tpu.vector_store %arg5[%swap3A_190], %swap3A_193 {strides = array<i32>} : memref<512xi32, #tpu.memory_space<vmem>>, vector<16xi32>,
    %get3A_194 = arith.constant 336 : index
    %get3A_195 = tpu.vector_load %arg5[%get3A_194] {strides = array<i32>} : memref<512xi32, #tpu.memory_space<vmem>>, vector<16xi32>,
    %get3A_196 = vector.shape_cast %get3A_195 : vector<16xi32> to vector<16xi32>
    %add3A_197 = vector.broadcast %mul3A_6 : i32 to vector<16xi32>
    %add3A_198 = arith.addi %get3A_196, %add3A_197 : vector<16xi32>
    %swap3A_199 = arith.constant 336 : index
    %swap3A_200 = tpu.vector_load %arg5[%swap3A_199] {strides = array<i32>} : memref<512xi32, #tpu.memory_space<vmem>>, vector<16xi32>,
    %swap3A_201 = vector.shape_cast %swap3A_200 : vector<16xi32> to vector<16xi32>
    %swap3A_202 = vector.shape_cast %add3A_198 : vector<16xi32> to vector<16xi32>
    tpu.vector_store %arg5[%swap3A_199], %swap3A_202 {strides = array<i32>} : memref<512xi32, #tpu.memory_space<vmem>>, vector<16xi32>,
    %get3A_203 = arith.constant 352 : index
    %get3A_204 = tpu.vector_load %arg5[%get3A_203] {strides = array<i32>} : memref<512xi32, #tpu.memory_space<vmem>>, vector<16xi32>,
    %get3A_205 = vector.shape_cast %get3A_204 : vector<16xi32> to vector<16xi32>
    %add3A_206 = vector.broadcast %mul3A_6 : i32 to vector<16xi32>
    %add3A_207 = arith.addi %get3A_205, %add3A_206 : vector<16xi32>
    %swap3A_208 = arith.constant 352 : index
    %swap3A_209 = tpu.vector_load %arg5[%swap3A_208] {strides = array<i32>} : memref<512xi32, #tpu.memory_space<vmem>>, vector<16xi32>,
    %swap3A_210 = vector.shape_cast %swap3A_209 : vector<16xi32> to vector<16xi32>
    %swap3A_211 = vector.shape_cast %add3A_207 : vector<16xi32> to vector<16xi32>
    tpu.vector_store %arg5[%swap3A_208], %swap3A_211 {strides = array<i32>} : memref<512xi32, #tpu.memory_space<vmem>>, vector<16xi32>,
    %get3A_212 = arith.constant 368 : index
    %get3A_213 = tpu.vector_load %arg5[%get3A_212] {strides = array<i32>} : memref<512xi32, #tpu.memory_space<vmem>>, vector<16xi32>,
    %get3A_214 = vector.shape_cast %get3A_213 : vector<16xi32> to vector<16xi32>
    %add3A_215 = vector.broadcast %mul3A_6 : i32 to vector<16xi32>
    %add3A_216 = arith.addi %get3A_214, %add3A_215 : vector<16xi32>
    %swap3A_217 = arith.constant 368 : index
    %swap3A_218 = tpu.vector_load %arg5[%swap3A_217] {strides = array<i32>} : memref<512xi32, #tpu.memory_space<vmem>>, vector<16xi32>,
    %swap3A_219 = vector.shape_cast %swap3A_218 : vector<16xi32> to vector<16xi32>
    %swap3A_220 = vector.shape_cast %add3A_216 : vector<16xi32> to vector<16xi32>
    tpu.vector_store %arg5[%swap3A_217], %swap3A_220 {strides = array<i32>} : memref<512xi32, #tpu.memory_space<vmem>>, vector<16xi32>,
    %get3A_221 = arith.constant 384 : index
    %get3A_222 = tpu.vector_load %arg5[%get3A_221] {strides = array<i32>} : memref<512xi32, #tpu.memory_space<vmem>>, vector<16xi32>,
    %get3A_223 = vector.shape_cast %get3A_222 : vector<16xi32> to vector<16xi32>
    %add3A_224 = vector.broadcast %mul3A_6 : i32 to vector<16xi32>
    %add3A_225 = arith.addi %get3A_223, %add3A_224 : vector<16xi32>
    %swap3A_226 = arith.constant 384 : index
    %swap3A_227 = tpu.vector_load %arg5[%swap3A_226] {strides = array<i32>} : memref<512xi32, #tpu.memory_space<vmem>>, vector<16xi32>,
    %swap3A_228 = vector.shape_cast %swap3A_227 : vector<16xi32> to vector<16xi32>
    %swap3A_229 = vector.shape_cast %add3A_225 : vector<16xi32> to vector<16xi32>
    tpu.vector_store %arg5[%swap3A_226], %swap3A_229 {strides = array<i32>} : memref<512xi32, #tpu.memory_space<vmem>>, vector<16xi32>,
    %get3A_230 = arith.constant 400 : index
    %get3A_231 = tpu.vector_load %arg5[%get3A_230] {strides = array<i32>} : memref<512xi32, #tpu.memory_space<vmem>>, vector<16xi32>,
    %get3A_232 = vector.shape_cast %get3A_231 : vector<16xi32> to vector<16xi32>
    %add3A_233 = vector.broadcast %mul3A_6 : i32 to vector<16xi32>
    %add3A_234 = arith.addi %get3A_232, %add3A_233 : vector<16xi32>
    %swap3A_235 = arith.constant 400 : index
    %swap3A_236 = tpu.vector_load %arg5[%swap3A_235] {strides = array<i32>} : memref<512xi32, #tpu.memory_space<vmem>>, vector<16xi32>,
    %swap3A_237 = vector.shape_cast %swap3A_236 : vector<16xi32> to vector<16xi32>
    %swap3A_238 = vector.shape_cast %add3A_234 : vector<16xi32> to vector<16xi32>
    tpu.vector_store %arg5[%swap3A_235], %swap3A_238 {strides = array<i32>} : memref<512xi32, #tpu.memory_space<vmem>>, vector<16xi32>,
    %get3A_239 = arith.constant 416 : index
    %get3A_240 = tpu.vector_load %arg5[%get3A_239] {strides = array<i32>} : memref<512xi32, #tpu.memory_space<vmem>>, vector<16xi32>,
    %get3A_241 = vector.shape_cast %get3A_240 : vector<16xi32> to vector<16xi32>
    %add3A_242 = vector.broadcast %mul3A_6 : i32 to vector<16xi32>
    %add3A_243 = arith.addi %get3A_241, %add3A_242 : vector<16xi32>
    %swap3A_244 = arith.constant 416 : index
    %swap3A_245 = tpu.vector_load %arg5[%swap3A_244] {strides = array<i32>} : memref<512xi32, #tpu.memory_space<vmem>>, vector<16xi32>,
    %swap3A_246 = vector.shape_cast %swap3A_245 : vector<16xi32> to vector<16xi32>
    %swap3A_247 = vector.shape_cast %add3A_243 : vector<16xi32> to vector<16xi32>
    tpu.vector_store %arg5[%swap3A_244], %swap3A_247 {strides = array<i32>} : memref<512xi32, #tpu.memory_space<vmem>>, vector<16xi32>,
    %get3A_248 = arith.constant 432 : index
    %get3A_249 = tpu.vector_load %arg5[%get3A_248] {strides = array<i32>} : memref<512xi32, #tpu.memory_space<vmem>>, vector<16xi32>,
    %get3A_250 = vector.shape_cast %get3A_249 : vector<16xi32> to vector<16xi32>
    %add3A_251 = vector.broadcast %mul3A_6 : i32 to vector<16xi32>
    %add3A_252 = arith.addi %get3A_250, %add3A_251 : vector<16xi32>
    %swap3A_253 = arith.constant 432 : index
    %swap3A_254 = tpu.vector_load %arg5[%swap3A_253] {strides = array<i32>} : memref<512xi32, #tpu.memory_space<vmem>>, vector<16xi32>,
    %swap3A_255 = vector.shape_cast %swap3A_254 : vector<16xi32> to vector<16xi32>
    %swap3A_256 = vector.shape_cast %add3A_252 : vector<16xi32> to vector<16xi32>
    tpu.vector_store %arg5[%swap3A_253], %swap3A_256 {strides = array<i32>} : memref<512xi32, #tpu.memory_space<vmem>>, vector<16xi32>,
    %get3A_257 = arith.constant 448 : index
    %get3A_258 = tpu.vector_load %arg5[%get3A_257] {strides = array<i32>} : memref<512xi32, #tpu.memory_space<vmem>>, vector<16xi32>,
    %get3A_259 = vector.shape_cast %get3A_258 : vector<16xi32> to vector<16xi32>
    %add3A_260 = vector.broadcast %mul3A_6 : i32 to vector<16xi32>
    %add3A_261 = arith.addi %get3A_259, %add3A_260 : vector<16xi32>
    %swap3A_262 = arith.constant 448 : index
    %swap3A_263 = tpu.vector_load %arg5[%swap3A_262] {strides = array<i32>} : memref<512xi32, #tpu.memory_space<vmem>>, vector<16xi32>,
    %swap3A_264 = vector.shape_cast %swap3A_263 : vector<16xi32> to vector<16xi32>
    %swap3A_265 = vector.shape_cast %add3A_261 : vector<16xi32> to vector<16xi32>
    tpu.vector_store %arg5[%swap3A_262], %swap3A_265 {strides = array<i32>} : memref<512xi32, #tpu.memory_space<vmem>>, vector<16xi32>,
    %get3A_266 = arith.constant 464 : index
    %get3A_267 = tpu.vector_load %arg5[%get3A_266] {strides = array<i32>} : memref<512xi32, #tpu.memory_space<vmem>>, vector<16xi32>,
    %get3A_268 = vector.shape_cast %get3A_267 : vector<16xi32> to vector<16xi32>
    %add3A_269 = vector.broadcast %mul3A_6 : i32 to vector<16xi32>
    %add3A_270 = arith.addi %get3A_268, %add3A_269 : vector<16xi32>
    %swap3A_271 = arith.constant 464 : index
    %swap3A_272 = tpu.vector_load %arg5[%swap3A_271] {strides = array<i32>} : memref<512xi32, #tpu.memory_space<vmem>>, vector<16xi32>,
    %swap3A_273 = vector.shape_cast %swap3A_272 : vector<16xi32> to vector<16xi32>
    %swap3A_274 = vector.shape_cast %add3A_270 : vector<16xi32> to vector<16xi32>
    tpu.vector_store %arg5[%swap3A_271], %swap3A_274 {strides = array<i32>} : memref<512xi32, #tpu.memory_space<vmem>>, vector<16xi32>,
    %get3A_275 = arith.constant 480 : index
    %get3A_276 = tpu.vector_load %arg5[%get3A_275] {strides = array<i32>} : memref<512xi32, #tpu.memory_space<vmem>>, vector<16xi32>,
    %get3A_277 = vector.shape_cast %get3A_276 : vector<16xi32> to vector<16xi32>
    %add3A_278 = vector.broadcast %mul3A_6 : i32 to vector<16xi32>
    %add3A_279 = arith.addi %get3A_277, %add3A_278 : vector<16xi32>
    %swap3A_280 = arith.constant 480 : index
    %swap3A_281 = tpu.vector_load %arg5[%swap3A_280] {strides = array<i32>} : memref<512xi32, #tpu.memory_space<vmem>>, vector<16xi32>,
    %swap3A_282 = vector.shape_cast %swap3A_281 : vector<16xi32> to vector<16xi32>
    %swap3A_283 = vector.shape_cast %add3A_279 : vector<16xi32> to vector<16xi32>
    tpu.vector_store %arg5[%swap3A_280], %swap3A_283 {strides = array<i32>} : memref<512xi32, #tpu.memory_space<vmem>>, vector<16xi32>,
    %get3A_284 = arith.constant 496 : index
    %get3A_285 = tpu.vector_load %arg5[%get3A_284] {strides = array<i32>} : memref<512xi32, #tpu.memory_space<vmem>>, vector<16xi32>,
    %get3A_286 = vector.shape_cast %get3A_285 : vector<16xi32> to vector<16xi32>
    %add3A_287 = vector.broadcast %mul3A_6 : i32 to vector<16xi32>
    %add3A_288 = arith.addi %get3A_286, %add3A_287 : vector<16xi32>
    %swap3A_289 = arith.constant 496 : index
    %swap3A_290 = tpu.vector_load %arg5[%swap3A_289] {strides = array<i32>} : memref<512xi32, #tpu.memory_space<vmem>>, vector<16xi32>,
    %swap3A_291 = vector.shape_cast %swap3A_290 : vector<16xi32> to vector<16xi32>
    %swap3A_292 = vector.shape_cast %add3A_288 : vector<16xi32> to vector<16xi32>
    tpu.vector_store %arg5[%swap3A_289], %swap3A_292 {strides = array<i32>} : memref<512xi32, #tpu.memory_space<vmem>>, vector<16xi32>,
    %dma_start3A = arith.constant 0 : i32
    %dma_start3A_293 = arith.constant 0 : i32
    %dma_start3A_294 = tpu.memref_slice %arg6[%dma_start3A, %dma_start3A_293] : memref<512x32xf32, #tpu.memory_space<vmem>> -> memref<128x32xf32, #tpu.memory_space<vmem>>
    %dma_start3A_295 = arith.constant 0 : i32
    %dma_start3A_296 = tpu.memref_slice %arg5[%dma_start3A_295] : memref<512xi32, #tpu.memory_space<vmem>> -> memref<128xi32, #tpu.memory_space<vmem>>
    %dma_start3A_297 = arith.constant 0 : i32
    %dma_start3A_298 = arith.constant 0 : i32
    %dma_start3A_299 = tpu.memref_slice %arg2[%dma_start3A_297, %dma_start3A_298] : memref<16384x32xf32, #tpu.memory_space<hbm>> -> memref<16384x32xf32, #tpu.memory_space<hbm>>
    tpu.enqueue_indirect_dma source(%dma_start3A_299 : memref<16384x32xf32, #tpu.memory_space<hbm>>) target(%dma_start3A_294 : memref<128x32xf32, #tpu.memory_space<vmem>>) offsets(%dma_start3A_296 : memref<128xi32, #tpu.memory_space<vmem>>) semaphore(%arg7 : memref<!tpu.dma_semaphore, #tpu.memory_space<semaphore_mem>>)
    %dma_wait3A = arith.constant 0 : i32
    %dma_wait3A_300 = arith.constant 0 : i32
    %dma_wait3A_301 = tpu.memref_slice %arg6[%dma_wait3A, %dma_wait3A_300] : memref<512x32xf32, #tpu.memory_space<vmem>> -> memref<128x32xf32, #tpu.memory_space<vmem>>
    %dma_wait3A_302 = arith.constant 0 : i32
    %dma_wait3A_303 = tpu.memref_slice %arg5[%dma_wait3A_302] : memref<512xi32, #tpu.memory_space<vmem>> -> memref<128xi32, #tpu.memory_space<vmem>>
    %dma_wait3A_304 = arith.constant 0 : i32
    %dma_wait3A_305 = arith.constant 0 : i32
    %dma_wait3A_306 = tpu.memref_slice %arg2[%dma_wait3A_304, %dma_wait3A_305] : memref<16384x32xf32, #tpu.memory_space<hbm>> -> memref<16384x32xf32, #tpu.memory_space<hbm>>
    tpu.wait_indirect_dma semaphore(%arg7 : memref<!tpu.dma_semaphore, #tpu.memory_space<semaphore_mem>>) src(%dma_wait3A_306 : memref<16384x32xf32, #tpu.memory_space<hbm>>) dst(%dma_wait3A_301 : memref<128x32xf32, #tpu.memory_space<vmem>>)
    %dma_start3A_307 = arith.constant 128 : i32
    %dma_start3A_308 = arith.constant 0 : i32
    %dma_start3A_309 = tpu.memref_slice %arg6[%dma_start3A_307, %dma_start3A_308] : memref<512x32xf32, #tpu.memory_space<vmem>> -> memref<128x32xf32, #tpu.memory_space<vmem>>
    %dma_start3A_310 = arith.constant 128 : i32
    %dma_start3A_311 = tpu.memref_slice %arg5[%dma_start3A_310] : memref<512xi32, #tpu.memory_space<vmem>> -> memref<128xi32, #tpu.memory_space<vmem>>
    %dma_start3A_312 = arith.constant 0 : i32
    %dma_start3A_313 = arith.constant 0 : i32
    %dma_start3A_314 = tpu.memref_slice %arg2[%dma_start3A_312, %dma_start3A_313] : memref<16384x32xf32, #tpu.memory_space<hbm>> -> memref<16384x32xf32, #tpu.memory_space<hbm>>
    tpu.enqueue_indirect_dma source(%dma_start3A_314 : memref<16384x32xf32, #tpu.memory_space<hbm>>) target(%dma_start3A_309 : memref<128x32xf32, #tpu.memory_space<vmem>>) offsets(%dma_start3A_311 : memref<128xi32, #tpu.memory_space<vmem>>) semaphore(%arg7 : memref<!tpu.dma_semaphore, #tpu.memory_space<semaphore_mem>>)
    %dma_wait3A_315 = arith.constant 128 : i32
    %dma_wait3A_316 = arith.constant 0 : i32
    %dma_wait3A_317 = tpu.memref_slice %arg6[%dma_wait3A_315, %dma_wait3A_316] : memref<512x32xf32, #tpu.memory_space<vmem>> -> memref<128x32xf32, #tpu.memory_space<vmem>>
    %dma_wait3A_318 = arith.constant 128 : i32
    %dma_wait3A_319 = tpu.memref_slice %arg5[%dma_wait3A_318] : memref<512xi32, #tpu.memory_space<vmem>> -> memref<128xi32, #tpu.memory_space<vmem>>
    %dma_wait3A_320 = arith.constant 0 : i32
    %dma_wait3A_321 = arith.constant 0 : i32
    %dma_wait3A_322 = tpu.memref_slice %arg2[%dma_wait3A_320, %dma_wait3A_321] : memref<16384x32xf32, #tpu.memory_space<hbm>> -> memref<16384x32xf32, #tpu.memory_space<hbm>>
    tpu.wait_indirect_dma semaphore(%arg7 : memref<!tpu.dma_semaphore, #tpu.memory_space<semaphore_mem>>) src(%dma_wait3A_322 : memref<16384x32xf32, #tpu.memory_space<hbm>>) dst(%dma_wait3A_317 : memref<128x32xf32, #tpu.memory_space<vmem>>)
    %dma_start3A_323 = arith.constant 256 : i32
    %dma_start3A_324 = arith.constant 0 : i32
    %dma_start3A_325 = tpu.memref_slice %arg6[%dma_start3A_323, %dma_start3A_324] : memref<512x32xf32, #tpu.memory_space<vmem>> -> memref<128x32xf32, #tpu.memory_space<vmem>>
    %dma_start3A_326 = arith.constant 256 : i32
    %dma_start3A_327 = tpu.memref_slice %arg5[%dma_start3A_326] : memref<512xi32, #tpu.memory_space<vmem>> -> memref<128xi32, #tpu.memory_space<vmem>>
    %dma_start3A_328 = arith.constant 0 : i32
    %dma_start3A_329 = arith.constant 0 : i32
    %dma_start3A_330 = tpu.memref_slice %arg2[%dma_start3A_328, %dma_start3A_329] : memref<16384x32xf32, #tpu.memory_space<hbm>> -> memref<16384x32xf32, #tpu.memory_space<hbm>>
    tpu.enqueue_indirect_dma source(%dma_start3A_330 : memref<16384x32xf32, #tpu.memory_space<hbm>>) target(%dma_start3A_325 : memref<128x32xf32, #tpu.memory_space<vmem>>) offsets(%dma_start3A_327 : memref<128xi32, #tpu.memory_space<vmem>>) semaphore(%arg7 : memref<!tpu.dma_semaphore, #tpu.memory_space<semaphore_mem>>)
    %dma_wait3A_331 = arith.constant 256 : i32
    %dma_wait3A_332 = arith.constant 0 : i32
    %dma_wait3A_333 = tpu.memref_slice %arg6[%dma_wait3A_331, %dma_wait3A_332] : memref<512x32xf32, #tpu.memory_space<vmem>> -> memref<128x32xf32, #tpu.memory_space<vmem>>
    %dma_wait3A_334 = arith.constant 256 : i32
    %dma_wait3A_335 = tpu.memref_slice %arg5[%dma_wait3A_334] : memref<512xi32, #tpu.memory_space<vmem>> -> memref<128xi32, #tpu.memory_space<vmem>>
    %dma_wait3A_336 = arith.constant 0 : i32
    %dma_wait3A_337 = arith.constant 0 : i32
    %dma_wait3A_338 = tpu.memref_slice %arg2[%dma_wait3A_336, %dma_wait3A_337] : memref<16384x32xf32, #tpu.memory_space<hbm>> -> memref<16384x32xf32, #tpu.memory_space<hbm>>
    tpu.wait_indirect_dma semaphore(%arg7 : memref<!tpu.dma_semaphore, #tpu.memory_space<semaphore_mem>>) src(%dma_wait3A_338 : memref<16384x32xf32, #tpu.memory_space<hbm>>) dst(%dma_wait3A_333 : memref<128x32xf32, #tpu.memory_space<vmem>>)
    %dma_start3A_339 = arith.constant 384 : i32
    %dma_start3A_340 = arith.constant 0 : i32
    %dma_start3A_341 = tpu.memref_slice %arg6[%dma_start3A_339, %dma_start3A_340] : memref<512x32xf32, #tpu.memory_space<vmem>> -> memref<128x32xf32, #tpu.memory_space<vmem>>
    %dma_start3A_342 = arith.constant 384 : i32
    %dma_start3A_343 = tpu.memref_slice %arg5[%dma_start3A_342] : memref<512xi32, #tpu.memory_space<vmem>> -> memref<128xi32, #tpu.memory_space<vmem>>
    %dma_start3A_344 = arith.constant 0 : i32
    %dma_start3A_345 = arith.constant 0 : i32
    %dma_start3A_346 = tpu.memref_slice %arg2[%dma_start3A_344, %dma_start3A_345] : memref<16384x32xf32, #tpu.memory_space<hbm>> -> memref<16384x32xf32, #tpu.memory_space<hbm>>
    tpu.enqueue_indirect_dma source(%dma_start3A_346 : memref<16384x32xf32, #tpu.memory_space<hbm>>) target(%dma_start3A_341 : memref<128x32xf32, #tpu.memory_space<vmem>>) offsets(%dma_start3A_343 : memref<128xi32, #tpu.memory_space<vmem>>) semaphore(%arg7 : memref<!tpu.dma_semaphore, #tpu.memory_space<semaphore_mem>>)
    %dma_wait3A_347 = arith.constant 384 : i32
    %dma_wait3A_348 = arith.constant 0 : i32
    %dma_wait3A_349 = tpu.memref_slice %arg6[%dma_wait3A_347, %dma_wait3A_348] : memref<512x32xf32, #tpu.memory_space<vmem>> -> memref<128x32xf32, #tpu.memory_space<vmem>>
    %dma_wait3A_350 = arith.constant 384 : i32
    %dma_wait3A_351 = tpu.memref_slice %arg5[%dma_wait3A_350] : memref<512xi32, #tpu.memory_space<vmem>> -> memref<128xi32, #tpu.memory_space<vmem>>
    %dma_wait3A_352 = arith.constant 0 : i32
    %dma_wait3A_353 = arith.constant 0 : i32
    %dma_wait3A_354 = tpu.memref_slice %arg2[%dma_wait3A_352, %dma_wait3A_353] : memref<16384x32xf32, #tpu.memory_space<hbm>> -> memref<16384x32xf32, #tpu.memory_space<hbm>>
    tpu.wait_indirect_dma semaphore(%arg7 : memref<!tpu.dma_semaphore, #tpu.memory_space<semaphore_mem>>) src(%dma_wait3A_354 : memref<16384x32xf32, #tpu.memory_space<hbm>>) dst(%dma_wait3A_349 : memref<128x32xf32, #tpu.memory_space<vmem>>)
    "tpu.region"() ({
      %run_scoped3A = tpu.sem_alloc : memref<!tpu.dma_semaphore, #tpu.memory_space<semaphore_mem>>
      %dma_start3A_713 = arith.constant 0 : i32
      %dma_start3A_714 = arith.constant 0 : i32
      %dma_start3A_715 = tpu.memref_slice %arg4[%add3A_4, %dma_start3A_713, %dma_start3A_714] : memref<64x512x32xf32, #tpu.memory_space<hbm>> -> memref<1x512x32xf32, #tpu.memory_space<hbm>>
      %dma_start3A_716 = tpu.memref_squeeze %dma_start3A_715 : memref<1x512x32xf32, #tpu.memory_space<hbm>> -> memref<512x32xf32, #tpu.memory_space<hbm>>
      %dma_start3A_717 = arith.constant 0 : i32
      %dma_start3A_718 = arith.constant 0 : i32
      %dma_start3A_719 = tpu.memref_slice %arg4[%add3A_4, %dma_start3A_717, %dma_start3A_718] : memref<64x512x32xf32, #tpu.memory_space<hbm>> -> memref<1x512x32xf32, #tpu.memory_space<hbm>>
      %dma_start3A_720 = tpu.memref_squeeze %dma_start3A_719 : memref<1x512x32xf32, #tpu.memory_space<hbm>> -> memref<512x32xf32, #tpu.memory_space<hbm>>
      tpu.enqueue_dma source(%arg6 : memref<512x32xf32, #tpu.memory_space<vmem>>) target(%dma_start3A_720 : memref<512x32xf32, #tpu.memory_space<hbm>>) target_semaphore(%run_scoped3A : memref<!tpu.dma_semaphore, #tpu.memory_space<semaphore_mem>>)
      %dma_wait3A_721 = arith.constant 0 : i32
      %dma_wait3A_722 = arith.constant 0 : i32
      %dma_wait3A_723 = tpu.memref_slice %arg4[%add3A_4, %dma_wait3A_721, %dma_wait3A_722] : memref<64x512x32xf32, #tpu.memory_space<hbm>> -> memref<1x512x32xf32, #tpu.memory_space<hbm>>
      %dma_wait3A_724 = tpu.memref_squeeze %dma_wait3A_723 : memref<1x512x32xf32, #tpu.memory_space<hbm>> -> memref<512x32xf32, #tpu.memory_space<hbm>>
      %dma_wait3A_725 = arith.constant 0 : i32
      %dma_wait3A_726 = arith.constant 0 : i32
      %dma_wait3A_727 = tpu.memref_slice %arg4[%add3A_4, %dma_wait3A_725, %dma_wait3A_726] : memref<64x512x32xf32, #tpu.memory_space<hbm>> -> memref<1x512x32xf32, #tpu.memory_space<hbm>>
      %dma_wait3A_728 = tpu.memref_squeeze %dma_wait3A_727 : memref<1x512x32xf32, #tpu.memory_space<hbm>> -> memref<512x32xf32, #tpu.memory_space<hbm>>
      tpu.wait_dma2 semaphore(%run_scoped3A : memref<!tpu.dma_semaphore, #tpu.memory_space<semaphore_mem>>) src(%arg6 : memref<512x32xf32, #tpu.memory_space<vmem>>) dst(%dma_wait3A_728 : memref<512x32xf32, #tpu.memory_space<hbm>>)
      tpu.yield
    }) : () -> ()
    %mul3A_355 = arith.constant 2 : i32
    %mul3A_356 = arith.muli %add3A, %mul3A_355 : i32
    %add3A_357 = arith.constant 1 : i32
    %add3A_358 = arith.addi %mul3A_356, %add3A_357 : i32
    "tpu.region"() ({
      %run_scoped3A = tpu.sem_alloc : memref<!tpu.dma_semaphore, #tpu.memory_space<semaphore_mem>>
      %dma_start3A_713 = arith.constant 0 : i32
      %dma_start3A_714 = tpu.memref_slice %arg3[%add3A_358, %dma_start3A_713] : memref<64x512xi32, #tpu.memory_space<hbm>> -> memref<1x512xi32, #tpu.memory_space<hbm>>
      %dma_start3A_715 = tpu.memref_squeeze %dma_start3A_714 : memref<1x512xi32, #tpu.memory_space<hbm>> -> memref<512xi32, #tpu.memory_space<hbm>>
      %dma_start3A_716 = arith.constant 0 : i32
      %dma_start3A_717 = tpu.memref_slice %arg3[%add3A_358, %dma_start3A_716] : memref<64x512xi32, #tpu.memory_space<hbm>> -> memref<1x512xi32, #tpu.memory_space<hbm>>
      %dma_start3A_718 = tpu.memref_squeeze %dma_start3A_717 : memref<1x512xi32, #tpu.memory_space<hbm>> -> memref<512xi32, #tpu.memory_space<hbm>>
      tpu.enqueue_dma source(%dma_start3A_718 : memref<512xi32, #tpu.memory_space<hbm>>) target(%arg5 : memref<512xi32, #tpu.memory_space<vmem>>) target_semaphore(%run_scoped3A : memref<!tpu.dma_semaphore, #tpu.memory_space<semaphore_mem>>)
      %dma_wait3A_719 = arith.constant 0 : i32
      %dma_wait3A_720 = tpu.memref_slice %arg3[%add3A_358, %dma_wait3A_719] : memref<64x512xi32, #tpu.memory_space<hbm>> -> memref<1x512xi32, #tpu.memory_space<hbm>>
      %dma_wait3A_721 = tpu.memref_squeeze %dma_wait3A_720 : memref<1x512xi32, #tpu.memory_space<hbm>> -> memref<512xi32, #tpu.memory_space<hbm>>
      %dma_wait3A_722 = arith.constant 0 : i32
      %dma_wait3A_723 = tpu.memref_slice %arg3[%add3A_358, %dma_wait3A_722] : memref<64x512xi32, #tpu.memory_space<hbm>> -> memref<1x512xi32, #tpu.memory_space<hbm>>
      %dma_wait3A_724 = tpu.memref_squeeze %dma_wait3A_723 : memref<1x512xi32, #tpu.memory_space<hbm>> -> memref<512xi32, #tpu.memory_space<hbm>>
      tpu.wait_dma2 semaphore(%run_scoped3A : memref<!tpu.dma_semaphore, #tpu.memory_space<semaphore_mem>>) src(%dma_wait3A_724 : memref<512xi32, #tpu.memory_space<hbm>>) dst(%arg5 : memref<512xi32, #tpu.memory_space<vmem>>)
      tpu.yield
    }) : () -> ()
    %mul3A_359 = arith.constant 256 : i32
    %mul3A_360 = arith.muli %add3A_358, %mul3A_359 : i32
    %get3A_361 = arith.constant 0 : index
    %get3A_362 = tpu.vector_load %arg5[%get3A_361] {strides = array<i32>} : memref<512xi32, #tpu.memory_space<vmem>>, vector<16xi32>,
    %get3A_363 = vector.shape_cast %get3A_362 : vector<16xi32> to vector<16xi32>
    %add3A_364 = vector.broadcast %mul3A_360 : i32 to vector<16xi32>
    %add3A_365 = arith.addi %get3A_363, %add3A_364 : vector<16xi32>
    %swap3A_366 = arith.constant 0 : index
    %swap3A_367 = tpu.vector_load %arg5[%swap3A_366] {strides = array<i32>} : memref<512xi32, #tpu.memory_space<vmem>>, vector<16xi32>,
    %swap3A_368 = vector.shape_cast %swap3A_367 : vector<16xi32> to vector<16xi32>
    %swap3A_369 = vector.shape_cast %add3A_365 : vector<16xi32> to vector<16xi32>
    tpu.vector_store %arg5[%swap3A_366], %swap3A_369 {strides = array<i32>} : memref<512xi32, #tpu.memory_space<vmem>>, vector<16xi32>,
    %get3A_370 = arith.constant 16 : index
    %get3A_371 = tpu.vector_load %arg5[%get3A_370] {strides = array<i32>} : memref<512xi32, #tpu.memory_space<vmem>>, vector<16xi32>,
    %get3A_372 = vector.shape_cast %get3A_371 : vector<16xi32> to vector<16xi32>
    %add3A_373 = vector.broadcast %mul3A_360 : i32 to vector<16xi32>
    %add3A_374 = arith.addi %get3A_372, %add3A_373 : vector<16xi32>
    %swap3A_375 = arith.constant 16 : index
    %swap3A_376 = tpu.vector_load %arg5[%swap3A_375] {strides = array<i32>} : memref<512xi32, #tpu.memory_space<vmem>>, vector<16xi32>,
    %swap3A_377 = vector.shape_cast %swap3A_376 : vector<16xi32> to vector<16xi32>
    %swap3A_378 = vector.shape_cast %add3A_374 : vector<16xi32> to vector<16xi32>
    tpu.vector_store %arg5[%swap3A_375], %swap3A_378 {strides = array<i32>} : memref<512xi32, #tpu.memory_space<vmem>>, vector<16xi32>,
    %get3A_379 = arith.constant 32 : index
    %get3A_380 = tpu.vector_load %arg5[%get3A_379] {strides = array<i32>} : memref<512xi32, #tpu.memory_space<vmem>>, vector<16xi32>,
    %get3A_381 = vector.shape_cast %get3A_380 : vector<16xi32> to vector<16xi32>
    %add3A_382 = vector.broadcast %mul3A_360 : i32 to vector<16xi32>
    %add3A_383 = arith.addi %get3A_381, %add3A_382 : vector<16xi32>
    %swap3A_384 = arith.constant 32 : index
    %swap3A_385 = tpu.vector_load %arg5[%swap3A_384] {strides = array<i32>} : memref<512xi32, #tpu.memory_space<vmem>>, vector<16xi32>,
    %swap3A_386 = vector.shape_cast %swap3A_385 : vector<16xi32> to vector<16xi32>
    %swap3A_387 = vector.shape_cast %add3A_383 : vector<16xi32> to vector<16xi32>
    tpu.vector_store %arg5[%swap3A_384], %swap3A_387 {strides = array<i32>} : memref<512xi32, #tpu.memory_space<vmem>>, vector<16xi32>,
    %get3A_388 = arith.constant 48 : index
    %get3A_389 = tpu.vector_load %arg5[%get3A_388] {strides = array<i32>} : memref<512xi32, #tpu.memory_space<vmem>>, vector<16xi32>,
    %get3A_390 = vector.shape_cast %get3A_389 : vector<16xi32> to vector<16xi32>
    %add3A_391 = vector.broadcast %mul3A_360 : i32 to vector<16xi32>
    %add3A_392 = arith.addi %get3A_390, %add3A_391 : vector<16xi32>
    %swap3A_393 = arith.constant 48 : index
    %swap3A_394 = tpu.vector_load %arg5[%swap3A_393] {strides = array<i32>} : memref<512xi32, #tpu.memory_space<vmem>>, vector<16xi32>,
    %swap3A_395 = vector.shape_cast %swap3A_394 : vector<16xi32> to vector<16xi32>
    %swap3A_396 = vector.shape_cast %add3A_392 : vector<16xi32> to vector<16xi32>
    tpu.vector_store %arg5[%swap3A_393], %swap3A_396 {strides = array<i32>} : memref<512xi32, #tpu.memory_space<vmem>>, vector<16xi32>,
    %get3A_397 = arith.constant 64 : index
    %get3A_398 = tpu.vector_load %arg5[%get3A_397] {strides = array<i32>} : memref<512xi32, #tpu.memory_space<vmem>>, vector<16xi32>,
    %get3A_399 = vector.shape_cast %get3A_398 : vector<16xi32> to vector<16xi32>
    %add3A_400 = vector.broadcast %mul3A_360 : i32 to vector<16xi32>
    %add3A_401 = arith.addi %get3A_399, %add3A_400 : vector<16xi32>
    %swap3A_402 = arith.constant 64 : index
    %swap3A_403 = tpu.vector_load %arg5[%swap3A_402] {strides = array<i32>} : memref<512xi32, #tpu.memory_space<vmem>>, vector<16xi32>,
    %swap3A_404 = vector.shape_cast %swap3A_403 : vector<16xi32> to vector<16xi32>
    %swap3A_405 = vector.shape_cast %add3A_401 : vector<16xi32> to vector<16xi32>
    tpu.vector_store %arg5[%swap3A_402], %swap3A_405 {strides = array<i32>} : memref<512xi32, #tpu.memory_space<vmem>>, vector<16xi32>,
    %get3A_406 = arith.constant 80 : index
    %get3A_407 = tpu.vector_load %arg5[%get3A_406] {strides = array<i32>} : memref<512xi32, #tpu.memory_space<vmem>>, vector<16xi32>,
    %get3A_408 = vector.shape_cast %get3A_407 : vector<16xi32> to vector<16xi32>
    %add3A_409 = vector.broadcast %mul3A_360 : i32 to vector<16xi32>
    %add3A_410 = arith.addi %get3A_408, %add3A_409 : vector<16xi32>
    %swap3A_411 = arith.constant 80 : index
    %swap3A_412 = tpu.vector_load %arg5[%swap3A_411] {strides = array<i32>} : memref<512xi32, #tpu.memory_space<vmem>>, vector<16xi32>,
    %swap3A_413 = vector.shape_cast %swap3A_412 : vector<16xi32> to vector<16xi32>
    %swap3A_414 = vector.shape_cast %add3A_410 : vector<16xi32> to vector<16xi32>
    tpu.vector_store %arg5[%swap3A_411], %swap3A_414 {strides = array<i32>} : memref<512xi32, #tpu.memory_space<vmem>>, vector<16xi32>,
    %get3A_415 = arith.constant 96 : index
    %get3A_416 = tpu.vector_load %arg5[%get3A_415] {strides = array<i32>} : memref<512xi32, #tpu.memory_space<vmem>>, vector<16xi32>,
    %get3A_417 = vector.shape_cast %get3A_416 : vector<16xi32> to vector<16xi32>
    %add3A_418 = vector.broadcast %mul3A_360 : i32 to vector<16xi32>
    %add3A_419 = arith.addi %get3A_417, %add3A_418 : vector<16xi32>
    %swap3A_420 = arith.constant 96 : index
    %swap3A_421 = tpu.vector_load %arg5[%swap3A_420] {strides = array<i32>} : memref<512xi32, #tpu.memory_space<vmem>>, vector<16xi32>,
    %swap3A_422 = vector.shape_cast %swap3A_421 : vector<16xi32> to vector<16xi32>
    %swap3A_423 = vector.shape_cast %add3A_419 : vector<16xi32> to vector<16xi32>
    tpu.vector_store %arg5[%swap3A_420], %swap3A_423 {strides = array<i32>} : memref<512xi32, #tpu.memory_space<vmem>>, vector<16xi32>,
    %get3A_424 = arith.constant 112 : index
    %get3A_425 = tpu.vector_load %arg5[%get3A_424] {strides = array<i32>} : memref<512xi32, #tpu.memory_space<vmem>>, vector<16xi32>,
    %get3A_426 = vector.shape_cast %get3A_425 : vector<16xi32> to vector<16xi32>
    %add3A_427 = vector.broadcast %mul3A_360 : i32 to vector<16xi32>
    %add3A_428 = arith.addi %get3A_426, %add3A_427 : vector<16xi32>
    %swap3A_429 = arith.constant 112 : index
    %swap3A_430 = tpu.vector_load %arg5[%swap3A_429] {strides = array<i32>} : memref<512xi32, #tpu.memory_space<vmem>>, vector<16xi32>,
    %swap3A_431 = vector.shape_cast %swap3A_430 : vector<16xi32> to vector<16xi32>
    %swap3A_432 = vector.shape_cast %add3A_428 : vector<16xi32> to vector<16xi32>
    tpu.vector_store %arg5[%swap3A_429], %swap3A_432 {strides = array<i32>} : memref<512xi32, #tpu.memory_space<vmem>>, vector<16xi32>,
    %get3A_433 = arith.constant 128 : index
    %get3A_434 = tpu.vector_load %arg5[%get3A_433] {strides = array<i32>} : memref<512xi32, #tpu.memory_space<vmem>>, vector<16xi32>,
    %get3A_435 = vector.shape_cast %get3A_434 : vector<16xi32> to vector<16xi32>
    %add3A_436 = vector.broadcast %mul3A_360 : i32 to vector<16xi32>
    %add3A_437 = arith.addi %get3A_435, %add3A_436 : vector<16xi32>
    %swap3A_438 = arith.constant 128 : index
    %swap3A_439 = tpu.vector_load %arg5[%swap3A_438] {strides = array<i32>} : memref<512xi32, #tpu.memory_space<vmem>>, vector<16xi32>,
    %swap3A_440 = vector.shape_cast %swap3A_439 : vector<16xi32> to vector<16xi32>
    %swap3A_441 = vector.shape_cast %add3A_437 : vector<16xi32> to vector<16xi32>
    tpu.vector_store %arg5[%swap3A_438], %swap3A_441 {strides = array<i32>} : memref<512xi32, #tpu.memory_space<vmem>>, vector<16xi32>,
    %get3A_442 = arith.constant 144 : index
    %get3A_443 = tpu.vector_load %arg5[%get3A_442] {strides = array<i32>} : memref<512xi32, #tpu.memory_space<vmem>>, vector<16xi32>,
    %get3A_444 = vector.shape_cast %get3A_443 : vector<16xi32> to vector<16xi32>
    %add3A_445 = vector.broadcast %mul3A_360 : i32 to vector<16xi32>
    %add3A_446 = arith.addi %get3A_444, %add3A_445 : vector<16xi32>
    %swap3A_447 = arith.constant 144 : index
    %swap3A_448 = tpu.vector_load %arg5[%swap3A_447] {strides = array<i32>} : memref<512xi32, #tpu.memory_space<vmem>>, vector<16xi32>,
    %swap3A_449 = vector.shape_cast %swap3A_448 : vector<16xi32> to vector<16xi32>
    %swap3A_450 = vector.shape_cast %add3A_446 : vector<16xi32> to vector<16xi32>
    tpu.vector_store %arg5[%swap3A_447], %swap3A_450 {strides = array<i32>} : memref<512xi32, #tpu.memory_space<vmem>>, vector<16xi32>,
    %get3A_451 = arith.constant 160 : index
    %get3A_452 = tpu.vector_load %arg5[%get3A_451] {strides = array<i32>} : memref<512xi32, #tpu.memory_space<vmem>>, vector<16xi32>,
    %get3A_453 = vector.shape_cast %get3A_452 : vector<16xi32> to vector<16xi32>
    %add3A_454 = vector.broadcast %mul3A_360 : i32 to vector<16xi32>
    %add3A_455 = arith.addi %get3A_453, %add3A_454 : vector<16xi32>
    %swap3A_456 = arith.constant 160 : index
    %swap3A_457 = tpu.vector_load %arg5[%swap3A_456] {strides = array<i32>} : memref<512xi32, #tpu.memory_space<vmem>>, vector<16xi32>,
    %swap3A_458 = vector.shape_cast %swap3A_457 : vector<16xi32> to vector<16xi32>
    %swap3A_459 = vector.shape_cast %add3A_455 : vector<16xi32> to vector<16xi32>
    tpu.vector_store %arg5[%swap3A_456], %swap3A_459 {strides = array<i32>} : memref<512xi32, #tpu.memory_space<vmem>>, vector<16xi32>,
    %get3A_460 = arith.constant 176 : index
    %get3A_461 = tpu.vector_load %arg5[%get3A_460] {strides = array<i32>} : memref<512xi32, #tpu.memory_space<vmem>>, vector<16xi32>,
    %get3A_462 = vector.shape_cast %get3A_461 : vector<16xi32> to vector<16xi32>
    %add3A_463 = vector.broadcast %mul3A_360 : i32 to vector<16xi32>
    %add3A_464 = arith.addi %get3A_462, %add3A_463 : vector<16xi32>
    %swap3A_465 = arith.constant 176 : index
    %swap3A_466 = tpu.vector_load %arg5[%swap3A_465] {strides = array<i32>} : memref<512xi32, #tpu.memory_space<vmem>>, vector<16xi32>,
    %swap3A_467 = vector.shape_cast %swap3A_466 : vector<16xi32> to vector<16xi32>
    %swap3A_468 = vector.shape_cast %add3A_464 : vector<16xi32> to vector<16xi32>
    tpu.vector_store %arg5[%swap3A_465], %swap3A_468 {strides = array<i32>} : memref<512xi32, #tpu.memory_space<vmem>>, vector<16xi32>,
    %get3A_469 = arith.constant 192 : index
    %get3A_470 = tpu.vector_load %arg5[%get3A_469] {strides = array<i32>} : memref<512xi32, #tpu.memory_space<vmem>>, vector<16xi32>,
    %get3A_471 = vector.shape_cast %get3A_470 : vector<16xi32> to vector<16xi32>
    %add3A_472 = vector.broadcast %mul3A_360 : i32 to vector<16xi32>
    %add3A_473 = arith.addi %get3A_471, %add3A_472 : vector<16xi32>
    %swap3A_474 = arith.constant 192 : index
    %swap3A_475 = tpu.vector_load %arg5[%swap3A_474] {strides = array<i32>} : memref<512xi32, #tpu.memory_space<vmem>>, vector<16xi32>,
    %swap3A_476 = vector.shape_cast %swap3A_475 : vector<16xi32> to vector<16xi32>
    %swap3A_477 = vector.shape_cast %add3A_473 : vector<16xi32> to vector<16xi32>
    tpu.vector_store %arg5[%swap3A_474], %swap3A_477 {strides = array<i32>} : memref<512xi32, #tpu.memory_space<vmem>>, vector<16xi32>,
    %get3A_478 = arith.constant 208 : index
    %get3A_479 = tpu.vector_load %arg5[%get3A_478] {strides = array<i32>} : memref<512xi32, #tpu.memory_space<vmem>>, vector<16xi32>,
    %get3A_480 = vector.shape_cast %get3A_479 : vector<16xi32> to vector<16xi32>
    %add3A_481 = vector.broadcast %mul3A_360 : i32 to vector<16xi32>
    %add3A_482 = arith.addi %get3A_480, %add3A_481 : vector<16xi32>
    %swap3A_483 = arith.constant 208 : index
    %swap3A_484 = tpu.vector_load %arg5[%swap3A_483] {strides = array<i32>} : memref<512xi32, #tpu.memory_space<vmem>>, vector<16xi32>,
    %swap3A_485 = vector.shape_cast %swap3A_484 : vector<16xi32> to vector<16xi32>
    %swap3A_486 = vector.shape_cast %add3A_482 : vector<16xi32> to vector<16xi32>
    tpu.vector_store %arg5[%swap3A_483], %swap3A_486 {strides = array<i32>} : memref<512xi32, #tpu.memory_space<vmem>>, vector<16xi32>,
    %get3A_487 = arith.constant 224 : index
    %get3A_488 = tpu.vector_load %arg5[%get3A_487] {strides = array<i32>} : memref<512xi32, #tpu.memory_space<vmem>>, vector<16xi32>,
    %get3A_489 = vector.shape_cast %get3A_488 : vector<16xi32> to vector<16xi32>
    %add3A_490 = vector.broadcast %mul3A_360 : i32 to vector<16xi32>
    %add3A_491 = arith.addi %get3A_489, %add3A_490 : vector<16xi32>
    %swap3A_492 = arith.constant 224 : index
    %swap3A_493 = tpu.vector_load %arg5[%swap3A_492] {strides = array<i32>} : memref<512xi32, #tpu.memory_space<vmem>>, vector<16xi32>,
    %swap3A_494 = vector.shape_cast %swap3A_493 : vector<16xi32> to vector<16xi32>
    %swap3A_495 = vector.shape_cast %add3A_491 : vector<16xi32> to vector<16xi32>
    tpu.vector_store %arg5[%swap3A_492], %swap3A_495 {strides = array<i32>} : memref<512xi32, #tpu.memory_space<vmem>>, vector<16xi32>,
    %get3A_496 = arith.constant 240 : index
    %get3A_497 = tpu.vector_load %arg5[%get3A_496] {strides = array<i32>} : memref<512xi32, #tpu.memory_space<vmem>>, vector<16xi32>,
    %get3A_498 = vector.shape_cast %get3A_497 : vector<16xi32> to vector<16xi32>
    %add3A_499 = vector.broadcast %mul3A_360 : i32 to vector<16xi32>
    %add3A_500 = arith.addi %get3A_498, %add3A_499 : vector<16xi32>
    %swap3A_501 = arith.constant 240 : index
    %swap3A_502 = tpu.vector_load %arg5[%swap3A_501] {strides = array<i32>} : memref<512xi32, #tpu.memory_space<vmem>>, vector<16xi32>,
    %swap3A_503 = vector.shape_cast %swap3A_502 : vector<16xi32> to vector<16xi32>
    %swap3A_504 = vector.shape_cast %add3A_500 : vector<16xi32> to vector<16xi32>
    tpu.vector_store %arg5[%swap3A_501], %swap3A_504 {strides = array<i32>} : memref<512xi32, #tpu.memory_space<vmem>>, vector<16xi32>,
    %get3A_505 = arith.constant 256 : index
    %get3A_506 = tpu.vector_load %arg5[%get3A_505] {strides = array<i32>} : memref<512xi32, #tpu.memory_space<vmem>>, vector<16xi32>,
    %get3A_507 = vector.shape_cast %get3A_506 : vector<16xi32> to vector<16xi32>
    %add3A_508 = vector.broadcast %mul3A_360 : i32 to vector<16xi32>
    %add3A_509 = arith.addi %get3A_507, %add3A_508 : vector<16xi32>
    %swap3A_510 = arith.constant 256 : index
    %swap3A_511 = tpu.vector_load %arg5[%swap3A_510] {strides = array<i32>} : memref<512xi32, #tpu.memory_space<vmem>>, vector<16xi32>,
    %swap3A_512 = vector.shape_cast %swap3A_511 : vector<16xi32> to vector<16xi32>
    %swap3A_513 = vector.shape_cast %add3A_509 : vector<16xi32> to vector<16xi32>
    tpu.vector_store %arg5[%swap3A_510], %swap3A_513 {strides = array<i32>} : memref<512xi32, #tpu.memory_space<vmem>>, vector<16xi32>,
    %get3A_514 = arith.constant 272 : index
    %get3A_515 = tpu.vector_load %arg5[%get3A_514] {strides = array<i32>} : memref<512xi32, #tpu.memory_space<vmem>>, vector<16xi32>,
    %get3A_516 = vector.shape_cast %get3A_515 : vector<16xi32> to vector<16xi32>
    %add3A_517 = vector.broadcast %mul3A_360 : i32 to vector<16xi32>
    %add3A_518 = arith.addi %get3A_516, %add3A_517 : vector<16xi32>
    %swap3A_519 = arith.constant 272 : index
    %swap3A_520 = tpu.vector_load %arg5[%swap3A_519] {strides = array<i32>} : memref<512xi32, #tpu.memory_space<vmem>>, vector<16xi32>,
    %swap3A_521 = vector.shape_cast %swap3A_520 : vector<16xi32> to vector<16xi32>
    %swap3A_522 = vector.shape_cast %add3A_518 : vector<16xi32> to vector<16xi32>
    tpu.vector_store %arg5[%swap3A_519], %swap3A_522 {strides = array<i32>} : memref<512xi32, #tpu.memory_space<vmem>>, vector<16xi32>,
    %get3A_523 = arith.constant 288 : index
    %get3A_524 = tpu.vector_load %arg5[%get3A_523] {strides = array<i32>} : memref<512xi32, #tpu.memory_space<vmem>>, vector<16xi32>,
    %get3A_525 = vector.shape_cast %get3A_524 : vector<16xi32> to vector<16xi32>
    %add3A_526 = vector.broadcast %mul3A_360 : i32 to vector<16xi32>
    %add3A_527 = arith.addi %get3A_525, %add3A_526 : vector<16xi32>
    %swap3A_528 = arith.constant 288 : index
    %swap3A_529 = tpu.vector_load %arg5[%swap3A_528] {strides = array<i32>} : memref<512xi32, #tpu.memory_space<vmem>>, vector<16xi32>,
    %swap3A_530 = vector.shape_cast %swap3A_529 : vector<16xi32> to vector<16xi32>
    %swap3A_531 = vector.shape_cast %add3A_527 : vector<16xi32> to vector<16xi32>
    tpu.vector_store %arg5[%swap3A_528], %swap3A_531 {strides = array<i32>} : memref<512xi32, #tpu.memory_space<vmem>>, vector<16xi32>,
    %get3A_532 = arith.constant 304 : index
    %get3A_533 = tpu.vector_load %arg5[%get3A_532] {strides = array<i32>} : memref<512xi32, #tpu.memory_space<vmem>>, vector<16xi32>,
    %get3A_534 = vector.shape_cast %get3A_533 : vector<16xi32> to vector<16xi32>
    %add3A_535 = vector.broadcast %mul3A_360 : i32 to vector<16xi32>
    %add3A_536 = arith.addi %get3A_534, %add3A_535 : vector<16xi32>
    %swap3A_537 = arith.constant 304 : index
    %swap3A_538 = tpu.vector_load %arg5[%swap3A_537] {strides = array<i32>} : memref<512xi32, #tpu.memory_space<vmem>>, vector<16xi32>,
    %swap3A_539 = vector.shape_cast %swap3A_538 : vector<16xi32> to vector<16xi32>
    %swap3A_540 = vector.shape_cast %add3A_536 : vector<16xi32> to vector<16xi32>
    tpu.vector_store %arg5[%swap3A_537], %swap3A_540 {strides = array<i32>} : memref<512xi32, #tpu.memory_space<vmem>>, vector<16xi32>,
    %get3A_541 = arith.constant 320 : index
    %get3A_542 = tpu.vector_load %arg5[%get3A_541] {strides = array<i32>} : memref<512xi32, #tpu.memory_space<vmem>>, vector<16xi32>,
    %get3A_543 = vector.shape_cast %get3A_542 : vector<16xi32> to vector<16xi32>
    %add3A_544 = vector.broadcast %mul3A_360 : i32 to vector<16xi32>
    %add3A_545 = arith.addi %get3A_543, %add3A_544 : vector<16xi32>
    %swap3A_546 = arith.constant 320 : index
    %swap3A_547 = tpu.vector_load %arg5[%swap3A_546] {strides = array<i32>} : memref<512xi32, #tpu.memory_space<vmem>>, vector<16xi32>,
    %swap3A_548 = vector.shape_cast %swap3A_547 : vector<16xi32> to vector<16xi32>
    %swap3A_549 = vector.shape_cast %add3A_545 : vector<16xi32> to vector<16xi32>
    tpu.vector_store %arg5[%swap3A_546], %swap3A_549 {strides = array<i32>} : memref<512xi32, #tpu.memory_space<vmem>>, vector<16xi32>,
    %get3A_550 = arith.constant 336 : index
    %get3A_551 = tpu.vector_load %arg5[%get3A_550] {strides = array<i32>} : memref<512xi32, #tpu.memory_space<vmem>>, vector<16xi32>,
    %get3A_552 = vector.shape_cast %get3A_551 : vector<16xi32> to vector<16xi32>
    %add3A_553 = vector.broadcast %mul3A_360 : i32 to vector<16xi32>
    %add3A_554 = arith.addi %get3A_552, %add3A_553 : vector<16xi32>
    %swap3A_555 = arith.constant 336 : index
    %swap3A_556 = tpu.vector_load %arg5[%swap3A_555] {strides = array<i32>} : memref<512xi32, #tpu.memory_space<vmem>>, vector<16xi32>,
    %swap3A_557 = vector.shape_cast %swap3A_556 : vector<16xi32> to vector<16xi32>
    %swap3A_558 = vector.shape_cast %add3A_554 : vector<16xi32> to vector<16xi32>
    tpu.vector_store %arg5[%swap3A_555], %swap3A_558 {strides = array<i32>} : memref<512xi32, #tpu.memory_space<vmem>>, vector<16xi32>,
    %get3A_559 = arith.constant 352 : index
    %get3A_560 = tpu.vector_load %arg5[%get3A_559] {strides = array<i32>} : memref<512xi32, #tpu.memory_space<vmem>>, vector<16xi32>,
    %get3A_561 = vector.shape_cast %get3A_560 : vector<16xi32> to vector<16xi32>
    %add3A_562 = vector.broadcast %mul3A_360 : i32 to vector<16xi32>
    %add3A_563 = arith.addi %get3A_561, %add3A_562 : vector<16xi32>
    %swap3A_564 = arith.constant 352 : index
    %swap3A_565 = tpu.vector_load %arg5[%swap3A_564] {strides = array<i32>} : memref<512xi32, #tpu.memory_space<vmem>>, vector<16xi32>,
    %swap3A_566 = vector.shape_cast %swap3A_565 : vector<16xi32> to vector<16xi32>
    %swap3A_567 = vector.shape_cast %add3A_563 : vector<16xi32> to vector<16xi32>
    tpu.vector_store %arg5[%swap3A_564], %swap3A_567 {strides = array<i32>} : memref<512xi32, #tpu.memory_space<vmem>>, vector<16xi32>,
    %get3A_568 = arith.constant 368 : index
    %get3A_569 = tpu.vector_load %arg5[%get3A_568] {strides = array<i32>} : memref<512xi32, #tpu.memory_space<vmem>>, vector<16xi32>,
    %get3A_570 = vector.shape_cast %get3A_569 : vector<16xi32> to vector<16xi32>
    %add3A_571 = vector.broadcast %mul3A_360 : i32 to vector<16xi32>
    %add3A_572 = arith.addi %get3A_570, %add3A_571 : vector<16xi32>
    %swap3A_573 = arith.constant 368 : index
    %swap3A_574 = tpu.vector_load %arg5[%swap3A_573] {strides = array<i32>} : memref<512xi32, #tpu.memory_space<vmem>>, vector<16xi32>,
    %swap3A_575 = vector.shape_cast %swap3A_574 : vector<16xi32> to vector<16xi32>
    %swap3A_576 = vector.shape_cast %add3A_572 : vector<16xi32> to vector<16xi32>
    tpu.vector_store %arg5[%swap3A_573], %swap3A_576 {strides = array<i32>} : memref<512xi32, #tpu.memory_space<vmem>>, vector<16xi32>,
    %get3A_577 = arith.constant 384 : index
    %get3A_578 = tpu.vector_load %arg5[%get3A_577] {strides = array<i32>} : memref<512xi32, #tpu.memory_space<vmem>>, vector<16xi32>,
    %get3A_579 = vector.shape_cast %get3A_578 : vector<16xi32> to vector<16xi32>
    %add3A_580 = vector.broadcast %mul3A_360 : i32 to vector<16xi32>
    %add3A_581 = arith.addi %get3A_579, %add3A_580 : vector<16xi32>
    %swap3A_582 = arith.constant 384 : index
    %swap3A_583 = tpu.vector_load %arg5[%swap3A_582] {strides = array<i32>} : memref<512xi32, #tpu.memory_space<vmem>>, vector<16xi32>,
    %swap3A_584 = vector.shape_cast %swap3A_583 : vector<16xi32> to vector<16xi32>
    %swap3A_585 = vector.shape_cast %add3A_581 : vector<16xi32> to vector<16xi32>
    tpu.vector_store %arg5[%swap3A_582], %swap3A_585 {strides = array<i32>} : memref<512xi32, #tpu.memory_space<vmem>>, vector<16xi32>,
    %get3A_586 = arith.constant 400 : index
    %get3A_587 = tpu.vector_load %arg5[%get3A_586] {strides = array<i32>} : memref<512xi32, #tpu.memory_space<vmem>>, vector<16xi32>,
    %get3A_588 = vector.shape_cast %get3A_587 : vector<16xi32> to vector<16xi32>
    %add3A_589 = vector.broadcast %mul3A_360 : i32 to vector<16xi32>
    %add3A_590 = arith.addi %get3A_588, %add3A_589 : vector<16xi32>
    %swap3A_591 = arith.constant 400 : index
    %swap3A_592 = tpu.vector_load %arg5[%swap3A_591] {strides = array<i32>} : memref<512xi32, #tpu.memory_space<vmem>>, vector<16xi32>,
    %swap3A_593 = vector.shape_cast %swap3A_592 : vector<16xi32> to vector<16xi32>
    %swap3A_594 = vector.shape_cast %add3A_590 : vector<16xi32> to vector<16xi32>
    tpu.vector_store %arg5[%swap3A_591], %swap3A_594 {strides = array<i32>} : memref<512xi32, #tpu.memory_space<vmem>>, vector<16xi32>,
    %get3A_595 = arith.constant 416 : index
    %get3A_596 = tpu.vector_load %arg5[%get3A_595] {strides = array<i32>} : memref<512xi32, #tpu.memory_space<vmem>>, vector<16xi32>,
    %get3A_597 = vector.shape_cast %get3A_596 : vector<16xi32> to vector<16xi32>
    %add3A_598 = vector.broadcast %mul3A_360 : i32 to vector<16xi32>
    %add3A_599 = arith.addi %get3A_597, %add3A_598 : vector<16xi32>
    %swap3A_600 = arith.constant 416 : index
    %swap3A_601 = tpu.vector_load %arg5[%swap3A_600] {strides = array<i32>} : memref<512xi32, #tpu.memory_space<vmem>>, vector<16xi32>,
    %swap3A_602 = vector.shape_cast %swap3A_601 : vector<16xi32> to vector<16xi32>
    %swap3A_603 = vector.shape_cast %add3A_599 : vector<16xi32> to vector<16xi32>
    tpu.vector_store %arg5[%swap3A_600], %swap3A_603 {strides = array<i32>} : memref<512xi32, #tpu.memory_space<vmem>>, vector<16xi32>,
    %get3A_604 = arith.constant 432 : index
    %get3A_605 = tpu.vector_load %arg5[%get3A_604] {strides = array<i32>} : memref<512xi32, #tpu.memory_space<vmem>>, vector<16xi32>,
    %get3A_606 = vector.shape_cast %get3A_605 : vector<16xi32> to vector<16xi32>
    %add3A_607 = vector.broadcast %mul3A_360 : i32 to vector<16xi32>
    %add3A_608 = arith.addi %get3A_606, %add3A_607 : vector<16xi32>
    %swap3A_609 = arith.constant 432 : index
    %swap3A_610 = tpu.vector_load %arg5[%swap3A_609] {strides = array<i32>} : memref<512xi32, #tpu.memory_space<vmem>>, vector<16xi32>,
    %swap3A_611 = vector.shape_cast %swap3A_610 : vector<16xi32> to vector<16xi32>
    %swap3A_612 = vector.shape_cast %add3A_608 : vector<16xi32> to vector<16xi32>
    tpu.vector_store %arg5[%swap3A_609], %swap3A_612 {strides = array<i32>} : memref<512xi32, #tpu.memory_space<vmem>>, vector<16xi32>,
    %get3A_613 = arith.constant 448 : index
    %get3A_614 = tpu.vector_load %arg5[%get3A_613] {strides = array<i32>} : memref<512xi32, #tpu.memory_space<vmem>>, vector<16xi32>,
    %get3A_615 = vector.shape_cast %get3A_614 : vector<16xi32> to vector<16xi32>
    %add3A_616 = vector.broadcast %mul3A_360 : i32 to vector<16xi32>
    %add3A_617 = arith.addi %get3A_615, %add3A_616 : vector<16xi32>
    %swap3A_618 = arith.constant 448 : index
    %swap3A_619 = tpu.vector_load %arg5[%swap3A_618] {strides = array<i32>} : memref<512xi32, #tpu.memory_space<vmem>>, vector<16xi32>,
    %swap3A_620 = vector.shape_cast %swap3A_619 : vector<16xi32> to vector<16xi32>
    %swap3A_621 = vector.shape_cast %add3A_617 : vector<16xi32> to vector<16xi32>
    tpu.vector_store %arg5[%swap3A_618], %swap3A_621 {strides = array<i32>} : memref<512xi32, #tpu.memory_space<vmem>>, vector<16xi32>,
    %get3A_622 = arith.constant 464 : index
    %get3A_623 = tpu.vector_load %arg5[%get3A_622] {strides = array<i32>} : memref<512xi32, #tpu.memory_space<vmem>>, vector<16xi32>,
    %get3A_624 = vector.shape_cast %get3A_623 : vector<16xi32> to vector<16xi32>
    %add3A_625 = vector.broadcast %mul3A_360 : i32 to vector<16xi32>
    %add3A_626 = arith.addi %get3A_624, %add3A_625 : vector<16xi32>
    %swap3A_627 = arith.constant 464 : index
    %swap3A_628 = tpu.vector_load %arg5[%swap3A_627] {strides = array<i32>} : memref<512xi32, #tpu.memory_space<vmem>>, vector<16xi32>,
    %swap3A_629 = vector.shape_cast %swap3A_628 : vector<16xi32> to vector<16xi32>
    %swap3A_630 = vector.shape_cast %add3A_626 : vector<16xi32> to vector<16xi32>
    tpu.vector_store %arg5[%swap3A_627], %swap3A_630 {strides = array<i32>} : memref<512xi32, #tpu.memory_space<vmem>>, vector<16xi32>,
    %get3A_631 = arith.constant 480 : index
    %get3A_632 = tpu.vector_load %arg5[%get3A_631] {strides = array<i32>} : memref<512xi32, #tpu.memory_space<vmem>>, vector<16xi32>,
    %get3A_633 = vector.shape_cast %get3A_632 : vector<16xi32> to vector<16xi32>
    %add3A_634 = vector.broadcast %mul3A_360 : i32 to vector<16xi32>
    %add3A_635 = arith.addi %get3A_633, %add3A_634 : vector<16xi32>
    %swap3A_636 = arith.constant 480 : index
    %swap3A_637 = tpu.vector_load %arg5[%swap3A_636] {strides = array<i32>} : memref<512xi32, #tpu.memory_space<vmem>>, vector<16xi32>,
    %swap3A_638 = vector.shape_cast %swap3A_637 : vector<16xi32> to vector<16xi32>
    %swap3A_639 = vector.shape_cast %add3A_635 : vector<16xi32> to vector<16xi32>
    tpu.vector_store %arg5[%swap3A_636], %swap3A_639 {strides = array<i32>} : memref<512xi32, #tpu.memory_space<vmem>>, vector<16xi32>,
    %get3A_640 = arith.constant 496 : index
    %get3A_641 = tpu.vector_load %arg5[%get3A_640] {strides = array<i32>} : memref<512xi32, #tpu.memory_space<vmem>>, vector<16xi32>,
    %get3A_642 = vector.shape_cast %get3A_641 : vector<16xi32> to vector<16xi32>
    %add3A_643 = vector.broadcast %mul3A_360 : i32 to vector<16xi32>
    %add3A_644 = arith.addi %get3A_642, %add3A_643 : vector<16xi32>
    %swap3A_645 = arith.constant 496 : index
    %swap3A_646 = tpu.vector_load %arg5[%swap3A_645] {strides = array<i32>} : memref<512xi32, #tpu.memory_space<vmem>>, vector<16xi32>,
    %swap3A_647 = vector.shape_cast %swap3A_646 : vector<16xi32> to vector<16xi32>
    %swap3A_648 = vector.shape_cast %add3A_644 : vector<16xi32> to vector<16xi32>
    tpu.vector_store %arg5[%swap3A_645], %swap3A_648 {strides = array<i32>} : memref<512xi32, #tpu.memory_space<vmem>>, vector<16xi32>,
    %dma_start3A_649 = arith.constant 0 : i32
    %dma_start3A_650 = arith.constant 0 : i32
    %dma_start3A_651 = tpu.memref_slice %arg6[%dma_start3A_649, %dma_start3A_650] : memref<512x32xf32, #tpu.memory_space<vmem>> -> memref<128x32xf32, #tpu.memory_space<vmem>>
    %dma_start3A_652 = arith.constant 0 : i32
    %dma_start3A_653 = tpu.memref_slice %arg5[%dma_start3A_652] : memref<512xi32, #tpu.memory_space<vmem>> -> memref<128xi32, #tpu.memory_space<vmem>>
    %dma_start3A_654 = arith.constant 0 : i32
    %dma_start3A_655 = arith.constant 0 : i32
    %dma_start3A_656 = tpu.memref_slice %arg2[%dma_start3A_654, %dma_start3A_655] : memref<16384x32xf32, #tpu.memory_space<hbm>> -> memref<16384x32xf32, #tpu.memory_space<hbm>>
    tpu.enqueue_indirect_dma source(%dma_start3A_656 : memref<16384x32xf32, #tpu.memory_space<hbm>>) target(%dma_start3A_651 : memref<128x32xf32, #tpu.memory_space<vmem>>) offsets(%dma_start3A_653 : memref<128xi32, #tpu.memory_space<vmem>>) semaphore(%arg7 : memref<!tpu.dma_semaphore, #tpu.memory_space<semaphore_mem>>)
    %dma_wait3A_657 = arith.constant 0 : i32
    %dma_wait3A_658 = arith.constant 0 : i32
    %dma_wait3A_659 = tpu.memref_slice %arg6[%dma_wait3A_657, %dma_wait3A_658] : memref<512x32xf32, #tpu.memory_space<vmem>> -> memref<128x32xf32, #tpu.memory_space<vmem>>
    %dma_wait3A_660 = arith.constant 0 : i32
    %dma_wait3A_661 = tpu.memref_slice %arg5[%dma_wait3A_660] : memref<512xi32, #tpu.memory_space<vmem>> -> memref<128xi32, #tpu.memory_space<vmem>>
    %dma_wait3A_662 = arith.constant 0 : i32
    %dma_wait3A_663 = arith.constant 0 : i32
    %dma_wait3A_664 = tpu.memref_slice %arg2[%dma_wait3A_662, %dma_wait3A_663] : memref<16384x32xf32, #tpu.memory_space<hbm>> -> memref<16384x32xf32, #tpu.memory_space<hbm>>
    tpu.wait_indirect_dma semaphore(%arg7 : memref<!tpu.dma_semaphore, #tpu.memory_space<semaphore_mem>>) src(%dma_wait3A_664 : memref<16384x32xf32, #tpu.memory_space<hbm>>) dst(%dma_wait3A_659 : memref<128x32xf32, #tpu.memory_space<vmem>>)
    %dma_start3A_665 = arith.constant 128 : i32
    %dma_start3A_666 = arith.constant 0 : i32
    %dma_start3A_667 = tpu.memref_slice %arg6[%dma_start3A_665, %dma_start3A_666] : memref<512x32xf32, #tpu.memory_space<vmem>> -> memref<128x32xf32, #tpu.memory_space<vmem>>
    %dma_start3A_668 = arith.constant 128 : i32
    %dma_start3A_669 = tpu.memref_slice %arg5[%dma_start3A_668] : memref<512xi32, #tpu.memory_space<vmem>> -> memref<128xi32, #tpu.memory_space<vmem>>
    %dma_start3A_670 = arith.constant 0 : i32
    %dma_start3A_671 = arith.constant 0 : i32
    %dma_start3A_672 = tpu.memref_slice %arg2[%dma_start3A_670, %dma_start3A_671] : memref<16384x32xf32, #tpu.memory_space<hbm>> -> memref<16384x32xf32, #tpu.memory_space<hbm>>
    tpu.enqueue_indirect_dma source(%dma_start3A_672 : memref<16384x32xf32, #tpu.memory_space<hbm>>) target(%dma_start3A_667 : memref<128x32xf32, #tpu.memory_space<vmem>>) offsets(%dma_start3A_669 : memref<128xi32, #tpu.memory_space<vmem>>) semaphore(%arg7 : memref<!tpu.dma_semaphore, #tpu.memory_space<semaphore_mem>>)
    %dma_wait3A_673 = arith.constant 128 : i32
    %dma_wait3A_674 = arith.constant 0 : i32
    %dma_wait3A_675 = tpu.memref_slice %arg6[%dma_wait3A_673, %dma_wait3A_674] : memref<512x32xf32, #tpu.memory_space<vmem>> -> memref<128x32xf32, #tpu.memory_space<vmem>>
    %dma_wait3A_676 = arith.constant 128 : i32
    %dma_wait3A_677 = tpu.memref_slice %arg5[%dma_wait3A_676] : memref<512xi32, #tpu.memory_space<vmem>> -> memref<128xi32, #tpu.memory_space<vmem>>
    %dma_wait3A_678 = arith.constant 0 : i32
    %dma_wait3A_679 = arith.constant 0 : i32
    %dma_wait3A_680 = tpu.memref_slice %arg2[%dma_wait3A_678, %dma_wait3A_679] : memref<16384x32xf32, #tpu.memory_space<hbm>> -> memref<16384x32xf32, #tpu.memory_space<hbm>>
    tpu.wait_indirect_dma semaphore(%arg7 : memref<!tpu.dma_semaphore, #tpu.memory_space<semaphore_mem>>) src(%dma_wait3A_680 : memref<16384x32xf32, #tpu.memory_space<hbm>>) dst(%dma_wait3A_675 : memref<128x32xf32, #tpu.memory_space<vmem>>)
    %dma_start3A_681 = arith.constant 256 : i32
    %dma_start3A_682 = arith.constant 0 : i32
    %dma_start3A_683 = tpu.memref_slice %arg6[%dma_start3A_681, %dma_start3A_682] : memref<512x32xf32, #tpu.memory_space<vmem>> -> memref<128x32xf32, #tpu.memory_space<vmem>>
    %dma_start3A_684 = arith.constant 256 : i32
    %dma_start3A_685 = tpu.memref_slice %arg5[%dma_start3A_684] : memref<512xi32, #tpu.memory_space<vmem>> -> memref<128xi32, #tpu.memory_space<vmem>>
    %dma_start3A_686 = arith.constant 0 : i32
    %dma_start3A_687 = arith.constant 0 : i32
    %dma_start3A_688 = tpu.memref_slice %arg2[%dma_start3A_686, %dma_start3A_687] : memref<16384x32xf32, #tpu.memory_space<hbm>> -> memref<16384x32xf32, #tpu.memory_space<hbm>>
    tpu.enqueue_indirect_dma source(%dma_start3A_688 : memref<16384x32xf32, #tpu.memory_space<hbm>>) target(%dma_start3A_683 : memref<128x32xf32, #tpu.memory_space<vmem>>) offsets(%dma_start3A_685 : memref<128xi32, #tpu.memory_space<vmem>>) semaphore(%arg7 : memref<!tpu.dma_semaphore, #tpu.memory_space<semaphore_mem>>)
    %dma_wait3A_689 = arith.constant 256 : i32
    %dma_wait3A_690 = arith.constant 0 : i32
    %dma_wait3A_691 = tpu.memref_slice %arg6[%dma_wait3A_689, %dma_wait3A_690] : memref<512x32xf32, #tpu.memory_space<vmem>> -> memref<128x32xf32, #tpu.memory_space<vmem>>
    %dma_wait3A_692 = arith.constant 256 : i32
    %dma_wait3A_693 = tpu.memref_slice %arg5[%dma_wait3A_692] : memref<512xi32, #tpu.memory_space<vmem>> -> memref<128xi32, #tpu.memory_space<vmem>>
    %dma_wait3A_694 = arith.constant 0 : i32
    %dma_wait3A_695 = arith.constant 0 : i32
    %dma_wait3A_696 = tpu.memref_slice %arg2[%dma_wait3A_694, %dma_wait3A_695] : memref<16384x32xf32, #tpu.memory_space<hbm>> -> memref<16384x32xf32, #tpu.memory_space<hbm>>
    tpu.wait_indirect_dma semaphore(%arg7 : memref<!tpu.dma_semaphore, #tpu.memory_space<semaphore_mem>>) src(%dma_wait3A_696 : memref<16384x32xf32, #tpu.memory_space<hbm>>) dst(%dma_wait3A_691 : memref<128x32xf32, #tpu.memory_space<vmem>>)
    %dma_start3A_697 = arith.constant 384 : i32
    %dma_start3A_698 = arith.constant 0 : i32
    %dma_start3A_699 = tpu.memref_slice %arg6[%dma_start3A_697, %dma_start3A_698] : memref<512x32xf32, #tpu.memory_space<vmem>> -> memref<128x32xf32, #tpu.memory_space<vmem>>
    %dma_start3A_700 = arith.constant 384 : i32
    %dma_start3A_701 = tpu.memref_slice %arg5[%dma_start3A_700] : memref<512xi32, #tpu.memory_space<vmem>> -> memref<128xi32, #tpu.memory_space<vmem>>
    %dma_start3A_702 = arith.constant 0 : i32
    %dma_start3A_703 = arith.constant 0 : i32
    %dma_start3A_704 = tpu.memref_slice %arg2[%dma_start3A_702, %dma_start3A_703] : memref<16384x32xf32, #tpu.memory_space<hbm>> -> memref<16384x32xf32, #tpu.memory_space<hbm>>
    tpu.enqueue_indirect_dma source(%dma_start3A_704 : memref<16384x32xf32, #tpu.memory_space<hbm>>) target(%dma_start3A_699 : memref<128x32xf32, #tpu.memory_space<vmem>>) offsets(%dma_start3A_701 : memref<128xi32, #tpu.memory_space<vmem>>) semaphore(%arg7 : memref<!tpu.dma_semaphore, #tpu.memory_space<semaphore_mem>>)
    %dma_wait3A_705 = arith.constant 384 : i32
    %dma_wait3A_706 = arith.constant 0 : i32
    %dma_wait3A_707 = tpu.memref_slice %arg6[%dma_wait3A_705, %dma_wait3A_706] : memref<512x32xf32, #tpu.memory_space<vmem>> -> memref<128x32xf32, #tpu.memory_space<vmem>>
    %dma_wait3A_708 = arith.constant 384 : i32
    %dma_wait3A_709 = tpu.memref_slice %arg5[%dma_wait3A_708] : memref<512xi32, #tpu.memory_space<vmem>> -> memref<128xi32, #tpu.memory_space<vmem>>
    %dma_wait3A_710 = arith.constant 0 : i32
    %dma_wait3A_711 = arith.constant 0 : i32
    %dma_wait3A_712 = tpu.memref_slice %arg2[%dma_wait3A_710, %dma_wait3A_711] : memref<16384x32xf32, #tpu.memory_space<hbm>> -> memref<16384x32xf32, #tpu.memory_space<hbm>>
    tpu.wait_indirect_dma semaphore(%arg7 : memref<!tpu.dma_semaphore, #tpu.memory_space<semaphore_mem>>) src(%dma_wait3A_712 : memref<16384x32xf32, #tpu.memory_space<hbm>>) dst(%dma_wait3A_707 : memref<128x32xf32, #tpu.memory_space<vmem>>)
    "tpu.region"() ({
      %run_scoped3A = tpu.sem_alloc : memref<!tpu.dma_semaphore, #tpu.memory_space<semaphore_mem>>
      %dma_start3A_713 = arith.constant 0 : i32
      %dma_start3A_714 = arith.constant 0 : i32
      %dma_start3A_715 = tpu.memref_slice %arg4[%add3A_358, %dma_start3A_713, %dma_start3A_714] : memref<64x512x32xf32, #tpu.memory_space<hbm>> -> memref<1x512x32xf32, #tpu.memory_space<hbm>>
      %dma_start3A_716 = tpu.memref_squeeze %dma_start3A_715 : memref<1x512x32xf32, #tpu.memory_space<hbm>> -> memref<512x32xf32, #tpu.memory_space<hbm>>
      %dma_start3A_717 = arith.constant 0 : i32
      %dma_start3A_718 = arith.constant 0 : i32
      %dma_start3A_719 = tpu.memref_slice %arg4[%add3A_358, %dma_start3A_717, %dma_start3A_718] : memref<64x512x32xf32, #tpu.memory_space<hbm>> -> memref<1x512x32xf32, #tpu.memory_space<hbm>>
      %dma_start3A_720 = tpu.memref_squeeze %dma_start3A_719 : memref<1x512x32xf32, #tpu.memory_space<hbm>> -> memref<512x32xf32, #tpu.memory_space<hbm>>
      tpu.enqueue_dma source(%arg6 : memref<512x32xf32, #tpu.memory_space<vmem>>) target(%dma_start3A_720 : memref<512x32xf32, #tpu.memory_space<hbm>>) target_semaphore(%run_scoped3A : memref<!tpu.dma_semaphore, #tpu.memory_space<semaphore_mem>>)
      %dma_wait3A_721 = arith.constant 0 : i32
      %dma_wait3A_722 = arith.constant 0 : i32
      %dma_wait3A_723 = tpu.memref_slice %arg4[%add3A_358, %dma_wait3A_721, %dma_wait3A_722] : memref<64x512x32xf32, #tpu.memory_space<hbm>> -> memref<1x512x32xf32, #tpu.memory_space<hbm>>
      %dma_wait3A_724 = tpu.memref_squeeze %dma_wait3A_723 : memref<1x512x32xf32, #tpu.memory_space<hbm>> -> memref<512x32xf32, #tpu.memory_space<hbm>>
      %dma_wait3A_725 = arith.constant 0 : i32
      %dma_wait3A_726 = arith.constant 0 : i32
      %dma_wait3A_727 = tpu.memref_slice %arg4[%add3A_358, %dma_wait3A_725, %dma_wait3A_726] : memref<64x512x32xf32, #tpu.memory_space<hbm>> -> memref<1x512x32xf32, #tpu.memory_space<hbm>>
      %dma_wait3A_728 = tpu.memref_squeeze %dma_wait3A_727 : memref<1x512x32xf32, #tpu.memory_space<hbm>> -> memref<512x32xf32, #tpu.memory_space<hbm>>
      tpu.wait_dma2 semaphore(%run_scoped3A : memref<!tpu.dma_semaphore, #tpu.memory_space<semaphore_mem>>) src(%arg6 : memref<512x32xf32, #tpu.memory_space<vmem>>) dst(%dma_wait3A_728 : memref<512x32xf32, #tpu.memory_space<hbm>>)
      tpu.yield
    }) : () -> ()
    return
  }
}

module attributes {stable_mosaic.version = 14 : i64} {
  func.func @_circuit_body(%arg0: memref<64x32x256xf32, #tpu.memory_space<vmem>>, %arg1: memref<64x512x32xf32, #tpu.memory_space<vmem>>, %arg2: memref<32x32x1024xf32, #tpu.memory_space<vmem>>, %arg3: memref<16x32x1024xf32, #tpu.memory_space<vmem>>, %arg4: memref<8x32x1024xf32, #tpu.memory_space<vmem>>, %arg5: memref<4x32x1024xf32, #tpu.memory_space<vmem>>, %arg6: memref<2x32x1024xf32, #tpu.memory_space<vmem>>, %arg7: memref<1x32x1024xf32, #tpu.memory_space<vmem>>, %arg8: memref<32x1xf32, #tpu.memory_space<vmem>>, %arg9: memref<1x512xf32, #tpu.memory_space<vmem>>) attributes {dimension_semantics = [], scalar_prefetch = 0 : i64, scratch_operands = 0 : i64, tpu.core_type = #tpu.core_type<tc>} {
    %get3A = arith.constant 0 : index
    %get3A_0 = arith.constant 0 : index
    %get3A_1 = arith.constant 0 : index
    %get3A_2 = vector.load %arg0[%get3A, %get3A_0, %get3A_1] : memref<64x32x256xf32, #tpu.memory_space<vmem>>, vector<1x32x256xf32>
    %get3A_3 = vector.shape_cast %get3A_2 : vector<1x32x256xf32> to vector<32x256xf32>
    %reduce_max3A = arith.constant dense<0xFF800000> : vector<32xf32>
    %reduce_max3A_4 = vector.multi_reduction <maximumf>, %get3A_3, %reduce_max3A [1] : vector<32x256xf32> to vector<32xf32>
    %broadcast_in_dim3A = vector.shape_cast %reduce_max3A_4 : vector<32xf32> to vector<32x1xf32>
    %sub3A = vector.broadcast %broadcast_in_dim3A : vector<32x1xf32> to vector<32x256xf32>
    %sub3A_5 = arith.subf %get3A_3, %sub3A : vector<32x256xf32>
    %exp3A = math.exp %sub3A_5 : vector<32x256xf32>
    %reduce_sum3A = arith.constant dense<0.000000e+00> : vector<32xf32>
    %reduce_sum3A_6 = vector.multi_reduction <add>, %exp3A, %reduce_sum3A [1] : vector<32x256xf32> to vector<32xf32>
    %broadcast_in_dim3A_7 = vector.shape_cast %reduce_sum3A_6 : vector<32xf32> to vector<32x1xf32>
    %log3A = math.log %broadcast_in_dim3A_7 : vector<32x1xf32>
    %add3A = arith.addf %log3A, %broadcast_in_dim3A : vector<32x1xf32>
    %get3A_8 = arith.constant 0 : index
    %get3A_9 = arith.constant 0 : index
    %get3A_10 = arith.constant 0 : index
    %get3A_11 = vector.load %arg1[%get3A_8, %get3A_9, %get3A_10] : memref<64x512x32xf32, #tpu.memory_space<vmem>>, vector<1x512x32xf32>
    %get3A_12 = vector.shape_cast %get3A_11 : vector<1x512x32xf32> to vector<512x32xf32>
    %transpose3A = tpu.transpose %get3A_12, [1, 0] : vector<512x32xf32> -> vector<32x512xf32>
    %sub3A_13 = vector.broadcast %add3A : vector<32x1xf32> to vector<32x512xf32>
    %sub3A_14 = arith.subf %transpose3A, %sub3A_13 : vector<32x512xf32>
    %get3A_15 = arith.constant 1 : index
    %get3A_16 = arith.constant 0 : index
    %get3A_17 = arith.constant 0 : index
    %get3A_18 = vector.load %arg0[%get3A_15, %get3A_16, %get3A_17] : memref<64x32x256xf32, #tpu.memory_space<vmem>>, vector<1x32x256xf32>
    %get3A_19 = vector.shape_cast %get3A_18 : vector<1x32x256xf32> to vector<32x256xf32>
    %reduce_max3A_20 = arith.constant dense<0xFF800000> : vector<32xf32>
    %reduce_max3A_21 = vector.multi_reduction <maximumf>, %get3A_19, %reduce_max3A_20 [1] : vector<32x256xf32> to vector<32xf32>
    %broadcast_in_dim3A_22 = vector.shape_cast %reduce_max3A_21 : vector<32xf32> to vector<32x1xf32>
    %sub3A_23 = vector.broadcast %broadcast_in_dim3A_22 : vector<32x1xf32> to vector<32x256xf32>
    %sub3A_24 = arith.subf %get3A_19, %sub3A_23 : vector<32x256xf32>
    %exp3A_25 = math.exp %sub3A_24 : vector<32x256xf32>
    %reduce_sum3A_26 = arith.constant dense<0.000000e+00> : vector<32xf32>
    %reduce_sum3A_27 = vector.multi_reduction <add>, %exp3A_25, %reduce_sum3A_26 [1] : vector<32x256xf32> to vector<32xf32>
    %broadcast_in_dim3A_28 = vector.shape_cast %reduce_sum3A_27 : vector<32xf32> to vector<32x1xf32>
    %log3A_29 = math.log %broadcast_in_dim3A_28 : vector<32x1xf32>
    %add3A_30 = arith.addf %log3A_29, %broadcast_in_dim3A_22 : vector<32x1xf32>
    %get3A_31 = arith.constant 1 : index
    %get3A_32 = arith.constant 0 : index
    %get3A_33 = arith.constant 0 : index
    %get3A_34 = vector.load %arg1[%get3A_31, %get3A_32, %get3A_33] : memref<64x512x32xf32, #tpu.memory_space<vmem>>, vector<1x512x32xf32>
    %get3A_35 = vector.shape_cast %get3A_34 : vector<1x512x32xf32> to vector<512x32xf32>
    %transpose3A_36 = tpu.transpose %get3A_35, [1, 0] : vector<512x32xf32> -> vector<32x512xf32>
    %sub3A_37 = vector.broadcast %add3A_30 : vector<32x1xf32> to vector<32x512xf32>
    %sub3A_38 = arith.subf %transpose3A_36, %sub3A_37 : vector<32x512xf32>
    %get3A_39 = arith.constant 2 : index
    %get3A_40 = arith.constant 0 : index
    %get3A_41 = arith.constant 0 : index
    %get3A_42 = vector.load %arg0[%get3A_39, %get3A_40, %get3A_41] : memref<64x32x256xf32, #tpu.memory_space<vmem>>, vector<1x32x256xf32>
    %get3A_43 = vector.shape_cast %get3A_42 : vector<1x32x256xf32> to vector<32x256xf32>
    %reduce_max3A_44 = arith.constant dense<0xFF800000> : vector<32xf32>
    %reduce_max3A_45 = vector.multi_reduction <maximumf>, %get3A_43, %reduce_max3A_44 [1] : vector<32x256xf32> to vector<32xf32>
    %broadcast_in_dim3A_46 = vector.shape_cast %reduce_max3A_45 : vector<32xf32> to vector<32x1xf32>
    %sub3A_47 = vector.broadcast %broadcast_in_dim3A_46 : vector<32x1xf32> to vector<32x256xf32>
    %sub3A_48 = arith.subf %get3A_43, %sub3A_47 : vector<32x256xf32>
    %exp3A_49 = math.exp %sub3A_48 : vector<32x256xf32>
    %reduce_sum3A_50 = arith.constant dense<0.000000e+00> : vector<32xf32>
    %reduce_sum3A_51 = vector.multi_reduction <add>, %exp3A_49, %reduce_sum3A_50 [1] : vector<32x256xf32> to vector<32xf32>
    %broadcast_in_dim3A_52 = vector.shape_cast %reduce_sum3A_51 : vector<32xf32> to vector<32x1xf32>
    %log3A_53 = math.log %broadcast_in_dim3A_52 : vector<32x1xf32>
    %add3A_54 = arith.addf %log3A_53, %broadcast_in_dim3A_46 : vector<32x1xf32>
    %get3A_55 = arith.constant 2 : index
    %get3A_56 = arith.constant 0 : index
    %get3A_57 = arith.constant 0 : index
    %get3A_58 = vector.load %arg1[%get3A_55, %get3A_56, %get3A_57] : memref<64x512x32xf32, #tpu.memory_space<vmem>>, vector<1x512x32xf32>
    %get3A_59 = vector.shape_cast %get3A_58 : vector<1x512x32xf32> to vector<512x32xf32>
    %transpose3A_60 = tpu.transpose %get3A_59, [1, 0] : vector<512x32xf32> -> vector<32x512xf32>
    %sub3A_61 = vector.broadcast %add3A_54 : vector<32x1xf32> to vector<32x512xf32>
    %sub3A_62 = arith.subf %transpose3A_60, %sub3A_61 : vector<32x512xf32>
    %get3A_63 = arith.constant 3 : index
    %get3A_64 = arith.constant 0 : index
    %get3A_65 = arith.constant 0 : index
    %get3A_66 = vector.load %arg0[%get3A_63, %get3A_64, %get3A_65] : memref<64x32x256xf32, #tpu.memory_space<vmem>>, vector<1x32x256xf32>
    %get3A_67 = vector.shape_cast %get3A_66 : vector<1x32x256xf32> to vector<32x256xf32>
    %reduce_max3A_68 = arith.constant dense<0xFF800000> : vector<32xf32>
    %reduce_max3A_69 = vector.multi_reduction <maximumf>, %get3A_67, %reduce_max3A_68 [1] : vector<32x256xf32> to vector<32xf32>
    %broadcast_in_dim3A_70 = vector.shape_cast %reduce_max3A_69 : vector<32xf32> to vector<32x1xf32>
    %sub3A_71 = vector.broadcast %broadcast_in_dim3A_70 : vector<32x1xf32> to vector<32x256xf32>
    %sub3A_72 = arith.subf %get3A_67, %sub3A_71 : vector<32x256xf32>
    %exp3A_73 = math.exp %sub3A_72 : vector<32x256xf32>
    %reduce_sum3A_74 = arith.constant dense<0.000000e+00> : vector<32xf32>
    %reduce_sum3A_75 = vector.multi_reduction <add>, %exp3A_73, %reduce_sum3A_74 [1] : vector<32x256xf32> to vector<32xf32>
    %broadcast_in_dim3A_76 = vector.shape_cast %reduce_sum3A_75 : vector<32xf32> to vector<32x1xf32>
    %log3A_77 = math.log %broadcast_in_dim3A_76 : vector<32x1xf32>
    %add3A_78 = arith.addf %log3A_77, %broadcast_in_dim3A_70 : vector<32x1xf32>
    %get3A_79 = arith.constant 3 : index
    %get3A_80 = arith.constant 0 : index
    %get3A_81 = arith.constant 0 : index
    %get3A_82 = vector.load %arg1[%get3A_79, %get3A_80, %get3A_81] : memref<64x512x32xf32, #tpu.memory_space<vmem>>, vector<1x512x32xf32>
    %get3A_83 = vector.shape_cast %get3A_82 : vector<1x512x32xf32> to vector<512x32xf32>
    %transpose3A_84 = tpu.transpose %get3A_83, [1, 0] : vector<512x32xf32> -> vector<32x512xf32>
    %sub3A_85 = vector.broadcast %add3A_78 : vector<32x1xf32> to vector<32x512xf32>
    %sub3A_86 = arith.subf %transpose3A_84, %sub3A_85 : vector<32x512xf32>
    %get3A_87 = arith.constant 4 : index
    %get3A_88 = arith.constant 0 : index
    %get3A_89 = arith.constant 0 : index
    %get3A_90 = vector.load %arg0[%get3A_87, %get3A_88, %get3A_89] : memref<64x32x256xf32, #tpu.memory_space<vmem>>, vector<1x32x256xf32>
    %get3A_91 = vector.shape_cast %get3A_90 : vector<1x32x256xf32> to vector<32x256xf32>
    %reduce_max3A_92 = arith.constant dense<0xFF800000> : vector<32xf32>
    %reduce_max3A_93 = vector.multi_reduction <maximumf>, %get3A_91, %reduce_max3A_92 [1] : vector<32x256xf32> to vector<32xf32>
    %broadcast_in_dim3A_94 = vector.shape_cast %reduce_max3A_93 : vector<32xf32> to vector<32x1xf32>
    %sub3A_95 = vector.broadcast %broadcast_in_dim3A_94 : vector<32x1xf32> to vector<32x256xf32>
    %sub3A_96 = arith.subf %get3A_91, %sub3A_95 : vector<32x256xf32>
    %exp3A_97 = math.exp %sub3A_96 : vector<32x256xf32>
    %reduce_sum3A_98 = arith.constant dense<0.000000e+00> : vector<32xf32>
    %reduce_sum3A_99 = vector.multi_reduction <add>, %exp3A_97, %reduce_sum3A_98 [1] : vector<32x256xf32> to vector<32xf32>
    %broadcast_in_dim3A_100 = vector.shape_cast %reduce_sum3A_99 : vector<32xf32> to vector<32x1xf32>
    %log3A_101 = math.log %broadcast_in_dim3A_100 : vector<32x1xf32>
    %add3A_102 = arith.addf %log3A_101, %broadcast_in_dim3A_94 : vector<32x1xf32>
    %get3A_103 = arith.constant 4 : index
    %get3A_104 = arith.constant 0 : index
    %get3A_105 = arith.constant 0 : index
    %get3A_106 = vector.load %arg1[%get3A_103, %get3A_104, %get3A_105] : memref<64x512x32xf32, #tpu.memory_space<vmem>>, vector<1x512x32xf32>
    %get3A_107 = vector.shape_cast %get3A_106 : vector<1x512x32xf32> to vector<512x32xf32>
    %transpose3A_108 = tpu.transpose %get3A_107, [1, 0] : vector<512x32xf32> -> vector<32x512xf32>
    %sub3A_109 = vector.broadcast %add3A_102 : vector<32x1xf32> to vector<32x512xf32>
    %sub3A_110 = arith.subf %transpose3A_108, %sub3A_109 : vector<32x512xf32>
    %get3A_111 = arith.constant 5 : index
    %get3A_112 = arith.constant 0 : index
    %get3A_113 = arith.constant 0 : index
    %get3A_114 = vector.load %arg0[%get3A_111, %get3A_112, %get3A_113] : memref<64x32x256xf32, #tpu.memory_space<vmem>>, vector<1x32x256xf32>
    %get3A_115 = vector.shape_cast %get3A_114 : vector<1x32x256xf32> to vector<32x256xf32>
    %reduce_max3A_116 = arith.constant dense<0xFF800000> : vector<32xf32>
    %reduce_max3A_117 = vector.multi_reduction <maximumf>, %get3A_115, %reduce_max3A_116 [1] : vector<32x256xf32> to vector<32xf32>
    %broadcast_in_dim3A_118 = vector.shape_cast %reduce_max3A_117 : vector<32xf32> to vector<32x1xf32>
    %sub3A_119 = vector.broadcast %broadcast_in_dim3A_118 : vector<32x1xf32> to vector<32x256xf32>
    %sub3A_120 = arith.subf %get3A_115, %sub3A_119 : vector<32x256xf32>
    %exp3A_121 = math.exp %sub3A_120 : vector<32x256xf32>
    %reduce_sum3A_122 = arith.constant dense<0.000000e+00> : vector<32xf32>
    %reduce_sum3A_123 = vector.multi_reduction <add>, %exp3A_121, %reduce_sum3A_122 [1] : vector<32x256xf32> to vector<32xf32>
    %broadcast_in_dim3A_124 = vector.shape_cast %reduce_sum3A_123 : vector<32xf32> to vector<32x1xf32>
    %log3A_125 = math.log %broadcast_in_dim3A_124 : vector<32x1xf32>
    %add3A_126 = arith.addf %log3A_125, %broadcast_in_dim3A_118 : vector<32x1xf32>
    %get3A_127 = arith.constant 5 : index
    %get3A_128 = arith.constant 0 : index
    %get3A_129 = arith.constant 0 : index
    %get3A_130 = vector.load %arg1[%get3A_127, %get3A_128, %get3A_129] : memref<64x512x32xf32, #tpu.memory_space<vmem>>, vector<1x512x32xf32>
    %get3A_131 = vector.shape_cast %get3A_130 : vector<1x512x32xf32> to vector<512x32xf32>
    %transpose3A_132 = tpu.transpose %get3A_131, [1, 0] : vector<512x32xf32> -> vector<32x512xf32>
    %sub3A_133 = vector.broadcast %add3A_126 : vector<32x1xf32> to vector<32x512xf32>
    %sub3A_134 = arith.subf %transpose3A_132, %sub3A_133 : vector<32x512xf32>
    %get3A_135 = arith.constant 6 : index
    %get3A_136 = arith.constant 0 : index
    %get3A_137 = arith.constant 0 : index
    %get3A_138 = vector.load %arg0[%get3A_135, %get3A_136, %get3A_137] : memref<64x32x256xf32, #tpu.memory_space<vmem>>, vector<1x32x256xf32>
    %get3A_139 = vector.shape_cast %get3A_138 : vector<1x32x256xf32> to vector<32x256xf32>
    %reduce_max3A_140 = arith.constant dense<0xFF800000> : vector<32xf32>
    %reduce_max3A_141 = vector.multi_reduction <maximumf>, %get3A_139, %reduce_max3A_140 [1] : vector<32x256xf32> to vector<32xf32>
    %broadcast_in_dim3A_142 = vector.shape_cast %reduce_max3A_141 : vector<32xf32> to vector<32x1xf32>
    %sub3A_143 = vector.broadcast %broadcast_in_dim3A_142 : vector<32x1xf32> to vector<32x256xf32>
    %sub3A_144 = arith.subf %get3A_139, %sub3A_143 : vector<32x256xf32>
    %exp3A_145 = math.exp %sub3A_144 : vector<32x256xf32>
    %reduce_sum3A_146 = arith.constant dense<0.000000e+00> : vector<32xf32>
    %reduce_sum3A_147 = vector.multi_reduction <add>, %exp3A_145, %reduce_sum3A_146 [1] : vector<32x256xf32> to vector<32xf32>
    %broadcast_in_dim3A_148 = vector.shape_cast %reduce_sum3A_147 : vector<32xf32> to vector<32x1xf32>
    %log3A_149 = math.log %broadcast_in_dim3A_148 : vector<32x1xf32>
    %add3A_150 = arith.addf %log3A_149, %broadcast_in_dim3A_142 : vector<32x1xf32>
    %get3A_151 = arith.constant 6 : index
    %get3A_152 = arith.constant 0 : index
    %get3A_153 = arith.constant 0 : index
    %get3A_154 = vector.load %arg1[%get3A_151, %get3A_152, %get3A_153] : memref<64x512x32xf32, #tpu.memory_space<vmem>>, vector<1x512x32xf32>
    %get3A_155 = vector.shape_cast %get3A_154 : vector<1x512x32xf32> to vector<512x32xf32>
    %transpose3A_156 = tpu.transpose %get3A_155, [1, 0] : vector<512x32xf32> -> vector<32x512xf32>
    %sub3A_157 = vector.broadcast %add3A_150 : vector<32x1xf32> to vector<32x512xf32>
    %sub3A_158 = arith.subf %transpose3A_156, %sub3A_157 : vector<32x512xf32>
    %get3A_159 = arith.constant 7 : index
    %get3A_160 = arith.constant 0 : index
    %get3A_161 = arith.constant 0 : index
    %get3A_162 = vector.load %arg0[%get3A_159, %get3A_160, %get3A_161] : memref<64x32x256xf32, #tpu.memory_space<vmem>>, vector<1x32x256xf32>
    %get3A_163 = vector.shape_cast %get3A_162 : vector<1x32x256xf32> to vector<32x256xf32>
    %reduce_max3A_164 = arith.constant dense<0xFF800000> : vector<32xf32>
    %reduce_max3A_165 = vector.multi_reduction <maximumf>, %get3A_163, %reduce_max3A_164 [1] : vector<32x256xf32> to vector<32xf32>
    %broadcast_in_dim3A_166 = vector.shape_cast %reduce_max3A_165 : vector<32xf32> to vector<32x1xf32>
    %sub3A_167 = vector.broadcast %broadcast_in_dim3A_166 : vector<32x1xf32> to vector<32x256xf32>
    %sub3A_168 = arith.subf %get3A_163, %sub3A_167 : vector<32x256xf32>
    %exp3A_169 = math.exp %sub3A_168 : vector<32x256xf32>
    %reduce_sum3A_170 = arith.constant dense<0.000000e+00> : vector<32xf32>
    %reduce_sum3A_171 = vector.multi_reduction <add>, %exp3A_169, %reduce_sum3A_170 [1] : vector<32x256xf32> to vector<32xf32>
    %broadcast_in_dim3A_172 = vector.shape_cast %reduce_sum3A_171 : vector<32xf32> to vector<32x1xf32>
    %log3A_173 = math.log %broadcast_in_dim3A_172 : vector<32x1xf32>
    %add3A_174 = arith.addf %log3A_173, %broadcast_in_dim3A_166 : vector<32x1xf32>
    %get3A_175 = arith.constant 7 : index
    %get3A_176 = arith.constant 0 : index
    %get3A_177 = arith.constant 0 : index
    %get3A_178 = vector.load %arg1[%get3A_175, %get3A_176, %get3A_177] : memref<64x512x32xf32, #tpu.memory_space<vmem>>, vector<1x512x32xf32>
    %get3A_179 = vector.shape_cast %get3A_178 : vector<1x512x32xf32> to vector<512x32xf32>
    %transpose3A_180 = tpu.transpose %get3A_179, [1, 0] : vector<512x32xf32> -> vector<32x512xf32>
    %sub3A_181 = vector.broadcast %add3A_174 : vector<32x1xf32> to vector<32x512xf32>
    %sub3A_182 = arith.subf %transpose3A_180, %sub3A_181 : vector<32x512xf32>
    %get3A_183 = arith.constant 8 : index
    %get3A_184 = arith.constant 0 : index
    %get3A_185 = arith.constant 0 : index
    %get3A_186 = vector.load %arg0[%get3A_183, %get3A_184, %get3A_185] : memref<64x32x256xf32, #tpu.memory_space<vmem>>, vector<1x32x256xf32>
    %get3A_187 = vector.shape_cast %get3A_186 : vector<1x32x256xf32> to vector<32x256xf32>
    %reduce_max3A_188 = arith.constant dense<0xFF800000> : vector<32xf32>
    %reduce_max3A_189 = vector.multi_reduction <maximumf>, %get3A_187, %reduce_max3A_188 [1] : vector<32x256xf32> to vector<32xf32>
    %broadcast_in_dim3A_190 = vector.shape_cast %reduce_max3A_189 : vector<32xf32> to vector<32x1xf32>
    %sub3A_191 = vector.broadcast %broadcast_in_dim3A_190 : vector<32x1xf32> to vector<32x256xf32>
    %sub3A_192 = arith.subf %get3A_187, %sub3A_191 : vector<32x256xf32>
    %exp3A_193 = math.exp %sub3A_192 : vector<32x256xf32>
    %reduce_sum3A_194 = arith.constant dense<0.000000e+00> : vector<32xf32>
    %reduce_sum3A_195 = vector.multi_reduction <add>, %exp3A_193, %reduce_sum3A_194 [1] : vector<32x256xf32> to vector<32xf32>
    %broadcast_in_dim3A_196 = vector.shape_cast %reduce_sum3A_195 : vector<32xf32> to vector<32x1xf32>
    %log3A_197 = math.log %broadcast_in_dim3A_196 : vector<32x1xf32>
    %add3A_198 = arith.addf %log3A_197, %broadcast_in_dim3A_190 : vector<32x1xf32>
    %get3A_199 = arith.constant 8 : index
    %get3A_200 = arith.constant 0 : index
    %get3A_201 = arith.constant 0 : index
    %get3A_202 = vector.load %arg1[%get3A_199, %get3A_200, %get3A_201] : memref<64x512x32xf32, #tpu.memory_space<vmem>>, vector<1x512x32xf32>
    %get3A_203 = vector.shape_cast %get3A_202 : vector<1x512x32xf32> to vector<512x32xf32>
    %transpose3A_204 = tpu.transpose %get3A_203, [1, 0] : vector<512x32xf32> -> vector<32x512xf32>
    %sub3A_205 = vector.broadcast %add3A_198 : vector<32x1xf32> to vector<32x512xf32>
    %sub3A_206 = arith.subf %transpose3A_204, %sub3A_205 : vector<32x512xf32>
    %get3A_207 = arith.constant 9 : index
    %get3A_208 = arith.constant 0 : index
    %get3A_209 = arith.constant 0 : index
    %get3A_210 = vector.load %arg0[%get3A_207, %get3A_208, %get3A_209] : memref<64x32x256xf32, #tpu.memory_space<vmem>>, vector<1x32x256xf32>
    %get3A_211 = vector.shape_cast %get3A_210 : vector<1x32x256xf32> to vector<32x256xf32>
    %reduce_max3A_212 = arith.constant dense<0xFF800000> : vector<32xf32>
    %reduce_max3A_213 = vector.multi_reduction <maximumf>, %get3A_211, %reduce_max3A_212 [1] : vector<32x256xf32> to vector<32xf32>
    %broadcast_in_dim3A_214 = vector.shape_cast %reduce_max3A_213 : vector<32xf32> to vector<32x1xf32>
    %sub3A_215 = vector.broadcast %broadcast_in_dim3A_214 : vector<32x1xf32> to vector<32x256xf32>
    %sub3A_216 = arith.subf %get3A_211, %sub3A_215 : vector<32x256xf32>
    %exp3A_217 = math.exp %sub3A_216 : vector<32x256xf32>
    %reduce_sum3A_218 = arith.constant dense<0.000000e+00> : vector<32xf32>
    %reduce_sum3A_219 = vector.multi_reduction <add>, %exp3A_217, %reduce_sum3A_218 [1] : vector<32x256xf32> to vector<32xf32>
    %broadcast_in_dim3A_220 = vector.shape_cast %reduce_sum3A_219 : vector<32xf32> to vector<32x1xf32>
    %log3A_221 = math.log %broadcast_in_dim3A_220 : vector<32x1xf32>
    %add3A_222 = arith.addf %log3A_221, %broadcast_in_dim3A_214 : vector<32x1xf32>
    %get3A_223 = arith.constant 9 : index
    %get3A_224 = arith.constant 0 : index
    %get3A_225 = arith.constant 0 : index
    %get3A_226 = vector.load %arg1[%get3A_223, %get3A_224, %get3A_225] : memref<64x512x32xf32, #tpu.memory_space<vmem>>, vector<1x512x32xf32>
    %get3A_227 = vector.shape_cast %get3A_226 : vector<1x512x32xf32> to vector<512x32xf32>
    %transpose3A_228 = tpu.transpose %get3A_227, [1, 0] : vector<512x32xf32> -> vector<32x512xf32>
    %sub3A_229 = vector.broadcast %add3A_222 : vector<32x1xf32> to vector<32x512xf32>
    %sub3A_230 = arith.subf %transpose3A_228, %sub3A_229 : vector<32x512xf32>
    %get3A_231 = arith.constant 10 : index
    %get3A_232 = arith.constant 0 : index
    %get3A_233 = arith.constant 0 : index
    %get3A_234 = vector.load %arg0[%get3A_231, %get3A_232, %get3A_233] : memref<64x32x256xf32, #tpu.memory_space<vmem>>, vector<1x32x256xf32>
    %get3A_235 = vector.shape_cast %get3A_234 : vector<1x32x256xf32> to vector<32x256xf32>
    %reduce_max3A_236 = arith.constant dense<0xFF800000> : vector<32xf32>
    %reduce_max3A_237 = vector.multi_reduction <maximumf>, %get3A_235, %reduce_max3A_236 [1] : vector<32x256xf32> to vector<32xf32>
    %broadcast_in_dim3A_238 = vector.shape_cast %reduce_max3A_237 : vector<32xf32> to vector<32x1xf32>
    %sub3A_239 = vector.broadcast %broadcast_in_dim3A_238 : vector<32x1xf32> to vector<32x256xf32>
    %sub3A_240 = arith.subf %get3A_235, %sub3A_239 : vector<32x256xf32>
    %exp3A_241 = math.exp %sub3A_240 : vector<32x256xf32>
    %reduce_sum3A_242 = arith.constant dense<0.000000e+00> : vector<32xf32>
    %reduce_sum3A_243 = vector.multi_reduction <add>, %exp3A_241, %reduce_sum3A_242 [1] : vector<32x256xf32> to vector<32xf32>
    %broadcast_in_dim3A_244 = vector.shape_cast %reduce_sum3A_243 : vector<32xf32> to vector<32x1xf32>
    %log3A_245 = math.log %broadcast_in_dim3A_244 : vector<32x1xf32>
    %add3A_246 = arith.addf %log3A_245, %broadcast_in_dim3A_238 : vector<32x1xf32>
    %get3A_247 = arith.constant 10 : index
    %get3A_248 = arith.constant 0 : index
    %get3A_249 = arith.constant 0 : index
    %get3A_250 = vector.load %arg1[%get3A_247, %get3A_248, %get3A_249] : memref<64x512x32xf32, #tpu.memory_space<vmem>>, vector<1x512x32xf32>
    %get3A_251 = vector.shape_cast %get3A_250 : vector<1x512x32xf32> to vector<512x32xf32>
    %transpose3A_252 = tpu.transpose %get3A_251, [1, 0] : vector<512x32xf32> -> vector<32x512xf32>
    %sub3A_253 = vector.broadcast %add3A_246 : vector<32x1xf32> to vector<32x512xf32>
    %sub3A_254 = arith.subf %transpose3A_252, %sub3A_253 : vector<32x512xf32>
    %get3A_255 = arith.constant 11 : index
    %get3A_256 = arith.constant 0 : index
    %get3A_257 = arith.constant 0 : index
    %get3A_258 = vector.load %arg0[%get3A_255, %get3A_256, %get3A_257] : memref<64x32x256xf32, #tpu.memory_space<vmem>>, vector<1x32x256xf32>
    %get3A_259 = vector.shape_cast %get3A_258 : vector<1x32x256xf32> to vector<32x256xf32>
    %reduce_max3A_260 = arith.constant dense<0xFF800000> : vector<32xf32>
    %reduce_max3A_261 = vector.multi_reduction <maximumf>, %get3A_259, %reduce_max3A_260 [1] : vector<32x256xf32> to vector<32xf32>
    %broadcast_in_dim3A_262 = vector.shape_cast %reduce_max3A_261 : vector<32xf32> to vector<32x1xf32>
    %sub3A_263 = vector.broadcast %broadcast_in_dim3A_262 : vector<32x1xf32> to vector<32x256xf32>
    %sub3A_264 = arith.subf %get3A_259, %sub3A_263 : vector<32x256xf32>
    %exp3A_265 = math.exp %sub3A_264 : vector<32x256xf32>
    %reduce_sum3A_266 = arith.constant dense<0.000000e+00> : vector<32xf32>
    %reduce_sum3A_267 = vector.multi_reduction <add>, %exp3A_265, %reduce_sum3A_266 [1] : vector<32x256xf32> to vector<32xf32>
    %broadcast_in_dim3A_268 = vector.shape_cast %reduce_sum3A_267 : vector<32xf32> to vector<32x1xf32>
    %log3A_269 = math.log %broadcast_in_dim3A_268 : vector<32x1xf32>
    %add3A_270 = arith.addf %log3A_269, %broadcast_in_dim3A_262 : vector<32x1xf32>
    %get3A_271 = arith.constant 11 : index
    %get3A_272 = arith.constant 0 : index
    %get3A_273 = arith.constant 0 : index
    %get3A_274 = vector.load %arg1[%get3A_271, %get3A_272, %get3A_273] : memref<64x512x32xf32, #tpu.memory_space<vmem>>, vector<1x512x32xf32>
    %get3A_275 = vector.shape_cast %get3A_274 : vector<1x512x32xf32> to vector<512x32xf32>
    %transpose3A_276 = tpu.transpose %get3A_275, [1, 0] : vector<512x32xf32> -> vector<32x512xf32>
    %sub3A_277 = vector.broadcast %add3A_270 : vector<32x1xf32> to vector<32x512xf32>
    %sub3A_278 = arith.subf %transpose3A_276, %sub3A_277 : vector<32x512xf32>
    %get3A_279 = arith.constant 12 : index
    %get3A_280 = arith.constant 0 : index
    %get3A_281 = arith.constant 0 : index
    %get3A_282 = vector.load %arg0[%get3A_279, %get3A_280, %get3A_281] : memref<64x32x256xf32, #tpu.memory_space<vmem>>, vector<1x32x256xf32>
    %get3A_283 = vector.shape_cast %get3A_282 : vector<1x32x256xf32> to vector<32x256xf32>
    %reduce_max3A_284 = arith.constant dense<0xFF800000> : vector<32xf32>
    %reduce_max3A_285 = vector.multi_reduction <maximumf>, %get3A_283, %reduce_max3A_284 [1] : vector<32x256xf32> to vector<32xf32>
    %broadcast_in_dim3A_286 = vector.shape_cast %reduce_max3A_285 : vector<32xf32> to vector<32x1xf32>
    %sub3A_287 = vector.broadcast %broadcast_in_dim3A_286 : vector<32x1xf32> to vector<32x256xf32>
    %sub3A_288 = arith.subf %get3A_283, %sub3A_287 : vector<32x256xf32>
    %exp3A_289 = math.exp %sub3A_288 : vector<32x256xf32>
    %reduce_sum3A_290 = arith.constant dense<0.000000e+00> : vector<32xf32>
    %reduce_sum3A_291 = vector.multi_reduction <add>, %exp3A_289, %reduce_sum3A_290 [1] : vector<32x256xf32> to vector<32xf32>
    %broadcast_in_dim3A_292 = vector.shape_cast %reduce_sum3A_291 : vector<32xf32> to vector<32x1xf32>
    %log3A_293 = math.log %broadcast_in_dim3A_292 : vector<32x1xf32>
    %add3A_294 = arith.addf %log3A_293, %broadcast_in_dim3A_286 : vector<32x1xf32>
    %get3A_295 = arith.constant 12 : index
    %get3A_296 = arith.constant 0 : index
    %get3A_297 = arith.constant 0 : index
    %get3A_298 = vector.load %arg1[%get3A_295, %get3A_296, %get3A_297] : memref<64x512x32xf32, #tpu.memory_space<vmem>>, vector<1x512x32xf32>
    %get3A_299 = vector.shape_cast %get3A_298 : vector<1x512x32xf32> to vector<512x32xf32>
    %transpose3A_300 = tpu.transpose %get3A_299, [1, 0] : vector<512x32xf32> -> vector<32x512xf32>
    %sub3A_301 = vector.broadcast %add3A_294 : vector<32x1xf32> to vector<32x512xf32>
    %sub3A_302 = arith.subf %transpose3A_300, %sub3A_301 : vector<32x512xf32>
    %get3A_303 = arith.constant 13 : index
    %get3A_304 = arith.constant 0 : index
    %get3A_305 = arith.constant 0 : index
    %get3A_306 = vector.load %arg0[%get3A_303, %get3A_304, %get3A_305] : memref<64x32x256xf32, #tpu.memory_space<vmem>>, vector<1x32x256xf32>
    %get3A_307 = vector.shape_cast %get3A_306 : vector<1x32x256xf32> to vector<32x256xf32>
    %reduce_max3A_308 = arith.constant dense<0xFF800000> : vector<32xf32>
    %reduce_max3A_309 = vector.multi_reduction <maximumf>, %get3A_307, %reduce_max3A_308 [1] : vector<32x256xf32> to vector<32xf32>
    %broadcast_in_dim3A_310 = vector.shape_cast %reduce_max3A_309 : vector<32xf32> to vector<32x1xf32>
    %sub3A_311 = vector.broadcast %broadcast_in_dim3A_310 : vector<32x1xf32> to vector<32x256xf32>
    %sub3A_312 = arith.subf %get3A_307, %sub3A_311 : vector<32x256xf32>
    %exp3A_313 = math.exp %sub3A_312 : vector<32x256xf32>
    %reduce_sum3A_314 = arith.constant dense<0.000000e+00> : vector<32xf32>
    %reduce_sum3A_315 = vector.multi_reduction <add>, %exp3A_313, %reduce_sum3A_314 [1] : vector<32x256xf32> to vector<32xf32>
    %broadcast_in_dim3A_316 = vector.shape_cast %reduce_sum3A_315 : vector<32xf32> to vector<32x1xf32>
    %log3A_317 = math.log %broadcast_in_dim3A_316 : vector<32x1xf32>
    %add3A_318 = arith.addf %log3A_317, %broadcast_in_dim3A_310 : vector<32x1xf32>
    %get3A_319 = arith.constant 13 : index
    %get3A_320 = arith.constant 0 : index
    %get3A_321 = arith.constant 0 : index
    %get3A_322 = vector.load %arg1[%get3A_319, %get3A_320, %get3A_321] : memref<64x512x32xf32, #tpu.memory_space<vmem>>, vector<1x512x32xf32>
    %get3A_323 = vector.shape_cast %get3A_322 : vector<1x512x32xf32> to vector<512x32xf32>
    %transpose3A_324 = tpu.transpose %get3A_323, [1, 0] : vector<512x32xf32> -> vector<32x512xf32>
    %sub3A_325 = vector.broadcast %add3A_318 : vector<32x1xf32> to vector<32x512xf32>
    %sub3A_326 = arith.subf %transpose3A_324, %sub3A_325 : vector<32x512xf32>
    %get3A_327 = arith.constant 14 : index
    %get3A_328 = arith.constant 0 : index
    %get3A_329 = arith.constant 0 : index
    %get3A_330 = vector.load %arg0[%get3A_327, %get3A_328, %get3A_329] : memref<64x32x256xf32, #tpu.memory_space<vmem>>, vector<1x32x256xf32>
    %get3A_331 = vector.shape_cast %get3A_330 : vector<1x32x256xf32> to vector<32x256xf32>
    %reduce_max3A_332 = arith.constant dense<0xFF800000> : vector<32xf32>
    %reduce_max3A_333 = vector.multi_reduction <maximumf>, %get3A_331, %reduce_max3A_332 [1] : vector<32x256xf32> to vector<32xf32>
    %broadcast_in_dim3A_334 = vector.shape_cast %reduce_max3A_333 : vector<32xf32> to vector<32x1xf32>
    %sub3A_335 = vector.broadcast %broadcast_in_dim3A_334 : vector<32x1xf32> to vector<32x256xf32>
    %sub3A_336 = arith.subf %get3A_331, %sub3A_335 : vector<32x256xf32>
    %exp3A_337 = math.exp %sub3A_336 : vector<32x256xf32>
    %reduce_sum3A_338 = arith.constant dense<0.000000e+00> : vector<32xf32>
    %reduce_sum3A_339 = vector.multi_reduction <add>, %exp3A_337, %reduce_sum3A_338 [1] : vector<32x256xf32> to vector<32xf32>
    %broadcast_in_dim3A_340 = vector.shape_cast %reduce_sum3A_339 : vector<32xf32> to vector<32x1xf32>
    %log3A_341 = math.log %broadcast_in_dim3A_340 : vector<32x1xf32>
    %add3A_342 = arith.addf %log3A_341, %broadcast_in_dim3A_334 : vector<32x1xf32>
    %get3A_343 = arith.constant 14 : index
    %get3A_344 = arith.constant 0 : index
    %get3A_345 = arith.constant 0 : index
    %get3A_346 = vector.load %arg1[%get3A_343, %get3A_344, %get3A_345] : memref<64x512x32xf32, #tpu.memory_space<vmem>>, vector<1x512x32xf32>
    %get3A_347 = vector.shape_cast %get3A_346 : vector<1x512x32xf32> to vector<512x32xf32>
    %transpose3A_348 = tpu.transpose %get3A_347, [1, 0] : vector<512x32xf32> -> vector<32x512xf32>
    %sub3A_349 = vector.broadcast %add3A_342 : vector<32x1xf32> to vector<32x512xf32>
    %sub3A_350 = arith.subf %transpose3A_348, %sub3A_349 : vector<32x512xf32>
    %get3A_351 = arith.constant 15 : index
    %get3A_352 = arith.constant 0 : index
    %get3A_353 = arith.constant 0 : index
    %get3A_354 = vector.load %arg0[%get3A_351, %get3A_352, %get3A_353] : memref<64x32x256xf32, #tpu.memory_space<vmem>>, vector<1x32x256xf32>
    %get3A_355 = vector.shape_cast %get3A_354 : vector<1x32x256xf32> to vector<32x256xf32>
    %reduce_max3A_356 = arith.constant dense<0xFF800000> : vector<32xf32>
    %reduce_max3A_357 = vector.multi_reduction <maximumf>, %get3A_355, %reduce_max3A_356 [1] : vector<32x256xf32> to vector<32xf32>
    %broadcast_in_dim3A_358 = vector.shape_cast %reduce_max3A_357 : vector<32xf32> to vector<32x1xf32>
    %sub3A_359 = vector.broadcast %broadcast_in_dim3A_358 : vector<32x1xf32> to vector<32x256xf32>
    %sub3A_360 = arith.subf %get3A_355, %sub3A_359 : vector<32x256xf32>
    %exp3A_361 = math.exp %sub3A_360 : vector<32x256xf32>
    %reduce_sum3A_362 = arith.constant dense<0.000000e+00> : vector<32xf32>
    %reduce_sum3A_363 = vector.multi_reduction <add>, %exp3A_361, %reduce_sum3A_362 [1] : vector<32x256xf32> to vector<32xf32>
    %broadcast_in_dim3A_364 = vector.shape_cast %reduce_sum3A_363 : vector<32xf32> to vector<32x1xf32>
    %log3A_365 = math.log %broadcast_in_dim3A_364 : vector<32x1xf32>
    %add3A_366 = arith.addf %log3A_365, %broadcast_in_dim3A_358 : vector<32x1xf32>
    %get3A_367 = arith.constant 15 : index
    %get3A_368 = arith.constant 0 : index
    %get3A_369 = arith.constant 0 : index
    %get3A_370 = vector.load %arg1[%get3A_367, %get3A_368, %get3A_369] : memref<64x512x32xf32, #tpu.memory_space<vmem>>, vector<1x512x32xf32>
    %get3A_371 = vector.shape_cast %get3A_370 : vector<1x512x32xf32> to vector<512x32xf32>
    %transpose3A_372 = tpu.transpose %get3A_371, [1, 0] : vector<512x32xf32> -> vector<32x512xf32>
    %sub3A_373 = vector.broadcast %add3A_366 : vector<32x1xf32> to vector<32x512xf32>
    %sub3A_374 = arith.subf %transpose3A_372, %sub3A_373 : vector<32x512xf32>
    %get3A_375 = arith.constant 16 : index
    %get3A_376 = arith.constant 0 : index
    %get3A_377 = arith.constant 0 : index
    %get3A_378 = vector.load %arg0[%get3A_375, %get3A_376, %get3A_377] : memref<64x32x256xf32, #tpu.memory_space<vmem>>, vector<1x32x256xf32>
    %get3A_379 = vector.shape_cast %get3A_378 : vector<1x32x256xf32> to vector<32x256xf32>
    %reduce_max3A_380 = arith.constant dense<0xFF800000> : vector<32xf32>
    %reduce_max3A_381 = vector.multi_reduction <maximumf>, %get3A_379, %reduce_max3A_380 [1] : vector<32x256xf32> to vector<32xf32>
    %broadcast_in_dim3A_382 = vector.shape_cast %reduce_max3A_381 : vector<32xf32> to vector<32x1xf32>
    %sub3A_383 = vector.broadcast %broadcast_in_dim3A_382 : vector<32x1xf32> to vector<32x256xf32>
    %sub3A_384 = arith.subf %get3A_379, %sub3A_383 : vector<32x256xf32>
    %exp3A_385 = math.exp %sub3A_384 : vector<32x256xf32>
    %reduce_sum3A_386 = arith.constant dense<0.000000e+00> : vector<32xf32>
    %reduce_sum3A_387 = vector.multi_reduction <add>, %exp3A_385, %reduce_sum3A_386 [1] : vector<32x256xf32> to vector<32xf32>
    %broadcast_in_dim3A_388 = vector.shape_cast %reduce_sum3A_387 : vector<32xf32> to vector<32x1xf32>
    %log3A_389 = math.log %broadcast_in_dim3A_388 : vector<32x1xf32>
    %add3A_390 = arith.addf %log3A_389, %broadcast_in_dim3A_382 : vector<32x1xf32>
    %get3A_391 = arith.constant 16 : index
    %get3A_392 = arith.constant 0 : index
    %get3A_393 = arith.constant 0 : index
    %get3A_394 = vector.load %arg1[%get3A_391, %get3A_392, %get3A_393] : memref<64x512x32xf32, #tpu.memory_space<vmem>>, vector<1x512x32xf32>
    %get3A_395 = vector.shape_cast %get3A_394 : vector<1x512x32xf32> to vector<512x32xf32>
    %transpose3A_396 = tpu.transpose %get3A_395, [1, 0] : vector<512x32xf32> -> vector<32x512xf32>
    %sub3A_397 = vector.broadcast %add3A_390 : vector<32x1xf32> to vector<32x512xf32>
    %sub3A_398 = arith.subf %transpose3A_396, %sub3A_397 : vector<32x512xf32>
    %get3A_399 = arith.constant 17 : index
    %get3A_400 = arith.constant 0 : index
    %get3A_401 = arith.constant 0 : index
    %get3A_402 = vector.load %arg0[%get3A_399, %get3A_400, %get3A_401] : memref<64x32x256xf32, #tpu.memory_space<vmem>>, vector<1x32x256xf32>
    %get3A_403 = vector.shape_cast %get3A_402 : vector<1x32x256xf32> to vector<32x256xf32>
    %reduce_max3A_404 = arith.constant dense<0xFF800000> : vector<32xf32>
    %reduce_max3A_405 = vector.multi_reduction <maximumf>, %get3A_403, %reduce_max3A_404 [1] : vector<32x256xf32> to vector<32xf32>
    %broadcast_in_dim3A_406 = vector.shape_cast %reduce_max3A_405 : vector<32xf32> to vector<32x1xf32>
    %sub3A_407 = vector.broadcast %broadcast_in_dim3A_406 : vector<32x1xf32> to vector<32x256xf32>
    %sub3A_408 = arith.subf %get3A_403, %sub3A_407 : vector<32x256xf32>
    %exp3A_409 = math.exp %sub3A_408 : vector<32x256xf32>
    %reduce_sum3A_410 = arith.constant dense<0.000000e+00> : vector<32xf32>
    %reduce_sum3A_411 = vector.multi_reduction <add>, %exp3A_409, %reduce_sum3A_410 [1] : vector<32x256xf32> to vector<32xf32>
    %broadcast_in_dim3A_412 = vector.shape_cast %reduce_sum3A_411 : vector<32xf32> to vector<32x1xf32>
    %log3A_413 = math.log %broadcast_in_dim3A_412 : vector<32x1xf32>
    %add3A_414 = arith.addf %log3A_413, %broadcast_in_dim3A_406 : vector<32x1xf32>
    %get3A_415 = arith.constant 17 : index
    %get3A_416 = arith.constant 0 : index
    %get3A_417 = arith.constant 0 : index
    %get3A_418 = vector.load %arg1[%get3A_415, %get3A_416, %get3A_417] : memref<64x512x32xf32, #tpu.memory_space<vmem>>, vector<1x512x32xf32>
    %get3A_419 = vector.shape_cast %get3A_418 : vector<1x512x32xf32> to vector<512x32xf32>
    %transpose3A_420 = tpu.transpose %get3A_419, [1, 0] : vector<512x32xf32> -> vector<32x512xf32>
    %sub3A_421 = vector.broadcast %add3A_414 : vector<32x1xf32> to vector<32x512xf32>
    %sub3A_422 = arith.subf %transpose3A_420, %sub3A_421 : vector<32x512xf32>
    %get3A_423 = arith.constant 18 : index
    %get3A_424 = arith.constant 0 : index
    %get3A_425 = arith.constant 0 : index
    %get3A_426 = vector.load %arg0[%get3A_423, %get3A_424, %get3A_425] : memref<64x32x256xf32, #tpu.memory_space<vmem>>, vector<1x32x256xf32>
    %get3A_427 = vector.shape_cast %get3A_426 : vector<1x32x256xf32> to vector<32x256xf32>
    %reduce_max3A_428 = arith.constant dense<0xFF800000> : vector<32xf32>
    %reduce_max3A_429 = vector.multi_reduction <maximumf>, %get3A_427, %reduce_max3A_428 [1] : vector<32x256xf32> to vector<32xf32>
    %broadcast_in_dim3A_430 = vector.shape_cast %reduce_max3A_429 : vector<32xf32> to vector<32x1xf32>
    %sub3A_431 = vector.broadcast %broadcast_in_dim3A_430 : vector<32x1xf32> to vector<32x256xf32>
    %sub3A_432 = arith.subf %get3A_427, %sub3A_431 : vector<32x256xf32>
    %exp3A_433 = math.exp %sub3A_432 : vector<32x256xf32>
    %reduce_sum3A_434 = arith.constant dense<0.000000e+00> : vector<32xf32>
    %reduce_sum3A_435 = vector.multi_reduction <add>, %exp3A_433, %reduce_sum3A_434 [1] : vector<32x256xf32> to vector<32xf32>
    %broadcast_in_dim3A_436 = vector.shape_cast %reduce_sum3A_435 : vector<32xf32> to vector<32x1xf32>
    %log3A_437 = math.log %broadcast_in_dim3A_436 : vector<32x1xf32>
    %add3A_438 = arith.addf %log3A_437, %broadcast_in_dim3A_430 : vector<32x1xf32>
    %get3A_439 = arith.constant 18 : index
    %get3A_440 = arith.constant 0 : index
    %get3A_441 = arith.constant 0 : index
    %get3A_442 = vector.load %arg1[%get3A_439, %get3A_440, %get3A_441] : memref<64x512x32xf32, #tpu.memory_space<vmem>>, vector<1x512x32xf32>
    %get3A_443 = vector.shape_cast %get3A_442 : vector<1x512x32xf32> to vector<512x32xf32>
    %transpose3A_444 = tpu.transpose %get3A_443, [1, 0] : vector<512x32xf32> -> vector<32x512xf32>
    %sub3A_445 = vector.broadcast %add3A_438 : vector<32x1xf32> to vector<32x512xf32>
    %sub3A_446 = arith.subf %transpose3A_444, %sub3A_445 : vector<32x512xf32>
    %get3A_447 = arith.constant 19 : index
    %get3A_448 = arith.constant 0 : index
    %get3A_449 = arith.constant 0 : index
    %get3A_450 = vector.load %arg0[%get3A_447, %get3A_448, %get3A_449] : memref<64x32x256xf32, #tpu.memory_space<vmem>>, vector<1x32x256xf32>
    %get3A_451 = vector.shape_cast %get3A_450 : vector<1x32x256xf32> to vector<32x256xf32>
    %reduce_max3A_452 = arith.constant dense<0xFF800000> : vector<32xf32>
    %reduce_max3A_453 = vector.multi_reduction <maximumf>, %get3A_451, %reduce_max3A_452 [1] : vector<32x256xf32> to vector<32xf32>
    %broadcast_in_dim3A_454 = vector.shape_cast %reduce_max3A_453 : vector<32xf32> to vector<32x1xf32>
    %sub3A_455 = vector.broadcast %broadcast_in_dim3A_454 : vector<32x1xf32> to vector<32x256xf32>
    %sub3A_456 = arith.subf %get3A_451, %sub3A_455 : vector<32x256xf32>
    %exp3A_457 = math.exp %sub3A_456 : vector<32x256xf32>
    %reduce_sum3A_458 = arith.constant dense<0.000000e+00> : vector<32xf32>
    %reduce_sum3A_459 = vector.multi_reduction <add>, %exp3A_457, %reduce_sum3A_458 [1] : vector<32x256xf32> to vector<32xf32>
    %broadcast_in_dim3A_460 = vector.shape_cast %reduce_sum3A_459 : vector<32xf32> to vector<32x1xf32>
    %log3A_461 = math.log %broadcast_in_dim3A_460 : vector<32x1xf32>
    %add3A_462 = arith.addf %log3A_461, %broadcast_in_dim3A_454 : vector<32x1xf32>
    %get3A_463 = arith.constant 19 : index
    %get3A_464 = arith.constant 0 : index
    %get3A_465 = arith.constant 0 : index
    %get3A_466 = vector.load %arg1[%get3A_463, %get3A_464, %get3A_465] : memref<64x512x32xf32, #tpu.memory_space<vmem>>, vector<1x512x32xf32>
    %get3A_467 = vector.shape_cast %get3A_466 : vector<1x512x32xf32> to vector<512x32xf32>
    %transpose3A_468 = tpu.transpose %get3A_467, [1, 0] : vector<512x32xf32> -> vector<32x512xf32>
    %sub3A_469 = vector.broadcast %add3A_462 : vector<32x1xf32> to vector<32x512xf32>
    %sub3A_470 = arith.subf %transpose3A_468, %sub3A_469 : vector<32x512xf32>
    %get3A_471 = arith.constant 20 : index
    %get3A_472 = arith.constant 0 : index
    %get3A_473 = arith.constant 0 : index
    %get3A_474 = vector.load %arg0[%get3A_471, %get3A_472, %get3A_473] : memref<64x32x256xf32, #tpu.memory_space<vmem>>, vector<1x32x256xf32>
    %get3A_475 = vector.shape_cast %get3A_474 : vector<1x32x256xf32> to vector<32x256xf32>
    %reduce_max3A_476 = arith.constant dense<0xFF800000> : vector<32xf32>
    %reduce_max3A_477 = vector.multi_reduction <maximumf>, %get3A_475, %reduce_max3A_476 [1] : vector<32x256xf32> to vector<32xf32>
    %broadcast_in_dim3A_478 = vector.shape_cast %reduce_max3A_477 : vector<32xf32> to vector<32x1xf32>
    %sub3A_479 = vector.broadcast %broadcast_in_dim3A_478 : vector<32x1xf32> to vector<32x256xf32>
    %sub3A_480 = arith.subf %get3A_475, %sub3A_479 : vector<32x256xf32>
    %exp3A_481 = math.exp %sub3A_480 : vector<32x256xf32>
    %reduce_sum3A_482 = arith.constant dense<0.000000e+00> : vector<32xf32>
    %reduce_sum3A_483 = vector.multi_reduction <add>, %exp3A_481, %reduce_sum3A_482 [1] : vector<32x256xf32> to vector<32xf32>
    %broadcast_in_dim3A_484 = vector.shape_cast %reduce_sum3A_483 : vector<32xf32> to vector<32x1xf32>
    %log3A_485 = math.log %broadcast_in_dim3A_484 : vector<32x1xf32>
    %add3A_486 = arith.addf %log3A_485, %broadcast_in_dim3A_478 : vector<32x1xf32>
    %get3A_487 = arith.constant 20 : index
    %get3A_488 = arith.constant 0 : index
    %get3A_489 = arith.constant 0 : index
    %get3A_490 = vector.load %arg1[%get3A_487, %get3A_488, %get3A_489] : memref<64x512x32xf32, #tpu.memory_space<vmem>>, vector<1x512x32xf32>
    %get3A_491 = vector.shape_cast %get3A_490 : vector<1x512x32xf32> to vector<512x32xf32>
    %transpose3A_492 = tpu.transpose %get3A_491, [1, 0] : vector<512x32xf32> -> vector<32x512xf32>
    %sub3A_493 = vector.broadcast %add3A_486 : vector<32x1xf32> to vector<32x512xf32>
    %sub3A_494 = arith.subf %transpose3A_492, %sub3A_493 : vector<32x512xf32>
    %get3A_495 = arith.constant 21 : index
    %get3A_496 = arith.constant 0 : index
    %get3A_497 = arith.constant 0 : index
    %get3A_498 = vector.load %arg0[%get3A_495, %get3A_496, %get3A_497] : memref<64x32x256xf32, #tpu.memory_space<vmem>>, vector<1x32x256xf32>
    %get3A_499 = vector.shape_cast %get3A_498 : vector<1x32x256xf32> to vector<32x256xf32>
    %reduce_max3A_500 = arith.constant dense<0xFF800000> : vector<32xf32>
    %reduce_max3A_501 = vector.multi_reduction <maximumf>, %get3A_499, %reduce_max3A_500 [1] : vector<32x256xf32> to vector<32xf32>
    %broadcast_in_dim3A_502 = vector.shape_cast %reduce_max3A_501 : vector<32xf32> to vector<32x1xf32>
    %sub3A_503 = vector.broadcast %broadcast_in_dim3A_502 : vector<32x1xf32> to vector<32x256xf32>
    %sub3A_504 = arith.subf %get3A_499, %sub3A_503 : vector<32x256xf32>
    %exp3A_505 = math.exp %sub3A_504 : vector<32x256xf32>
    %reduce_sum3A_506 = arith.constant dense<0.000000e+00> : vector<32xf32>
    %reduce_sum3A_507 = vector.multi_reduction <add>, %exp3A_505, %reduce_sum3A_506 [1] : vector<32x256xf32> to vector<32xf32>
    %broadcast_in_dim3A_508 = vector.shape_cast %reduce_sum3A_507 : vector<32xf32> to vector<32x1xf32>
    %log3A_509 = math.log %broadcast_in_dim3A_508 : vector<32x1xf32>
    %add3A_510 = arith.addf %log3A_509, %broadcast_in_dim3A_502 : vector<32x1xf32>
    %get3A_511 = arith.constant 21 : index
    %get3A_512 = arith.constant 0 : index
    %get3A_513 = arith.constant 0 : index
    %get3A_514 = vector.load %arg1[%get3A_511, %get3A_512, %get3A_513] : memref<64x512x32xf32, #tpu.memory_space<vmem>>, vector<1x512x32xf32>
    %get3A_515 = vector.shape_cast %get3A_514 : vector<1x512x32xf32> to vector<512x32xf32>
    %transpose3A_516 = tpu.transpose %get3A_515, [1, 0] : vector<512x32xf32> -> vector<32x512xf32>
    %sub3A_517 = vector.broadcast %add3A_510 : vector<32x1xf32> to vector<32x512xf32>
    %sub3A_518 = arith.subf %transpose3A_516, %sub3A_517 : vector<32x512xf32>
    %get3A_519 = arith.constant 22 : index
    %get3A_520 = arith.constant 0 : index
    %get3A_521 = arith.constant 0 : index
    %get3A_522 = vector.load %arg0[%get3A_519, %get3A_520, %get3A_521] : memref<64x32x256xf32, #tpu.memory_space<vmem>>, vector<1x32x256xf32>
    %get3A_523 = vector.shape_cast %get3A_522 : vector<1x32x256xf32> to vector<32x256xf32>
    %reduce_max3A_524 = arith.constant dense<0xFF800000> : vector<32xf32>
    %reduce_max3A_525 = vector.multi_reduction <maximumf>, %get3A_523, %reduce_max3A_524 [1] : vector<32x256xf32> to vector<32xf32>
    %broadcast_in_dim3A_526 = vector.shape_cast %reduce_max3A_525 : vector<32xf32> to vector<32x1xf32>
    %sub3A_527 = vector.broadcast %broadcast_in_dim3A_526 : vector<32x1xf32> to vector<32x256xf32>
    %sub3A_528 = arith.subf %get3A_523, %sub3A_527 : vector<32x256xf32>
    %exp3A_529 = math.exp %sub3A_528 : vector<32x256xf32>
    %reduce_sum3A_530 = arith.constant dense<0.000000e+00> : vector<32xf32>
    %reduce_sum3A_531 = vector.multi_reduction <add>, %exp3A_529, %reduce_sum3A_530 [1] : vector<32x256xf32> to vector<32xf32>
    %broadcast_in_dim3A_532 = vector.shape_cast %reduce_sum3A_531 : vector<32xf32> to vector<32x1xf32>
    %log3A_533 = math.log %broadcast_in_dim3A_532 : vector<32x1xf32>
    %add3A_534 = arith.addf %log3A_533, %broadcast_in_dim3A_526 : vector<32x1xf32>
    %get3A_535 = arith.constant 22 : index
    %get3A_536 = arith.constant 0 : index
    %get3A_537 = arith.constant 0 : index
    %get3A_538 = vector.load %arg1[%get3A_535, %get3A_536, %get3A_537] : memref<64x512x32xf32, #tpu.memory_space<vmem>>, vector<1x512x32xf32>
    %get3A_539 = vector.shape_cast %get3A_538 : vector<1x512x32xf32> to vector<512x32xf32>
    %transpose3A_540 = tpu.transpose %get3A_539, [1, 0] : vector<512x32xf32> -> vector<32x512xf32>
    %sub3A_541 = vector.broadcast %add3A_534 : vector<32x1xf32> to vector<32x512xf32>
    %sub3A_542 = arith.subf %transpose3A_540, %sub3A_541 : vector<32x512xf32>
    %get3A_543 = arith.constant 23 : index
    %get3A_544 = arith.constant 0 : index
    %get3A_545 = arith.constant 0 : index
    %get3A_546 = vector.load %arg0[%get3A_543, %get3A_544, %get3A_545] : memref<64x32x256xf32, #tpu.memory_space<vmem>>, vector<1x32x256xf32>
    %get3A_547 = vector.shape_cast %get3A_546 : vector<1x32x256xf32> to vector<32x256xf32>
    %reduce_max3A_548 = arith.constant dense<0xFF800000> : vector<32xf32>
    %reduce_max3A_549 = vector.multi_reduction <maximumf>, %get3A_547, %reduce_max3A_548 [1] : vector<32x256xf32> to vector<32xf32>
    %broadcast_in_dim3A_550 = vector.shape_cast %reduce_max3A_549 : vector<32xf32> to vector<32x1xf32>
    %sub3A_551 = vector.broadcast %broadcast_in_dim3A_550 : vector<32x1xf32> to vector<32x256xf32>
    %sub3A_552 = arith.subf %get3A_547, %sub3A_551 : vector<32x256xf32>
    %exp3A_553 = math.exp %sub3A_552 : vector<32x256xf32>
    %reduce_sum3A_554 = arith.constant dense<0.000000e+00> : vector<32xf32>
    %reduce_sum3A_555 = vector.multi_reduction <add>, %exp3A_553, %reduce_sum3A_554 [1] : vector<32x256xf32> to vector<32xf32>
    %broadcast_in_dim3A_556 = vector.shape_cast %reduce_sum3A_555 : vector<32xf32> to vector<32x1xf32>
    %log3A_557 = math.log %broadcast_in_dim3A_556 : vector<32x1xf32>
    %add3A_558 = arith.addf %log3A_557, %broadcast_in_dim3A_550 : vector<32x1xf32>
    %get3A_559 = arith.constant 23 : index
    %get3A_560 = arith.constant 0 : index
    %get3A_561 = arith.constant 0 : index
    %get3A_562 = vector.load %arg1[%get3A_559, %get3A_560, %get3A_561] : memref<64x512x32xf32, #tpu.memory_space<vmem>>, vector<1x512x32xf32>
    %get3A_563 = vector.shape_cast %get3A_562 : vector<1x512x32xf32> to vector<512x32xf32>
    %transpose3A_564 = tpu.transpose %get3A_563, [1, 0] : vector<512x32xf32> -> vector<32x512xf32>
    %sub3A_565 = vector.broadcast %add3A_558 : vector<32x1xf32> to vector<32x512xf32>
    %sub3A_566 = arith.subf %transpose3A_564, %sub3A_565 : vector<32x512xf32>
    %get3A_567 = arith.constant 24 : index
    %get3A_568 = arith.constant 0 : index
    %get3A_569 = arith.constant 0 : index
    %get3A_570 = vector.load %arg0[%get3A_567, %get3A_568, %get3A_569] : memref<64x32x256xf32, #tpu.memory_space<vmem>>, vector<1x32x256xf32>
    %get3A_571 = vector.shape_cast %get3A_570 : vector<1x32x256xf32> to vector<32x256xf32>
    %reduce_max3A_572 = arith.constant dense<0xFF800000> : vector<32xf32>
    %reduce_max3A_573 = vector.multi_reduction <maximumf>, %get3A_571, %reduce_max3A_572 [1] : vector<32x256xf32> to vector<32xf32>
    %broadcast_in_dim3A_574 = vector.shape_cast %reduce_max3A_573 : vector<32xf32> to vector<32x1xf32>
    %sub3A_575 = vector.broadcast %broadcast_in_dim3A_574 : vector<32x1xf32> to vector<32x256xf32>
    %sub3A_576 = arith.subf %get3A_571, %sub3A_575 : vector<32x256xf32>
    %exp3A_577 = math.exp %sub3A_576 : vector<32x256xf32>
    %reduce_sum3A_578 = arith.constant dense<0.000000e+00> : vector<32xf32>
    %reduce_sum3A_579 = vector.multi_reduction <add>, %exp3A_577, %reduce_sum3A_578 [1] : vector<32x256xf32> to vector<32xf32>
    %broadcast_in_dim3A_580 = vector.shape_cast %reduce_sum3A_579 : vector<32xf32> to vector<32x1xf32>
    %log3A_581 = math.log %broadcast_in_dim3A_580 : vector<32x1xf32>
    %add3A_582 = arith.addf %log3A_581, %broadcast_in_dim3A_574 : vector<32x1xf32>
    %get3A_583 = arith.constant 24 : index
    %get3A_584 = arith.constant 0 : index
    %get3A_585 = arith.constant 0 : index
    %get3A_586 = vector.load %arg1[%get3A_583, %get3A_584, %get3A_585] : memref<64x512x32xf32, #tpu.memory_space<vmem>>, vector<1x512x32xf32>
    %get3A_587 = vector.shape_cast %get3A_586 : vector<1x512x32xf32> to vector<512x32xf32>
    %transpose3A_588 = tpu.transpose %get3A_587, [1, 0] : vector<512x32xf32> -> vector<32x512xf32>
    %sub3A_589 = vector.broadcast %add3A_582 : vector<32x1xf32> to vector<32x512xf32>
    %sub3A_590 = arith.subf %transpose3A_588, %sub3A_589 : vector<32x512xf32>
    %get3A_591 = arith.constant 25 : index
    %get3A_592 = arith.constant 0 : index
    %get3A_593 = arith.constant 0 : index
    %get3A_594 = vector.load %arg0[%get3A_591, %get3A_592, %get3A_593] : memref<64x32x256xf32, #tpu.memory_space<vmem>>, vector<1x32x256xf32>
    %get3A_595 = vector.shape_cast %get3A_594 : vector<1x32x256xf32> to vector<32x256xf32>
    %reduce_max3A_596 = arith.constant dense<0xFF800000> : vector<32xf32>
    %reduce_max3A_597 = vector.multi_reduction <maximumf>, %get3A_595, %reduce_max3A_596 [1] : vector<32x256xf32> to vector<32xf32>
    %broadcast_in_dim3A_598 = vector.shape_cast %reduce_max3A_597 : vector<32xf32> to vector<32x1xf32>
    %sub3A_599 = vector.broadcast %broadcast_in_dim3A_598 : vector<32x1xf32> to vector<32x256xf32>
    %sub3A_600 = arith.subf %get3A_595, %sub3A_599 : vector<32x256xf32>
    %exp3A_601 = math.exp %sub3A_600 : vector<32x256xf32>
    %reduce_sum3A_602 = arith.constant dense<0.000000e+00> : vector<32xf32>
    %reduce_sum3A_603 = vector.multi_reduction <add>, %exp3A_601, %reduce_sum3A_602 [1] : vector<32x256xf32> to vector<32xf32>
    %broadcast_in_dim3A_604 = vector.shape_cast %reduce_sum3A_603 : vector<32xf32> to vector<32x1xf32>
    %log3A_605 = math.log %broadcast_in_dim3A_604 : vector<32x1xf32>
    %add3A_606 = arith.addf %log3A_605, %broadcast_in_dim3A_598 : vector<32x1xf32>
    %get3A_607 = arith.constant 25 : index
    %get3A_608 = arith.constant 0 : index
    %get3A_609 = arith.constant 0 : index
    %get3A_610 = vector.load %arg1[%get3A_607, %get3A_608, %get3A_609] : memref<64x512x32xf32, #tpu.memory_space<vmem>>, vector<1x512x32xf32>
    %get3A_611 = vector.shape_cast %get3A_610 : vector<1x512x32xf32> to vector<512x32xf32>
    %transpose3A_612 = tpu.transpose %get3A_611, [1, 0] : vector<512x32xf32> -> vector<32x512xf32>
    %sub3A_613 = vector.broadcast %add3A_606 : vector<32x1xf32> to vector<32x512xf32>
    %sub3A_614 = arith.subf %transpose3A_612, %sub3A_613 : vector<32x512xf32>
    %get3A_615 = arith.constant 26 : index
    %get3A_616 = arith.constant 0 : index
    %get3A_617 = arith.constant 0 : index
    %get3A_618 = vector.load %arg0[%get3A_615, %get3A_616, %get3A_617] : memref<64x32x256xf32, #tpu.memory_space<vmem>>, vector<1x32x256xf32>
    %get3A_619 = vector.shape_cast %get3A_618 : vector<1x32x256xf32> to vector<32x256xf32>
    %reduce_max3A_620 = arith.constant dense<0xFF800000> : vector<32xf32>
    %reduce_max3A_621 = vector.multi_reduction <maximumf>, %get3A_619, %reduce_max3A_620 [1] : vector<32x256xf32> to vector<32xf32>
    %broadcast_in_dim3A_622 = vector.shape_cast %reduce_max3A_621 : vector<32xf32> to vector<32x1xf32>
    %sub3A_623 = vector.broadcast %broadcast_in_dim3A_622 : vector<32x1xf32> to vector<32x256xf32>
    %sub3A_624 = arith.subf %get3A_619, %sub3A_623 : vector<32x256xf32>
    %exp3A_625 = math.exp %sub3A_624 : vector<32x256xf32>
    %reduce_sum3A_626 = arith.constant dense<0.000000e+00> : vector<32xf32>
    %reduce_sum3A_627 = vector.multi_reduction <add>, %exp3A_625, %reduce_sum3A_626 [1] : vector<32x256xf32> to vector<32xf32>
    %broadcast_in_dim3A_628 = vector.shape_cast %reduce_sum3A_627 : vector<32xf32> to vector<32x1xf32>
    %log3A_629 = math.log %broadcast_in_dim3A_628 : vector<32x1xf32>
    %add3A_630 = arith.addf %log3A_629, %broadcast_in_dim3A_622 : vector<32x1xf32>
    %get3A_631 = arith.constant 26 : index
    %get3A_632 = arith.constant 0 : index
    %get3A_633 = arith.constant 0 : index
    %get3A_634 = vector.load %arg1[%get3A_631, %get3A_632, %get3A_633] : memref<64x512x32xf32, #tpu.memory_space<vmem>>, vector<1x512x32xf32>
    %get3A_635 = vector.shape_cast %get3A_634 : vector<1x512x32xf32> to vector<512x32xf32>
    %transpose3A_636 = tpu.transpose %get3A_635, [1, 0] : vector<512x32xf32> -> vector<32x512xf32>
    %sub3A_637 = vector.broadcast %add3A_630 : vector<32x1xf32> to vector<32x512xf32>
    %sub3A_638 = arith.subf %transpose3A_636, %sub3A_637 : vector<32x512xf32>
    %get3A_639 = arith.constant 27 : index
    %get3A_640 = arith.constant 0 : index
    %get3A_641 = arith.constant 0 : index
    %get3A_642 = vector.load %arg0[%get3A_639, %get3A_640, %get3A_641] : memref<64x32x256xf32, #tpu.memory_space<vmem>>, vector<1x32x256xf32>
    %get3A_643 = vector.shape_cast %get3A_642 : vector<1x32x256xf32> to vector<32x256xf32>
    %reduce_max3A_644 = arith.constant dense<0xFF800000> : vector<32xf32>
    %reduce_max3A_645 = vector.multi_reduction <maximumf>, %get3A_643, %reduce_max3A_644 [1] : vector<32x256xf32> to vector<32xf32>
    %broadcast_in_dim3A_646 = vector.shape_cast %reduce_max3A_645 : vector<32xf32> to vector<32x1xf32>
    %sub3A_647 = vector.broadcast %broadcast_in_dim3A_646 : vector<32x1xf32> to vector<32x256xf32>
    %sub3A_648 = arith.subf %get3A_643, %sub3A_647 : vector<32x256xf32>
    %exp3A_649 = math.exp %sub3A_648 : vector<32x256xf32>
    %reduce_sum3A_650 = arith.constant dense<0.000000e+00> : vector<32xf32>
    %reduce_sum3A_651 = vector.multi_reduction <add>, %exp3A_649, %reduce_sum3A_650 [1] : vector<32x256xf32> to vector<32xf32>
    %broadcast_in_dim3A_652 = vector.shape_cast %reduce_sum3A_651 : vector<32xf32> to vector<32x1xf32>
    %log3A_653 = math.log %broadcast_in_dim3A_652 : vector<32x1xf32>
    %add3A_654 = arith.addf %log3A_653, %broadcast_in_dim3A_646 : vector<32x1xf32>
    %get3A_655 = arith.constant 27 : index
    %get3A_656 = arith.constant 0 : index
    %get3A_657 = arith.constant 0 : index
    %get3A_658 = vector.load %arg1[%get3A_655, %get3A_656, %get3A_657] : memref<64x512x32xf32, #tpu.memory_space<vmem>>, vector<1x512x32xf32>
    %get3A_659 = vector.shape_cast %get3A_658 : vector<1x512x32xf32> to vector<512x32xf32>
    %transpose3A_660 = tpu.transpose %get3A_659, [1, 0] : vector<512x32xf32> -> vector<32x512xf32>
    %sub3A_661 = vector.broadcast %add3A_654 : vector<32x1xf32> to vector<32x512xf32>
    %sub3A_662 = arith.subf %transpose3A_660, %sub3A_661 : vector<32x512xf32>
    %get3A_663 = arith.constant 28 : index
    %get3A_664 = arith.constant 0 : index
    %get3A_665 = arith.constant 0 : index
    %get3A_666 = vector.load %arg0[%get3A_663, %get3A_664, %get3A_665] : memref<64x32x256xf32, #tpu.memory_space<vmem>>, vector<1x32x256xf32>
    %get3A_667 = vector.shape_cast %get3A_666 : vector<1x32x256xf32> to vector<32x256xf32>
    %reduce_max3A_668 = arith.constant dense<0xFF800000> : vector<32xf32>
    %reduce_max3A_669 = vector.multi_reduction <maximumf>, %get3A_667, %reduce_max3A_668 [1] : vector<32x256xf32> to vector<32xf32>
    %broadcast_in_dim3A_670 = vector.shape_cast %reduce_max3A_669 : vector<32xf32> to vector<32x1xf32>
    %sub3A_671 = vector.broadcast %broadcast_in_dim3A_670 : vector<32x1xf32> to vector<32x256xf32>
    %sub3A_672 = arith.subf %get3A_667, %sub3A_671 : vector<32x256xf32>
    %exp3A_673 = math.exp %sub3A_672 : vector<32x256xf32>
    %reduce_sum3A_674 = arith.constant dense<0.000000e+00> : vector<32xf32>
    %reduce_sum3A_675 = vector.multi_reduction <add>, %exp3A_673, %reduce_sum3A_674 [1] : vector<32x256xf32> to vector<32xf32>
    %broadcast_in_dim3A_676 = vector.shape_cast %reduce_sum3A_675 : vector<32xf32> to vector<32x1xf32>
    %log3A_677 = math.log %broadcast_in_dim3A_676 : vector<32x1xf32>
    %add3A_678 = arith.addf %log3A_677, %broadcast_in_dim3A_670 : vector<32x1xf32>
    %get3A_679 = arith.constant 28 : index
    %get3A_680 = arith.constant 0 : index
    %get3A_681 = arith.constant 0 : index
    %get3A_682 = vector.load %arg1[%get3A_679, %get3A_680, %get3A_681] : memref<64x512x32xf32, #tpu.memory_space<vmem>>, vector<1x512x32xf32>
    %get3A_683 = vector.shape_cast %get3A_682 : vector<1x512x32xf32> to vector<512x32xf32>
    %transpose3A_684 = tpu.transpose %get3A_683, [1, 0] : vector<512x32xf32> -> vector<32x512xf32>
    %sub3A_685 = vector.broadcast %add3A_678 : vector<32x1xf32> to vector<32x512xf32>
    %sub3A_686 = arith.subf %transpose3A_684, %sub3A_685 : vector<32x512xf32>
    %get3A_687 = arith.constant 29 : index
    %get3A_688 = arith.constant 0 : index
    %get3A_689 = arith.constant 0 : index
    %get3A_690 = vector.load %arg0[%get3A_687, %get3A_688, %get3A_689] : memref<64x32x256xf32, #tpu.memory_space<vmem>>, vector<1x32x256xf32>
    %get3A_691 = vector.shape_cast %get3A_690 : vector<1x32x256xf32> to vector<32x256xf32>
    %reduce_max3A_692 = arith.constant dense<0xFF800000> : vector<32xf32>
    %reduce_max3A_693 = vector.multi_reduction <maximumf>, %get3A_691, %reduce_max3A_692 [1] : vector<32x256xf32> to vector<32xf32>
    %broadcast_in_dim3A_694 = vector.shape_cast %reduce_max3A_693 : vector<32xf32> to vector<32x1xf32>
    %sub3A_695 = vector.broadcast %broadcast_in_dim3A_694 : vector<32x1xf32> to vector<32x256xf32>
    %sub3A_696 = arith.subf %get3A_691, %sub3A_695 : vector<32x256xf32>
    %exp3A_697 = math.exp %sub3A_696 : vector<32x256xf32>
    %reduce_sum3A_698 = arith.constant dense<0.000000e+00> : vector<32xf32>
    %reduce_sum3A_699 = vector.multi_reduction <add>, %exp3A_697, %reduce_sum3A_698 [1] : vector<32x256xf32> to vector<32xf32>
    %broadcast_in_dim3A_700 = vector.shape_cast %reduce_sum3A_699 : vector<32xf32> to vector<32x1xf32>
    %log3A_701 = math.log %broadcast_in_dim3A_700 : vector<32x1xf32>
    %add3A_702 = arith.addf %log3A_701, %broadcast_in_dim3A_694 : vector<32x1xf32>
    %get3A_703 = arith.constant 29 : index
    %get3A_704 = arith.constant 0 : index
    %get3A_705 = arith.constant 0 : index
    %get3A_706 = vector.load %arg1[%get3A_703, %get3A_704, %get3A_705] : memref<64x512x32xf32, #tpu.memory_space<vmem>>, vector<1x512x32xf32>
    %get3A_707 = vector.shape_cast %get3A_706 : vector<1x512x32xf32> to vector<512x32xf32>
    %transpose3A_708 = tpu.transpose %get3A_707, [1, 0] : vector<512x32xf32> -> vector<32x512xf32>
    %sub3A_709 = vector.broadcast %add3A_702 : vector<32x1xf32> to vector<32x512xf32>
    %sub3A_710 = arith.subf %transpose3A_708, %sub3A_709 : vector<32x512xf32>
    %get3A_711 = arith.constant 30 : index
    %get3A_712 = arith.constant 0 : index
    %get3A_713 = arith.constant 0 : index
    %get3A_714 = vector.load %arg0[%get3A_711, %get3A_712, %get3A_713] : memref<64x32x256xf32, #tpu.memory_space<vmem>>, vector<1x32x256xf32>
    %get3A_715 = vector.shape_cast %get3A_714 : vector<1x32x256xf32> to vector<32x256xf32>
    %reduce_max3A_716 = arith.constant dense<0xFF800000> : vector<32xf32>
    %reduce_max3A_717 = vector.multi_reduction <maximumf>, %get3A_715, %reduce_max3A_716 [1] : vector<32x256xf32> to vector<32xf32>
    %broadcast_in_dim3A_718 = vector.shape_cast %reduce_max3A_717 : vector<32xf32> to vector<32x1xf32>
    %sub3A_719 = vector.broadcast %broadcast_in_dim3A_718 : vector<32x1xf32> to vector<32x256xf32>
    %sub3A_720 = arith.subf %get3A_715, %sub3A_719 : vector<32x256xf32>
    %exp3A_721 = math.exp %sub3A_720 : vector<32x256xf32>
    %reduce_sum3A_722 = arith.constant dense<0.000000e+00> : vector<32xf32>
    %reduce_sum3A_723 = vector.multi_reduction <add>, %exp3A_721, %reduce_sum3A_722 [1] : vector<32x256xf32> to vector<32xf32>
    %broadcast_in_dim3A_724 = vector.shape_cast %reduce_sum3A_723 : vector<32xf32> to vector<32x1xf32>
    %log3A_725 = math.log %broadcast_in_dim3A_724 : vector<32x1xf32>
    %add3A_726 = arith.addf %log3A_725, %broadcast_in_dim3A_718 : vector<32x1xf32>
    %get3A_727 = arith.constant 30 : index
    %get3A_728 = arith.constant 0 : index
    %get3A_729 = arith.constant 0 : index
    %get3A_730 = vector.load %arg1[%get3A_727, %get3A_728, %get3A_729] : memref<64x512x32xf32, #tpu.memory_space<vmem>>, vector<1x512x32xf32>
    %get3A_731 = vector.shape_cast %get3A_730 : vector<1x512x32xf32> to vector<512x32xf32>
    %transpose3A_732 = tpu.transpose %get3A_731, [1, 0] : vector<512x32xf32> -> vector<32x512xf32>
    %sub3A_733 = vector.broadcast %add3A_726 : vector<32x1xf32> to vector<32x512xf32>
    %sub3A_734 = arith.subf %transpose3A_732, %sub3A_733 : vector<32x512xf32>
    %get3A_735 = arith.constant 31 : index
    %get3A_736 = arith.constant 0 : index
    %get3A_737 = arith.constant 0 : index
    %get3A_738 = vector.load %arg0[%get3A_735, %get3A_736, %get3A_737] : memref<64x32x256xf32, #tpu.memory_space<vmem>>, vector<1x32x256xf32>
    %get3A_739 = vector.shape_cast %get3A_738 : vector<1x32x256xf32> to vector<32x256xf32>
    %reduce_max3A_740 = arith.constant dense<0xFF800000> : vector<32xf32>
    %reduce_max3A_741 = vector.multi_reduction <maximumf>, %get3A_739, %reduce_max3A_740 [1] : vector<32x256xf32> to vector<32xf32>
    %broadcast_in_dim3A_742 = vector.shape_cast %reduce_max3A_741 : vector<32xf32> to vector<32x1xf32>
    %sub3A_743 = vector.broadcast %broadcast_in_dim3A_742 : vector<32x1xf32> to vector<32x256xf32>
    %sub3A_744 = arith.subf %get3A_739, %sub3A_743 : vector<32x256xf32>
    %exp3A_745 = math.exp %sub3A_744 : vector<32x256xf32>
    %reduce_sum3A_746 = arith.constant dense<0.000000e+00> : vector<32xf32>
    %reduce_sum3A_747 = vector.multi_reduction <add>, %exp3A_745, %reduce_sum3A_746 [1] : vector<32x256xf32> to vector<32xf32>
    %broadcast_in_dim3A_748 = vector.shape_cast %reduce_sum3A_747 : vector<32xf32> to vector<32x1xf32>
    %log3A_749 = math.log %broadcast_in_dim3A_748 : vector<32x1xf32>
    %add3A_750 = arith.addf %log3A_749, %broadcast_in_dim3A_742 : vector<32x1xf32>
    %get3A_751 = arith.constant 31 : index
    %get3A_752 = arith.constant 0 : index
    %get3A_753 = arith.constant 0 : index
    %get3A_754 = vector.load %arg1[%get3A_751, %get3A_752, %get3A_753] : memref<64x512x32xf32, #tpu.memory_space<vmem>>, vector<1x512x32xf32>
    %get3A_755 = vector.shape_cast %get3A_754 : vector<1x512x32xf32> to vector<512x32xf32>
    %transpose3A_756 = tpu.transpose %get3A_755, [1, 0] : vector<512x32xf32> -> vector<32x512xf32>
    %sub3A_757 = vector.broadcast %add3A_750 : vector<32x1xf32> to vector<32x512xf32>
    %sub3A_758 = arith.subf %transpose3A_756, %sub3A_757 : vector<32x512xf32>
    %get3A_759 = arith.constant 32 : index
    %get3A_760 = arith.constant 0 : index
    %get3A_761 = arith.constant 0 : index
    %get3A_762 = vector.load %arg0[%get3A_759, %get3A_760, %get3A_761] : memref<64x32x256xf32, #tpu.memory_space<vmem>>, vector<1x32x256xf32>
    %get3A_763 = vector.shape_cast %get3A_762 : vector<1x32x256xf32> to vector<32x256xf32>
    %reduce_max3A_764 = arith.constant dense<0xFF800000> : vector<32xf32>
    %reduce_max3A_765 = vector.multi_reduction <maximumf>, %get3A_763, %reduce_max3A_764 [1] : vector<32x256xf32> to vector<32xf32>
    %broadcast_in_dim3A_766 = vector.shape_cast %reduce_max3A_765 : vector<32xf32> to vector<32x1xf32>
    %sub3A_767 = vector.broadcast %broadcast_in_dim3A_766 : vector<32x1xf32> to vector<32x256xf32>
    %sub3A_768 = arith.subf %get3A_763, %sub3A_767 : vector<32x256xf32>
    %exp3A_769 = math.exp %sub3A_768 : vector<32x256xf32>
    %reduce_sum3A_770 = arith.constant dense<0.000000e+00> : vector<32xf32>
    %reduce_sum3A_771 = vector.multi_reduction <add>, %exp3A_769, %reduce_sum3A_770 [1] : vector<32x256xf32> to vector<32xf32>
    %broadcast_in_dim3A_772 = vector.shape_cast %reduce_sum3A_771 : vector<32xf32> to vector<32x1xf32>
    %log3A_773 = math.log %broadcast_in_dim3A_772 : vector<32x1xf32>
    %add3A_774 = arith.addf %log3A_773, %broadcast_in_dim3A_766 : vector<32x1xf32>
    %get3A_775 = arith.constant 32 : index
    %get3A_776 = arith.constant 0 : index
    %get3A_777 = arith.constant 0 : index
    %get3A_778 = vector.load %arg1[%get3A_775, %get3A_776, %get3A_777] : memref<64x512x32xf32, #tpu.memory_space<vmem>>, vector<1x512x32xf32>
    %get3A_779 = vector.shape_cast %get3A_778 : vector<1x512x32xf32> to vector<512x32xf32>
    %transpose3A_780 = tpu.transpose %get3A_779, [1, 0] : vector<512x32xf32> -> vector<32x512xf32>
    %sub3A_781 = vector.broadcast %add3A_774 : vector<32x1xf32> to vector<32x512xf32>
    %sub3A_782 = arith.subf %transpose3A_780, %sub3A_781 : vector<32x512xf32>
    %get3A_783 = arith.constant 33 : index
    %get3A_784 = arith.constant 0 : index
    %get3A_785 = arith.constant 0 : index
    %get3A_786 = vector.load %arg0[%get3A_783, %get3A_784, %get3A_785] : memref<64x32x256xf32, #tpu.memory_space<vmem>>, vector<1x32x256xf32>
    %get3A_787 = vector.shape_cast %get3A_786 : vector<1x32x256xf32> to vector<32x256xf32>
    %reduce_max3A_788 = arith.constant dense<0xFF800000> : vector<32xf32>
    %reduce_max3A_789 = vector.multi_reduction <maximumf>, %get3A_787, %reduce_max3A_788 [1] : vector<32x256xf32> to vector<32xf32>
    %broadcast_in_dim3A_790 = vector.shape_cast %reduce_max3A_789 : vector<32xf32> to vector<32x1xf32>
    %sub3A_791 = vector.broadcast %broadcast_in_dim3A_790 : vector<32x1xf32> to vector<32x256xf32>
    %sub3A_792 = arith.subf %get3A_787, %sub3A_791 : vector<32x256xf32>
    %exp3A_793 = math.exp %sub3A_792 : vector<32x256xf32>
    %reduce_sum3A_794 = arith.constant dense<0.000000e+00> : vector<32xf32>
    %reduce_sum3A_795 = vector.multi_reduction <add>, %exp3A_793, %reduce_sum3A_794 [1] : vector<32x256xf32> to vector<32xf32>
    %broadcast_in_dim3A_796 = vector.shape_cast %reduce_sum3A_795 : vector<32xf32> to vector<32x1xf32>
    %log3A_797 = math.log %broadcast_in_dim3A_796 : vector<32x1xf32>
    %add3A_798 = arith.addf %log3A_797, %broadcast_in_dim3A_790 : vector<32x1xf32>
    %get3A_799 = arith.constant 33 : index
    %get3A_800 = arith.constant 0 : index
    %get3A_801 = arith.constant 0 : index
    %get3A_802 = vector.load %arg1[%get3A_799, %get3A_800, %get3A_801] : memref<64x512x32xf32, #tpu.memory_space<vmem>>, vector<1x512x32xf32>
    %get3A_803 = vector.shape_cast %get3A_802 : vector<1x512x32xf32> to vector<512x32xf32>
    %transpose3A_804 = tpu.transpose %get3A_803, [1, 0] : vector<512x32xf32> -> vector<32x512xf32>
    %sub3A_805 = vector.broadcast %add3A_798 : vector<32x1xf32> to vector<32x512xf32>
    %sub3A_806 = arith.subf %transpose3A_804, %sub3A_805 : vector<32x512xf32>
    %get3A_807 = arith.constant 34 : index
    %get3A_808 = arith.constant 0 : index
    %get3A_809 = arith.constant 0 : index
    %get3A_810 = vector.load %arg0[%get3A_807, %get3A_808, %get3A_809] : memref<64x32x256xf32, #tpu.memory_space<vmem>>, vector<1x32x256xf32>
    %get3A_811 = vector.shape_cast %get3A_810 : vector<1x32x256xf32> to vector<32x256xf32>
    %reduce_max3A_812 = arith.constant dense<0xFF800000> : vector<32xf32>
    %reduce_max3A_813 = vector.multi_reduction <maximumf>, %get3A_811, %reduce_max3A_812 [1] : vector<32x256xf32> to vector<32xf32>
    %broadcast_in_dim3A_814 = vector.shape_cast %reduce_max3A_813 : vector<32xf32> to vector<32x1xf32>
    %sub3A_815 = vector.broadcast %broadcast_in_dim3A_814 : vector<32x1xf32> to vector<32x256xf32>
    %sub3A_816 = arith.subf %get3A_811, %sub3A_815 : vector<32x256xf32>
    %exp3A_817 = math.exp %sub3A_816 : vector<32x256xf32>
    %reduce_sum3A_818 = arith.constant dense<0.000000e+00> : vector<32xf32>
    %reduce_sum3A_819 = vector.multi_reduction <add>, %exp3A_817, %reduce_sum3A_818 [1] : vector<32x256xf32> to vector<32xf32>
    %broadcast_in_dim3A_820 = vector.shape_cast %reduce_sum3A_819 : vector<32xf32> to vector<32x1xf32>
    %log3A_821 = math.log %broadcast_in_dim3A_820 : vector<32x1xf32>
    %add3A_822 = arith.addf %log3A_821, %broadcast_in_dim3A_814 : vector<32x1xf32>
    %get3A_823 = arith.constant 34 : index
    %get3A_824 = arith.constant 0 : index
    %get3A_825 = arith.constant 0 : index
    %get3A_826 = vector.load %arg1[%get3A_823, %get3A_824, %get3A_825] : memref<64x512x32xf32, #tpu.memory_space<vmem>>, vector<1x512x32xf32>
    %get3A_827 = vector.shape_cast %get3A_826 : vector<1x512x32xf32> to vector<512x32xf32>
    %transpose3A_828 = tpu.transpose %get3A_827, [1, 0] : vector<512x32xf32> -> vector<32x512xf32>
    %sub3A_829 = vector.broadcast %add3A_822 : vector<32x1xf32> to vector<32x512xf32>
    %sub3A_830 = arith.subf %transpose3A_828, %sub3A_829 : vector<32x512xf32>
    %get3A_831 = arith.constant 35 : index
    %get3A_832 = arith.constant 0 : index
    %get3A_833 = arith.constant 0 : index
    %get3A_834 = vector.load %arg0[%get3A_831, %get3A_832, %get3A_833] : memref<64x32x256xf32, #tpu.memory_space<vmem>>, vector<1x32x256xf32>
    %get3A_835 = vector.shape_cast %get3A_834 : vector<1x32x256xf32> to vector<32x256xf32>
    %reduce_max3A_836 = arith.constant dense<0xFF800000> : vector<32xf32>
    %reduce_max3A_837 = vector.multi_reduction <maximumf>, %get3A_835, %reduce_max3A_836 [1] : vector<32x256xf32> to vector<32xf32>
    %broadcast_in_dim3A_838 = vector.shape_cast %reduce_max3A_837 : vector<32xf32> to vector<32x1xf32>
    %sub3A_839 = vector.broadcast %broadcast_in_dim3A_838 : vector<32x1xf32> to vector<32x256xf32>
    %sub3A_840 = arith.subf %get3A_835, %sub3A_839 : vector<32x256xf32>
    %exp3A_841 = math.exp %sub3A_840 : vector<32x256xf32>
    %reduce_sum3A_842 = arith.constant dense<0.000000e+00> : vector<32xf32>
    %reduce_sum3A_843 = vector.multi_reduction <add>, %exp3A_841, %reduce_sum3A_842 [1] : vector<32x256xf32> to vector<32xf32>
    %broadcast_in_dim3A_844 = vector.shape_cast %reduce_sum3A_843 : vector<32xf32> to vector<32x1xf32>
    %log3A_845 = math.log %broadcast_in_dim3A_844 : vector<32x1xf32>
    %add3A_846 = arith.addf %log3A_845, %broadcast_in_dim3A_838 : vector<32x1xf32>
    %get3A_847 = arith.constant 35 : index
    %get3A_848 = arith.constant 0 : index
    %get3A_849 = arith.constant 0 : index
    %get3A_850 = vector.load %arg1[%get3A_847, %get3A_848, %get3A_849] : memref<64x512x32xf32, #tpu.memory_space<vmem>>, vector<1x512x32xf32>
    %get3A_851 = vector.shape_cast %get3A_850 : vector<1x512x32xf32> to vector<512x32xf32>
    %transpose3A_852 = tpu.transpose %get3A_851, [1, 0] : vector<512x32xf32> -> vector<32x512xf32>
    %sub3A_853 = vector.broadcast %add3A_846 : vector<32x1xf32> to vector<32x512xf32>
    %sub3A_854 = arith.subf %transpose3A_852, %sub3A_853 : vector<32x512xf32>
    %get3A_855 = arith.constant 36 : index
    %get3A_856 = arith.constant 0 : index
    %get3A_857 = arith.constant 0 : index
    %get3A_858 = vector.load %arg0[%get3A_855, %get3A_856, %get3A_857] : memref<64x32x256xf32, #tpu.memory_space<vmem>>, vector<1x32x256xf32>
    %get3A_859 = vector.shape_cast %get3A_858 : vector<1x32x256xf32> to vector<32x256xf32>
    %reduce_max3A_860 = arith.constant dense<0xFF800000> : vector<32xf32>
    %reduce_max3A_861 = vector.multi_reduction <maximumf>, %get3A_859, %reduce_max3A_860 [1] : vector<32x256xf32> to vector<32xf32>
    %broadcast_in_dim3A_862 = vector.shape_cast %reduce_max3A_861 : vector<32xf32> to vector<32x1xf32>
    %sub3A_863 = vector.broadcast %broadcast_in_dim3A_862 : vector<32x1xf32> to vector<32x256xf32>
    %sub3A_864 = arith.subf %get3A_859, %sub3A_863 : vector<32x256xf32>
    %exp3A_865 = math.exp %sub3A_864 : vector<32x256xf32>
    %reduce_sum3A_866 = arith.constant dense<0.000000e+00> : vector<32xf32>
    %reduce_sum3A_867 = vector.multi_reduction <add>, %exp3A_865, %reduce_sum3A_866 [1] : vector<32x256xf32> to vector<32xf32>
    %broadcast_in_dim3A_868 = vector.shape_cast %reduce_sum3A_867 : vector<32xf32> to vector<32x1xf32>
    %log3A_869 = math.log %broadcast_in_dim3A_868 : vector<32x1xf32>
    %add3A_870 = arith.addf %log3A_869, %broadcast_in_dim3A_862 : vector<32x1xf32>
    %get3A_871 = arith.constant 36 : index
    %get3A_872 = arith.constant 0 : index
    %get3A_873 = arith.constant 0 : index
    %get3A_874 = vector.load %arg1[%get3A_871, %get3A_872, %get3A_873] : memref<64x512x32xf32, #tpu.memory_space<vmem>>, vector<1x512x32xf32>
    %get3A_875 = vector.shape_cast %get3A_874 : vector<1x512x32xf32> to vector<512x32xf32>
    %transpose3A_876 = tpu.transpose %get3A_875, [1, 0] : vector<512x32xf32> -> vector<32x512xf32>
    %sub3A_877 = vector.broadcast %add3A_870 : vector<32x1xf32> to vector<32x512xf32>
    %sub3A_878 = arith.subf %transpose3A_876, %sub3A_877 : vector<32x512xf32>
    %get3A_879 = arith.constant 37 : index
    %get3A_880 = arith.constant 0 : index
    %get3A_881 = arith.constant 0 : index
    %get3A_882 = vector.load %arg0[%get3A_879, %get3A_880, %get3A_881] : memref<64x32x256xf32, #tpu.memory_space<vmem>>, vector<1x32x256xf32>
    %get3A_883 = vector.shape_cast %get3A_882 : vector<1x32x256xf32> to vector<32x256xf32>
    %reduce_max3A_884 = arith.constant dense<0xFF800000> : vector<32xf32>
    %reduce_max3A_885 = vector.multi_reduction <maximumf>, %get3A_883, %reduce_max3A_884 [1] : vector<32x256xf32> to vector<32xf32>
    %broadcast_in_dim3A_886 = vector.shape_cast %reduce_max3A_885 : vector<32xf32> to vector<32x1xf32>
    %sub3A_887 = vector.broadcast %broadcast_in_dim3A_886 : vector<32x1xf32> to vector<32x256xf32>
    %sub3A_888 = arith.subf %get3A_883, %sub3A_887 : vector<32x256xf32>
    %exp3A_889 = math.exp %sub3A_888 : vector<32x256xf32>
    %reduce_sum3A_890 = arith.constant dense<0.000000e+00> : vector<32xf32>
    %reduce_sum3A_891 = vector.multi_reduction <add>, %exp3A_889, %reduce_sum3A_890 [1] : vector<32x256xf32> to vector<32xf32>
    %broadcast_in_dim3A_892 = vector.shape_cast %reduce_sum3A_891 : vector<32xf32> to vector<32x1xf32>
    %log3A_893 = math.log %broadcast_in_dim3A_892 : vector<32x1xf32>
    %add3A_894 = arith.addf %log3A_893, %broadcast_in_dim3A_886 : vector<32x1xf32>
    %get3A_895 = arith.constant 37 : index
    %get3A_896 = arith.constant 0 : index
    %get3A_897 = arith.constant 0 : index
    %get3A_898 = vector.load %arg1[%get3A_895, %get3A_896, %get3A_897] : memref<64x512x32xf32, #tpu.memory_space<vmem>>, vector<1x512x32xf32>
    %get3A_899 = vector.shape_cast %get3A_898 : vector<1x512x32xf32> to vector<512x32xf32>
    %transpose3A_900 = tpu.transpose %get3A_899, [1, 0] : vector<512x32xf32> -> vector<32x512xf32>
    %sub3A_901 = vector.broadcast %add3A_894 : vector<32x1xf32> to vector<32x512xf32>
    %sub3A_902 = arith.subf %transpose3A_900, %sub3A_901 : vector<32x512xf32>
    %get3A_903 = arith.constant 38 : index
    %get3A_904 = arith.constant 0 : index
    %get3A_905 = arith.constant 0 : index
    %get3A_906 = vector.load %arg0[%get3A_903, %get3A_904, %get3A_905] : memref<64x32x256xf32, #tpu.memory_space<vmem>>, vector<1x32x256xf32>
    %get3A_907 = vector.shape_cast %get3A_906 : vector<1x32x256xf32> to vector<32x256xf32>
    %reduce_max3A_908 = arith.constant dense<0xFF800000> : vector<32xf32>
    %reduce_max3A_909 = vector.multi_reduction <maximumf>, %get3A_907, %reduce_max3A_908 [1] : vector<32x256xf32> to vector<32xf32>
    %broadcast_in_dim3A_910 = vector.shape_cast %reduce_max3A_909 : vector<32xf32> to vector<32x1xf32>
    %sub3A_911 = vector.broadcast %broadcast_in_dim3A_910 : vector<32x1xf32> to vector<32x256xf32>
    %sub3A_912 = arith.subf %get3A_907, %sub3A_911 : vector<32x256xf32>
    %exp3A_913 = math.exp %sub3A_912 : vector<32x256xf32>
    %reduce_sum3A_914 = arith.constant dense<0.000000e+00> : vector<32xf32>
    %reduce_sum3A_915 = vector.multi_reduction <add>, %exp3A_913, %reduce_sum3A_914 [1] : vector<32x256xf32> to vector<32xf32>
    %broadcast_in_dim3A_916 = vector.shape_cast %reduce_sum3A_915 : vector<32xf32> to vector<32x1xf32>
    %log3A_917 = math.log %broadcast_in_dim3A_916 : vector<32x1xf32>
    %add3A_918 = arith.addf %log3A_917, %broadcast_in_dim3A_910 : vector<32x1xf32>
    %get3A_919 = arith.constant 38 : index
    %get3A_920 = arith.constant 0 : index
    %get3A_921 = arith.constant 0 : index
    %get3A_922 = vector.load %arg1[%get3A_919, %get3A_920, %get3A_921] : memref<64x512x32xf32, #tpu.memory_space<vmem>>, vector<1x512x32xf32>
    %get3A_923 = vector.shape_cast %get3A_922 : vector<1x512x32xf32> to vector<512x32xf32>
    %transpose3A_924 = tpu.transpose %get3A_923, [1, 0] : vector<512x32xf32> -> vector<32x512xf32>
    %sub3A_925 = vector.broadcast %add3A_918 : vector<32x1xf32> to vector<32x512xf32>
    %sub3A_926 = arith.subf %transpose3A_924, %sub3A_925 : vector<32x512xf32>
    %get3A_927 = arith.constant 39 : index
    %get3A_928 = arith.constant 0 : index
    %get3A_929 = arith.constant 0 : index
    %get3A_930 = vector.load %arg0[%get3A_927, %get3A_928, %get3A_929] : memref<64x32x256xf32, #tpu.memory_space<vmem>>, vector<1x32x256xf32>
    %get3A_931 = vector.shape_cast %get3A_930 : vector<1x32x256xf32> to vector<32x256xf32>
    %reduce_max3A_932 = arith.constant dense<0xFF800000> : vector<32xf32>
    %reduce_max3A_933 = vector.multi_reduction <maximumf>, %get3A_931, %reduce_max3A_932 [1] : vector<32x256xf32> to vector<32xf32>
    %broadcast_in_dim3A_934 = vector.shape_cast %reduce_max3A_933 : vector<32xf32> to vector<32x1xf32>
    %sub3A_935 = vector.broadcast %broadcast_in_dim3A_934 : vector<32x1xf32> to vector<32x256xf32>
    %sub3A_936 = arith.subf %get3A_931, %sub3A_935 : vector<32x256xf32>
    %exp3A_937 = math.exp %sub3A_936 : vector<32x256xf32>
    %reduce_sum3A_938 = arith.constant dense<0.000000e+00> : vector<32xf32>
    %reduce_sum3A_939 = vector.multi_reduction <add>, %exp3A_937, %reduce_sum3A_938 [1] : vector<32x256xf32> to vector<32xf32>
    %broadcast_in_dim3A_940 = vector.shape_cast %reduce_sum3A_939 : vector<32xf32> to vector<32x1xf32>
    %log3A_941 = math.log %broadcast_in_dim3A_940 : vector<32x1xf32>
    %add3A_942 = arith.addf %log3A_941, %broadcast_in_dim3A_934 : vector<32x1xf32>
    %get3A_943 = arith.constant 39 : index
    %get3A_944 = arith.constant 0 : index
    %get3A_945 = arith.constant 0 : index
    %get3A_946 = vector.load %arg1[%get3A_943, %get3A_944, %get3A_945] : memref<64x512x32xf32, #tpu.memory_space<vmem>>, vector<1x512x32xf32>
    %get3A_947 = vector.shape_cast %get3A_946 : vector<1x512x32xf32> to vector<512x32xf32>
    %transpose3A_948 = tpu.transpose %get3A_947, [1, 0] : vector<512x32xf32> -> vector<32x512xf32>
    %sub3A_949 = vector.broadcast %add3A_942 : vector<32x1xf32> to vector<32x512xf32>
    %sub3A_950 = arith.subf %transpose3A_948, %sub3A_949 : vector<32x512xf32>
    %get3A_951 = arith.constant 40 : index
    %get3A_952 = arith.constant 0 : index
    %get3A_953 = arith.constant 0 : index
    %get3A_954 = vector.load %arg0[%get3A_951, %get3A_952, %get3A_953] : memref<64x32x256xf32, #tpu.memory_space<vmem>>, vector<1x32x256xf32>
    %get3A_955 = vector.shape_cast %get3A_954 : vector<1x32x256xf32> to vector<32x256xf32>
    %reduce_max3A_956 = arith.constant dense<0xFF800000> : vector<32xf32>
    %reduce_max3A_957 = vector.multi_reduction <maximumf>, %get3A_955, %reduce_max3A_956 [1] : vector<32x256xf32> to vector<32xf32>
    %broadcast_in_dim3A_958 = vector.shape_cast %reduce_max3A_957 : vector<32xf32> to vector<32x1xf32>
    %sub3A_959 = vector.broadcast %broadcast_in_dim3A_958 : vector<32x1xf32> to vector<32x256xf32>
    %sub3A_960 = arith.subf %get3A_955, %sub3A_959 : vector<32x256xf32>
    %exp3A_961 = math.exp %sub3A_960 : vector<32x256xf32>
    %reduce_sum3A_962 = arith.constant dense<0.000000e+00> : vector<32xf32>
    %reduce_sum3A_963 = vector.multi_reduction <add>, %exp3A_961, %reduce_sum3A_962 [1] : vector<32x256xf32> to vector<32xf32>
    %broadcast_in_dim3A_964 = vector.shape_cast %reduce_sum3A_963 : vector<32xf32> to vector<32x1xf32>
    %log3A_965 = math.log %broadcast_in_dim3A_964 : vector<32x1xf32>
    %add3A_966 = arith.addf %log3A_965, %broadcast_in_dim3A_958 : vector<32x1xf32>
    %get3A_967 = arith.constant 40 : index
    %get3A_968 = arith.constant 0 : index
    %get3A_969 = arith.constant 0 : index
    %get3A_970 = vector.load %arg1[%get3A_967, %get3A_968, %get3A_969] : memref<64x512x32xf32, #tpu.memory_space<vmem>>, vector<1x512x32xf32>
    %get3A_971 = vector.shape_cast %get3A_970 : vector<1x512x32xf32> to vector<512x32xf32>
    %transpose3A_972 = tpu.transpose %get3A_971, [1, 0] : vector<512x32xf32> -> vector<32x512xf32>
    %sub3A_973 = vector.broadcast %add3A_966 : vector<32x1xf32> to vector<32x512xf32>
    %sub3A_974 = arith.subf %transpose3A_972, %sub3A_973 : vector<32x512xf32>
    %get3A_975 = arith.constant 41 : index
    %get3A_976 = arith.constant 0 : index
    %get3A_977 = arith.constant 0 : index
    %get3A_978 = vector.load %arg0[%get3A_975, %get3A_976, %get3A_977] : memref<64x32x256xf32, #tpu.memory_space<vmem>>, vector<1x32x256xf32>
    %get3A_979 = vector.shape_cast %get3A_978 : vector<1x32x256xf32> to vector<32x256xf32>
    %reduce_max3A_980 = arith.constant dense<0xFF800000> : vector<32xf32>
    %reduce_max3A_981 = vector.multi_reduction <maximumf>, %get3A_979, %reduce_max3A_980 [1] : vector<32x256xf32> to vector<32xf32>
    %broadcast_in_dim3A_982 = vector.shape_cast %reduce_max3A_981 : vector<32xf32> to vector<32x1xf32>
    %sub3A_983 = vector.broadcast %broadcast_in_dim3A_982 : vector<32x1xf32> to vector<32x256xf32>
    %sub3A_984 = arith.subf %get3A_979, %sub3A_983 : vector<32x256xf32>
    %exp3A_985 = math.exp %sub3A_984 : vector<32x256xf32>
    %reduce_sum3A_986 = arith.constant dense<0.000000e+00> : vector<32xf32>
    %reduce_sum3A_987 = vector.multi_reduction <add>, %exp3A_985, %reduce_sum3A_986 [1] : vector<32x256xf32> to vector<32xf32>
    %broadcast_in_dim3A_988 = vector.shape_cast %reduce_sum3A_987 : vector<32xf32> to vector<32x1xf32>
    %log3A_989 = math.log %broadcast_in_dim3A_988 : vector<32x1xf32>
    %add3A_990 = arith.addf %log3A_989, %broadcast_in_dim3A_982 : vector<32x1xf32>
    %get3A_991 = arith.constant 41 : index
    %get3A_992 = arith.constant 0 : index
    %get3A_993 = arith.constant 0 : index
    %get3A_994 = vector.load %arg1[%get3A_991, %get3A_992, %get3A_993] : memref<64x512x32xf32, #tpu.memory_space<vmem>>, vector<1x512x32xf32>
    %get3A_995 = vector.shape_cast %get3A_994 : vector<1x512x32xf32> to vector<512x32xf32>
    %transpose3A_996 = tpu.transpose %get3A_995, [1, 0] : vector<512x32xf32> -> vector<32x512xf32>
    %sub3A_997 = vector.broadcast %add3A_990 : vector<32x1xf32> to vector<32x512xf32>
    %sub3A_998 = arith.subf %transpose3A_996, %sub3A_997 : vector<32x512xf32>
    %get3A_999 = arith.constant 42 : index
    %get3A_1000 = arith.constant 0 : index
    %get3A_1001 = arith.constant 0 : index
    %get3A_1002 = vector.load %arg0[%get3A_999, %get3A_1000, %get3A_1001] : memref<64x32x256xf32, #tpu.memory_space<vmem>>, vector<1x32x256xf32>
    %get3A_1003 = vector.shape_cast %get3A_1002 : vector<1x32x256xf32> to vector<32x256xf32>
    %reduce_max3A_1004 = arith.constant dense<0xFF800000> : vector<32xf32>
    %reduce_max3A_1005 = vector.multi_reduction <maximumf>, %get3A_1003, %reduce_max3A_1004 [1] : vector<32x256xf32> to vector<32xf32>
    %broadcast_in_dim3A_1006 = vector.shape_cast %reduce_max3A_1005 : vector<32xf32> to vector<32x1xf32>
    %sub3A_1007 = vector.broadcast %broadcast_in_dim3A_1006 : vector<32x1xf32> to vector<32x256xf32>
    %sub3A_1008 = arith.subf %get3A_1003, %sub3A_1007 : vector<32x256xf32>
    %exp3A_1009 = math.exp %sub3A_1008 : vector<32x256xf32>
    %reduce_sum3A_1010 = arith.constant dense<0.000000e+00> : vector<32xf32>
    %reduce_sum3A_1011 = vector.multi_reduction <add>, %exp3A_1009, %reduce_sum3A_1010 [1] : vector<32x256xf32> to vector<32xf32>
    %broadcast_in_dim3A_1012 = vector.shape_cast %reduce_sum3A_1011 : vector<32xf32> to vector<32x1xf32>
    %log3A_1013 = math.log %broadcast_in_dim3A_1012 : vector<32x1xf32>
    %add3A_1014 = arith.addf %log3A_1013, %broadcast_in_dim3A_1006 : vector<32x1xf32>
    %get3A_1015 = arith.constant 42 : index
    %get3A_1016 = arith.constant 0 : index
    %get3A_1017 = arith.constant 0 : index
    %get3A_1018 = vector.load %arg1[%get3A_1015, %get3A_1016, %get3A_1017] : memref<64x512x32xf32, #tpu.memory_space<vmem>>, vector<1x512x32xf32>
    %get3A_1019 = vector.shape_cast %get3A_1018 : vector<1x512x32xf32> to vector<512x32xf32>
    %transpose3A_1020 = tpu.transpose %get3A_1019, [1, 0] : vector<512x32xf32> -> vector<32x512xf32>
    %sub3A_1021 = vector.broadcast %add3A_1014 : vector<32x1xf32> to vector<32x512xf32>
    %sub3A_1022 = arith.subf %transpose3A_1020, %sub3A_1021 : vector<32x512xf32>
    %get3A_1023 = arith.constant 43 : index
    %get3A_1024 = arith.constant 0 : index
    %get3A_1025 = arith.constant 0 : index
    %get3A_1026 = vector.load %arg0[%get3A_1023, %get3A_1024, %get3A_1025] : memref<64x32x256xf32, #tpu.memory_space<vmem>>, vector<1x32x256xf32>
    %get3A_1027 = vector.shape_cast %get3A_1026 : vector<1x32x256xf32> to vector<32x256xf32>
    %reduce_max3A_1028 = arith.constant dense<0xFF800000> : vector<32xf32>
    %reduce_max3A_1029 = vector.multi_reduction <maximumf>, %get3A_1027, %reduce_max3A_1028 [1] : vector<32x256xf32> to vector<32xf32>
    %broadcast_in_dim3A_1030 = vector.shape_cast %reduce_max3A_1029 : vector<32xf32> to vector<32x1xf32>
    %sub3A_1031 = vector.broadcast %broadcast_in_dim3A_1030 : vector<32x1xf32> to vector<32x256xf32>
    %sub3A_1032 = arith.subf %get3A_1027, %sub3A_1031 : vector<32x256xf32>
    %exp3A_1033 = math.exp %sub3A_1032 : vector<32x256xf32>
    %reduce_sum3A_1034 = arith.constant dense<0.000000e+00> : vector<32xf32>
    %reduce_sum3A_1035 = vector.multi_reduction <add>, %exp3A_1033, %reduce_sum3A_1034 [1] : vector<32x256xf32> to vector<32xf32>
    %broadcast_in_dim3A_1036 = vector.shape_cast %reduce_sum3A_1035 : vector<32xf32> to vector<32x1xf32>
    %log3A_1037 = math.log %broadcast_in_dim3A_1036 : vector<32x1xf32>
    %add3A_1038 = arith.addf %log3A_1037, %broadcast_in_dim3A_1030 : vector<32x1xf32>
    %get3A_1039 = arith.constant 43 : index
    %get3A_1040 = arith.constant 0 : index
    %get3A_1041 = arith.constant 0 : index
    %get3A_1042 = vector.load %arg1[%get3A_1039, %get3A_1040, %get3A_1041] : memref<64x512x32xf32, #tpu.memory_space<vmem>>, vector<1x512x32xf32>
    %get3A_1043 = vector.shape_cast %get3A_1042 : vector<1x512x32xf32> to vector<512x32xf32>
    %transpose3A_1044 = tpu.transpose %get3A_1043, [1, 0] : vector<512x32xf32> -> vector<32x512xf32>
    %sub3A_1045 = vector.broadcast %add3A_1038 : vector<32x1xf32> to vector<32x512xf32>
    %sub3A_1046 = arith.subf %transpose3A_1044, %sub3A_1045 : vector<32x512xf32>
    %get3A_1047 = arith.constant 44 : index
    %get3A_1048 = arith.constant 0 : index
    %get3A_1049 = arith.constant 0 : index
    %get3A_1050 = vector.load %arg0[%get3A_1047, %get3A_1048, %get3A_1049] : memref<64x32x256xf32, #tpu.memory_space<vmem>>, vector<1x32x256xf32>
    %get3A_1051 = vector.shape_cast %get3A_1050 : vector<1x32x256xf32> to vector<32x256xf32>
    %reduce_max3A_1052 = arith.constant dense<0xFF800000> : vector<32xf32>
    %reduce_max3A_1053 = vector.multi_reduction <maximumf>, %get3A_1051, %reduce_max3A_1052 [1] : vector<32x256xf32> to vector<32xf32>
    %broadcast_in_dim3A_1054 = vector.shape_cast %reduce_max3A_1053 : vector<32xf32> to vector<32x1xf32>
    %sub3A_1055 = vector.broadcast %broadcast_in_dim3A_1054 : vector<32x1xf32> to vector<32x256xf32>
    %sub3A_1056 = arith.subf %get3A_1051, %sub3A_1055 : vector<32x256xf32>
    %exp3A_1057 = math.exp %sub3A_1056 : vector<32x256xf32>
    %reduce_sum3A_1058 = arith.constant dense<0.000000e+00> : vector<32xf32>
    %reduce_sum3A_1059 = vector.multi_reduction <add>, %exp3A_1057, %reduce_sum3A_1058 [1] : vector<32x256xf32> to vector<32xf32>
    %broadcast_in_dim3A_1060 = vector.shape_cast %reduce_sum3A_1059 : vector<32xf32> to vector<32x1xf32>
    %log3A_1061 = math.log %broadcast_in_dim3A_1060 : vector<32x1xf32>
    %add3A_1062 = arith.addf %log3A_1061, %broadcast_in_dim3A_1054 : vector<32x1xf32>
    %get3A_1063 = arith.constant 44 : index
    %get3A_1064 = arith.constant 0 : index
    %get3A_1065 = arith.constant 0 : index
    %get3A_1066 = vector.load %arg1[%get3A_1063, %get3A_1064, %get3A_1065] : memref<64x512x32xf32, #tpu.memory_space<vmem>>, vector<1x512x32xf32>
    %get3A_1067 = vector.shape_cast %get3A_1066 : vector<1x512x32xf32> to vector<512x32xf32>
    %transpose3A_1068 = tpu.transpose %get3A_1067, [1, 0] : vector<512x32xf32> -> vector<32x512xf32>
    %sub3A_1069 = vector.broadcast %add3A_1062 : vector<32x1xf32> to vector<32x512xf32>
    %sub3A_1070 = arith.subf %transpose3A_1068, %sub3A_1069 : vector<32x512xf32>
    %get3A_1071 = arith.constant 45 : index
    %get3A_1072 = arith.constant 0 : index
    %get3A_1073 = arith.constant 0 : index
    %get3A_1074 = vector.load %arg0[%get3A_1071, %get3A_1072, %get3A_1073] : memref<64x32x256xf32, #tpu.memory_space<vmem>>, vector<1x32x256xf32>
    %get3A_1075 = vector.shape_cast %get3A_1074 : vector<1x32x256xf32> to vector<32x256xf32>
    %reduce_max3A_1076 = arith.constant dense<0xFF800000> : vector<32xf32>
    %reduce_max3A_1077 = vector.multi_reduction <maximumf>, %get3A_1075, %reduce_max3A_1076 [1] : vector<32x256xf32> to vector<32xf32>
    %broadcast_in_dim3A_1078 = vector.shape_cast %reduce_max3A_1077 : vector<32xf32> to vector<32x1xf32>
    %sub3A_1079 = vector.broadcast %broadcast_in_dim3A_1078 : vector<32x1xf32> to vector<32x256xf32>
    %sub3A_1080 = arith.subf %get3A_1075, %sub3A_1079 : vector<32x256xf32>
    %exp3A_1081 = math.exp %sub3A_1080 : vector<32x256xf32>
    %reduce_sum3A_1082 = arith.constant dense<0.000000e+00> : vector<32xf32>
    %reduce_sum3A_1083 = vector.multi_reduction <add>, %exp3A_1081, %reduce_sum3A_1082 [1] : vector<32x256xf32> to vector<32xf32>
    %broadcast_in_dim3A_1084 = vector.shape_cast %reduce_sum3A_1083 : vector<32xf32> to vector<32x1xf32>
    %log3A_1085 = math.log %broadcast_in_dim3A_1084 : vector<32x1xf32>
    %add3A_1086 = arith.addf %log3A_1085, %broadcast_in_dim3A_1078 : vector<32x1xf32>
    %get3A_1087 = arith.constant 45 : index
    %get3A_1088 = arith.constant 0 : index
    %get3A_1089 = arith.constant 0 : index
    %get3A_1090 = vector.load %arg1[%get3A_1087, %get3A_1088, %get3A_1089] : memref<64x512x32xf32, #tpu.memory_space<vmem>>, vector<1x512x32xf32>
    %get3A_1091 = vector.shape_cast %get3A_1090 : vector<1x512x32xf32> to vector<512x32xf32>
    %transpose3A_1092 = tpu.transpose %get3A_1091, [1, 0] : vector<512x32xf32> -> vector<32x512xf32>
    %sub3A_1093 = vector.broadcast %add3A_1086 : vector<32x1xf32> to vector<32x512xf32>
    %sub3A_1094 = arith.subf %transpose3A_1092, %sub3A_1093 : vector<32x512xf32>
    %get3A_1095 = arith.constant 46 : index
    %get3A_1096 = arith.constant 0 : index
    %get3A_1097 = arith.constant 0 : index
    %get3A_1098 = vector.load %arg0[%get3A_1095, %get3A_1096, %get3A_1097] : memref<64x32x256xf32, #tpu.memory_space<vmem>>, vector<1x32x256xf32>
    %get3A_1099 = vector.shape_cast %get3A_1098 : vector<1x32x256xf32> to vector<32x256xf32>
    %reduce_max3A_1100 = arith.constant dense<0xFF800000> : vector<32xf32>
    %reduce_max3A_1101 = vector.multi_reduction <maximumf>, %get3A_1099, %reduce_max3A_1100 [1] : vector<32x256xf32> to vector<32xf32>
    %broadcast_in_dim3A_1102 = vector.shape_cast %reduce_max3A_1101 : vector<32xf32> to vector<32x1xf32>
    %sub3A_1103 = vector.broadcast %broadcast_in_dim3A_1102 : vector<32x1xf32> to vector<32x256xf32>
    %sub3A_1104 = arith.subf %get3A_1099, %sub3A_1103 : vector<32x256xf32>
    %exp3A_1105 = math.exp %sub3A_1104 : vector<32x256xf32>
    %reduce_sum3A_1106 = arith.constant dense<0.000000e+00> : vector<32xf32>
    %reduce_sum3A_1107 = vector.multi_reduction <add>, %exp3A_1105, %reduce_sum3A_1106 [1] : vector<32x256xf32> to vector<32xf32>
    %broadcast_in_dim3A_1108 = vector.shape_cast %reduce_sum3A_1107 : vector<32xf32> to vector<32x1xf32>
    %log3A_1109 = math.log %broadcast_in_dim3A_1108 : vector<32x1xf32>
    %add3A_1110 = arith.addf %log3A_1109, %broadcast_in_dim3A_1102 : vector<32x1xf32>
    %get3A_1111 = arith.constant 46 : index
    %get3A_1112 = arith.constant 0 : index
    %get3A_1113 = arith.constant 0 : index
    %get3A_1114 = vector.load %arg1[%get3A_1111, %get3A_1112, %get3A_1113] : memref<64x512x32xf32, #tpu.memory_space<vmem>>, vector<1x512x32xf32>
    %get3A_1115 = vector.shape_cast %get3A_1114 : vector<1x512x32xf32> to vector<512x32xf32>
    %transpose3A_1116 = tpu.transpose %get3A_1115, [1, 0] : vector<512x32xf32> -> vector<32x512xf32>
    %sub3A_1117 = vector.broadcast %add3A_1110 : vector<32x1xf32> to vector<32x512xf32>
    %sub3A_1118 = arith.subf %transpose3A_1116, %sub3A_1117 : vector<32x512xf32>
    %get3A_1119 = arith.constant 47 : index
    %get3A_1120 = arith.constant 0 : index
    %get3A_1121 = arith.constant 0 : index
    %get3A_1122 = vector.load %arg0[%get3A_1119, %get3A_1120, %get3A_1121] : memref<64x32x256xf32, #tpu.memory_space<vmem>>, vector<1x32x256xf32>
    %get3A_1123 = vector.shape_cast %get3A_1122 : vector<1x32x256xf32> to vector<32x256xf32>
    %reduce_max3A_1124 = arith.constant dense<0xFF800000> : vector<32xf32>
    %reduce_max3A_1125 = vector.multi_reduction <maximumf>, %get3A_1123, %reduce_max3A_1124 [1] : vector<32x256xf32> to vector<32xf32>
    %broadcast_in_dim3A_1126 = vector.shape_cast %reduce_max3A_1125 : vector<32xf32> to vector<32x1xf32>
    %sub3A_1127 = vector.broadcast %broadcast_in_dim3A_1126 : vector<32x1xf32> to vector<32x256xf32>
    %sub3A_1128 = arith.subf %get3A_1123, %sub3A_1127 : vector<32x256xf32>
    %exp3A_1129 = math.exp %sub3A_1128 : vector<32x256xf32>
    %reduce_sum3A_1130 = arith.constant dense<0.000000e+00> : vector<32xf32>
    %reduce_sum3A_1131 = vector.multi_reduction <add>, %exp3A_1129, %reduce_sum3A_1130 [1] : vector<32x256xf32> to vector<32xf32>
    %broadcast_in_dim3A_1132 = vector.shape_cast %reduce_sum3A_1131 : vector<32xf32> to vector<32x1xf32>
    %log3A_1133 = math.log %broadcast_in_dim3A_1132 : vector<32x1xf32>
    %add3A_1134 = arith.addf %log3A_1133, %broadcast_in_dim3A_1126 : vector<32x1xf32>
    %get3A_1135 = arith.constant 47 : index
    %get3A_1136 = arith.constant 0 : index
    %get3A_1137 = arith.constant 0 : index
    %get3A_1138 = vector.load %arg1[%get3A_1135, %get3A_1136, %get3A_1137] : memref<64x512x32xf32, #tpu.memory_space<vmem>>, vector<1x512x32xf32>
    %get3A_1139 = vector.shape_cast %get3A_1138 : vector<1x512x32xf32> to vector<512x32xf32>
    %transpose3A_1140 = tpu.transpose %get3A_1139, [1, 0] : vector<512x32xf32> -> vector<32x512xf32>
    %sub3A_1141 = vector.broadcast %add3A_1134 : vector<32x1xf32> to vector<32x512xf32>
    %sub3A_1142 = arith.subf %transpose3A_1140, %sub3A_1141 : vector<32x512xf32>
    %get3A_1143 = arith.constant 48 : index
    %get3A_1144 = arith.constant 0 : index
    %get3A_1145 = arith.constant 0 : index
    %get3A_1146 = vector.load %arg0[%get3A_1143, %get3A_1144, %get3A_1145] : memref<64x32x256xf32, #tpu.memory_space<vmem>>, vector<1x32x256xf32>
    %get3A_1147 = vector.shape_cast %get3A_1146 : vector<1x32x256xf32> to vector<32x256xf32>
    %reduce_max3A_1148 = arith.constant dense<0xFF800000> : vector<32xf32>
    %reduce_max3A_1149 = vector.multi_reduction <maximumf>, %get3A_1147, %reduce_max3A_1148 [1] : vector<32x256xf32> to vector<32xf32>
    %broadcast_in_dim3A_1150 = vector.shape_cast %reduce_max3A_1149 : vector<32xf32> to vector<32x1xf32>
    %sub3A_1151 = vector.broadcast %broadcast_in_dim3A_1150 : vector<32x1xf32> to vector<32x256xf32>
    %sub3A_1152 = arith.subf %get3A_1147, %sub3A_1151 : vector<32x256xf32>
    %exp3A_1153 = math.exp %sub3A_1152 : vector<32x256xf32>
    %reduce_sum3A_1154 = arith.constant dense<0.000000e+00> : vector<32xf32>
    %reduce_sum3A_1155 = vector.multi_reduction <add>, %exp3A_1153, %reduce_sum3A_1154 [1] : vector<32x256xf32> to vector<32xf32>
    %broadcast_in_dim3A_1156 = vector.shape_cast %reduce_sum3A_1155 : vector<32xf32> to vector<32x1xf32>
    %log3A_1157 = math.log %broadcast_in_dim3A_1156 : vector<32x1xf32>
    %add3A_1158 = arith.addf %log3A_1157, %broadcast_in_dim3A_1150 : vector<32x1xf32>
    %get3A_1159 = arith.constant 48 : index
    %get3A_1160 = arith.constant 0 : index
    %get3A_1161 = arith.constant 0 : index
    %get3A_1162 = vector.load %arg1[%get3A_1159, %get3A_1160, %get3A_1161] : memref<64x512x32xf32, #tpu.memory_space<vmem>>, vector<1x512x32xf32>
    %get3A_1163 = vector.shape_cast %get3A_1162 : vector<1x512x32xf32> to vector<512x32xf32>
    %transpose3A_1164 = tpu.transpose %get3A_1163, [1, 0] : vector<512x32xf32> -> vector<32x512xf32>
    %sub3A_1165 = vector.broadcast %add3A_1158 : vector<32x1xf32> to vector<32x512xf32>
    %sub3A_1166 = arith.subf %transpose3A_1164, %sub3A_1165 : vector<32x512xf32>
    %get3A_1167 = arith.constant 49 : index
    %get3A_1168 = arith.constant 0 : index
    %get3A_1169 = arith.constant 0 : index
    %get3A_1170 = vector.load %arg0[%get3A_1167, %get3A_1168, %get3A_1169] : memref<64x32x256xf32, #tpu.memory_space<vmem>>, vector<1x32x256xf32>
    %get3A_1171 = vector.shape_cast %get3A_1170 : vector<1x32x256xf32> to vector<32x256xf32>
    %reduce_max3A_1172 = arith.constant dense<0xFF800000> : vector<32xf32>
    %reduce_max3A_1173 = vector.multi_reduction <maximumf>, %get3A_1171, %reduce_max3A_1172 [1] : vector<32x256xf32> to vector<32xf32>
    %broadcast_in_dim3A_1174 = vector.shape_cast %reduce_max3A_1173 : vector<32xf32> to vector<32x1xf32>
    %sub3A_1175 = vector.broadcast %broadcast_in_dim3A_1174 : vector<32x1xf32> to vector<32x256xf32>
    %sub3A_1176 = arith.subf %get3A_1171, %sub3A_1175 : vector<32x256xf32>
    %exp3A_1177 = math.exp %sub3A_1176 : vector<32x256xf32>
    %reduce_sum3A_1178 = arith.constant dense<0.000000e+00> : vector<32xf32>
    %reduce_sum3A_1179 = vector.multi_reduction <add>, %exp3A_1177, %reduce_sum3A_1178 [1] : vector<32x256xf32> to vector<32xf32>
    %broadcast_in_dim3A_1180 = vector.shape_cast %reduce_sum3A_1179 : vector<32xf32> to vector<32x1xf32>
    %log3A_1181 = math.log %broadcast_in_dim3A_1180 : vector<32x1xf32>
    %add3A_1182 = arith.addf %log3A_1181, %broadcast_in_dim3A_1174 : vector<32x1xf32>
    %get3A_1183 = arith.constant 49 : index
    %get3A_1184 = arith.constant 0 : index
    %get3A_1185 = arith.constant 0 : index
    %get3A_1186 = vector.load %arg1[%get3A_1183, %get3A_1184, %get3A_1185] : memref<64x512x32xf32, #tpu.memory_space<vmem>>, vector<1x512x32xf32>
    %get3A_1187 = vector.shape_cast %get3A_1186 : vector<1x512x32xf32> to vector<512x32xf32>
    %transpose3A_1188 = tpu.transpose %get3A_1187, [1, 0] : vector<512x32xf32> -> vector<32x512xf32>
    %sub3A_1189 = vector.broadcast %add3A_1182 : vector<32x1xf32> to vector<32x512xf32>
    %sub3A_1190 = arith.subf %transpose3A_1188, %sub3A_1189 : vector<32x512xf32>
    %get3A_1191 = arith.constant 50 : index
    %get3A_1192 = arith.constant 0 : index
    %get3A_1193 = arith.constant 0 : index
    %get3A_1194 = vector.load %arg0[%get3A_1191, %get3A_1192, %get3A_1193] : memref<64x32x256xf32, #tpu.memory_space<vmem>>, vector<1x32x256xf32>
    %get3A_1195 = vector.shape_cast %get3A_1194 : vector<1x32x256xf32> to vector<32x256xf32>
    %reduce_max3A_1196 = arith.constant dense<0xFF800000> : vector<32xf32>
    %reduce_max3A_1197 = vector.multi_reduction <maximumf>, %get3A_1195, %reduce_max3A_1196 [1] : vector<32x256xf32> to vector<32xf32>
    %broadcast_in_dim3A_1198 = vector.shape_cast %reduce_max3A_1197 : vector<32xf32> to vector<32x1xf32>
    %sub3A_1199 = vector.broadcast %broadcast_in_dim3A_1198 : vector<32x1xf32> to vector<32x256xf32>
    %sub3A_1200 = arith.subf %get3A_1195, %sub3A_1199 : vector<32x256xf32>
    %exp3A_1201 = math.exp %sub3A_1200 : vector<32x256xf32>
    %reduce_sum3A_1202 = arith.constant dense<0.000000e+00> : vector<32xf32>
    %reduce_sum3A_1203 = vector.multi_reduction <add>, %exp3A_1201, %reduce_sum3A_1202 [1] : vector<32x256xf32> to vector<32xf32>
    %broadcast_in_dim3A_1204 = vector.shape_cast %reduce_sum3A_1203 : vector<32xf32> to vector<32x1xf32>
    %log3A_1205 = math.log %broadcast_in_dim3A_1204 : vector<32x1xf32>
    %add3A_1206 = arith.addf %log3A_1205, %broadcast_in_dim3A_1198 : vector<32x1xf32>
    %get3A_1207 = arith.constant 50 : index
    %get3A_1208 = arith.constant 0 : index
    %get3A_1209 = arith.constant 0 : index
    %get3A_1210 = vector.load %arg1[%get3A_1207, %get3A_1208, %get3A_1209] : memref<64x512x32xf32, #tpu.memory_space<vmem>>, vector<1x512x32xf32>
    %get3A_1211 = vector.shape_cast %get3A_1210 : vector<1x512x32xf32> to vector<512x32xf32>
    %transpose3A_1212 = tpu.transpose %get3A_1211, [1, 0] : vector<512x32xf32> -> vector<32x512xf32>
    %sub3A_1213 = vector.broadcast %add3A_1206 : vector<32x1xf32> to vector<32x512xf32>
    %sub3A_1214 = arith.subf %transpose3A_1212, %sub3A_1213 : vector<32x512xf32>
    %get3A_1215 = arith.constant 51 : index
    %get3A_1216 = arith.constant 0 : index
    %get3A_1217 = arith.constant 0 : index
    %get3A_1218 = vector.load %arg0[%get3A_1215, %get3A_1216, %get3A_1217] : memref<64x32x256xf32, #tpu.memory_space<vmem>>, vector<1x32x256xf32>
    %get3A_1219 = vector.shape_cast %get3A_1218 : vector<1x32x256xf32> to vector<32x256xf32>
    %reduce_max3A_1220 = arith.constant dense<0xFF800000> : vector<32xf32>
    %reduce_max3A_1221 = vector.multi_reduction <maximumf>, %get3A_1219, %reduce_max3A_1220 [1] : vector<32x256xf32> to vector<32xf32>
    %broadcast_in_dim3A_1222 = vector.shape_cast %reduce_max3A_1221 : vector<32xf32> to vector<32x1xf32>
    %sub3A_1223 = vector.broadcast %broadcast_in_dim3A_1222 : vector<32x1xf32> to vector<32x256xf32>
    %sub3A_1224 = arith.subf %get3A_1219, %sub3A_1223 : vector<32x256xf32>
    %exp3A_1225 = math.exp %sub3A_1224 : vector<32x256xf32>
    %reduce_sum3A_1226 = arith.constant dense<0.000000e+00> : vector<32xf32>
    %reduce_sum3A_1227 = vector.multi_reduction <add>, %exp3A_1225, %reduce_sum3A_1226 [1] : vector<32x256xf32> to vector<32xf32>
    %broadcast_in_dim3A_1228 = vector.shape_cast %reduce_sum3A_1227 : vector<32xf32> to vector<32x1xf32>
    %log3A_1229 = math.log %broadcast_in_dim3A_1228 : vector<32x1xf32>
    %add3A_1230 = arith.addf %log3A_1229, %broadcast_in_dim3A_1222 : vector<32x1xf32>
    %get3A_1231 = arith.constant 51 : index
    %get3A_1232 = arith.constant 0 : index
    %get3A_1233 = arith.constant 0 : index
    %get3A_1234 = vector.load %arg1[%get3A_1231, %get3A_1232, %get3A_1233] : memref<64x512x32xf32, #tpu.memory_space<vmem>>, vector<1x512x32xf32>
    %get3A_1235 = vector.shape_cast %get3A_1234 : vector<1x512x32xf32> to vector<512x32xf32>
    %transpose3A_1236 = tpu.transpose %get3A_1235, [1, 0] : vector<512x32xf32> -> vector<32x512xf32>
    %sub3A_1237 = vector.broadcast %add3A_1230 : vector<32x1xf32> to vector<32x512xf32>
    %sub3A_1238 = arith.subf %transpose3A_1236, %sub3A_1237 : vector<32x512xf32>
    %get3A_1239 = arith.constant 52 : index
    %get3A_1240 = arith.constant 0 : index
    %get3A_1241 = arith.constant 0 : index
    %get3A_1242 = vector.load %arg0[%get3A_1239, %get3A_1240, %get3A_1241] : memref<64x32x256xf32, #tpu.memory_space<vmem>>, vector<1x32x256xf32>
    %get3A_1243 = vector.shape_cast %get3A_1242 : vector<1x32x256xf32> to vector<32x256xf32>
    %reduce_max3A_1244 = arith.constant dense<0xFF800000> : vector<32xf32>
    %reduce_max3A_1245 = vector.multi_reduction <maximumf>, %get3A_1243, %reduce_max3A_1244 [1] : vector<32x256xf32> to vector<32xf32>
    %broadcast_in_dim3A_1246 = vector.shape_cast %reduce_max3A_1245 : vector<32xf32> to vector<32x1xf32>
    %sub3A_1247 = vector.broadcast %broadcast_in_dim3A_1246 : vector<32x1xf32> to vector<32x256xf32>
    %sub3A_1248 = arith.subf %get3A_1243, %sub3A_1247 : vector<32x256xf32>
    %exp3A_1249 = math.exp %sub3A_1248 : vector<32x256xf32>
    %reduce_sum3A_1250 = arith.constant dense<0.000000e+00> : vector<32xf32>
    %reduce_sum3A_1251 = vector.multi_reduction <add>, %exp3A_1249, %reduce_sum3A_1250 [1] : vector<32x256xf32> to vector<32xf32>
    %broadcast_in_dim3A_1252 = vector.shape_cast %reduce_sum3A_1251 : vector<32xf32> to vector<32x1xf32>
    %log3A_1253 = math.log %broadcast_in_dim3A_1252 : vector<32x1xf32>
    %add3A_1254 = arith.addf %log3A_1253, %broadcast_in_dim3A_1246 : vector<32x1xf32>
    %get3A_1255 = arith.constant 52 : index
    %get3A_1256 = arith.constant 0 : index
    %get3A_1257 = arith.constant 0 : index
    %get3A_1258 = vector.load %arg1[%get3A_1255, %get3A_1256, %get3A_1257] : memref<64x512x32xf32, #tpu.memory_space<vmem>>, vector<1x512x32xf32>
    %get3A_1259 = vector.shape_cast %get3A_1258 : vector<1x512x32xf32> to vector<512x32xf32>
    %transpose3A_1260 = tpu.transpose %get3A_1259, [1, 0] : vector<512x32xf32> -> vector<32x512xf32>
    %sub3A_1261 = vector.broadcast %add3A_1254 : vector<32x1xf32> to vector<32x512xf32>
    %sub3A_1262 = arith.subf %transpose3A_1260, %sub3A_1261 : vector<32x512xf32>
    %get3A_1263 = arith.constant 53 : index
    %get3A_1264 = arith.constant 0 : index
    %get3A_1265 = arith.constant 0 : index
    %get3A_1266 = vector.load %arg0[%get3A_1263, %get3A_1264, %get3A_1265] : memref<64x32x256xf32, #tpu.memory_space<vmem>>, vector<1x32x256xf32>
    %get3A_1267 = vector.shape_cast %get3A_1266 : vector<1x32x256xf32> to vector<32x256xf32>
    %reduce_max3A_1268 = arith.constant dense<0xFF800000> : vector<32xf32>
    %reduce_max3A_1269 = vector.multi_reduction <maximumf>, %get3A_1267, %reduce_max3A_1268 [1] : vector<32x256xf32> to vector<32xf32>
    %broadcast_in_dim3A_1270 = vector.shape_cast %reduce_max3A_1269 : vector<32xf32> to vector<32x1xf32>
    %sub3A_1271 = vector.broadcast %broadcast_in_dim3A_1270 : vector<32x1xf32> to vector<32x256xf32>
    %sub3A_1272 = arith.subf %get3A_1267, %sub3A_1271 : vector<32x256xf32>
    %exp3A_1273 = math.exp %sub3A_1272 : vector<32x256xf32>
    %reduce_sum3A_1274 = arith.constant dense<0.000000e+00> : vector<32xf32>
    %reduce_sum3A_1275 = vector.multi_reduction <add>, %exp3A_1273, %reduce_sum3A_1274 [1] : vector<32x256xf32> to vector<32xf32>
    %broadcast_in_dim3A_1276 = vector.shape_cast %reduce_sum3A_1275 : vector<32xf32> to vector<32x1xf32>
    %log3A_1277 = math.log %broadcast_in_dim3A_1276 : vector<32x1xf32>
    %add3A_1278 = arith.addf %log3A_1277, %broadcast_in_dim3A_1270 : vector<32x1xf32>
    %get3A_1279 = arith.constant 53 : index
    %get3A_1280 = arith.constant 0 : index
    %get3A_1281 = arith.constant 0 : index
    %get3A_1282 = vector.load %arg1[%get3A_1279, %get3A_1280, %get3A_1281] : memref<64x512x32xf32, #tpu.memory_space<vmem>>, vector<1x512x32xf32>
    %get3A_1283 = vector.shape_cast %get3A_1282 : vector<1x512x32xf32> to vector<512x32xf32>
    %transpose3A_1284 = tpu.transpose %get3A_1283, [1, 0] : vector<512x32xf32> -> vector<32x512xf32>
    %sub3A_1285 = vector.broadcast %add3A_1278 : vector<32x1xf32> to vector<32x512xf32>
    %sub3A_1286 = arith.subf %transpose3A_1284, %sub3A_1285 : vector<32x512xf32>
    %get3A_1287 = arith.constant 54 : index
    %get3A_1288 = arith.constant 0 : index
    %get3A_1289 = arith.constant 0 : index
    %get3A_1290 = vector.load %arg0[%get3A_1287, %get3A_1288, %get3A_1289] : memref<64x32x256xf32, #tpu.memory_space<vmem>>, vector<1x32x256xf32>
    %get3A_1291 = vector.shape_cast %get3A_1290 : vector<1x32x256xf32> to vector<32x256xf32>
    %reduce_max3A_1292 = arith.constant dense<0xFF800000> : vector<32xf32>
    %reduce_max3A_1293 = vector.multi_reduction <maximumf>, %get3A_1291, %reduce_max3A_1292 [1] : vector<32x256xf32> to vector<32xf32>
    %broadcast_in_dim3A_1294 = vector.shape_cast %reduce_max3A_1293 : vector<32xf32> to vector<32x1xf32>
    %sub3A_1295 = vector.broadcast %broadcast_in_dim3A_1294 : vector<32x1xf32> to vector<32x256xf32>
    %sub3A_1296 = arith.subf %get3A_1291, %sub3A_1295 : vector<32x256xf32>
    %exp3A_1297 = math.exp %sub3A_1296 : vector<32x256xf32>
    %reduce_sum3A_1298 = arith.constant dense<0.000000e+00> : vector<32xf32>
    %reduce_sum3A_1299 = vector.multi_reduction <add>, %exp3A_1297, %reduce_sum3A_1298 [1] : vector<32x256xf32> to vector<32xf32>
    %broadcast_in_dim3A_1300 = vector.shape_cast %reduce_sum3A_1299 : vector<32xf32> to vector<32x1xf32>
    %log3A_1301 = math.log %broadcast_in_dim3A_1300 : vector<32x1xf32>
    %add3A_1302 = arith.addf %log3A_1301, %broadcast_in_dim3A_1294 : vector<32x1xf32>
    %get3A_1303 = arith.constant 54 : index
    %get3A_1304 = arith.constant 0 : index
    %get3A_1305 = arith.constant 0 : index
    %get3A_1306 = vector.load %arg1[%get3A_1303, %get3A_1304, %get3A_1305] : memref<64x512x32xf32, #tpu.memory_space<vmem>>, vector<1x512x32xf32>
    %get3A_1307 = vector.shape_cast %get3A_1306 : vector<1x512x32xf32> to vector<512x32xf32>
    %transpose3A_1308 = tpu.transpose %get3A_1307, [1, 0] : vector<512x32xf32> -> vector<32x512xf32>
    %sub3A_1309 = vector.broadcast %add3A_1302 : vector<32x1xf32> to vector<32x512xf32>
    %sub3A_1310 = arith.subf %transpose3A_1308, %sub3A_1309 : vector<32x512xf32>
    %get3A_1311 = arith.constant 55 : index
    %get3A_1312 = arith.constant 0 : index
    %get3A_1313 = arith.constant 0 : index
    %get3A_1314 = vector.load %arg0[%get3A_1311, %get3A_1312, %get3A_1313] : memref<64x32x256xf32, #tpu.memory_space<vmem>>, vector<1x32x256xf32>
    %get3A_1315 = vector.shape_cast %get3A_1314 : vector<1x32x256xf32> to vector<32x256xf32>
    %reduce_max3A_1316 = arith.constant dense<0xFF800000> : vector<32xf32>
    %reduce_max3A_1317 = vector.multi_reduction <maximumf>, %get3A_1315, %reduce_max3A_1316 [1] : vector<32x256xf32> to vector<32xf32>
    %broadcast_in_dim3A_1318 = vector.shape_cast %reduce_max3A_1317 : vector<32xf32> to vector<32x1xf32>
    %sub3A_1319 = vector.broadcast %broadcast_in_dim3A_1318 : vector<32x1xf32> to vector<32x256xf32>
    %sub3A_1320 = arith.subf %get3A_1315, %sub3A_1319 : vector<32x256xf32>
    %exp3A_1321 = math.exp %sub3A_1320 : vector<32x256xf32>
    %reduce_sum3A_1322 = arith.constant dense<0.000000e+00> : vector<32xf32>
    %reduce_sum3A_1323 = vector.multi_reduction <add>, %exp3A_1321, %reduce_sum3A_1322 [1] : vector<32x256xf32> to vector<32xf32>
    %broadcast_in_dim3A_1324 = vector.shape_cast %reduce_sum3A_1323 : vector<32xf32> to vector<32x1xf32>
    %log3A_1325 = math.log %broadcast_in_dim3A_1324 : vector<32x1xf32>
    %add3A_1326 = arith.addf %log3A_1325, %broadcast_in_dim3A_1318 : vector<32x1xf32>
    %get3A_1327 = arith.constant 55 : index
    %get3A_1328 = arith.constant 0 : index
    %get3A_1329 = arith.constant 0 : index
    %get3A_1330 = vector.load %arg1[%get3A_1327, %get3A_1328, %get3A_1329] : memref<64x512x32xf32, #tpu.memory_space<vmem>>, vector<1x512x32xf32>
    %get3A_1331 = vector.shape_cast %get3A_1330 : vector<1x512x32xf32> to vector<512x32xf32>
    %transpose3A_1332 = tpu.transpose %get3A_1331, [1, 0] : vector<512x32xf32> -> vector<32x512xf32>
    %sub3A_1333 = vector.broadcast %add3A_1326 : vector<32x1xf32> to vector<32x512xf32>
    %sub3A_1334 = arith.subf %transpose3A_1332, %sub3A_1333 : vector<32x512xf32>
    %get3A_1335 = arith.constant 56 : index
    %get3A_1336 = arith.constant 0 : index
    %get3A_1337 = arith.constant 0 : index
    %get3A_1338 = vector.load %arg0[%get3A_1335, %get3A_1336, %get3A_1337] : memref<64x32x256xf32, #tpu.memory_space<vmem>>, vector<1x32x256xf32>
    %get3A_1339 = vector.shape_cast %get3A_1338 : vector<1x32x256xf32> to vector<32x256xf32>
    %reduce_max3A_1340 = arith.constant dense<0xFF800000> : vector<32xf32>
    %reduce_max3A_1341 = vector.multi_reduction <maximumf>, %get3A_1339, %reduce_max3A_1340 [1] : vector<32x256xf32> to vector<32xf32>
    %broadcast_in_dim3A_1342 = vector.shape_cast %reduce_max3A_1341 : vector<32xf32> to vector<32x1xf32>
    %sub3A_1343 = vector.broadcast %broadcast_in_dim3A_1342 : vector<32x1xf32> to vector<32x256xf32>
    %sub3A_1344 = arith.subf %get3A_1339, %sub3A_1343 : vector<32x256xf32>
    %exp3A_1345 = math.exp %sub3A_1344 : vector<32x256xf32>
    %reduce_sum3A_1346 = arith.constant dense<0.000000e+00> : vector<32xf32>
    %reduce_sum3A_1347 = vector.multi_reduction <add>, %exp3A_1345, %reduce_sum3A_1346 [1] : vector<32x256xf32> to vector<32xf32>
    %broadcast_in_dim3A_1348 = vector.shape_cast %reduce_sum3A_1347 : vector<32xf32> to vector<32x1xf32>
    %log3A_1349 = math.log %broadcast_in_dim3A_1348 : vector<32x1xf32>
    %add3A_1350 = arith.addf %log3A_1349, %broadcast_in_dim3A_1342 : vector<32x1xf32>
    %get3A_1351 = arith.constant 56 : index
    %get3A_1352 = arith.constant 0 : index
    %get3A_1353 = arith.constant 0 : index
    %get3A_1354 = vector.load %arg1[%get3A_1351, %get3A_1352, %get3A_1353] : memref<64x512x32xf32, #tpu.memory_space<vmem>>, vector<1x512x32xf32>
    %get3A_1355 = vector.shape_cast %get3A_1354 : vector<1x512x32xf32> to vector<512x32xf32>
    %transpose3A_1356 = tpu.transpose %get3A_1355, [1, 0] : vector<512x32xf32> -> vector<32x512xf32>
    %sub3A_1357 = vector.broadcast %add3A_1350 : vector<32x1xf32> to vector<32x512xf32>
    %sub3A_1358 = arith.subf %transpose3A_1356, %sub3A_1357 : vector<32x512xf32>
    %get3A_1359 = arith.constant 57 : index
    %get3A_1360 = arith.constant 0 : index
    %get3A_1361 = arith.constant 0 : index
    %get3A_1362 = vector.load %arg0[%get3A_1359, %get3A_1360, %get3A_1361] : memref<64x32x256xf32, #tpu.memory_space<vmem>>, vector<1x32x256xf32>
    %get3A_1363 = vector.shape_cast %get3A_1362 : vector<1x32x256xf32> to vector<32x256xf32>
    %reduce_max3A_1364 = arith.constant dense<0xFF800000> : vector<32xf32>
    %reduce_max3A_1365 = vector.multi_reduction <maximumf>, %get3A_1363, %reduce_max3A_1364 [1] : vector<32x256xf32> to vector<32xf32>
    %broadcast_in_dim3A_1366 = vector.shape_cast %reduce_max3A_1365 : vector<32xf32> to vector<32x1xf32>
    %sub3A_1367 = vector.broadcast %broadcast_in_dim3A_1366 : vector<32x1xf32> to vector<32x256xf32>
    %sub3A_1368 = arith.subf %get3A_1363, %sub3A_1367 : vector<32x256xf32>
    %exp3A_1369 = math.exp %sub3A_1368 : vector<32x256xf32>
    %reduce_sum3A_1370 = arith.constant dense<0.000000e+00> : vector<32xf32>
    %reduce_sum3A_1371 = vector.multi_reduction <add>, %exp3A_1369, %reduce_sum3A_1370 [1] : vector<32x256xf32> to vector<32xf32>
    %broadcast_in_dim3A_1372 = vector.shape_cast %reduce_sum3A_1371 : vector<32xf32> to vector<32x1xf32>
    %log3A_1373 = math.log %broadcast_in_dim3A_1372 : vector<32x1xf32>
    %add3A_1374 = arith.addf %log3A_1373, %broadcast_in_dim3A_1366 : vector<32x1xf32>
    %get3A_1375 = arith.constant 57 : index
    %get3A_1376 = arith.constant 0 : index
    %get3A_1377 = arith.constant 0 : index
    %get3A_1378 = vector.load %arg1[%get3A_1375, %get3A_1376, %get3A_1377] : memref<64x512x32xf32, #tpu.memory_space<vmem>>, vector<1x512x32xf32>
    %get3A_1379 = vector.shape_cast %get3A_1378 : vector<1x512x32xf32> to vector<512x32xf32>
    %transpose3A_1380 = tpu.transpose %get3A_1379, [1, 0] : vector<512x32xf32> -> vector<32x512xf32>
    %sub3A_1381 = vector.broadcast %add3A_1374 : vector<32x1xf32> to vector<32x512xf32>
    %sub3A_1382 = arith.subf %transpose3A_1380, %sub3A_1381 : vector<32x512xf32>
    %get3A_1383 = arith.constant 58 : index
    %get3A_1384 = arith.constant 0 : index
    %get3A_1385 = arith.constant 0 : index
    %get3A_1386 = vector.load %arg0[%get3A_1383, %get3A_1384, %get3A_1385] : memref<64x32x256xf32, #tpu.memory_space<vmem>>, vector<1x32x256xf32>
    %get3A_1387 = vector.shape_cast %get3A_1386 : vector<1x32x256xf32> to vector<32x256xf32>
    %reduce_max3A_1388 = arith.constant dense<0xFF800000> : vector<32xf32>
    %reduce_max3A_1389 = vector.multi_reduction <maximumf>, %get3A_1387, %reduce_max3A_1388 [1] : vector<32x256xf32> to vector<32xf32>
    %broadcast_in_dim3A_1390 = vector.shape_cast %reduce_max3A_1389 : vector<32xf32> to vector<32x1xf32>
    %sub3A_1391 = vector.broadcast %broadcast_in_dim3A_1390 : vector<32x1xf32> to vector<32x256xf32>
    %sub3A_1392 = arith.subf %get3A_1387, %sub3A_1391 : vector<32x256xf32>
    %exp3A_1393 = math.exp %sub3A_1392 : vector<32x256xf32>
    %reduce_sum3A_1394 = arith.constant dense<0.000000e+00> : vector<32xf32>
    %reduce_sum3A_1395 = vector.multi_reduction <add>, %exp3A_1393, %reduce_sum3A_1394 [1] : vector<32x256xf32> to vector<32xf32>
    %broadcast_in_dim3A_1396 = vector.shape_cast %reduce_sum3A_1395 : vector<32xf32> to vector<32x1xf32>
    %log3A_1397 = math.log %broadcast_in_dim3A_1396 : vector<32x1xf32>
    %add3A_1398 = arith.addf %log3A_1397, %broadcast_in_dim3A_1390 : vector<32x1xf32>
    %get3A_1399 = arith.constant 58 : index
    %get3A_1400 = arith.constant 0 : index
    %get3A_1401 = arith.constant 0 : index
    %get3A_1402 = vector.load %arg1[%get3A_1399, %get3A_1400, %get3A_1401] : memref<64x512x32xf32, #tpu.memory_space<vmem>>, vector<1x512x32xf32>
    %get3A_1403 = vector.shape_cast %get3A_1402 : vector<1x512x32xf32> to vector<512x32xf32>
    %transpose3A_1404 = tpu.transpose %get3A_1403, [1, 0] : vector<512x32xf32> -> vector<32x512xf32>
    %sub3A_1405 = vector.broadcast %add3A_1398 : vector<32x1xf32> to vector<32x512xf32>
    %sub3A_1406 = arith.subf %transpose3A_1404, %sub3A_1405 : vector<32x512xf32>
    %get3A_1407 = arith.constant 59 : index
    %get3A_1408 = arith.constant 0 : index
    %get3A_1409 = arith.constant 0 : index
    %get3A_1410 = vector.load %arg0[%get3A_1407, %get3A_1408, %get3A_1409] : memref<64x32x256xf32, #tpu.memory_space<vmem>>, vector<1x32x256xf32>
    %get3A_1411 = vector.shape_cast %get3A_1410 : vector<1x32x256xf32> to vector<32x256xf32>
    %reduce_max3A_1412 = arith.constant dense<0xFF800000> : vector<32xf32>
    %reduce_max3A_1413 = vector.multi_reduction <maximumf>, %get3A_1411, %reduce_max3A_1412 [1] : vector<32x256xf32> to vector<32xf32>
    %broadcast_in_dim3A_1414 = vector.shape_cast %reduce_max3A_1413 : vector<32xf32> to vector<32x1xf32>
    %sub3A_1415 = vector.broadcast %broadcast_in_dim3A_1414 : vector<32x1xf32> to vector<32x256xf32>
    %sub3A_1416 = arith.subf %get3A_1411, %sub3A_1415 : vector<32x256xf32>
    %exp3A_1417 = math.exp %sub3A_1416 : vector<32x256xf32>
    %reduce_sum3A_1418 = arith.constant dense<0.000000e+00> : vector<32xf32>
    %reduce_sum3A_1419 = vector.multi_reduction <add>, %exp3A_1417, %reduce_sum3A_1418 [1] : vector<32x256xf32> to vector<32xf32>
    %broadcast_in_dim3A_1420 = vector.shape_cast %reduce_sum3A_1419 : vector<32xf32> to vector<32x1xf32>
    %log3A_1421 = math.log %broadcast_in_dim3A_1420 : vector<32x1xf32>
    %add3A_1422 = arith.addf %log3A_1421, %broadcast_in_dim3A_1414 : vector<32x1xf32>
    %get3A_1423 = arith.constant 59 : index
    %get3A_1424 = arith.constant 0 : index
    %get3A_1425 = arith.constant 0 : index
    %get3A_1426 = vector.load %arg1[%get3A_1423, %get3A_1424, %get3A_1425] : memref<64x512x32xf32, #tpu.memory_space<vmem>>, vector<1x512x32xf32>
    %get3A_1427 = vector.shape_cast %get3A_1426 : vector<1x512x32xf32> to vector<512x32xf32>
    %transpose3A_1428 = tpu.transpose %get3A_1427, [1, 0] : vector<512x32xf32> -> vector<32x512xf32>
    %sub3A_1429 = vector.broadcast %add3A_1422 : vector<32x1xf32> to vector<32x512xf32>
    %sub3A_1430 = arith.subf %transpose3A_1428, %sub3A_1429 : vector<32x512xf32>
    %get3A_1431 = arith.constant 60 : index
    %get3A_1432 = arith.constant 0 : index
    %get3A_1433 = arith.constant 0 : index
    %get3A_1434 = vector.load %arg0[%get3A_1431, %get3A_1432, %get3A_1433] : memref<64x32x256xf32, #tpu.memory_space<vmem>>, vector<1x32x256xf32>
    %get3A_1435 = vector.shape_cast %get3A_1434 : vector<1x32x256xf32> to vector<32x256xf32>
    %reduce_max3A_1436 = arith.constant dense<0xFF800000> : vector<32xf32>
    %reduce_max3A_1437 = vector.multi_reduction <maximumf>, %get3A_1435, %reduce_max3A_1436 [1] : vector<32x256xf32> to vector<32xf32>
    %broadcast_in_dim3A_1438 = vector.shape_cast %reduce_max3A_1437 : vector<32xf32> to vector<32x1xf32>
    %sub3A_1439 = vector.broadcast %broadcast_in_dim3A_1438 : vector<32x1xf32> to vector<32x256xf32>
    %sub3A_1440 = arith.subf %get3A_1435, %sub3A_1439 : vector<32x256xf32>
    %exp3A_1441 = math.exp %sub3A_1440 : vector<32x256xf32>
    %reduce_sum3A_1442 = arith.constant dense<0.000000e+00> : vector<32xf32>
    %reduce_sum3A_1443 = vector.multi_reduction <add>, %exp3A_1441, %reduce_sum3A_1442 [1] : vector<32x256xf32> to vector<32xf32>
    %broadcast_in_dim3A_1444 = vector.shape_cast %reduce_sum3A_1443 : vector<32xf32> to vector<32x1xf32>
    %log3A_1445 = math.log %broadcast_in_dim3A_1444 : vector<32x1xf32>
    %add3A_1446 = arith.addf %log3A_1445, %broadcast_in_dim3A_1438 : vector<32x1xf32>
    %get3A_1447 = arith.constant 60 : index
    %get3A_1448 = arith.constant 0 : index
    %get3A_1449 = arith.constant 0 : index
    %get3A_1450 = vector.load %arg1[%get3A_1447, %get3A_1448, %get3A_1449] : memref<64x512x32xf32, #tpu.memory_space<vmem>>, vector<1x512x32xf32>
    %get3A_1451 = vector.shape_cast %get3A_1450 : vector<1x512x32xf32> to vector<512x32xf32>
    %transpose3A_1452 = tpu.transpose %get3A_1451, [1, 0] : vector<512x32xf32> -> vector<32x512xf32>
    %sub3A_1453 = vector.broadcast %add3A_1446 : vector<32x1xf32> to vector<32x512xf32>
    %sub3A_1454 = arith.subf %transpose3A_1452, %sub3A_1453 : vector<32x512xf32>
    %get3A_1455 = arith.constant 61 : index
    %get3A_1456 = arith.constant 0 : index
    %get3A_1457 = arith.constant 0 : index
    %get3A_1458 = vector.load %arg0[%get3A_1455, %get3A_1456, %get3A_1457] : memref<64x32x256xf32, #tpu.memory_space<vmem>>, vector<1x32x256xf32>
    %get3A_1459 = vector.shape_cast %get3A_1458 : vector<1x32x256xf32> to vector<32x256xf32>
    %reduce_max3A_1460 = arith.constant dense<0xFF800000> : vector<32xf32>
    %reduce_max3A_1461 = vector.multi_reduction <maximumf>, %get3A_1459, %reduce_max3A_1460 [1] : vector<32x256xf32> to vector<32xf32>
    %broadcast_in_dim3A_1462 = vector.shape_cast %reduce_max3A_1461 : vector<32xf32> to vector<32x1xf32>
    %sub3A_1463 = vector.broadcast %broadcast_in_dim3A_1462 : vector<32x1xf32> to vector<32x256xf32>
    %sub3A_1464 = arith.subf %get3A_1459, %sub3A_1463 : vector<32x256xf32>
    %exp3A_1465 = math.exp %sub3A_1464 : vector<32x256xf32>
    %reduce_sum3A_1466 = arith.constant dense<0.000000e+00> : vector<32xf32>
    %reduce_sum3A_1467 = vector.multi_reduction <add>, %exp3A_1465, %reduce_sum3A_1466 [1] : vector<32x256xf32> to vector<32xf32>
    %broadcast_in_dim3A_1468 = vector.shape_cast %reduce_sum3A_1467 : vector<32xf32> to vector<32x1xf32>
    %log3A_1469 = math.log %broadcast_in_dim3A_1468 : vector<32x1xf32>
    %add3A_1470 = arith.addf %log3A_1469, %broadcast_in_dim3A_1462 : vector<32x1xf32>
    %get3A_1471 = arith.constant 61 : index
    %get3A_1472 = arith.constant 0 : index
    %get3A_1473 = arith.constant 0 : index
    %get3A_1474 = vector.load %arg1[%get3A_1471, %get3A_1472, %get3A_1473] : memref<64x512x32xf32, #tpu.memory_space<vmem>>, vector<1x512x32xf32>
    %get3A_1475 = vector.shape_cast %get3A_1474 : vector<1x512x32xf32> to vector<512x32xf32>
    %transpose3A_1476 = tpu.transpose %get3A_1475, [1, 0] : vector<512x32xf32> -> vector<32x512xf32>
    %sub3A_1477 = vector.broadcast %add3A_1470 : vector<32x1xf32> to vector<32x512xf32>
    %sub3A_1478 = arith.subf %transpose3A_1476, %sub3A_1477 : vector<32x512xf32>
    %get3A_1479 = arith.constant 62 : index
    %get3A_1480 = arith.constant 0 : index
    %get3A_1481 = arith.constant 0 : index
    %get3A_1482 = vector.load %arg0[%get3A_1479, %get3A_1480, %get3A_1481] : memref<64x32x256xf32, #tpu.memory_space<vmem>>, vector<1x32x256xf32>
    %get3A_1483 = vector.shape_cast %get3A_1482 : vector<1x32x256xf32> to vector<32x256xf32>
    %reduce_max3A_1484 = arith.constant dense<0xFF800000> : vector<32xf32>
    %reduce_max3A_1485 = vector.multi_reduction <maximumf>, %get3A_1483, %reduce_max3A_1484 [1] : vector<32x256xf32> to vector<32xf32>
    %broadcast_in_dim3A_1486 = vector.shape_cast %reduce_max3A_1485 : vector<32xf32> to vector<32x1xf32>
    %sub3A_1487 = vector.broadcast %broadcast_in_dim3A_1486 : vector<32x1xf32> to vector<32x256xf32>
    %sub3A_1488 = arith.subf %get3A_1483, %sub3A_1487 : vector<32x256xf32>
    %exp3A_1489 = math.exp %sub3A_1488 : vector<32x256xf32>
    %reduce_sum3A_1490 = arith.constant dense<0.000000e+00> : vector<32xf32>
    %reduce_sum3A_1491 = vector.multi_reduction <add>, %exp3A_1489, %reduce_sum3A_1490 [1] : vector<32x256xf32> to vector<32xf32>
    %broadcast_in_dim3A_1492 = vector.shape_cast %reduce_sum3A_1491 : vector<32xf32> to vector<32x1xf32>
    %log3A_1493 = math.log %broadcast_in_dim3A_1492 : vector<32x1xf32>
    %add3A_1494 = arith.addf %log3A_1493, %broadcast_in_dim3A_1486 : vector<32x1xf32>
    %get3A_1495 = arith.constant 62 : index
    %get3A_1496 = arith.constant 0 : index
    %get3A_1497 = arith.constant 0 : index
    %get3A_1498 = vector.load %arg1[%get3A_1495, %get3A_1496, %get3A_1497] : memref<64x512x32xf32, #tpu.memory_space<vmem>>, vector<1x512x32xf32>
    %get3A_1499 = vector.shape_cast %get3A_1498 : vector<1x512x32xf32> to vector<512x32xf32>
    %transpose3A_1500 = tpu.transpose %get3A_1499, [1, 0] : vector<512x32xf32> -> vector<32x512xf32>
    %sub3A_1501 = vector.broadcast %add3A_1494 : vector<32x1xf32> to vector<32x512xf32>
    %sub3A_1502 = arith.subf %transpose3A_1500, %sub3A_1501 : vector<32x512xf32>
    %get3A_1503 = arith.constant 63 : index
    %get3A_1504 = arith.constant 0 : index
    %get3A_1505 = arith.constant 0 : index
    %get3A_1506 = vector.load %arg0[%get3A_1503, %get3A_1504, %get3A_1505] : memref<64x32x256xf32, #tpu.memory_space<vmem>>, vector<1x32x256xf32>
    %get3A_1507 = vector.shape_cast %get3A_1506 : vector<1x32x256xf32> to vector<32x256xf32>
    %reduce_max3A_1508 = arith.constant dense<0xFF800000> : vector<32xf32>
    %reduce_max3A_1509 = vector.multi_reduction <maximumf>, %get3A_1507, %reduce_max3A_1508 [1] : vector<32x256xf32> to vector<32xf32>
    %broadcast_in_dim3A_1510 = vector.shape_cast %reduce_max3A_1509 : vector<32xf32> to vector<32x1xf32>
    %sub3A_1511 = vector.broadcast %broadcast_in_dim3A_1510 : vector<32x1xf32> to vector<32x256xf32>
    %sub3A_1512 = arith.subf %get3A_1507, %sub3A_1511 : vector<32x256xf32>
    %exp3A_1513 = math.exp %sub3A_1512 : vector<32x256xf32>
    %reduce_sum3A_1514 = arith.constant dense<0.000000e+00> : vector<32xf32>
    %reduce_sum3A_1515 = vector.multi_reduction <add>, %exp3A_1513, %reduce_sum3A_1514 [1] : vector<32x256xf32> to vector<32xf32>
    %broadcast_in_dim3A_1516 = vector.shape_cast %reduce_sum3A_1515 : vector<32xf32> to vector<32x1xf32>
    %log3A_1517 = math.log %broadcast_in_dim3A_1516 : vector<32x1xf32>
    %add3A_1518 = arith.addf %log3A_1517, %broadcast_in_dim3A_1510 : vector<32x1xf32>
    %get3A_1519 = arith.constant 63 : index
    %get3A_1520 = arith.constant 0 : index
    %get3A_1521 = arith.constant 0 : index
    %get3A_1522 = vector.load %arg1[%get3A_1519, %get3A_1520, %get3A_1521] : memref<64x512x32xf32, #tpu.memory_space<vmem>>, vector<1x512x32xf32>
    %get3A_1523 = vector.shape_cast %get3A_1522 : vector<1x512x32xf32> to vector<512x32xf32>
    %transpose3A_1524 = tpu.transpose %get3A_1523, [1, 0] : vector<512x32xf32> -> vector<32x512xf32>
    %sub3A_1525 = vector.broadcast %add3A_1518 : vector<32x1xf32> to vector<32x512xf32>
    %sub3A_1526 = arith.subf %transpose3A_1524, %sub3A_1525 : vector<32x512xf32>
    %reduce_max3A_1527 = arith.constant dense<0xFF800000> : vector<512xf32>
    %reduce_max3A_1528 = vector.multi_reduction <maximumf>, %sub3A_14, %reduce_max3A_1527 [0] : vector<32x512xf32> to vector<512xf32>
    %broadcast_in_dim3A_1529 = vector.shape_cast %reduce_max3A_1528 : vector<512xf32> to vector<1x512xf32>
    %reduce_max3A_1530 = arith.constant dense<0xFF800000> : vector<512xf32>
    %reduce_max3A_1531 = vector.multi_reduction <maximumf>, %sub3A_38, %reduce_max3A_1530 [0] : vector<32x512xf32> to vector<512xf32>
    %broadcast_in_dim3A_1532 = vector.shape_cast %reduce_max3A_1531 : vector<512xf32> to vector<1x512xf32>
    %sub3A_1533 = vector.broadcast %broadcast_in_dim3A_1529 : vector<1x512xf32> to vector<32x512xf32>
    %sub3A_1534 = arith.subf %sub3A_14, %sub3A_1533 : vector<32x512xf32>
    %exp3A_1535 = math.exp %sub3A_1534 : vector<32x512xf32>
    %convert_element_type3A = arith.truncf %exp3A_1535 : vector<32x512xf32> to vector<32x512xbf16>
    %sub3A_1536 = vector.broadcast %broadcast_in_dim3A_1532 : vector<1x512xf32> to vector<32x512xf32>
    %sub3A_1537 = arith.subf %sub3A_38, %sub3A_1536 : vector<32x512xf32>
    %exp3A_1538 = math.exp %sub3A_1537 : vector<32x512xf32>
    %convert_element_type3A_1539 = arith.truncf %exp3A_1538 : vector<32x512xf32> to vector<32x512xbf16>
    %broadcast_in_dim3A_1540 = vector.shape_cast %convert_element_type3A : vector<32x512xbf16> to vector<32x1x512xbf16>
    %broadcast_in_dim3A_1541 = vector.shape_cast %convert_element_type3A_1539 : vector<32x512xbf16> to vector<1x32x512xbf16>
    %mul3A = vector.broadcast %broadcast_in_dim3A_1540 : vector<32x1x512xbf16> to vector<32x32x512xbf16>
    %mul3A_1542 = vector.broadcast %broadcast_in_dim3A_1541 : vector<1x32x512xbf16> to vector<32x32x512xbf16>
    %mul3A_1543 = arith.mulf %mul3A, %mul3A_1542 : vector<32x32x512xbf16>
    %reshape3A = vector.shape_cast %mul3A_1543 : vector<32x32x512xbf16> to vector<1024x512xbf16>
    %get3A_1544 = arith.constant 0 : index
    %get3A_1545 = arith.constant 0 : index
    %get3A_1546 = arith.constant 0 : index
    %get3A_1547 = vector.load %arg2[%get3A_1544, %get3A_1545, %get3A_1546] : memref<32x32x1024xf32, #tpu.memory_space<vmem>>, vector<1x32x1024xf32>
    %get3A_1548 = vector.shape_cast %get3A_1547 : vector<1x32x1024xf32> to vector<32x1024xf32>
    %reduce_max3A_1549 = arith.constant dense<0xFF800000> : vector<32xf32>
    %reduce_max3A_1550 = vector.multi_reduction <maximumf>, %get3A_1548, %reduce_max3A_1549 [1] : vector<32x1024xf32> to vector<32xf32>
    %broadcast_in_dim3A_1551 = vector.shape_cast %reduce_max3A_1550 : vector<32xf32> to vector<32x1xf32>
    %sub3A_1552 = vector.broadcast %broadcast_in_dim3A_1551 : vector<32x1xf32> to vector<32x1024xf32>
    %sub3A_1553 = arith.subf %get3A_1548, %sub3A_1552 : vector<32x1024xf32>
    %exp3A_1554 = math.exp %sub3A_1553 : vector<32x1024xf32>
    %reduce_sum3A_1555 = arith.constant dense<0.000000e+00> : vector<32xf32>
    %reduce_sum3A_1556 = vector.multi_reduction <add>, %exp3A_1554, %reduce_sum3A_1555 [1] : vector<32x1024xf32> to vector<32xf32>
    %broadcast_in_dim3A_1557 = vector.shape_cast %reduce_sum3A_1556 : vector<32xf32> to vector<32x1xf32>
    %div3A = vector.broadcast %broadcast_in_dim3A_1557 : vector<32x1xf32> to vector<32x1024xf32>
    %div3A_1558 = arith.divf %exp3A_1554, %div3A : vector<32x1024xf32>
    %convert_element_type3A_1559 = arith.truncf %div3A_1558 : vector<32x1024xf32> to vector<32x1024xbf16>
    %dot_general3A = arith.constant dense<0.000000e+00> : vector<32x512xf32>
    %dot_general3A_1560 = tpu.matmul %convert_element_type3A_1559, %reshape3A, %dot_general3A {dimension_numbers = #tpu.dot_dimension_numbers<[1], [0], [0], [1], [0, 0, 1, 1], [], []>, transpose_lhs_hint = false} : vector<32x1024xbf16>, vector<1024x512xbf16>, vector<32x512xf32> -> vector<32x512xf32>
    %add3A_1561 = arith.constant 9.99999991E-38 : f32
    %add3A_1562 = vector.broadcast %add3A_1561 : f32 to vector<32x512xf32>
    %add3A_1563 = arith.addf %dot_general3A_1560, %add3A_1562 : vector<32x512xf32>
    %log3A_1564 = math.log %add3A_1563 : vector<32x512xf32>
    %add3A_1565 = arith.addf %broadcast_in_dim3A_1529, %broadcast_in_dim3A_1532 : vector<1x512xf32>
    %add3A_1566 = vector.broadcast %add3A_1565 : vector<1x512xf32> to vector<32x512xf32>
    %add3A_1567 = arith.addf %log3A_1564, %add3A_1566 : vector<32x512xf32>
    %reduce_max3A_1568 = arith.constant dense<0xFF800000> : vector<512xf32>
    %reduce_max3A_1569 = vector.multi_reduction <maximumf>, %sub3A_62, %reduce_max3A_1568 [0] : vector<32x512xf32> to vector<512xf32>
    %broadcast_in_dim3A_1570 = vector.shape_cast %reduce_max3A_1569 : vector<512xf32> to vector<1x512xf32>
    %reduce_max3A_1571 = arith.constant dense<0xFF800000> : vector<512xf32>
    %reduce_max3A_1572 = vector.multi_reduction <maximumf>, %sub3A_86, %reduce_max3A_1571 [0] : vector<32x512xf32> to vector<512xf32>
    %broadcast_in_dim3A_1573 = vector.shape_cast %reduce_max3A_1572 : vector<512xf32> to vector<1x512xf32>
    %sub3A_1574 = vector.broadcast %broadcast_in_dim3A_1570 : vector<1x512xf32> to vector<32x512xf32>
    %sub3A_1575 = arith.subf %sub3A_62, %sub3A_1574 : vector<32x512xf32>
    %exp3A_1576 = math.exp %sub3A_1575 : vector<32x512xf32>
    %convert_element_type3A_1577 = arith.truncf %exp3A_1576 : vector<32x512xf32> to vector<32x512xbf16>
    %sub3A_1578 = vector.broadcast %broadcast_in_dim3A_1573 : vector<1x512xf32> to vector<32x512xf32>
    %sub3A_1579 = arith.subf %sub3A_86, %sub3A_1578 : vector<32x512xf32>
    %exp3A_1580 = math.exp %sub3A_1579 : vector<32x512xf32>
    %convert_element_type3A_1581 = arith.truncf %exp3A_1580 : vector<32x512xf32> to vector<32x512xbf16>
    %broadcast_in_dim3A_1582 = vector.shape_cast %convert_element_type3A_1577 : vector<32x512xbf16> to vector<32x1x512xbf16>
    %broadcast_in_dim3A_1583 = vector.shape_cast %convert_element_type3A_1581 : vector<32x512xbf16> to vector<1x32x512xbf16>
    %mul3A_1584 = vector.broadcast %broadcast_in_dim3A_1582 : vector<32x1x512xbf16> to vector<32x32x512xbf16>
    %mul3A_1585 = vector.broadcast %broadcast_in_dim3A_1583 : vector<1x32x512xbf16> to vector<32x32x512xbf16>
    %mul3A_1586 = arith.mulf %mul3A_1584, %mul3A_1585 : vector<32x32x512xbf16>
    %reshape3A_1587 = vector.shape_cast %mul3A_1586 : vector<32x32x512xbf16> to vector<1024x512xbf16>
    %get3A_1588 = arith.constant 1 : index
    %get3A_1589 = arith.constant 0 : index
    %get3A_1590 = arith.constant 0 : index
    %get3A_1591 = vector.load %arg2[%get3A_1588, %get3A_1589, %get3A_1590] : memref<32x32x1024xf32, #tpu.memory_space<vmem>>, vector<1x32x1024xf32>
    %get3A_1592 = vector.shape_cast %get3A_1591 : vector<1x32x1024xf32> to vector<32x1024xf32>
    %reduce_max3A_1593 = arith.constant dense<0xFF800000> : vector<32xf32>
    %reduce_max3A_1594 = vector.multi_reduction <maximumf>, %get3A_1592, %reduce_max3A_1593 [1] : vector<32x1024xf32> to vector<32xf32>
    %broadcast_in_dim3A_1595 = vector.shape_cast %reduce_max3A_1594 : vector<32xf32> to vector<32x1xf32>
    %sub3A_1596 = vector.broadcast %broadcast_in_dim3A_1595 : vector<32x1xf32> to vector<32x1024xf32>
    %sub3A_1597 = arith.subf %get3A_1592, %sub3A_1596 : vector<32x1024xf32>
    %exp3A_1598 = math.exp %sub3A_1597 : vector<32x1024xf32>
    %reduce_sum3A_1599 = arith.constant dense<0.000000e+00> : vector<32xf32>
    %reduce_sum3A_1600 = vector.multi_reduction <add>, %exp3A_1598, %reduce_sum3A_1599 [1] : vector<32x1024xf32> to vector<32xf32>
    %broadcast_in_dim3A_1601 = vector.shape_cast %reduce_sum3A_1600 : vector<32xf32> to vector<32x1xf32>
    %div3A_1602 = vector.broadcast %broadcast_in_dim3A_1601 : vector<32x1xf32> to vector<32x1024xf32>
    %div3A_1603 = arith.divf %exp3A_1598, %div3A_1602 : vector<32x1024xf32>
    %convert_element_type3A_1604 = arith.truncf %div3A_1603 : vector<32x1024xf32> to vector<32x1024xbf16>
    %dot_general3A_1605 = arith.constant dense<0.000000e+00> : vector<32x512xf32>
    %dot_general3A_1606 = tpu.matmul %convert_element_type3A_1604, %reshape3A_1587, %dot_general3A_1605 {dimension_numbers = #tpu.dot_dimension_numbers<[1], [0], [0], [1], [0, 0, 1, 1], [], []>, transpose_lhs_hint = false} : vector<32x1024xbf16>, vector<1024x512xbf16>, vector<32x512xf32> -> vector<32x512xf32>
    %add3A_1607 = arith.constant 9.99999991E-38 : f32
    %add3A_1608 = vector.broadcast %add3A_1607 : f32 to vector<32x512xf32>
    %add3A_1609 = arith.addf %dot_general3A_1606, %add3A_1608 : vector<32x512xf32>
    %log3A_1610 = math.log %add3A_1609 : vector<32x512xf32>
    %add3A_1611 = arith.addf %broadcast_in_dim3A_1570, %broadcast_in_dim3A_1573 : vector<1x512xf32>
    %add3A_1612 = vector.broadcast %add3A_1611 : vector<1x512xf32> to vector<32x512xf32>
    %add3A_1613 = arith.addf %log3A_1610, %add3A_1612 : vector<32x512xf32>
    %reduce_max3A_1614 = arith.constant dense<0xFF800000> : vector<512xf32>
    %reduce_max3A_1615 = vector.multi_reduction <maximumf>, %sub3A_110, %reduce_max3A_1614 [0] : vector<32x512xf32> to vector<512xf32>
    %broadcast_in_dim3A_1616 = vector.shape_cast %reduce_max3A_1615 : vector<512xf32> to vector<1x512xf32>
    %reduce_max3A_1617 = arith.constant dense<0xFF800000> : vector<512xf32>
    %reduce_max3A_1618 = vector.multi_reduction <maximumf>, %sub3A_134, %reduce_max3A_1617 [0] : vector<32x512xf32> to vector<512xf32>
    %broadcast_in_dim3A_1619 = vector.shape_cast %reduce_max3A_1618 : vector<512xf32> to vector<1x512xf32>
    %sub3A_1620 = vector.broadcast %broadcast_in_dim3A_1616 : vector<1x512xf32> to vector<32x512xf32>
    %sub3A_1621 = arith.subf %sub3A_110, %sub3A_1620 : vector<32x512xf32>
    %exp3A_1622 = math.exp %sub3A_1621 : vector<32x512xf32>
    %convert_element_type3A_1623 = arith.truncf %exp3A_1622 : vector<32x512xf32> to vector<32x512xbf16>
    %sub3A_1624 = vector.broadcast %broadcast_in_dim3A_1619 : vector<1x512xf32> to vector<32x512xf32>
    %sub3A_1625 = arith.subf %sub3A_134, %sub3A_1624 : vector<32x512xf32>
    %exp3A_1626 = math.exp %sub3A_1625 : vector<32x512xf32>
    %convert_element_type3A_1627 = arith.truncf %exp3A_1626 : vector<32x512xf32> to vector<32x512xbf16>
    %broadcast_in_dim3A_1628 = vector.shape_cast %convert_element_type3A_1623 : vector<32x512xbf16> to vector<32x1x512xbf16>
    %broadcast_in_dim3A_1629 = vector.shape_cast %convert_element_type3A_1627 : vector<32x512xbf16> to vector<1x32x512xbf16>
    %mul3A_1630 = vector.broadcast %broadcast_in_dim3A_1628 : vector<32x1x512xbf16> to vector<32x32x512xbf16>
    %mul3A_1631 = vector.broadcast %broadcast_in_dim3A_1629 : vector<1x32x512xbf16> to vector<32x32x512xbf16>
    %mul3A_1632 = arith.mulf %mul3A_1630, %mul3A_1631 : vector<32x32x512xbf16>
    %reshape3A_1633 = vector.shape_cast %mul3A_1632 : vector<32x32x512xbf16> to vector<1024x512xbf16>
    %get3A_1634 = arith.constant 2 : index
    %get3A_1635 = arith.constant 0 : index
    %get3A_1636 = arith.constant 0 : index
    %get3A_1637 = vector.load %arg2[%get3A_1634, %get3A_1635, %get3A_1636] : memref<32x32x1024xf32, #tpu.memory_space<vmem>>, vector<1x32x1024xf32>
    %get3A_1638 = vector.shape_cast %get3A_1637 : vector<1x32x1024xf32> to vector<32x1024xf32>
    %reduce_max3A_1639 = arith.constant dense<0xFF800000> : vector<32xf32>
    %reduce_max3A_1640 = vector.multi_reduction <maximumf>, %get3A_1638, %reduce_max3A_1639 [1] : vector<32x1024xf32> to vector<32xf32>
    %broadcast_in_dim3A_1641 = vector.shape_cast %reduce_max3A_1640 : vector<32xf32> to vector<32x1xf32>
    %sub3A_1642 = vector.broadcast %broadcast_in_dim3A_1641 : vector<32x1xf32> to vector<32x1024xf32>
    %sub3A_1643 = arith.subf %get3A_1638, %sub3A_1642 : vector<32x1024xf32>
    %exp3A_1644 = math.exp %sub3A_1643 : vector<32x1024xf32>
    %reduce_sum3A_1645 = arith.constant dense<0.000000e+00> : vector<32xf32>
    %reduce_sum3A_1646 = vector.multi_reduction <add>, %exp3A_1644, %reduce_sum3A_1645 [1] : vector<32x1024xf32> to vector<32xf32>
    %broadcast_in_dim3A_1647 = vector.shape_cast %reduce_sum3A_1646 : vector<32xf32> to vector<32x1xf32>
    %div3A_1648 = vector.broadcast %broadcast_in_dim3A_1647 : vector<32x1xf32> to vector<32x1024xf32>
    %div3A_1649 = arith.divf %exp3A_1644, %div3A_1648 : vector<32x1024xf32>
    %convert_element_type3A_1650 = arith.truncf %div3A_1649 : vector<32x1024xf32> to vector<32x1024xbf16>
    %dot_general3A_1651 = arith.constant dense<0.000000e+00> : vector<32x512xf32>
    %dot_general3A_1652 = tpu.matmul %convert_element_type3A_1650, %reshape3A_1633, %dot_general3A_1651 {dimension_numbers = #tpu.dot_dimension_numbers<[1], [0], [0], [1], [0, 0, 1, 1], [], []>, transpose_lhs_hint = false} : vector<32x1024xbf16>, vector<1024x512xbf16>, vector<32x512xf32> -> vector<32x512xf32>
    %add3A_1653 = arith.constant 9.99999991E-38 : f32
    %add3A_1654 = vector.broadcast %add3A_1653 : f32 to vector<32x512xf32>
    %add3A_1655 = arith.addf %dot_general3A_1652, %add3A_1654 : vector<32x512xf32>
    %log3A_1656 = math.log %add3A_1655 : vector<32x512xf32>
    %add3A_1657 = arith.addf %broadcast_in_dim3A_1616, %broadcast_in_dim3A_1619 : vector<1x512xf32>
    %add3A_1658 = vector.broadcast %add3A_1657 : vector<1x512xf32> to vector<32x512xf32>
    %add3A_1659 = arith.addf %log3A_1656, %add3A_1658 : vector<32x512xf32>
    %reduce_max3A_1660 = arith.constant dense<0xFF800000> : vector<512xf32>
    %reduce_max3A_1661 = vector.multi_reduction <maximumf>, %sub3A_158, %reduce_max3A_1660 [0] : vector<32x512xf32> to vector<512xf32>
    %broadcast_in_dim3A_1662 = vector.shape_cast %reduce_max3A_1661 : vector<512xf32> to vector<1x512xf32>
    %reduce_max3A_1663 = arith.constant dense<0xFF800000> : vector<512xf32>
    %reduce_max3A_1664 = vector.multi_reduction <maximumf>, %sub3A_182, %reduce_max3A_1663 [0] : vector<32x512xf32> to vector<512xf32>
    %broadcast_in_dim3A_1665 = vector.shape_cast %reduce_max3A_1664 : vector<512xf32> to vector<1x512xf32>
    %sub3A_1666 = vector.broadcast %broadcast_in_dim3A_1662 : vector<1x512xf32> to vector<32x512xf32>
    %sub3A_1667 = arith.subf %sub3A_158, %sub3A_1666 : vector<32x512xf32>
    %exp3A_1668 = math.exp %sub3A_1667 : vector<32x512xf32>
    %convert_element_type3A_1669 = arith.truncf %exp3A_1668 : vector<32x512xf32> to vector<32x512xbf16>
    %sub3A_1670 = vector.broadcast %broadcast_in_dim3A_1665 : vector<1x512xf32> to vector<32x512xf32>
    %sub3A_1671 = arith.subf %sub3A_182, %sub3A_1670 : vector<32x512xf32>
    %exp3A_1672 = math.exp %sub3A_1671 : vector<32x512xf32>
    %convert_element_type3A_1673 = arith.truncf %exp3A_1672 : vector<32x512xf32> to vector<32x512xbf16>
    %broadcast_in_dim3A_1674 = vector.shape_cast %convert_element_type3A_1669 : vector<32x512xbf16> to vector<32x1x512xbf16>
    %broadcast_in_dim3A_1675 = vector.shape_cast %convert_element_type3A_1673 : vector<32x512xbf16> to vector<1x32x512xbf16>
    %mul3A_1676 = vector.broadcast %broadcast_in_dim3A_1674 : vector<32x1x512xbf16> to vector<32x32x512xbf16>
    %mul3A_1677 = vector.broadcast %broadcast_in_dim3A_1675 : vector<1x32x512xbf16> to vector<32x32x512xbf16>
    %mul3A_1678 = arith.mulf %mul3A_1676, %mul3A_1677 : vector<32x32x512xbf16>
    %reshape3A_1679 = vector.shape_cast %mul3A_1678 : vector<32x32x512xbf16> to vector<1024x512xbf16>
    %get3A_1680 = arith.constant 3 : index
    %get3A_1681 = arith.constant 0 : index
    %get3A_1682 = arith.constant 0 : index
    %get3A_1683 = vector.load %arg2[%get3A_1680, %get3A_1681, %get3A_1682] : memref<32x32x1024xf32, #tpu.memory_space<vmem>>, vector<1x32x1024xf32>
    %get3A_1684 = vector.shape_cast %get3A_1683 : vector<1x32x1024xf32> to vector<32x1024xf32>
    %reduce_max3A_1685 = arith.constant dense<0xFF800000> : vector<32xf32>
    %reduce_max3A_1686 = vector.multi_reduction <maximumf>, %get3A_1684, %reduce_max3A_1685 [1] : vector<32x1024xf32> to vector<32xf32>
    %broadcast_in_dim3A_1687 = vector.shape_cast %reduce_max3A_1686 : vector<32xf32> to vector<32x1xf32>
    %sub3A_1688 = vector.broadcast %broadcast_in_dim3A_1687 : vector<32x1xf32> to vector<32x1024xf32>
    %sub3A_1689 = arith.subf %get3A_1684, %sub3A_1688 : vector<32x1024xf32>
    %exp3A_1690 = math.exp %sub3A_1689 : vector<32x1024xf32>
    %reduce_sum3A_1691 = arith.constant dense<0.000000e+00> : vector<32xf32>
    %reduce_sum3A_1692 = vector.multi_reduction <add>, %exp3A_1690, %reduce_sum3A_1691 [1] : vector<32x1024xf32> to vector<32xf32>
    %broadcast_in_dim3A_1693 = vector.shape_cast %reduce_sum3A_1692 : vector<32xf32> to vector<32x1xf32>
    %div3A_1694 = vector.broadcast %broadcast_in_dim3A_1693 : vector<32x1xf32> to vector<32x1024xf32>
    %div3A_1695 = arith.divf %exp3A_1690, %div3A_1694 : vector<32x1024xf32>
    %convert_element_type3A_1696 = arith.truncf %div3A_1695 : vector<32x1024xf32> to vector<32x1024xbf16>
    %dot_general3A_1697 = arith.constant dense<0.000000e+00> : vector<32x512xf32>
    %dot_general3A_1698 = tpu.matmul %convert_element_type3A_1696, %reshape3A_1679, %dot_general3A_1697 {dimension_numbers = #tpu.dot_dimension_numbers<[1], [0], [0], [1], [0, 0, 1, 1], [], []>, transpose_lhs_hint = false} : vector<32x1024xbf16>, vector<1024x512xbf16>, vector<32x512xf32> -> vector<32x512xf32>
    %add3A_1699 = arith.constant 9.99999991E-38 : f32
    %add3A_1700 = vector.broadcast %add3A_1699 : f32 to vector<32x512xf32>
    %add3A_1701 = arith.addf %dot_general3A_1698, %add3A_1700 : vector<32x512xf32>
    %log3A_1702 = math.log %add3A_1701 : vector<32x512xf32>
    %add3A_1703 = arith.addf %broadcast_in_dim3A_1662, %broadcast_in_dim3A_1665 : vector<1x512xf32>
    %add3A_1704 = vector.broadcast %add3A_1703 : vector<1x512xf32> to vector<32x512xf32>
    %add3A_1705 = arith.addf %log3A_1702, %add3A_1704 : vector<32x512xf32>
    %reduce_max3A_1706 = arith.constant dense<0xFF800000> : vector<512xf32>
    %reduce_max3A_1707 = vector.multi_reduction <maximumf>, %sub3A_206, %reduce_max3A_1706 [0] : vector<32x512xf32> to vector<512xf32>
    %broadcast_in_dim3A_1708 = vector.shape_cast %reduce_max3A_1707 : vector<512xf32> to vector<1x512xf32>
    %reduce_max3A_1709 = arith.constant dense<0xFF800000> : vector<512xf32>
    %reduce_max3A_1710 = vector.multi_reduction <maximumf>, %sub3A_230, %reduce_max3A_1709 [0] : vector<32x512xf32> to vector<512xf32>
    %broadcast_in_dim3A_1711 = vector.shape_cast %reduce_max3A_1710 : vector<512xf32> to vector<1x512xf32>
    %sub3A_1712 = vector.broadcast %broadcast_in_dim3A_1708 : vector<1x512xf32> to vector<32x512xf32>
    %sub3A_1713 = arith.subf %sub3A_206, %sub3A_1712 : vector<32x512xf32>
    %exp3A_1714 = math.exp %sub3A_1713 : vector<32x512xf32>
    %convert_element_type3A_1715 = arith.truncf %exp3A_1714 : vector<32x512xf32> to vector<32x512xbf16>
    %sub3A_1716 = vector.broadcast %broadcast_in_dim3A_1711 : vector<1x512xf32> to vector<32x512xf32>
    %sub3A_1717 = arith.subf %sub3A_230, %sub3A_1716 : vector<32x512xf32>
    %exp3A_1718 = math.exp %sub3A_1717 : vector<32x512xf32>
    %convert_element_type3A_1719 = arith.truncf %exp3A_1718 : vector<32x512xf32> to vector<32x512xbf16>
    %broadcast_in_dim3A_1720 = vector.shape_cast %convert_element_type3A_1715 : vector<32x512xbf16> to vector<32x1x512xbf16>
    %broadcast_in_dim3A_1721 = vector.shape_cast %convert_element_type3A_1719 : vector<32x512xbf16> to vector<1x32x512xbf16>
    %mul3A_1722 = vector.broadcast %broadcast_in_dim3A_1720 : vector<32x1x512xbf16> to vector<32x32x512xbf16>
    %mul3A_1723 = vector.broadcast %broadcast_in_dim3A_1721 : vector<1x32x512xbf16> to vector<32x32x512xbf16>
    %mul3A_1724 = arith.mulf %mul3A_1722, %mul3A_1723 : vector<32x32x512xbf16>
    %reshape3A_1725 = vector.shape_cast %mul3A_1724 : vector<32x32x512xbf16> to vector<1024x512xbf16>
    %get3A_1726 = arith.constant 4 : index
    %get3A_1727 = arith.constant 0 : index
    %get3A_1728 = arith.constant 0 : index
    %get3A_1729 = vector.load %arg2[%get3A_1726, %get3A_1727, %get3A_1728] : memref<32x32x1024xf32, #tpu.memory_space<vmem>>, vector<1x32x1024xf32>
    %get3A_1730 = vector.shape_cast %get3A_1729 : vector<1x32x1024xf32> to vector<32x1024xf32>
    %reduce_max3A_1731 = arith.constant dense<0xFF800000> : vector<32xf32>
    %reduce_max3A_1732 = vector.multi_reduction <maximumf>, %get3A_1730, %reduce_max3A_1731 [1] : vector<32x1024xf32> to vector<32xf32>
    %broadcast_in_dim3A_1733 = vector.shape_cast %reduce_max3A_1732 : vector<32xf32> to vector<32x1xf32>
    %sub3A_1734 = vector.broadcast %broadcast_in_dim3A_1733 : vector<32x1xf32> to vector<32x1024xf32>
    %sub3A_1735 = arith.subf %get3A_1730, %sub3A_1734 : vector<32x1024xf32>
    %exp3A_1736 = math.exp %sub3A_1735 : vector<32x1024xf32>
    %reduce_sum3A_1737 = arith.constant dense<0.000000e+00> : vector<32xf32>
    %reduce_sum3A_1738 = vector.multi_reduction <add>, %exp3A_1736, %reduce_sum3A_1737 [1] : vector<32x1024xf32> to vector<32xf32>
    %broadcast_in_dim3A_1739 = vector.shape_cast %reduce_sum3A_1738 : vector<32xf32> to vector<32x1xf32>
    %div3A_1740 = vector.broadcast %broadcast_in_dim3A_1739 : vector<32x1xf32> to vector<32x1024xf32>
    %div3A_1741 = arith.divf %exp3A_1736, %div3A_1740 : vector<32x1024xf32>
    %convert_element_type3A_1742 = arith.truncf %div3A_1741 : vector<32x1024xf32> to vector<32x1024xbf16>
    %dot_general3A_1743 = arith.constant dense<0.000000e+00> : vector<32x512xf32>
    %dot_general3A_1744 = tpu.matmul %convert_element_type3A_1742, %reshape3A_1725, %dot_general3A_1743 {dimension_numbers = #tpu.dot_dimension_numbers<[1], [0], [0], [1], [0, 0, 1, 1], [], []>, transpose_lhs_hint = false} : vector<32x1024xbf16>, vector<1024x512xbf16>, vector<32x512xf32> -> vector<32x512xf32>
    %add3A_1745 = arith.constant 9.99999991E-38 : f32
    %add3A_1746 = vector.broadcast %add3A_1745 : f32 to vector<32x512xf32>
    %add3A_1747 = arith.addf %dot_general3A_1744, %add3A_1746 : vector<32x512xf32>
    %log3A_1748 = math.log %add3A_1747 : vector<32x512xf32>
    %add3A_1749 = arith.addf %broadcast_in_dim3A_1708, %broadcast_in_dim3A_1711 : vector<1x512xf32>
    %add3A_1750 = vector.broadcast %add3A_1749 : vector<1x512xf32> to vector<32x512xf32>
    %add3A_1751 = arith.addf %log3A_1748, %add3A_1750 : vector<32x512xf32>
    %reduce_max3A_1752 = arith.constant dense<0xFF800000> : vector<512xf32>
    %reduce_max3A_1753 = vector.multi_reduction <maximumf>, %sub3A_254, %reduce_max3A_1752 [0] : vector<32x512xf32> to vector<512xf32>
    %broadcast_in_dim3A_1754 = vector.shape_cast %reduce_max3A_1753 : vector<512xf32> to vector<1x512xf32>
    %reduce_max3A_1755 = arith.constant dense<0xFF800000> : vector<512xf32>
    %reduce_max3A_1756 = vector.multi_reduction <maximumf>, %sub3A_278, %reduce_max3A_1755 [0] : vector<32x512xf32> to vector<512xf32>
    %broadcast_in_dim3A_1757 = vector.shape_cast %reduce_max3A_1756 : vector<512xf32> to vector<1x512xf32>
    %sub3A_1758 = vector.broadcast %broadcast_in_dim3A_1754 : vector<1x512xf32> to vector<32x512xf32>
    %sub3A_1759 = arith.subf %sub3A_254, %sub3A_1758 : vector<32x512xf32>
    %exp3A_1760 = math.exp %sub3A_1759 : vector<32x512xf32>
    %convert_element_type3A_1761 = arith.truncf %exp3A_1760 : vector<32x512xf32> to vector<32x512xbf16>
    %sub3A_1762 = vector.broadcast %broadcast_in_dim3A_1757 : vector<1x512xf32> to vector<32x512xf32>
    %sub3A_1763 = arith.subf %sub3A_278, %sub3A_1762 : vector<32x512xf32>
    %exp3A_1764 = math.exp %sub3A_1763 : vector<32x512xf32>
    %convert_element_type3A_1765 = arith.truncf %exp3A_1764 : vector<32x512xf32> to vector<32x512xbf16>
    %broadcast_in_dim3A_1766 = vector.shape_cast %convert_element_type3A_1761 : vector<32x512xbf16> to vector<32x1x512xbf16>
    %broadcast_in_dim3A_1767 = vector.shape_cast %convert_element_type3A_1765 : vector<32x512xbf16> to vector<1x32x512xbf16>
    %mul3A_1768 = vector.broadcast %broadcast_in_dim3A_1766 : vector<32x1x512xbf16> to vector<32x32x512xbf16>
    %mul3A_1769 = vector.broadcast %broadcast_in_dim3A_1767 : vector<1x32x512xbf16> to vector<32x32x512xbf16>
    %mul3A_1770 = arith.mulf %mul3A_1768, %mul3A_1769 : vector<32x32x512xbf16>
    %reshape3A_1771 = vector.shape_cast %mul3A_1770 : vector<32x32x512xbf16> to vector<1024x512xbf16>
    %get3A_1772 = arith.constant 5 : index
    %get3A_1773 = arith.constant 0 : index
    %get3A_1774 = arith.constant 0 : index
    %get3A_1775 = vector.load %arg2[%get3A_1772, %get3A_1773, %get3A_1774] : memref<32x32x1024xf32, #tpu.memory_space<vmem>>, vector<1x32x1024xf32>
    %get3A_1776 = vector.shape_cast %get3A_1775 : vector<1x32x1024xf32> to vector<32x1024xf32>
    %reduce_max3A_1777 = arith.constant dense<0xFF800000> : vector<32xf32>
    %reduce_max3A_1778 = vector.multi_reduction <maximumf>, %get3A_1776, %reduce_max3A_1777 [1] : vector<32x1024xf32> to vector<32xf32>
    %broadcast_in_dim3A_1779 = vector.shape_cast %reduce_max3A_1778 : vector<32xf32> to vector<32x1xf32>
    %sub3A_1780 = vector.broadcast %broadcast_in_dim3A_1779 : vector<32x1xf32> to vector<32x1024xf32>
    %sub3A_1781 = arith.subf %get3A_1776, %sub3A_1780 : vector<32x1024xf32>
    %exp3A_1782 = math.exp %sub3A_1781 : vector<32x1024xf32>
    %reduce_sum3A_1783 = arith.constant dense<0.000000e+00> : vector<32xf32>
    %reduce_sum3A_1784 = vector.multi_reduction <add>, %exp3A_1782, %reduce_sum3A_1783 [1] : vector<32x1024xf32> to vector<32xf32>
    %broadcast_in_dim3A_1785 = vector.shape_cast %reduce_sum3A_1784 : vector<32xf32> to vector<32x1xf32>
    %div3A_1786 = vector.broadcast %broadcast_in_dim3A_1785 : vector<32x1xf32> to vector<32x1024xf32>
    %div3A_1787 = arith.divf %exp3A_1782, %div3A_1786 : vector<32x1024xf32>
    %convert_element_type3A_1788 = arith.truncf %div3A_1787 : vector<32x1024xf32> to vector<32x1024xbf16>
    %dot_general3A_1789 = arith.constant dense<0.000000e+00> : vector<32x512xf32>
    %dot_general3A_1790 = tpu.matmul %convert_element_type3A_1788, %reshape3A_1771, %dot_general3A_1789 {dimension_numbers = #tpu.dot_dimension_numbers<[1], [0], [0], [1], [0, 0, 1, 1], [], []>, transpose_lhs_hint = false} : vector<32x1024xbf16>, vector<1024x512xbf16>, vector<32x512xf32> -> vector<32x512xf32>
    %add3A_1791 = arith.constant 9.99999991E-38 : f32
    %add3A_1792 = vector.broadcast %add3A_1791 : f32 to vector<32x512xf32>
    %add3A_1793 = arith.addf %dot_general3A_1790, %add3A_1792 : vector<32x512xf32>
    %log3A_1794 = math.log %add3A_1793 : vector<32x512xf32>
    %add3A_1795 = arith.addf %broadcast_in_dim3A_1754, %broadcast_in_dim3A_1757 : vector<1x512xf32>
    %add3A_1796 = vector.broadcast %add3A_1795 : vector<1x512xf32> to vector<32x512xf32>
    %add3A_1797 = arith.addf %log3A_1794, %add3A_1796 : vector<32x512xf32>
    %reduce_max3A_1798 = arith.constant dense<0xFF800000> : vector<512xf32>
    %reduce_max3A_1799 = vector.multi_reduction <maximumf>, %sub3A_302, %reduce_max3A_1798 [0] : vector<32x512xf32> to vector<512xf32>
    %broadcast_in_dim3A_1800 = vector.shape_cast %reduce_max3A_1799 : vector<512xf32> to vector<1x512xf32>
    %reduce_max3A_1801 = arith.constant dense<0xFF800000> : vector<512xf32>
    %reduce_max3A_1802 = vector.multi_reduction <maximumf>, %sub3A_326, %reduce_max3A_1801 [0] : vector<32x512xf32> to vector<512xf32>
    %broadcast_in_dim3A_1803 = vector.shape_cast %reduce_max3A_1802 : vector<512xf32> to vector<1x512xf32>
    %sub3A_1804 = vector.broadcast %broadcast_in_dim3A_1800 : vector<1x512xf32> to vector<32x512xf32>
    %sub3A_1805 = arith.subf %sub3A_302, %sub3A_1804 : vector<32x512xf32>
    %exp3A_1806 = math.exp %sub3A_1805 : vector<32x512xf32>
    %convert_element_type3A_1807 = arith.truncf %exp3A_1806 : vector<32x512xf32> to vector<32x512xbf16>
    %sub3A_1808 = vector.broadcast %broadcast_in_dim3A_1803 : vector<1x512xf32> to vector<32x512xf32>
    %sub3A_1809 = arith.subf %sub3A_326, %sub3A_1808 : vector<32x512xf32>
    %exp3A_1810 = math.exp %sub3A_1809 : vector<32x512xf32>
    %convert_element_type3A_1811 = arith.truncf %exp3A_1810 : vector<32x512xf32> to vector<32x512xbf16>
    %broadcast_in_dim3A_1812 = vector.shape_cast %convert_element_type3A_1807 : vector<32x512xbf16> to vector<32x1x512xbf16>
    %broadcast_in_dim3A_1813 = vector.shape_cast %convert_element_type3A_1811 : vector<32x512xbf16> to vector<1x32x512xbf16>
    %mul3A_1814 = vector.broadcast %broadcast_in_dim3A_1812 : vector<32x1x512xbf16> to vector<32x32x512xbf16>
    %mul3A_1815 = vector.broadcast %broadcast_in_dim3A_1813 : vector<1x32x512xbf16> to vector<32x32x512xbf16>
    %mul3A_1816 = arith.mulf %mul3A_1814, %mul3A_1815 : vector<32x32x512xbf16>
    %reshape3A_1817 = vector.shape_cast %mul3A_1816 : vector<32x32x512xbf16> to vector<1024x512xbf16>
    %get3A_1818 = arith.constant 6 : index
    %get3A_1819 = arith.constant 0 : index
    %get3A_1820 = arith.constant 0 : index
    %get3A_1821 = vector.load %arg2[%get3A_1818, %get3A_1819, %get3A_1820] : memref<32x32x1024xf32, #tpu.memory_space<vmem>>, vector<1x32x1024xf32>
    %get3A_1822 = vector.shape_cast %get3A_1821 : vector<1x32x1024xf32> to vector<32x1024xf32>
    %reduce_max3A_1823 = arith.constant dense<0xFF800000> : vector<32xf32>
    %reduce_max3A_1824 = vector.multi_reduction <maximumf>, %get3A_1822, %reduce_max3A_1823 [1] : vector<32x1024xf32> to vector<32xf32>
    %broadcast_in_dim3A_1825 = vector.shape_cast %reduce_max3A_1824 : vector<32xf32> to vector<32x1xf32>
    %sub3A_1826 = vector.broadcast %broadcast_in_dim3A_1825 : vector<32x1xf32> to vector<32x1024xf32>
    %sub3A_1827 = arith.subf %get3A_1822, %sub3A_1826 : vector<32x1024xf32>
    %exp3A_1828 = math.exp %sub3A_1827 : vector<32x1024xf32>
    %reduce_sum3A_1829 = arith.constant dense<0.000000e+00> : vector<32xf32>
    %reduce_sum3A_1830 = vector.multi_reduction <add>, %exp3A_1828, %reduce_sum3A_1829 [1] : vector<32x1024xf32> to vector<32xf32>
    %broadcast_in_dim3A_1831 = vector.shape_cast %reduce_sum3A_1830 : vector<32xf32> to vector<32x1xf32>
    %div3A_1832 = vector.broadcast %broadcast_in_dim3A_1831 : vector<32x1xf32> to vector<32x1024xf32>
    %div3A_1833 = arith.divf %exp3A_1828, %div3A_1832 : vector<32x1024xf32>
    %convert_element_type3A_1834 = arith.truncf %div3A_1833 : vector<32x1024xf32> to vector<32x1024xbf16>
    %dot_general3A_1835 = arith.constant dense<0.000000e+00> : vector<32x512xf32>
    %dot_general3A_1836 = tpu.matmul %convert_element_type3A_1834, %reshape3A_1817, %dot_general3A_1835 {dimension_numbers = #tpu.dot_dimension_numbers<[1], [0], [0], [1], [0, 0, 1, 1], [], []>, transpose_lhs_hint = false} : vector<32x1024xbf16>, vector<1024x512xbf16>, vector<32x512xf32> -> vector<32x512xf32>
    %add3A_1837 = arith.constant 9.99999991E-38 : f32
    %add3A_1838 = vector.broadcast %add3A_1837 : f32 to vector<32x512xf32>
    %add3A_1839 = arith.addf %dot_general3A_1836, %add3A_1838 : vector<32x512xf32>
    %log3A_1840 = math.log %add3A_1839 : vector<32x512xf32>
    %add3A_1841 = arith.addf %broadcast_in_dim3A_1800, %broadcast_in_dim3A_1803 : vector<1x512xf32>
    %add3A_1842 = vector.broadcast %add3A_1841 : vector<1x512xf32> to vector<32x512xf32>
    %add3A_1843 = arith.addf %log3A_1840, %add3A_1842 : vector<32x512xf32>
    %reduce_max3A_1844 = arith.constant dense<0xFF800000> : vector<512xf32>
    %reduce_max3A_1845 = vector.multi_reduction <maximumf>, %sub3A_350, %reduce_max3A_1844 [0] : vector<32x512xf32> to vector<512xf32>
    %broadcast_in_dim3A_1846 = vector.shape_cast %reduce_max3A_1845 : vector<512xf32> to vector<1x512xf32>
    %reduce_max3A_1847 = arith.constant dense<0xFF800000> : vector<512xf32>
    %reduce_max3A_1848 = vector.multi_reduction <maximumf>, %sub3A_374, %reduce_max3A_1847 [0] : vector<32x512xf32> to vector<512xf32>
    %broadcast_in_dim3A_1849 = vector.shape_cast %reduce_max3A_1848 : vector<512xf32> to vector<1x512xf32>
    %sub3A_1850 = vector.broadcast %broadcast_in_dim3A_1846 : vector<1x512xf32> to vector<32x512xf32>
    %sub3A_1851 = arith.subf %sub3A_350, %sub3A_1850 : vector<32x512xf32>
    %exp3A_1852 = math.exp %sub3A_1851 : vector<32x512xf32>
    %convert_element_type3A_1853 = arith.truncf %exp3A_1852 : vector<32x512xf32> to vector<32x512xbf16>
    %sub3A_1854 = vector.broadcast %broadcast_in_dim3A_1849 : vector<1x512xf32> to vector<32x512xf32>
    %sub3A_1855 = arith.subf %sub3A_374, %sub3A_1854 : vector<32x512xf32>
    %exp3A_1856 = math.exp %sub3A_1855 : vector<32x512xf32>
    %convert_element_type3A_1857 = arith.truncf %exp3A_1856 : vector<32x512xf32> to vector<32x512xbf16>
    %broadcast_in_dim3A_1858 = vector.shape_cast %convert_element_type3A_1853 : vector<32x512xbf16> to vector<32x1x512xbf16>
    %broadcast_in_dim3A_1859 = vector.shape_cast %convert_element_type3A_1857 : vector<32x512xbf16> to vector<1x32x512xbf16>
    %mul3A_1860 = vector.broadcast %broadcast_in_dim3A_1858 : vector<32x1x512xbf16> to vector<32x32x512xbf16>
    %mul3A_1861 = vector.broadcast %broadcast_in_dim3A_1859 : vector<1x32x512xbf16> to vector<32x32x512xbf16>
    %mul3A_1862 = arith.mulf %mul3A_1860, %mul3A_1861 : vector<32x32x512xbf16>
    %reshape3A_1863 = vector.shape_cast %mul3A_1862 : vector<32x32x512xbf16> to vector<1024x512xbf16>
    %get3A_1864 = arith.constant 7 : index
    %get3A_1865 = arith.constant 0 : index
    %get3A_1866 = arith.constant 0 : index
    %get3A_1867 = vector.load %arg2[%get3A_1864, %get3A_1865, %get3A_1866] : memref<32x32x1024xf32, #tpu.memory_space<vmem>>, vector<1x32x1024xf32>
    %get3A_1868 = vector.shape_cast %get3A_1867 : vector<1x32x1024xf32> to vector<32x1024xf32>
    %reduce_max3A_1869 = arith.constant dense<0xFF800000> : vector<32xf32>
    %reduce_max3A_1870 = vector.multi_reduction <maximumf>, %get3A_1868, %reduce_max3A_1869 [1] : vector<32x1024xf32> to vector<32xf32>
    %broadcast_in_dim3A_1871 = vector.shape_cast %reduce_max3A_1870 : vector<32xf32> to vector<32x1xf32>
    %sub3A_1872 = vector.broadcast %broadcast_in_dim3A_1871 : vector<32x1xf32> to vector<32x1024xf32>
    %sub3A_1873 = arith.subf %get3A_1868, %sub3A_1872 : vector<32x1024xf32>
    %exp3A_1874 = math.exp %sub3A_1873 : vector<32x1024xf32>
    %reduce_sum3A_1875 = arith.constant dense<0.000000e+00> : vector<32xf32>
    %reduce_sum3A_1876 = vector.multi_reduction <add>, %exp3A_1874, %reduce_sum3A_1875 [1] : vector<32x1024xf32> to vector<32xf32>
    %broadcast_in_dim3A_1877 = vector.shape_cast %reduce_sum3A_1876 : vector<32xf32> to vector<32x1xf32>
    %div3A_1878 = vector.broadcast %broadcast_in_dim3A_1877 : vector<32x1xf32> to vector<32x1024xf32>
    %div3A_1879 = arith.divf %exp3A_1874, %div3A_1878 : vector<32x1024xf32>
    %convert_element_type3A_1880 = arith.truncf %div3A_1879 : vector<32x1024xf32> to vector<32x1024xbf16>
    %dot_general3A_1881 = arith.constant dense<0.000000e+00> : vector<32x512xf32>
    %dot_general3A_1882 = tpu.matmul %convert_element_type3A_1880, %reshape3A_1863, %dot_general3A_1881 {dimension_numbers = #tpu.dot_dimension_numbers<[1], [0], [0], [1], [0, 0, 1, 1], [], []>, transpose_lhs_hint = false} : vector<32x1024xbf16>, vector<1024x512xbf16>, vector<32x512xf32> -> vector<32x512xf32>
    %add3A_1883 = arith.constant 9.99999991E-38 : f32
    %add3A_1884 = vector.broadcast %add3A_1883 : f32 to vector<32x512xf32>
    %add3A_1885 = arith.addf %dot_general3A_1882, %add3A_1884 : vector<32x512xf32>
    %log3A_1886 = math.log %add3A_1885 : vector<32x512xf32>
    %add3A_1887 = arith.addf %broadcast_in_dim3A_1846, %broadcast_in_dim3A_1849 : vector<1x512xf32>
    %add3A_1888 = vector.broadcast %add3A_1887 : vector<1x512xf32> to vector<32x512xf32>
    %add3A_1889 = arith.addf %log3A_1886, %add3A_1888 : vector<32x512xf32>
    %reduce_max3A_1890 = arith.constant dense<0xFF800000> : vector<512xf32>
    %reduce_max3A_1891 = vector.multi_reduction <maximumf>, %sub3A_398, %reduce_max3A_1890 [0] : vector<32x512xf32> to vector<512xf32>
    %broadcast_in_dim3A_1892 = vector.shape_cast %reduce_max3A_1891 : vector<512xf32> to vector<1x512xf32>
    %reduce_max3A_1893 = arith.constant dense<0xFF800000> : vector<512xf32>
    %reduce_max3A_1894 = vector.multi_reduction <maximumf>, %sub3A_422, %reduce_max3A_1893 [0] : vector<32x512xf32> to vector<512xf32>
    %broadcast_in_dim3A_1895 = vector.shape_cast %reduce_max3A_1894 : vector<512xf32> to vector<1x512xf32>
    %sub3A_1896 = vector.broadcast %broadcast_in_dim3A_1892 : vector<1x512xf32> to vector<32x512xf32>
    %sub3A_1897 = arith.subf %sub3A_398, %sub3A_1896 : vector<32x512xf32>
    %exp3A_1898 = math.exp %sub3A_1897 : vector<32x512xf32>
    %convert_element_type3A_1899 = arith.truncf %exp3A_1898 : vector<32x512xf32> to vector<32x512xbf16>
    %sub3A_1900 = vector.broadcast %broadcast_in_dim3A_1895 : vector<1x512xf32> to vector<32x512xf32>
    %sub3A_1901 = arith.subf %sub3A_422, %sub3A_1900 : vector<32x512xf32>
    %exp3A_1902 = math.exp %sub3A_1901 : vector<32x512xf32>
    %convert_element_type3A_1903 = arith.truncf %exp3A_1902 : vector<32x512xf32> to vector<32x512xbf16>
    %broadcast_in_dim3A_1904 = vector.shape_cast %convert_element_type3A_1899 : vector<32x512xbf16> to vector<32x1x512xbf16>
    %broadcast_in_dim3A_1905 = vector.shape_cast %convert_element_type3A_1903 : vector<32x512xbf16> to vector<1x32x512xbf16>
    %mul3A_1906 = vector.broadcast %broadcast_in_dim3A_1904 : vector<32x1x512xbf16> to vector<32x32x512xbf16>
    %mul3A_1907 = vector.broadcast %broadcast_in_dim3A_1905 : vector<1x32x512xbf16> to vector<32x32x512xbf16>
    %mul3A_1908 = arith.mulf %mul3A_1906, %mul3A_1907 : vector<32x32x512xbf16>
    %reshape3A_1909 = vector.shape_cast %mul3A_1908 : vector<32x32x512xbf16> to vector<1024x512xbf16>
    %get3A_1910 = arith.constant 8 : index
    %get3A_1911 = arith.constant 0 : index
    %get3A_1912 = arith.constant 0 : index
    %get3A_1913 = vector.load %arg2[%get3A_1910, %get3A_1911, %get3A_1912] : memref<32x32x1024xf32, #tpu.memory_space<vmem>>, vector<1x32x1024xf32>
    %get3A_1914 = vector.shape_cast %get3A_1913 : vector<1x32x1024xf32> to vector<32x1024xf32>
    %reduce_max3A_1915 = arith.constant dense<0xFF800000> : vector<32xf32>
    %reduce_max3A_1916 = vector.multi_reduction <maximumf>, %get3A_1914, %reduce_max3A_1915 [1] : vector<32x1024xf32> to vector<32xf32>
    %broadcast_in_dim3A_1917 = vector.shape_cast %reduce_max3A_1916 : vector<32xf32> to vector<32x1xf32>
    %sub3A_1918 = vector.broadcast %broadcast_in_dim3A_1917 : vector<32x1xf32> to vector<32x1024xf32>
    %sub3A_1919 = arith.subf %get3A_1914, %sub3A_1918 : vector<32x1024xf32>
    %exp3A_1920 = math.exp %sub3A_1919 : vector<32x1024xf32>
    %reduce_sum3A_1921 = arith.constant dense<0.000000e+00> : vector<32xf32>
    %reduce_sum3A_1922 = vector.multi_reduction <add>, %exp3A_1920, %reduce_sum3A_1921 [1] : vector<32x1024xf32> to vector<32xf32>
    %broadcast_in_dim3A_1923 = vector.shape_cast %reduce_sum3A_1922 : vector<32xf32> to vector<32x1xf32>
    %div3A_1924 = vector.broadcast %broadcast_in_dim3A_1923 : vector<32x1xf32> to vector<32x1024xf32>
    %div3A_1925 = arith.divf %exp3A_1920, %div3A_1924 : vector<32x1024xf32>
    %convert_element_type3A_1926 = arith.truncf %div3A_1925 : vector<32x1024xf32> to vector<32x1024xbf16>
    %dot_general3A_1927 = arith.constant dense<0.000000e+00> : vector<32x512xf32>
    %dot_general3A_1928 = tpu.matmul %convert_element_type3A_1926, %reshape3A_1909, %dot_general3A_1927 {dimension_numbers = #tpu.dot_dimension_numbers<[1], [0], [0], [1], [0, 0, 1, 1], [], []>, transpose_lhs_hint = false} : vector<32x1024xbf16>, vector<1024x512xbf16>, vector<32x512xf32> -> vector<32x512xf32>
    %add3A_1929 = arith.constant 9.99999991E-38 : f32
    %add3A_1930 = vector.broadcast %add3A_1929 : f32 to vector<32x512xf32>
    %add3A_1931 = arith.addf %dot_general3A_1928, %add3A_1930 : vector<32x512xf32>
    %log3A_1932 = math.log %add3A_1931 : vector<32x512xf32>
    %add3A_1933 = arith.addf %broadcast_in_dim3A_1892, %broadcast_in_dim3A_1895 : vector<1x512xf32>
    %add3A_1934 = vector.broadcast %add3A_1933 : vector<1x512xf32> to vector<32x512xf32>
    %add3A_1935 = arith.addf %log3A_1932, %add3A_1934 : vector<32x512xf32>
    %reduce_max3A_1936 = arith.constant dense<0xFF800000> : vector<512xf32>
    %reduce_max3A_1937 = vector.multi_reduction <maximumf>, %sub3A_446, %reduce_max3A_1936 [0] : vector<32x512xf32> to vector<512xf32>
    %broadcast_in_dim3A_1938 = vector.shape_cast %reduce_max3A_1937 : vector<512xf32> to vector<1x512xf32>
    %reduce_max3A_1939 = arith.constant dense<0xFF800000> : vector<512xf32>
    %reduce_max3A_1940 = vector.multi_reduction <maximumf>, %sub3A_470, %reduce_max3A_1939 [0] : vector<32x512xf32> to vector<512xf32>
    %broadcast_in_dim3A_1941 = vector.shape_cast %reduce_max3A_1940 : vector<512xf32> to vector<1x512xf32>
    %sub3A_1942 = vector.broadcast %broadcast_in_dim3A_1938 : vector<1x512xf32> to vector<32x512xf32>
    %sub3A_1943 = arith.subf %sub3A_446, %sub3A_1942 : vector<32x512xf32>
    %exp3A_1944 = math.exp %sub3A_1943 : vector<32x512xf32>
    %convert_element_type3A_1945 = arith.truncf %exp3A_1944 : vector<32x512xf32> to vector<32x512xbf16>
    %sub3A_1946 = vector.broadcast %broadcast_in_dim3A_1941 : vector<1x512xf32> to vector<32x512xf32>
    %sub3A_1947 = arith.subf %sub3A_470, %sub3A_1946 : vector<32x512xf32>
    %exp3A_1948 = math.exp %sub3A_1947 : vector<32x512xf32>
    %convert_element_type3A_1949 = arith.truncf %exp3A_1948 : vector<32x512xf32> to vector<32x512xbf16>
    %broadcast_in_dim3A_1950 = vector.shape_cast %convert_element_type3A_1945 : vector<32x512xbf16> to vector<32x1x512xbf16>
    %broadcast_in_dim3A_1951 = vector.shape_cast %convert_element_type3A_1949 : vector<32x512xbf16> to vector<1x32x512xbf16>
    %mul3A_1952 = vector.broadcast %broadcast_in_dim3A_1950 : vector<32x1x512xbf16> to vector<32x32x512xbf16>
    %mul3A_1953 = vector.broadcast %broadcast_in_dim3A_1951 : vector<1x32x512xbf16> to vector<32x32x512xbf16>
    %mul3A_1954 = arith.mulf %mul3A_1952, %mul3A_1953 : vector<32x32x512xbf16>
    %reshape3A_1955 = vector.shape_cast %mul3A_1954 : vector<32x32x512xbf16> to vector<1024x512xbf16>
    %get3A_1956 = arith.constant 9 : index
    %get3A_1957 = arith.constant 0 : index
    %get3A_1958 = arith.constant 0 : index
    %get3A_1959 = vector.load %arg2[%get3A_1956, %get3A_1957, %get3A_1958] : memref<32x32x1024xf32, #tpu.memory_space<vmem>>, vector<1x32x1024xf32>
    %get3A_1960 = vector.shape_cast %get3A_1959 : vector<1x32x1024xf32> to vector<32x1024xf32>
    %reduce_max3A_1961 = arith.constant dense<0xFF800000> : vector<32xf32>
    %reduce_max3A_1962 = vector.multi_reduction <maximumf>, %get3A_1960, %reduce_max3A_1961 [1] : vector<32x1024xf32> to vector<32xf32>
    %broadcast_in_dim3A_1963 = vector.shape_cast %reduce_max3A_1962 : vector<32xf32> to vector<32x1xf32>
    %sub3A_1964 = vector.broadcast %broadcast_in_dim3A_1963 : vector<32x1xf32> to vector<32x1024xf32>
    %sub3A_1965 = arith.subf %get3A_1960, %sub3A_1964 : vector<32x1024xf32>
    %exp3A_1966 = math.exp %sub3A_1965 : vector<32x1024xf32>
    %reduce_sum3A_1967 = arith.constant dense<0.000000e+00> : vector<32xf32>
    %reduce_sum3A_1968 = vector.multi_reduction <add>, %exp3A_1966, %reduce_sum3A_1967 [1] : vector<32x1024xf32> to vector<32xf32>
    %broadcast_in_dim3A_1969 = vector.shape_cast %reduce_sum3A_1968 : vector<32xf32> to vector<32x1xf32>
    %div3A_1970 = vector.broadcast %broadcast_in_dim3A_1969 : vector<32x1xf32> to vector<32x1024xf32>
    %div3A_1971 = arith.divf %exp3A_1966, %div3A_1970 : vector<32x1024xf32>
    %convert_element_type3A_1972 = arith.truncf %div3A_1971 : vector<32x1024xf32> to vector<32x1024xbf16>
    %dot_general3A_1973 = arith.constant dense<0.000000e+00> : vector<32x512xf32>
    %dot_general3A_1974 = tpu.matmul %convert_element_type3A_1972, %reshape3A_1955, %dot_general3A_1973 {dimension_numbers = #tpu.dot_dimension_numbers<[1], [0], [0], [1], [0, 0, 1, 1], [], []>, transpose_lhs_hint = false} : vector<32x1024xbf16>, vector<1024x512xbf16>, vector<32x512xf32> -> vector<32x512xf32>
    %add3A_1975 = arith.constant 9.99999991E-38 : f32
    %add3A_1976 = vector.broadcast %add3A_1975 : f32 to vector<32x512xf32>
    %add3A_1977 = arith.addf %dot_general3A_1974, %add3A_1976 : vector<32x512xf32>
    %log3A_1978 = math.log %add3A_1977 : vector<32x512xf32>
    %add3A_1979 = arith.addf %broadcast_in_dim3A_1938, %broadcast_in_dim3A_1941 : vector<1x512xf32>
    %add3A_1980 = vector.broadcast %add3A_1979 : vector<1x512xf32> to vector<32x512xf32>
    %add3A_1981 = arith.addf %log3A_1978, %add3A_1980 : vector<32x512xf32>
    %reduce_max3A_1982 = arith.constant dense<0xFF800000> : vector<512xf32>
    %reduce_max3A_1983 = vector.multi_reduction <maximumf>, %sub3A_494, %reduce_max3A_1982 [0] : vector<32x512xf32> to vector<512xf32>
    %broadcast_in_dim3A_1984 = vector.shape_cast %reduce_max3A_1983 : vector<512xf32> to vector<1x512xf32>
    %reduce_max3A_1985 = arith.constant dense<0xFF800000> : vector<512xf32>
    %reduce_max3A_1986 = vector.multi_reduction <maximumf>, %sub3A_518, %reduce_max3A_1985 [0] : vector<32x512xf32> to vector<512xf32>
    %broadcast_in_dim3A_1987 = vector.shape_cast %reduce_max3A_1986 : vector<512xf32> to vector<1x512xf32>
    %sub3A_1988 = vector.broadcast %broadcast_in_dim3A_1984 : vector<1x512xf32> to vector<32x512xf32>
    %sub3A_1989 = arith.subf %sub3A_494, %sub3A_1988 : vector<32x512xf32>
    %exp3A_1990 = math.exp %sub3A_1989 : vector<32x512xf32>
    %convert_element_type3A_1991 = arith.truncf %exp3A_1990 : vector<32x512xf32> to vector<32x512xbf16>
    %sub3A_1992 = vector.broadcast %broadcast_in_dim3A_1987 : vector<1x512xf32> to vector<32x512xf32>
    %sub3A_1993 = arith.subf %sub3A_518, %sub3A_1992 : vector<32x512xf32>
    %exp3A_1994 = math.exp %sub3A_1993 : vector<32x512xf32>
    %convert_element_type3A_1995 = arith.truncf %exp3A_1994 : vector<32x512xf32> to vector<32x512xbf16>
    %broadcast_in_dim3A_1996 = vector.shape_cast %convert_element_type3A_1991 : vector<32x512xbf16> to vector<32x1x512xbf16>
    %broadcast_in_dim3A_1997 = vector.shape_cast %convert_element_type3A_1995 : vector<32x512xbf16> to vector<1x32x512xbf16>
    %mul3A_1998 = vector.broadcast %broadcast_in_dim3A_1996 : vector<32x1x512xbf16> to vector<32x32x512xbf16>
    %mul3A_1999 = vector.broadcast %broadcast_in_dim3A_1997 : vector<1x32x512xbf16> to vector<32x32x512xbf16>
    %mul3A_2000 = arith.mulf %mul3A_1998, %mul3A_1999 : vector<32x32x512xbf16>
    %reshape3A_2001 = vector.shape_cast %mul3A_2000 : vector<32x32x512xbf16> to vector<1024x512xbf16>
    %get3A_2002 = arith.constant 10 : index
    %get3A_2003 = arith.constant 0 : index
    %get3A_2004 = arith.constant 0 : index
    %get3A_2005 = vector.load %arg2[%get3A_2002, %get3A_2003, %get3A_2004] : memref<32x32x1024xf32, #tpu.memory_space<vmem>>, vector<1x32x1024xf32>
    %get3A_2006 = vector.shape_cast %get3A_2005 : vector<1x32x1024xf32> to vector<32x1024xf32>
    %reduce_max3A_2007 = arith.constant dense<0xFF800000> : vector<32xf32>
    %reduce_max3A_2008 = vector.multi_reduction <maximumf>, %get3A_2006, %reduce_max3A_2007 [1] : vector<32x1024xf32> to vector<32xf32>
    %broadcast_in_dim3A_2009 = vector.shape_cast %reduce_max3A_2008 : vector<32xf32> to vector<32x1xf32>
    %sub3A_2010 = vector.broadcast %broadcast_in_dim3A_2009 : vector<32x1xf32> to vector<32x1024xf32>
    %sub3A_2011 = arith.subf %get3A_2006, %sub3A_2010 : vector<32x1024xf32>
    %exp3A_2012 = math.exp %sub3A_2011 : vector<32x1024xf32>
    %reduce_sum3A_2013 = arith.constant dense<0.000000e+00> : vector<32xf32>
    %reduce_sum3A_2014 = vector.multi_reduction <add>, %exp3A_2012, %reduce_sum3A_2013 [1] : vector<32x1024xf32> to vector<32xf32>
    %broadcast_in_dim3A_2015 = vector.shape_cast %reduce_sum3A_2014 : vector<32xf32> to vector<32x1xf32>
    %div3A_2016 = vector.broadcast %broadcast_in_dim3A_2015 : vector<32x1xf32> to vector<32x1024xf32>
    %div3A_2017 = arith.divf %exp3A_2012, %div3A_2016 : vector<32x1024xf32>
    %convert_element_type3A_2018 = arith.truncf %div3A_2017 : vector<32x1024xf32> to vector<32x1024xbf16>
    %dot_general3A_2019 = arith.constant dense<0.000000e+00> : vector<32x512xf32>
    %dot_general3A_2020 = tpu.matmul %convert_element_type3A_2018, %reshape3A_2001, %dot_general3A_2019 {dimension_numbers = #tpu.dot_dimension_numbers<[1], [0], [0], [1], [0, 0, 1, 1], [], []>, transpose_lhs_hint = false} : vector<32x1024xbf16>, vector<1024x512xbf16>, vector<32x512xf32> -> vector<32x512xf32>
    %add3A_2021 = arith.constant 9.99999991E-38 : f32
    %add3A_2022 = vector.broadcast %add3A_2021 : f32 to vector<32x512xf32>
    %add3A_2023 = arith.addf %dot_general3A_2020, %add3A_2022 : vector<32x512xf32>
    %log3A_2024 = math.log %add3A_2023 : vector<32x512xf32>
    %add3A_2025 = arith.addf %broadcast_in_dim3A_1984, %broadcast_in_dim3A_1987 : vector<1x512xf32>
    %add3A_2026 = vector.broadcast %add3A_2025 : vector<1x512xf32> to vector<32x512xf32>
    %add3A_2027 = arith.addf %log3A_2024, %add3A_2026 : vector<32x512xf32>
    %reduce_max3A_2028 = arith.constant dense<0xFF800000> : vector<512xf32>
    %reduce_max3A_2029 = vector.multi_reduction <maximumf>, %sub3A_542, %reduce_max3A_2028 [0] : vector<32x512xf32> to vector<512xf32>
    %broadcast_in_dim3A_2030 = vector.shape_cast %reduce_max3A_2029 : vector<512xf32> to vector<1x512xf32>
    %reduce_max3A_2031 = arith.constant dense<0xFF800000> : vector<512xf32>
    %reduce_max3A_2032 = vector.multi_reduction <maximumf>, %sub3A_566, %reduce_max3A_2031 [0] : vector<32x512xf32> to vector<512xf32>
    %broadcast_in_dim3A_2033 = vector.shape_cast %reduce_max3A_2032 : vector<512xf32> to vector<1x512xf32>
    %sub3A_2034 = vector.broadcast %broadcast_in_dim3A_2030 : vector<1x512xf32> to vector<32x512xf32>
    %sub3A_2035 = arith.subf %sub3A_542, %sub3A_2034 : vector<32x512xf32>
    %exp3A_2036 = math.exp %sub3A_2035 : vector<32x512xf32>
    %convert_element_type3A_2037 = arith.truncf %exp3A_2036 : vector<32x512xf32> to vector<32x512xbf16>
    %sub3A_2038 = vector.broadcast %broadcast_in_dim3A_2033 : vector<1x512xf32> to vector<32x512xf32>
    %sub3A_2039 = arith.subf %sub3A_566, %sub3A_2038 : vector<32x512xf32>
    %exp3A_2040 = math.exp %sub3A_2039 : vector<32x512xf32>
    %convert_element_type3A_2041 = arith.truncf %exp3A_2040 : vector<32x512xf32> to vector<32x512xbf16>
    %broadcast_in_dim3A_2042 = vector.shape_cast %convert_element_type3A_2037 : vector<32x512xbf16> to vector<32x1x512xbf16>
    %broadcast_in_dim3A_2043 = vector.shape_cast %convert_element_type3A_2041 : vector<32x512xbf16> to vector<1x32x512xbf16>
    %mul3A_2044 = vector.broadcast %broadcast_in_dim3A_2042 : vector<32x1x512xbf16> to vector<32x32x512xbf16>
    %mul3A_2045 = vector.broadcast %broadcast_in_dim3A_2043 : vector<1x32x512xbf16> to vector<32x32x512xbf16>
    %mul3A_2046 = arith.mulf %mul3A_2044, %mul3A_2045 : vector<32x32x512xbf16>
    %reshape3A_2047 = vector.shape_cast %mul3A_2046 : vector<32x32x512xbf16> to vector<1024x512xbf16>
    %get3A_2048 = arith.constant 11 : index
    %get3A_2049 = arith.constant 0 : index
    %get3A_2050 = arith.constant 0 : index
    %get3A_2051 = vector.load %arg2[%get3A_2048, %get3A_2049, %get3A_2050] : memref<32x32x1024xf32, #tpu.memory_space<vmem>>, vector<1x32x1024xf32>
    %get3A_2052 = vector.shape_cast %get3A_2051 : vector<1x32x1024xf32> to vector<32x1024xf32>
    %reduce_max3A_2053 = arith.constant dense<0xFF800000> : vector<32xf32>
    %reduce_max3A_2054 = vector.multi_reduction <maximumf>, %get3A_2052, %reduce_max3A_2053 [1] : vector<32x1024xf32> to vector<32xf32>
    %broadcast_in_dim3A_2055 = vector.shape_cast %reduce_max3A_2054 : vector<32xf32> to vector<32x1xf32>
    %sub3A_2056 = vector.broadcast %broadcast_in_dim3A_2055 : vector<32x1xf32> to vector<32x1024xf32>
    %sub3A_2057 = arith.subf %get3A_2052, %sub3A_2056 : vector<32x1024xf32>
    %exp3A_2058 = math.exp %sub3A_2057 : vector<32x1024xf32>
    %reduce_sum3A_2059 = arith.constant dense<0.000000e+00> : vector<32xf32>
    %reduce_sum3A_2060 = vector.multi_reduction <add>, %exp3A_2058, %reduce_sum3A_2059 [1] : vector<32x1024xf32> to vector<32xf32>
    %broadcast_in_dim3A_2061 = vector.shape_cast %reduce_sum3A_2060 : vector<32xf32> to vector<32x1xf32>
    %div3A_2062 = vector.broadcast %broadcast_in_dim3A_2061 : vector<32x1xf32> to vector<32x1024xf32>
    %div3A_2063 = arith.divf %exp3A_2058, %div3A_2062 : vector<32x1024xf32>
    %convert_element_type3A_2064 = arith.truncf %div3A_2063 : vector<32x1024xf32> to vector<32x1024xbf16>
    %dot_general3A_2065 = arith.constant dense<0.000000e+00> : vector<32x512xf32>
    %dot_general3A_2066 = tpu.matmul %convert_element_type3A_2064, %reshape3A_2047, %dot_general3A_2065 {dimension_numbers = #tpu.dot_dimension_numbers<[1], [0], [0], [1], [0, 0, 1, 1], [], []>, transpose_lhs_hint = false} : vector<32x1024xbf16>, vector<1024x512xbf16>, vector<32x512xf32> -> vector<32x512xf32>
    %add3A_2067 = arith.constant 9.99999991E-38 : f32
    %add3A_2068 = vector.broadcast %add3A_2067 : f32 to vector<32x512xf32>
    %add3A_2069 = arith.addf %dot_general3A_2066, %add3A_2068 : vector<32x512xf32>
    %log3A_2070 = math.log %add3A_2069 : vector<32x512xf32>
    %add3A_2071 = arith.addf %broadcast_in_dim3A_2030, %broadcast_in_dim3A_2033 : vector<1x512xf32>
    %add3A_2072 = vector.broadcast %add3A_2071 : vector<1x512xf32> to vector<32x512xf32>
    %add3A_2073 = arith.addf %log3A_2070, %add3A_2072 : vector<32x512xf32>
    %reduce_max3A_2074 = arith.constant dense<0xFF800000> : vector<512xf32>
    %reduce_max3A_2075 = vector.multi_reduction <maximumf>, %sub3A_590, %reduce_max3A_2074 [0] : vector<32x512xf32> to vector<512xf32>
    %broadcast_in_dim3A_2076 = vector.shape_cast %reduce_max3A_2075 : vector<512xf32> to vector<1x512xf32>
    %reduce_max3A_2077 = arith.constant dense<0xFF800000> : vector<512xf32>
    %reduce_max3A_2078 = vector.multi_reduction <maximumf>, %sub3A_614, %reduce_max3A_2077 [0] : vector<32x512xf32> to vector<512xf32>
    %broadcast_in_dim3A_2079 = vector.shape_cast %reduce_max3A_2078 : vector<512xf32> to vector<1x512xf32>
    %sub3A_2080 = vector.broadcast %broadcast_in_dim3A_2076 : vector<1x512xf32> to vector<32x512xf32>
    %sub3A_2081 = arith.subf %sub3A_590, %sub3A_2080 : vector<32x512xf32>
    %exp3A_2082 = math.exp %sub3A_2081 : vector<32x512xf32>
    %convert_element_type3A_2083 = arith.truncf %exp3A_2082 : vector<32x512xf32> to vector<32x512xbf16>
    %sub3A_2084 = vector.broadcast %broadcast_in_dim3A_2079 : vector<1x512xf32> to vector<32x512xf32>
    %sub3A_2085 = arith.subf %sub3A_614, %sub3A_2084 : vector<32x512xf32>
    %exp3A_2086 = math.exp %sub3A_2085 : vector<32x512xf32>
    %convert_element_type3A_2087 = arith.truncf %exp3A_2086 : vector<32x512xf32> to vector<32x512xbf16>
    %broadcast_in_dim3A_2088 = vector.shape_cast %convert_element_type3A_2083 : vector<32x512xbf16> to vector<32x1x512xbf16>
    %broadcast_in_dim3A_2089 = vector.shape_cast %convert_element_type3A_2087 : vector<32x512xbf16> to vector<1x32x512xbf16>
    %mul3A_2090 = vector.broadcast %broadcast_in_dim3A_2088 : vector<32x1x512xbf16> to vector<32x32x512xbf16>
    %mul3A_2091 = vector.broadcast %broadcast_in_dim3A_2089 : vector<1x32x512xbf16> to vector<32x32x512xbf16>
    %mul3A_2092 = arith.mulf %mul3A_2090, %mul3A_2091 : vector<32x32x512xbf16>
    %reshape3A_2093 = vector.shape_cast %mul3A_2092 : vector<32x32x512xbf16> to vector<1024x512xbf16>
    %get3A_2094 = arith.constant 12 : index
    %get3A_2095 = arith.constant 0 : index
    %get3A_2096 = arith.constant 0 : index
    %get3A_2097 = vector.load %arg2[%get3A_2094, %get3A_2095, %get3A_2096] : memref<32x32x1024xf32, #tpu.memory_space<vmem>>, vector<1x32x1024xf32>
    %get3A_2098 = vector.shape_cast %get3A_2097 : vector<1x32x1024xf32> to vector<32x1024xf32>
    %reduce_max3A_2099 = arith.constant dense<0xFF800000> : vector<32xf32>
    %reduce_max3A_2100 = vector.multi_reduction <maximumf>, %get3A_2098, %reduce_max3A_2099 [1] : vector<32x1024xf32> to vector<32xf32>
    %broadcast_in_dim3A_2101 = vector.shape_cast %reduce_max3A_2100 : vector<32xf32> to vector<32x1xf32>
    %sub3A_2102 = vector.broadcast %broadcast_in_dim3A_2101 : vector<32x1xf32> to vector<32x1024xf32>
    %sub3A_2103 = arith.subf %get3A_2098, %sub3A_2102 : vector<32x1024xf32>
    %exp3A_2104 = math.exp %sub3A_2103 : vector<32x1024xf32>
    %reduce_sum3A_2105 = arith.constant dense<0.000000e+00> : vector<32xf32>
    %reduce_sum3A_2106 = vector.multi_reduction <add>, %exp3A_2104, %reduce_sum3A_2105 [1] : vector<32x1024xf32> to vector<32xf32>
    %broadcast_in_dim3A_2107 = vector.shape_cast %reduce_sum3A_2106 : vector<32xf32> to vector<32x1xf32>
    %div3A_2108 = vector.broadcast %broadcast_in_dim3A_2107 : vector<32x1xf32> to vector<32x1024xf32>
    %div3A_2109 = arith.divf %exp3A_2104, %div3A_2108 : vector<32x1024xf32>
    %convert_element_type3A_2110 = arith.truncf %div3A_2109 : vector<32x1024xf32> to vector<32x1024xbf16>
    %dot_general3A_2111 = arith.constant dense<0.000000e+00> : vector<32x512xf32>
    %dot_general3A_2112 = tpu.matmul %convert_element_type3A_2110, %reshape3A_2093, %dot_general3A_2111 {dimension_numbers = #tpu.dot_dimension_numbers<[1], [0], [0], [1], [0, 0, 1, 1], [], []>, transpose_lhs_hint = false} : vector<32x1024xbf16>, vector<1024x512xbf16>, vector<32x512xf32> -> vector<32x512xf32>
    %add3A_2113 = arith.constant 9.99999991E-38 : f32
    %add3A_2114 = vector.broadcast %add3A_2113 : f32 to vector<32x512xf32>
    %add3A_2115 = arith.addf %dot_general3A_2112, %add3A_2114 : vector<32x512xf32>
    %log3A_2116 = math.log %add3A_2115 : vector<32x512xf32>
    %add3A_2117 = arith.addf %broadcast_in_dim3A_2076, %broadcast_in_dim3A_2079 : vector<1x512xf32>
    %add3A_2118 = vector.broadcast %add3A_2117 : vector<1x512xf32> to vector<32x512xf32>
    %add3A_2119 = arith.addf %log3A_2116, %add3A_2118 : vector<32x512xf32>
    %reduce_max3A_2120 = arith.constant dense<0xFF800000> : vector<512xf32>
    %reduce_max3A_2121 = vector.multi_reduction <maximumf>, %sub3A_638, %reduce_max3A_2120 [0] : vector<32x512xf32> to vector<512xf32>
    %broadcast_in_dim3A_2122 = vector.shape_cast %reduce_max3A_2121 : vector<512xf32> to vector<1x512xf32>
    %reduce_max3A_2123 = arith.constant dense<0xFF800000> : vector<512xf32>
    %reduce_max3A_2124 = vector.multi_reduction <maximumf>, %sub3A_662, %reduce_max3A_2123 [0] : vector<32x512xf32> to vector<512xf32>
    %broadcast_in_dim3A_2125 = vector.shape_cast %reduce_max3A_2124 : vector<512xf32> to vector<1x512xf32>
    %sub3A_2126 = vector.broadcast %broadcast_in_dim3A_2122 : vector<1x512xf32> to vector<32x512xf32>
    %sub3A_2127 = arith.subf %sub3A_638, %sub3A_2126 : vector<32x512xf32>
    %exp3A_2128 = math.exp %sub3A_2127 : vector<32x512xf32>
    %convert_element_type3A_2129 = arith.truncf %exp3A_2128 : vector<32x512xf32> to vector<32x512xbf16>
    %sub3A_2130 = vector.broadcast %broadcast_in_dim3A_2125 : vector<1x512xf32> to vector<32x512xf32>
    %sub3A_2131 = arith.subf %sub3A_662, %sub3A_2130 : vector<32x512xf32>
    %exp3A_2132 = math.exp %sub3A_2131 : vector<32x512xf32>
    %convert_element_type3A_2133 = arith.truncf %exp3A_2132 : vector<32x512xf32> to vector<32x512xbf16>
    %broadcast_in_dim3A_2134 = vector.shape_cast %convert_element_type3A_2129 : vector<32x512xbf16> to vector<32x1x512xbf16>
    %broadcast_in_dim3A_2135 = vector.shape_cast %convert_element_type3A_2133 : vector<32x512xbf16> to vector<1x32x512xbf16>
    %mul3A_2136 = vector.broadcast %broadcast_in_dim3A_2134 : vector<32x1x512xbf16> to vector<32x32x512xbf16>
    %mul3A_2137 = vector.broadcast %broadcast_in_dim3A_2135 : vector<1x32x512xbf16> to vector<32x32x512xbf16>
    %mul3A_2138 = arith.mulf %mul3A_2136, %mul3A_2137 : vector<32x32x512xbf16>
    %reshape3A_2139 = vector.shape_cast %mul3A_2138 : vector<32x32x512xbf16> to vector<1024x512xbf16>
    %get3A_2140 = arith.constant 13 : index
    %get3A_2141 = arith.constant 0 : index
    %get3A_2142 = arith.constant 0 : index
    %get3A_2143 = vector.load %arg2[%get3A_2140, %get3A_2141, %get3A_2142] : memref<32x32x1024xf32, #tpu.memory_space<vmem>>, vector<1x32x1024xf32>
    %get3A_2144 = vector.shape_cast %get3A_2143 : vector<1x32x1024xf32> to vector<32x1024xf32>
    %reduce_max3A_2145 = arith.constant dense<0xFF800000> : vector<32xf32>
    %reduce_max3A_2146 = vector.multi_reduction <maximumf>, %get3A_2144, %reduce_max3A_2145 [1] : vector<32x1024xf32> to vector<32xf32>
    %broadcast_in_dim3A_2147 = vector.shape_cast %reduce_max3A_2146 : vector<32xf32> to vector<32x1xf32>
    %sub3A_2148 = vector.broadcast %broadcast_in_dim3A_2147 : vector<32x1xf32> to vector<32x1024xf32>
    %sub3A_2149 = arith.subf %get3A_2144, %sub3A_2148 : vector<32x1024xf32>
    %exp3A_2150 = math.exp %sub3A_2149 : vector<32x1024xf32>
    %reduce_sum3A_2151 = arith.constant dense<0.000000e+00> : vector<32xf32>
    %reduce_sum3A_2152 = vector.multi_reduction <add>, %exp3A_2150, %reduce_sum3A_2151 [1] : vector<32x1024xf32> to vector<32xf32>
    %broadcast_in_dim3A_2153 = vector.shape_cast %reduce_sum3A_2152 : vector<32xf32> to vector<32x1xf32>
    %div3A_2154 = vector.broadcast %broadcast_in_dim3A_2153 : vector<32x1xf32> to vector<32x1024xf32>
    %div3A_2155 = arith.divf %exp3A_2150, %div3A_2154 : vector<32x1024xf32>
    %convert_element_type3A_2156 = arith.truncf %div3A_2155 : vector<32x1024xf32> to vector<32x1024xbf16>
    %dot_general3A_2157 = arith.constant dense<0.000000e+00> : vector<32x512xf32>
    %dot_general3A_2158 = tpu.matmul %convert_element_type3A_2156, %reshape3A_2139, %dot_general3A_2157 {dimension_numbers = #tpu.dot_dimension_numbers<[1], [0], [0], [1], [0, 0, 1, 1], [], []>, transpose_lhs_hint = false} : vector<32x1024xbf16>, vector<1024x512xbf16>, vector<32x512xf32> -> vector<32x512xf32>
    %add3A_2159 = arith.constant 9.99999991E-38 : f32
    %add3A_2160 = vector.broadcast %add3A_2159 : f32 to vector<32x512xf32>
    %add3A_2161 = arith.addf %dot_general3A_2158, %add3A_2160 : vector<32x512xf32>
    %log3A_2162 = math.log %add3A_2161 : vector<32x512xf32>
    %add3A_2163 = arith.addf %broadcast_in_dim3A_2122, %broadcast_in_dim3A_2125 : vector<1x512xf32>
    %add3A_2164 = vector.broadcast %add3A_2163 : vector<1x512xf32> to vector<32x512xf32>
    %add3A_2165 = arith.addf %log3A_2162, %add3A_2164 : vector<32x512xf32>
    %reduce_max3A_2166 = arith.constant dense<0xFF800000> : vector<512xf32>
    %reduce_max3A_2167 = vector.multi_reduction <maximumf>, %sub3A_686, %reduce_max3A_2166 [0] : vector<32x512xf32> to vector<512xf32>
    %broadcast_in_dim3A_2168 = vector.shape_cast %reduce_max3A_2167 : vector<512xf32> to vector<1x512xf32>
    %reduce_max3A_2169 = arith.constant dense<0xFF800000> : vector<512xf32>
    %reduce_max3A_2170 = vector.multi_reduction <maximumf>, %sub3A_710, %reduce_max3A_2169 [0] : vector<32x512xf32> to vector<512xf32>
    %broadcast_in_dim3A_2171 = vector.shape_cast %reduce_max3A_2170 : vector<512xf32> to vector<1x512xf32>
    %sub3A_2172 = vector.broadcast %broadcast_in_dim3A_2168 : vector<1x512xf32> to vector<32x512xf32>
    %sub3A_2173 = arith.subf %sub3A_686, %sub3A_2172 : vector<32x512xf32>
    %exp3A_2174 = math.exp %sub3A_2173 : vector<32x512xf32>
    %convert_element_type3A_2175 = arith.truncf %exp3A_2174 : vector<32x512xf32> to vector<32x512xbf16>
    %sub3A_2176 = vector.broadcast %broadcast_in_dim3A_2171 : vector<1x512xf32> to vector<32x512xf32>
    %sub3A_2177 = arith.subf %sub3A_710, %sub3A_2176 : vector<32x512xf32>
    %exp3A_2178 = math.exp %sub3A_2177 : vector<32x512xf32>
    %convert_element_type3A_2179 = arith.truncf %exp3A_2178 : vector<32x512xf32> to vector<32x512xbf16>
    %broadcast_in_dim3A_2180 = vector.shape_cast %convert_element_type3A_2175 : vector<32x512xbf16> to vector<32x1x512xbf16>
    %broadcast_in_dim3A_2181 = vector.shape_cast %convert_element_type3A_2179 : vector<32x512xbf16> to vector<1x32x512xbf16>
    %mul3A_2182 = vector.broadcast %broadcast_in_dim3A_2180 : vector<32x1x512xbf16> to vector<32x32x512xbf16>
    %mul3A_2183 = vector.broadcast %broadcast_in_dim3A_2181 : vector<1x32x512xbf16> to vector<32x32x512xbf16>
    %mul3A_2184 = arith.mulf %mul3A_2182, %mul3A_2183 : vector<32x32x512xbf16>
    %reshape3A_2185 = vector.shape_cast %mul3A_2184 : vector<32x32x512xbf16> to vector<1024x512xbf16>
    %get3A_2186 = arith.constant 14 : index
    %get3A_2187 = arith.constant 0 : index
    %get3A_2188 = arith.constant 0 : index
    %get3A_2189 = vector.load %arg2[%get3A_2186, %get3A_2187, %get3A_2188] : memref<32x32x1024xf32, #tpu.memory_space<vmem>>, vector<1x32x1024xf32>
    %get3A_2190 = vector.shape_cast %get3A_2189 : vector<1x32x1024xf32> to vector<32x1024xf32>
    %reduce_max3A_2191 = arith.constant dense<0xFF800000> : vector<32xf32>
    %reduce_max3A_2192 = vector.multi_reduction <maximumf>, %get3A_2190, %reduce_max3A_2191 [1] : vector<32x1024xf32> to vector<32xf32>
    %broadcast_in_dim3A_2193 = vector.shape_cast %reduce_max3A_2192 : vector<32xf32> to vector<32x1xf32>
    %sub3A_2194 = vector.broadcast %broadcast_in_dim3A_2193 : vector<32x1xf32> to vector<32x1024xf32>
    %sub3A_2195 = arith.subf %get3A_2190, %sub3A_2194 : vector<32x1024xf32>
    %exp3A_2196 = math.exp %sub3A_2195 : vector<32x1024xf32>
    %reduce_sum3A_2197 = arith.constant dense<0.000000e+00> : vector<32xf32>
    %reduce_sum3A_2198 = vector.multi_reduction <add>, %exp3A_2196, %reduce_sum3A_2197 [1] : vector<32x1024xf32> to vector<32xf32>
    %broadcast_in_dim3A_2199 = vector.shape_cast %reduce_sum3A_2198 : vector<32xf32> to vector<32x1xf32>
    %div3A_2200 = vector.broadcast %broadcast_in_dim3A_2199 : vector<32x1xf32> to vector<32x1024xf32>
    %div3A_2201 = arith.divf %exp3A_2196, %div3A_2200 : vector<32x1024xf32>
    %convert_element_type3A_2202 = arith.truncf %div3A_2201 : vector<32x1024xf32> to vector<32x1024xbf16>
    %dot_general3A_2203 = arith.constant dense<0.000000e+00> : vector<32x512xf32>
    %dot_general3A_2204 = tpu.matmul %convert_element_type3A_2202, %reshape3A_2185, %dot_general3A_2203 {dimension_numbers = #tpu.dot_dimension_numbers<[1], [0], [0], [1], [0, 0, 1, 1], [], []>, transpose_lhs_hint = false} : vector<32x1024xbf16>, vector<1024x512xbf16>, vector<32x512xf32> -> vector<32x512xf32>
    %add3A_2205 = arith.constant 9.99999991E-38 : f32
    %add3A_2206 = vector.broadcast %add3A_2205 : f32 to vector<32x512xf32>
    %add3A_2207 = arith.addf %dot_general3A_2204, %add3A_2206 : vector<32x512xf32>
    %log3A_2208 = math.log %add3A_2207 : vector<32x512xf32>
    %add3A_2209 = arith.addf %broadcast_in_dim3A_2168, %broadcast_in_dim3A_2171 : vector<1x512xf32>
    %add3A_2210 = vector.broadcast %add3A_2209 : vector<1x512xf32> to vector<32x512xf32>
    %add3A_2211 = arith.addf %log3A_2208, %add3A_2210 : vector<32x512xf32>
    %reduce_max3A_2212 = arith.constant dense<0xFF800000> : vector<512xf32>
    %reduce_max3A_2213 = vector.multi_reduction <maximumf>, %sub3A_734, %reduce_max3A_2212 [0] : vector<32x512xf32> to vector<512xf32>
    %broadcast_in_dim3A_2214 = vector.shape_cast %reduce_max3A_2213 : vector<512xf32> to vector<1x512xf32>
    %reduce_max3A_2215 = arith.constant dense<0xFF800000> : vector<512xf32>
    %reduce_max3A_2216 = vector.multi_reduction <maximumf>, %sub3A_758, %reduce_max3A_2215 [0] : vector<32x512xf32> to vector<512xf32>
    %broadcast_in_dim3A_2217 = vector.shape_cast %reduce_max3A_2216 : vector<512xf32> to vector<1x512xf32>
    %sub3A_2218 = vector.broadcast %broadcast_in_dim3A_2214 : vector<1x512xf32> to vector<32x512xf32>
    %sub3A_2219 = arith.subf %sub3A_734, %sub3A_2218 : vector<32x512xf32>
    %exp3A_2220 = math.exp %sub3A_2219 : vector<32x512xf32>
    %convert_element_type3A_2221 = arith.truncf %exp3A_2220 : vector<32x512xf32> to vector<32x512xbf16>
    %sub3A_2222 = vector.broadcast %broadcast_in_dim3A_2217 : vector<1x512xf32> to vector<32x512xf32>
    %sub3A_2223 = arith.subf %sub3A_758, %sub3A_2222 : vector<32x512xf32>
    %exp3A_2224 = math.exp %sub3A_2223 : vector<32x512xf32>
    %convert_element_type3A_2225 = arith.truncf %exp3A_2224 : vector<32x512xf32> to vector<32x512xbf16>
    %broadcast_in_dim3A_2226 = vector.shape_cast %convert_element_type3A_2221 : vector<32x512xbf16> to vector<32x1x512xbf16>
    %broadcast_in_dim3A_2227 = vector.shape_cast %convert_element_type3A_2225 : vector<32x512xbf16> to vector<1x32x512xbf16>
    %mul3A_2228 = vector.broadcast %broadcast_in_dim3A_2226 : vector<32x1x512xbf16> to vector<32x32x512xbf16>
    %mul3A_2229 = vector.broadcast %broadcast_in_dim3A_2227 : vector<1x32x512xbf16> to vector<32x32x512xbf16>
    %mul3A_2230 = arith.mulf %mul3A_2228, %mul3A_2229 : vector<32x32x512xbf16>
    %reshape3A_2231 = vector.shape_cast %mul3A_2230 : vector<32x32x512xbf16> to vector<1024x512xbf16>
    %get3A_2232 = arith.constant 15 : index
    %get3A_2233 = arith.constant 0 : index
    %get3A_2234 = arith.constant 0 : index
    %get3A_2235 = vector.load %arg2[%get3A_2232, %get3A_2233, %get3A_2234] : memref<32x32x1024xf32, #tpu.memory_space<vmem>>, vector<1x32x1024xf32>
    %get3A_2236 = vector.shape_cast %get3A_2235 : vector<1x32x1024xf32> to vector<32x1024xf32>
    %reduce_max3A_2237 = arith.constant dense<0xFF800000> : vector<32xf32>
    %reduce_max3A_2238 = vector.multi_reduction <maximumf>, %get3A_2236, %reduce_max3A_2237 [1] : vector<32x1024xf32> to vector<32xf32>
    %broadcast_in_dim3A_2239 = vector.shape_cast %reduce_max3A_2238 : vector<32xf32> to vector<32x1xf32>
    %sub3A_2240 = vector.broadcast %broadcast_in_dim3A_2239 : vector<32x1xf32> to vector<32x1024xf32>
    %sub3A_2241 = arith.subf %get3A_2236, %sub3A_2240 : vector<32x1024xf32>
    %exp3A_2242 = math.exp %sub3A_2241 : vector<32x1024xf32>
    %reduce_sum3A_2243 = arith.constant dense<0.000000e+00> : vector<32xf32>
    %reduce_sum3A_2244 = vector.multi_reduction <add>, %exp3A_2242, %reduce_sum3A_2243 [1] : vector<32x1024xf32> to vector<32xf32>
    %broadcast_in_dim3A_2245 = vector.shape_cast %reduce_sum3A_2244 : vector<32xf32> to vector<32x1xf32>
    %div3A_2246 = vector.broadcast %broadcast_in_dim3A_2245 : vector<32x1xf32> to vector<32x1024xf32>
    %div3A_2247 = arith.divf %exp3A_2242, %div3A_2246 : vector<32x1024xf32>
    %convert_element_type3A_2248 = arith.truncf %div3A_2247 : vector<32x1024xf32> to vector<32x1024xbf16>
    %dot_general3A_2249 = arith.constant dense<0.000000e+00> : vector<32x512xf32>
    %dot_general3A_2250 = tpu.matmul %convert_element_type3A_2248, %reshape3A_2231, %dot_general3A_2249 {dimension_numbers = #tpu.dot_dimension_numbers<[1], [0], [0], [1], [0, 0, 1, 1], [], []>, transpose_lhs_hint = false} : vector<32x1024xbf16>, vector<1024x512xbf16>, vector<32x512xf32> -> vector<32x512xf32>
    %add3A_2251 = arith.constant 9.99999991E-38 : f32
    %add3A_2252 = vector.broadcast %add3A_2251 : f32 to vector<32x512xf32>
    %add3A_2253 = arith.addf %dot_general3A_2250, %add3A_2252 : vector<32x512xf32>
    %log3A_2254 = math.log %add3A_2253 : vector<32x512xf32>
    %add3A_2255 = arith.addf %broadcast_in_dim3A_2214, %broadcast_in_dim3A_2217 : vector<1x512xf32>
    %add3A_2256 = vector.broadcast %add3A_2255 : vector<1x512xf32> to vector<32x512xf32>
    %add3A_2257 = arith.addf %log3A_2254, %add3A_2256 : vector<32x512xf32>
    %reduce_max3A_2258 = arith.constant dense<0xFF800000> : vector<512xf32>
    %reduce_max3A_2259 = vector.multi_reduction <maximumf>, %sub3A_782, %reduce_max3A_2258 [0] : vector<32x512xf32> to vector<512xf32>
    %broadcast_in_dim3A_2260 = vector.shape_cast %reduce_max3A_2259 : vector<512xf32> to vector<1x512xf32>
    %reduce_max3A_2261 = arith.constant dense<0xFF800000> : vector<512xf32>
    %reduce_max3A_2262 = vector.multi_reduction <maximumf>, %sub3A_806, %reduce_max3A_2261 [0] : vector<32x512xf32> to vector<512xf32>
    %broadcast_in_dim3A_2263 = vector.shape_cast %reduce_max3A_2262 : vector<512xf32> to vector<1x512xf32>
    %sub3A_2264 = vector.broadcast %broadcast_in_dim3A_2260 : vector<1x512xf32> to vector<32x512xf32>
    %sub3A_2265 = arith.subf %sub3A_782, %sub3A_2264 : vector<32x512xf32>
    %exp3A_2266 = math.exp %sub3A_2265 : vector<32x512xf32>
    %convert_element_type3A_2267 = arith.truncf %exp3A_2266 : vector<32x512xf32> to vector<32x512xbf16>
    %sub3A_2268 = vector.broadcast %broadcast_in_dim3A_2263 : vector<1x512xf32> to vector<32x512xf32>
    %sub3A_2269 = arith.subf %sub3A_806, %sub3A_2268 : vector<32x512xf32>
    %exp3A_2270 = math.exp %sub3A_2269 : vector<32x512xf32>
    %convert_element_type3A_2271 = arith.truncf %exp3A_2270 : vector<32x512xf32> to vector<32x512xbf16>
    %broadcast_in_dim3A_2272 = vector.shape_cast %convert_element_type3A_2267 : vector<32x512xbf16> to vector<32x1x512xbf16>
    %broadcast_in_dim3A_2273 = vector.shape_cast %convert_element_type3A_2271 : vector<32x512xbf16> to vector<1x32x512xbf16>
    %mul3A_2274 = vector.broadcast %broadcast_in_dim3A_2272 : vector<32x1x512xbf16> to vector<32x32x512xbf16>
    %mul3A_2275 = vector.broadcast %broadcast_in_dim3A_2273 : vector<1x32x512xbf16> to vector<32x32x512xbf16>
    %mul3A_2276 = arith.mulf %mul3A_2274, %mul3A_2275 : vector<32x32x512xbf16>
    %reshape3A_2277 = vector.shape_cast %mul3A_2276 : vector<32x32x512xbf16> to vector<1024x512xbf16>
    %get3A_2278 = arith.constant 16 : index
    %get3A_2279 = arith.constant 0 : index
    %get3A_2280 = arith.constant 0 : index
    %get3A_2281 = vector.load %arg2[%get3A_2278, %get3A_2279, %get3A_2280] : memref<32x32x1024xf32, #tpu.memory_space<vmem>>, vector<1x32x1024xf32>
    %get3A_2282 = vector.shape_cast %get3A_2281 : vector<1x32x1024xf32> to vector<32x1024xf32>
    %reduce_max3A_2283 = arith.constant dense<0xFF800000> : vector<32xf32>
    %reduce_max3A_2284 = vector.multi_reduction <maximumf>, %get3A_2282, %reduce_max3A_2283 [1] : vector<32x1024xf32> to vector<32xf32>
    %broadcast_in_dim3A_2285 = vector.shape_cast %reduce_max3A_2284 : vector<32xf32> to vector<32x1xf32>
    %sub3A_2286 = vector.broadcast %broadcast_in_dim3A_2285 : vector<32x1xf32> to vector<32x1024xf32>
    %sub3A_2287 = arith.subf %get3A_2282, %sub3A_2286 : vector<32x1024xf32>
    %exp3A_2288 = math.exp %sub3A_2287 : vector<32x1024xf32>
    %reduce_sum3A_2289 = arith.constant dense<0.000000e+00> : vector<32xf32>
    %reduce_sum3A_2290 = vector.multi_reduction <add>, %exp3A_2288, %reduce_sum3A_2289 [1] : vector<32x1024xf32> to vector<32xf32>
    %broadcast_in_dim3A_2291 = vector.shape_cast %reduce_sum3A_2290 : vector<32xf32> to vector<32x1xf32>
    %div3A_2292 = vector.broadcast %broadcast_in_dim3A_2291 : vector<32x1xf32> to vector<32x1024xf32>
    %div3A_2293 = arith.divf %exp3A_2288, %div3A_2292 : vector<32x1024xf32>
    %convert_element_type3A_2294 = arith.truncf %div3A_2293 : vector<32x1024xf32> to vector<32x1024xbf16>
    %dot_general3A_2295 = arith.constant dense<0.000000e+00> : vector<32x512xf32>
    %dot_general3A_2296 = tpu.matmul %convert_element_type3A_2294, %reshape3A_2277, %dot_general3A_2295 {dimension_numbers = #tpu.dot_dimension_numbers<[1], [0], [0], [1], [0, 0, 1, 1], [], []>, transpose_lhs_hint = false} : vector<32x1024xbf16>, vector<1024x512xbf16>, vector<32x512xf32> -> vector<32x512xf32>
    %add3A_2297 = arith.constant 9.99999991E-38 : f32
    %add3A_2298 = vector.broadcast %add3A_2297 : f32 to vector<32x512xf32>
    %add3A_2299 = arith.addf %dot_general3A_2296, %add3A_2298 : vector<32x512xf32>
    %log3A_2300 = math.log %add3A_2299 : vector<32x512xf32>
    %add3A_2301 = arith.addf %broadcast_in_dim3A_2260, %broadcast_in_dim3A_2263 : vector<1x512xf32>
    %add3A_2302 = vector.broadcast %add3A_2301 : vector<1x512xf32> to vector<32x512xf32>
    %add3A_2303 = arith.addf %log3A_2300, %add3A_2302 : vector<32x512xf32>
    %reduce_max3A_2304 = arith.constant dense<0xFF800000> : vector<512xf32>
    %reduce_max3A_2305 = vector.multi_reduction <maximumf>, %sub3A_830, %reduce_max3A_2304 [0] : vector<32x512xf32> to vector<512xf32>
    %broadcast_in_dim3A_2306 = vector.shape_cast %reduce_max3A_2305 : vector<512xf32> to vector<1x512xf32>
    %reduce_max3A_2307 = arith.constant dense<0xFF800000> : vector<512xf32>
    %reduce_max3A_2308 = vector.multi_reduction <maximumf>, %sub3A_854, %reduce_max3A_2307 [0] : vector<32x512xf32> to vector<512xf32>
    %broadcast_in_dim3A_2309 = vector.shape_cast %reduce_max3A_2308 : vector<512xf32> to vector<1x512xf32>
    %sub3A_2310 = vector.broadcast %broadcast_in_dim3A_2306 : vector<1x512xf32> to vector<32x512xf32>
    %sub3A_2311 = arith.subf %sub3A_830, %sub3A_2310 : vector<32x512xf32>
    %exp3A_2312 = math.exp %sub3A_2311 : vector<32x512xf32>
    %convert_element_type3A_2313 = arith.truncf %exp3A_2312 : vector<32x512xf32> to vector<32x512xbf16>
    %sub3A_2314 = vector.broadcast %broadcast_in_dim3A_2309 : vector<1x512xf32> to vector<32x512xf32>
    %sub3A_2315 = arith.subf %sub3A_854, %sub3A_2314 : vector<32x512xf32>
    %exp3A_2316 = math.exp %sub3A_2315 : vector<32x512xf32>
    %convert_element_type3A_2317 = arith.truncf %exp3A_2316 : vector<32x512xf32> to vector<32x512xbf16>
    %broadcast_in_dim3A_2318 = vector.shape_cast %convert_element_type3A_2313 : vector<32x512xbf16> to vector<32x1x512xbf16>
    %broadcast_in_dim3A_2319 = vector.shape_cast %convert_element_type3A_2317 : vector<32x512xbf16> to vector<1x32x512xbf16>
    %mul3A_2320 = vector.broadcast %broadcast_in_dim3A_2318 : vector<32x1x512xbf16> to vector<32x32x512xbf16>
    %mul3A_2321 = vector.broadcast %broadcast_in_dim3A_2319 : vector<1x32x512xbf16> to vector<32x32x512xbf16>
    %mul3A_2322 = arith.mulf %mul3A_2320, %mul3A_2321 : vector<32x32x512xbf16>
    %reshape3A_2323 = vector.shape_cast %mul3A_2322 : vector<32x32x512xbf16> to vector<1024x512xbf16>
    %get3A_2324 = arith.constant 17 : index
    %get3A_2325 = arith.constant 0 : index
    %get3A_2326 = arith.constant 0 : index
    %get3A_2327 = vector.load %arg2[%get3A_2324, %get3A_2325, %get3A_2326] : memref<32x32x1024xf32, #tpu.memory_space<vmem>>, vector<1x32x1024xf32>
    %get3A_2328 = vector.shape_cast %get3A_2327 : vector<1x32x1024xf32> to vector<32x1024xf32>
    %reduce_max3A_2329 = arith.constant dense<0xFF800000> : vector<32xf32>
    %reduce_max3A_2330 = vector.multi_reduction <maximumf>, %get3A_2328, %reduce_max3A_2329 [1] : vector<32x1024xf32> to vector<32xf32>
    %broadcast_in_dim3A_2331 = vector.shape_cast %reduce_max3A_2330 : vector<32xf32> to vector<32x1xf32>
    %sub3A_2332 = vector.broadcast %broadcast_in_dim3A_2331 : vector<32x1xf32> to vector<32x1024xf32>
    %sub3A_2333 = arith.subf %get3A_2328, %sub3A_2332 : vector<32x1024xf32>
    %exp3A_2334 = math.exp %sub3A_2333 : vector<32x1024xf32>
    %reduce_sum3A_2335 = arith.constant dense<0.000000e+00> : vector<32xf32>
    %reduce_sum3A_2336 = vector.multi_reduction <add>, %exp3A_2334, %reduce_sum3A_2335 [1] : vector<32x1024xf32> to vector<32xf32>
    %broadcast_in_dim3A_2337 = vector.shape_cast %reduce_sum3A_2336 : vector<32xf32> to vector<32x1xf32>
    %div3A_2338 = vector.broadcast %broadcast_in_dim3A_2337 : vector<32x1xf32> to vector<32x1024xf32>
    %div3A_2339 = arith.divf %exp3A_2334, %div3A_2338 : vector<32x1024xf32>
    %convert_element_type3A_2340 = arith.truncf %div3A_2339 : vector<32x1024xf32> to vector<32x1024xbf16>
    %dot_general3A_2341 = arith.constant dense<0.000000e+00> : vector<32x512xf32>
    %dot_general3A_2342 = tpu.matmul %convert_element_type3A_2340, %reshape3A_2323, %dot_general3A_2341 {dimension_numbers = #tpu.dot_dimension_numbers<[1], [0], [0], [1], [0, 0, 1, 1], [], []>, transpose_lhs_hint = false} : vector<32x1024xbf16>, vector<1024x512xbf16>, vector<32x512xf32> -> vector<32x512xf32>
    %add3A_2343 = arith.constant 9.99999991E-38 : f32
    %add3A_2344 = vector.broadcast %add3A_2343 : f32 to vector<32x512xf32>
    %add3A_2345 = arith.addf %dot_general3A_2342, %add3A_2344 : vector<32x512xf32>
    %log3A_2346 = math.log %add3A_2345 : vector<32x512xf32>
    %add3A_2347 = arith.addf %broadcast_in_dim3A_2306, %broadcast_in_dim3A_2309 : vector<1x512xf32>
    %add3A_2348 = vector.broadcast %add3A_2347 : vector<1x512xf32> to vector<32x512xf32>
    %add3A_2349 = arith.addf %log3A_2346, %add3A_2348 : vector<32x512xf32>
    %reduce_max3A_2350 = arith.constant dense<0xFF800000> : vector<512xf32>
    %reduce_max3A_2351 = vector.multi_reduction <maximumf>, %sub3A_878, %reduce_max3A_2350 [0] : vector<32x512xf32> to vector<512xf32>
    %broadcast_in_dim3A_2352 = vector.shape_cast %reduce_max3A_2351 : vector<512xf32> to vector<1x512xf32>
    %reduce_max3A_2353 = arith.constant dense<0xFF800000> : vector<512xf32>
    %reduce_max3A_2354 = vector.multi_reduction <maximumf>, %sub3A_902, %reduce_max3A_2353 [0] : vector<32x512xf32> to vector<512xf32>
    %broadcast_in_dim3A_2355 = vector.shape_cast %reduce_max3A_2354 : vector<512xf32> to vector<1x512xf32>
    %sub3A_2356 = vector.broadcast %broadcast_in_dim3A_2352 : vector<1x512xf32> to vector<32x512xf32>
    %sub3A_2357 = arith.subf %sub3A_878, %sub3A_2356 : vector<32x512xf32>
    %exp3A_2358 = math.exp %sub3A_2357 : vector<32x512xf32>
    %convert_element_type3A_2359 = arith.truncf %exp3A_2358 : vector<32x512xf32> to vector<32x512xbf16>
    %sub3A_2360 = vector.broadcast %broadcast_in_dim3A_2355 : vector<1x512xf32> to vector<32x512xf32>
    %sub3A_2361 = arith.subf %sub3A_902, %sub3A_2360 : vector<32x512xf32>
    %exp3A_2362 = math.exp %sub3A_2361 : vector<32x512xf32>
    %convert_element_type3A_2363 = arith.truncf %exp3A_2362 : vector<32x512xf32> to vector<32x512xbf16>
    %broadcast_in_dim3A_2364 = vector.shape_cast %convert_element_type3A_2359 : vector<32x512xbf16> to vector<32x1x512xbf16>
    %broadcast_in_dim3A_2365 = vector.shape_cast %convert_element_type3A_2363 : vector<32x512xbf16> to vector<1x32x512xbf16>
    %mul3A_2366 = vector.broadcast %broadcast_in_dim3A_2364 : vector<32x1x512xbf16> to vector<32x32x512xbf16>
    %mul3A_2367 = vector.broadcast %broadcast_in_dim3A_2365 : vector<1x32x512xbf16> to vector<32x32x512xbf16>
    %mul3A_2368 = arith.mulf %mul3A_2366, %mul3A_2367 : vector<32x32x512xbf16>
    %reshape3A_2369 = vector.shape_cast %mul3A_2368 : vector<32x32x512xbf16> to vector<1024x512xbf16>
    %get3A_2370 = arith.constant 18 : index
    %get3A_2371 = arith.constant 0 : index
    %get3A_2372 = arith.constant 0 : index
    %get3A_2373 = vector.load %arg2[%get3A_2370, %get3A_2371, %get3A_2372] : memref<32x32x1024xf32, #tpu.memory_space<vmem>>, vector<1x32x1024xf32>
    %get3A_2374 = vector.shape_cast %get3A_2373 : vector<1x32x1024xf32> to vector<32x1024xf32>
    %reduce_max3A_2375 = arith.constant dense<0xFF800000> : vector<32xf32>
    %reduce_max3A_2376 = vector.multi_reduction <maximumf>, %get3A_2374, %reduce_max3A_2375 [1] : vector<32x1024xf32> to vector<32xf32>
    %broadcast_in_dim3A_2377 = vector.shape_cast %reduce_max3A_2376 : vector<32xf32> to vector<32x1xf32>
    %sub3A_2378 = vector.broadcast %broadcast_in_dim3A_2377 : vector<32x1xf32> to vector<32x1024xf32>
    %sub3A_2379 = arith.subf %get3A_2374, %sub3A_2378 : vector<32x1024xf32>
    %exp3A_2380 = math.exp %sub3A_2379 : vector<32x1024xf32>
    %reduce_sum3A_2381 = arith.constant dense<0.000000e+00> : vector<32xf32>
    %reduce_sum3A_2382 = vector.multi_reduction <add>, %exp3A_2380, %reduce_sum3A_2381 [1] : vector<32x1024xf32> to vector<32xf32>
    %broadcast_in_dim3A_2383 = vector.shape_cast %reduce_sum3A_2382 : vector<32xf32> to vector<32x1xf32>
    %div3A_2384 = vector.broadcast %broadcast_in_dim3A_2383 : vector<32x1xf32> to vector<32x1024xf32>
    %div3A_2385 = arith.divf %exp3A_2380, %div3A_2384 : vector<32x1024xf32>
    %convert_element_type3A_2386 = arith.truncf %div3A_2385 : vector<32x1024xf32> to vector<32x1024xbf16>
    %dot_general3A_2387 = arith.constant dense<0.000000e+00> : vector<32x512xf32>
    %dot_general3A_2388 = tpu.matmul %convert_element_type3A_2386, %reshape3A_2369, %dot_general3A_2387 {dimension_numbers = #tpu.dot_dimension_numbers<[1], [0], [0], [1], [0, 0, 1, 1], [], []>, transpose_lhs_hint = false} : vector<32x1024xbf16>, vector<1024x512xbf16>, vector<32x512xf32> -> vector<32x512xf32>
    %add3A_2389 = arith.constant 9.99999991E-38 : f32
    %add3A_2390 = vector.broadcast %add3A_2389 : f32 to vector<32x512xf32>
    %add3A_2391 = arith.addf %dot_general3A_2388, %add3A_2390 : vector<32x512xf32>
    %log3A_2392 = math.log %add3A_2391 : vector<32x512xf32>
    %add3A_2393 = arith.addf %broadcast_in_dim3A_2352, %broadcast_in_dim3A_2355 : vector<1x512xf32>
    %add3A_2394 = vector.broadcast %add3A_2393 : vector<1x512xf32> to vector<32x512xf32>
    %add3A_2395 = arith.addf %log3A_2392, %add3A_2394 : vector<32x512xf32>
    %reduce_max3A_2396 = arith.constant dense<0xFF800000> : vector<512xf32>
    %reduce_max3A_2397 = vector.multi_reduction <maximumf>, %sub3A_926, %reduce_max3A_2396 [0] : vector<32x512xf32> to vector<512xf32>
    %broadcast_in_dim3A_2398 = vector.shape_cast %reduce_max3A_2397 : vector<512xf32> to vector<1x512xf32>
    %reduce_max3A_2399 = arith.constant dense<0xFF800000> : vector<512xf32>
    %reduce_max3A_2400 = vector.multi_reduction <maximumf>, %sub3A_950, %reduce_max3A_2399 [0] : vector<32x512xf32> to vector<512xf32>
    %broadcast_in_dim3A_2401 = vector.shape_cast %reduce_max3A_2400 : vector<512xf32> to vector<1x512xf32>
    %sub3A_2402 = vector.broadcast %broadcast_in_dim3A_2398 : vector<1x512xf32> to vector<32x512xf32>
    %sub3A_2403 = arith.subf %sub3A_926, %sub3A_2402 : vector<32x512xf32>
    %exp3A_2404 = math.exp %sub3A_2403 : vector<32x512xf32>
    %convert_element_type3A_2405 = arith.truncf %exp3A_2404 : vector<32x512xf32> to vector<32x512xbf16>
    %sub3A_2406 = vector.broadcast %broadcast_in_dim3A_2401 : vector<1x512xf32> to vector<32x512xf32>
    %sub3A_2407 = arith.subf %sub3A_950, %sub3A_2406 : vector<32x512xf32>
    %exp3A_2408 = math.exp %sub3A_2407 : vector<32x512xf32>
    %convert_element_type3A_2409 = arith.truncf %exp3A_2408 : vector<32x512xf32> to vector<32x512xbf16>
    %broadcast_in_dim3A_2410 = vector.shape_cast %convert_element_type3A_2405 : vector<32x512xbf16> to vector<32x1x512xbf16>
    %broadcast_in_dim3A_2411 = vector.shape_cast %convert_element_type3A_2409 : vector<32x512xbf16> to vector<1x32x512xbf16>
    %mul3A_2412 = vector.broadcast %broadcast_in_dim3A_2410 : vector<32x1x512xbf16> to vector<32x32x512xbf16>
    %mul3A_2413 = vector.broadcast %broadcast_in_dim3A_2411 : vector<1x32x512xbf16> to vector<32x32x512xbf16>
    %mul3A_2414 = arith.mulf %mul3A_2412, %mul3A_2413 : vector<32x32x512xbf16>
    %reshape3A_2415 = vector.shape_cast %mul3A_2414 : vector<32x32x512xbf16> to vector<1024x512xbf16>
    %get3A_2416 = arith.constant 19 : index
    %get3A_2417 = arith.constant 0 : index
    %get3A_2418 = arith.constant 0 : index
    %get3A_2419 = vector.load %arg2[%get3A_2416, %get3A_2417, %get3A_2418] : memref<32x32x1024xf32, #tpu.memory_space<vmem>>, vector<1x32x1024xf32>
    %get3A_2420 = vector.shape_cast %get3A_2419 : vector<1x32x1024xf32> to vector<32x1024xf32>
    %reduce_max3A_2421 = arith.constant dense<0xFF800000> : vector<32xf32>
    %reduce_max3A_2422 = vector.multi_reduction <maximumf>, %get3A_2420, %reduce_max3A_2421 [1] : vector<32x1024xf32> to vector<32xf32>
    %broadcast_in_dim3A_2423 = vector.shape_cast %reduce_max3A_2422 : vector<32xf32> to vector<32x1xf32>
    %sub3A_2424 = vector.broadcast %broadcast_in_dim3A_2423 : vector<32x1xf32> to vector<32x1024xf32>
    %sub3A_2425 = arith.subf %get3A_2420, %sub3A_2424 : vector<32x1024xf32>
    %exp3A_2426 = math.exp %sub3A_2425 : vector<32x1024xf32>
    %reduce_sum3A_2427 = arith.constant dense<0.000000e+00> : vector<32xf32>
    %reduce_sum3A_2428 = vector.multi_reduction <add>, %exp3A_2426, %reduce_sum3A_2427 [1] : vector<32x1024xf32> to vector<32xf32>
    %broadcast_in_dim3A_2429 = vector.shape_cast %reduce_sum3A_2428 : vector<32xf32> to vector<32x1xf32>
    %div3A_2430 = vector.broadcast %broadcast_in_dim3A_2429 : vector<32x1xf32> to vector<32x1024xf32>
    %div3A_2431 = arith.divf %exp3A_2426, %div3A_2430 : vector<32x1024xf32>
    %convert_element_type3A_2432 = arith.truncf %div3A_2431 : vector<32x1024xf32> to vector<32x1024xbf16>
    %dot_general3A_2433 = arith.constant dense<0.000000e+00> : vector<32x512xf32>
    %dot_general3A_2434 = tpu.matmul %convert_element_type3A_2432, %reshape3A_2415, %dot_general3A_2433 {dimension_numbers = #tpu.dot_dimension_numbers<[1], [0], [0], [1], [0, 0, 1, 1], [], []>, transpose_lhs_hint = false} : vector<32x1024xbf16>, vector<1024x512xbf16>, vector<32x512xf32> -> vector<32x512xf32>
    %add3A_2435 = arith.constant 9.99999991E-38 : f32
    %add3A_2436 = vector.broadcast %add3A_2435 : f32 to vector<32x512xf32>
    %add3A_2437 = arith.addf %dot_general3A_2434, %add3A_2436 : vector<32x512xf32>
    %log3A_2438 = math.log %add3A_2437 : vector<32x512xf32>
    %add3A_2439 = arith.addf %broadcast_in_dim3A_2398, %broadcast_in_dim3A_2401 : vector<1x512xf32>
    %add3A_2440 = vector.broadcast %add3A_2439 : vector<1x512xf32> to vector<32x512xf32>
    %add3A_2441 = arith.addf %log3A_2438, %add3A_2440 : vector<32x512xf32>
    %reduce_max3A_2442 = arith.constant dense<0xFF800000> : vector<512xf32>
    %reduce_max3A_2443 = vector.multi_reduction <maximumf>, %sub3A_974, %reduce_max3A_2442 [0] : vector<32x512xf32> to vector<512xf32>
    %broadcast_in_dim3A_2444 = vector.shape_cast %reduce_max3A_2443 : vector<512xf32> to vector<1x512xf32>
    %reduce_max3A_2445 = arith.constant dense<0xFF800000> : vector<512xf32>
    %reduce_max3A_2446 = vector.multi_reduction <maximumf>, %sub3A_998, %reduce_max3A_2445 [0] : vector<32x512xf32> to vector<512xf32>
    %broadcast_in_dim3A_2447 = vector.shape_cast %reduce_max3A_2446 : vector<512xf32> to vector<1x512xf32>
    %sub3A_2448 = vector.broadcast %broadcast_in_dim3A_2444 : vector<1x512xf32> to vector<32x512xf32>
    %sub3A_2449 = arith.subf %sub3A_974, %sub3A_2448 : vector<32x512xf32>
    %exp3A_2450 = math.exp %sub3A_2449 : vector<32x512xf32>
    %convert_element_type3A_2451 = arith.truncf %exp3A_2450 : vector<32x512xf32> to vector<32x512xbf16>
    %sub3A_2452 = vector.broadcast %broadcast_in_dim3A_2447 : vector<1x512xf32> to vector<32x512xf32>
    %sub3A_2453 = arith.subf %sub3A_998, %sub3A_2452 : vector<32x512xf32>
    %exp3A_2454 = math.exp %sub3A_2453 : vector<32x512xf32>
    %convert_element_type3A_2455 = arith.truncf %exp3A_2454 : vector<32x512xf32> to vector<32x512xbf16>
    %broadcast_in_dim3A_2456 = vector.shape_cast %convert_element_type3A_2451 : vector<32x512xbf16> to vector<32x1x512xbf16>
    %broadcast_in_dim3A_2457 = vector.shape_cast %convert_element_type3A_2455 : vector<32x512xbf16> to vector<1x32x512xbf16>
    %mul3A_2458 = vector.broadcast %broadcast_in_dim3A_2456 : vector<32x1x512xbf16> to vector<32x32x512xbf16>
    %mul3A_2459 = vector.broadcast %broadcast_in_dim3A_2457 : vector<1x32x512xbf16> to vector<32x32x512xbf16>
    %mul3A_2460 = arith.mulf %mul3A_2458, %mul3A_2459 : vector<32x32x512xbf16>
    %reshape3A_2461 = vector.shape_cast %mul3A_2460 : vector<32x32x512xbf16> to vector<1024x512xbf16>
    %get3A_2462 = arith.constant 20 : index
    %get3A_2463 = arith.constant 0 : index
    %get3A_2464 = arith.constant 0 : index
    %get3A_2465 = vector.load %arg2[%get3A_2462, %get3A_2463, %get3A_2464] : memref<32x32x1024xf32, #tpu.memory_space<vmem>>, vector<1x32x1024xf32>
    %get3A_2466 = vector.shape_cast %get3A_2465 : vector<1x32x1024xf32> to vector<32x1024xf32>
    %reduce_max3A_2467 = arith.constant dense<0xFF800000> : vector<32xf32>
    %reduce_max3A_2468 = vector.multi_reduction <maximumf>, %get3A_2466, %reduce_max3A_2467 [1] : vector<32x1024xf32> to vector<32xf32>
    %broadcast_in_dim3A_2469 = vector.shape_cast %reduce_max3A_2468 : vector<32xf32> to vector<32x1xf32>
    %sub3A_2470 = vector.broadcast %broadcast_in_dim3A_2469 : vector<32x1xf32> to vector<32x1024xf32>
    %sub3A_2471 = arith.subf %get3A_2466, %sub3A_2470 : vector<32x1024xf32>
    %exp3A_2472 = math.exp %sub3A_2471 : vector<32x1024xf32>
    %reduce_sum3A_2473 = arith.constant dense<0.000000e+00> : vector<32xf32>
    %reduce_sum3A_2474 = vector.multi_reduction <add>, %exp3A_2472, %reduce_sum3A_2473 [1] : vector<32x1024xf32> to vector<32xf32>
    %broadcast_in_dim3A_2475 = vector.shape_cast %reduce_sum3A_2474 : vector<32xf32> to vector<32x1xf32>
    %div3A_2476 = vector.broadcast %broadcast_in_dim3A_2475 : vector<32x1xf32> to vector<32x1024xf32>
    %div3A_2477 = arith.divf %exp3A_2472, %div3A_2476 : vector<32x1024xf32>
    %convert_element_type3A_2478 = arith.truncf %div3A_2477 : vector<32x1024xf32> to vector<32x1024xbf16>
    %dot_general3A_2479 = arith.constant dense<0.000000e+00> : vector<32x512xf32>
    %dot_general3A_2480 = tpu.matmul %convert_element_type3A_2478, %reshape3A_2461, %dot_general3A_2479 {dimension_numbers = #tpu.dot_dimension_numbers<[1], [0], [0], [1], [0, 0, 1, 1], [], []>, transpose_lhs_hint = false} : vector<32x1024xbf16>, vector<1024x512xbf16>, vector<32x512xf32> -> vector<32x512xf32>
    %add3A_2481 = arith.constant 9.99999991E-38 : f32
    %add3A_2482 = vector.broadcast %add3A_2481 : f32 to vector<32x512xf32>
    %add3A_2483 = arith.addf %dot_general3A_2480, %add3A_2482 : vector<32x512xf32>
    %log3A_2484 = math.log %add3A_2483 : vector<32x512xf32>
    %add3A_2485 = arith.addf %broadcast_in_dim3A_2444, %broadcast_in_dim3A_2447 : vector<1x512xf32>
    %add3A_2486 = vector.broadcast %add3A_2485 : vector<1x512xf32> to vector<32x512xf32>
    %add3A_2487 = arith.addf %log3A_2484, %add3A_2486 : vector<32x512xf32>
    %reduce_max3A_2488 = arith.constant dense<0xFF800000> : vector<512xf32>
    %reduce_max3A_2489 = vector.multi_reduction <maximumf>, %sub3A_1022, %reduce_max3A_2488 [0] : vector<32x512xf32> to vector<512xf32>
    %broadcast_in_dim3A_2490 = vector.shape_cast %reduce_max3A_2489 : vector<512xf32> to vector<1x512xf32>
    %reduce_max3A_2491 = arith.constant dense<0xFF800000> : vector<512xf32>
    %reduce_max3A_2492 = vector.multi_reduction <maximumf>, %sub3A_1046, %reduce_max3A_2491 [0] : vector<32x512xf32> to vector<512xf32>
    %broadcast_in_dim3A_2493 = vector.shape_cast %reduce_max3A_2492 : vector<512xf32> to vector<1x512xf32>
    %sub3A_2494 = vector.broadcast %broadcast_in_dim3A_2490 : vector<1x512xf32> to vector<32x512xf32>
    %sub3A_2495 = arith.subf %sub3A_1022, %sub3A_2494 : vector<32x512xf32>
    %exp3A_2496 = math.exp %sub3A_2495 : vector<32x512xf32>
    %convert_element_type3A_2497 = arith.truncf %exp3A_2496 : vector<32x512xf32> to vector<32x512xbf16>
    %sub3A_2498 = vector.broadcast %broadcast_in_dim3A_2493 : vector<1x512xf32> to vector<32x512xf32>
    %sub3A_2499 = arith.subf %sub3A_1046, %sub3A_2498 : vector<32x512xf32>
    %exp3A_2500 = math.exp %sub3A_2499 : vector<32x512xf32>
    %convert_element_type3A_2501 = arith.truncf %exp3A_2500 : vector<32x512xf32> to vector<32x512xbf16>
    %broadcast_in_dim3A_2502 = vector.shape_cast %convert_element_type3A_2497 : vector<32x512xbf16> to vector<32x1x512xbf16>
    %broadcast_in_dim3A_2503 = vector.shape_cast %convert_element_type3A_2501 : vector<32x512xbf16> to vector<1x32x512xbf16>
    %mul3A_2504 = vector.broadcast %broadcast_in_dim3A_2502 : vector<32x1x512xbf16> to vector<32x32x512xbf16>
    %mul3A_2505 = vector.broadcast %broadcast_in_dim3A_2503 : vector<1x32x512xbf16> to vector<32x32x512xbf16>
    %mul3A_2506 = arith.mulf %mul3A_2504, %mul3A_2505 : vector<32x32x512xbf16>
    %reshape3A_2507 = vector.shape_cast %mul3A_2506 : vector<32x32x512xbf16> to vector<1024x512xbf16>
    %get3A_2508 = arith.constant 21 : index
    %get3A_2509 = arith.constant 0 : index
    %get3A_2510 = arith.constant 0 : index
    %get3A_2511 = vector.load %arg2[%get3A_2508, %get3A_2509, %get3A_2510] : memref<32x32x1024xf32, #tpu.memory_space<vmem>>, vector<1x32x1024xf32>
    %get3A_2512 = vector.shape_cast %get3A_2511 : vector<1x32x1024xf32> to vector<32x1024xf32>
    %reduce_max3A_2513 = arith.constant dense<0xFF800000> : vector<32xf32>
    %reduce_max3A_2514 = vector.multi_reduction <maximumf>, %get3A_2512, %reduce_max3A_2513 [1] : vector<32x1024xf32> to vector<32xf32>
    %broadcast_in_dim3A_2515 = vector.shape_cast %reduce_max3A_2514 : vector<32xf32> to vector<32x1xf32>
    %sub3A_2516 = vector.broadcast %broadcast_in_dim3A_2515 : vector<32x1xf32> to vector<32x1024xf32>
    %sub3A_2517 = arith.subf %get3A_2512, %sub3A_2516 : vector<32x1024xf32>
    %exp3A_2518 = math.exp %sub3A_2517 : vector<32x1024xf32>
    %reduce_sum3A_2519 = arith.constant dense<0.000000e+00> : vector<32xf32>
    %reduce_sum3A_2520 = vector.multi_reduction <add>, %exp3A_2518, %reduce_sum3A_2519 [1] : vector<32x1024xf32> to vector<32xf32>
    %broadcast_in_dim3A_2521 = vector.shape_cast %reduce_sum3A_2520 : vector<32xf32> to vector<32x1xf32>
    %div3A_2522 = vector.broadcast %broadcast_in_dim3A_2521 : vector<32x1xf32> to vector<32x1024xf32>
    %div3A_2523 = arith.divf %exp3A_2518, %div3A_2522 : vector<32x1024xf32>
    %convert_element_type3A_2524 = arith.truncf %div3A_2523 : vector<32x1024xf32> to vector<32x1024xbf16>
    %dot_general3A_2525 = arith.constant dense<0.000000e+00> : vector<32x512xf32>
    %dot_general3A_2526 = tpu.matmul %convert_element_type3A_2524, %reshape3A_2507, %dot_general3A_2525 {dimension_numbers = #tpu.dot_dimension_numbers<[1], [0], [0], [1], [0, 0, 1, 1], [], []>, transpose_lhs_hint = false} : vector<32x1024xbf16>, vector<1024x512xbf16>, vector<32x512xf32> -> vector<32x512xf32>
    %add3A_2527 = arith.constant 9.99999991E-38 : f32
    %add3A_2528 = vector.broadcast %add3A_2527 : f32 to vector<32x512xf32>
    %add3A_2529 = arith.addf %dot_general3A_2526, %add3A_2528 : vector<32x512xf32>
    %log3A_2530 = math.log %add3A_2529 : vector<32x512xf32>
    %add3A_2531 = arith.addf %broadcast_in_dim3A_2490, %broadcast_in_dim3A_2493 : vector<1x512xf32>
    %add3A_2532 = vector.broadcast %add3A_2531 : vector<1x512xf32> to vector<32x512xf32>
    %add3A_2533 = arith.addf %log3A_2530, %add3A_2532 : vector<32x512xf32>
    %reduce_max3A_2534 = arith.constant dense<0xFF800000> : vector<512xf32>
    %reduce_max3A_2535 = vector.multi_reduction <maximumf>, %sub3A_1070, %reduce_max3A_2534 [0] : vector<32x512xf32> to vector<512xf32>
    %broadcast_in_dim3A_2536 = vector.shape_cast %reduce_max3A_2535 : vector<512xf32> to vector<1x512xf32>
    %reduce_max3A_2537 = arith.constant dense<0xFF800000> : vector<512xf32>
    %reduce_max3A_2538 = vector.multi_reduction <maximumf>, %sub3A_1094, %reduce_max3A_2537 [0] : vector<32x512xf32> to vector<512xf32>
    %broadcast_in_dim3A_2539 = vector.shape_cast %reduce_max3A_2538 : vector<512xf32> to vector<1x512xf32>
    %sub3A_2540 = vector.broadcast %broadcast_in_dim3A_2536 : vector<1x512xf32> to vector<32x512xf32>
    %sub3A_2541 = arith.subf %sub3A_1070, %sub3A_2540 : vector<32x512xf32>
    %exp3A_2542 = math.exp %sub3A_2541 : vector<32x512xf32>
    %convert_element_type3A_2543 = arith.truncf %exp3A_2542 : vector<32x512xf32> to vector<32x512xbf16>
    %sub3A_2544 = vector.broadcast %broadcast_in_dim3A_2539 : vector<1x512xf32> to vector<32x512xf32>
    %sub3A_2545 = arith.subf %sub3A_1094, %sub3A_2544 : vector<32x512xf32>
    %exp3A_2546 = math.exp %sub3A_2545 : vector<32x512xf32>
    %convert_element_type3A_2547 = arith.truncf %exp3A_2546 : vector<32x512xf32> to vector<32x512xbf16>
    %broadcast_in_dim3A_2548 = vector.shape_cast %convert_element_type3A_2543 : vector<32x512xbf16> to vector<32x1x512xbf16>
    %broadcast_in_dim3A_2549 = vector.shape_cast %convert_element_type3A_2547 : vector<32x512xbf16> to vector<1x32x512xbf16>
    %mul3A_2550 = vector.broadcast %broadcast_in_dim3A_2548 : vector<32x1x512xbf16> to vector<32x32x512xbf16>
    %mul3A_2551 = vector.broadcast %broadcast_in_dim3A_2549 : vector<1x32x512xbf16> to vector<32x32x512xbf16>
    %mul3A_2552 = arith.mulf %mul3A_2550, %mul3A_2551 : vector<32x32x512xbf16>
    %reshape3A_2553 = vector.shape_cast %mul3A_2552 : vector<32x32x512xbf16> to vector<1024x512xbf16>
    %get3A_2554 = arith.constant 22 : index
    %get3A_2555 = arith.constant 0 : index
    %get3A_2556 = arith.constant 0 : index
    %get3A_2557 = vector.load %arg2[%get3A_2554, %get3A_2555, %get3A_2556] : memref<32x32x1024xf32, #tpu.memory_space<vmem>>, vector<1x32x1024xf32>
    %get3A_2558 = vector.shape_cast %get3A_2557 : vector<1x32x1024xf32> to vector<32x1024xf32>
    %reduce_max3A_2559 = arith.constant dense<0xFF800000> : vector<32xf32>
    %reduce_max3A_2560 = vector.multi_reduction <maximumf>, %get3A_2558, %reduce_max3A_2559 [1] : vector<32x1024xf32> to vector<32xf32>
    %broadcast_in_dim3A_2561 = vector.shape_cast %reduce_max3A_2560 : vector<32xf32> to vector<32x1xf32>
    %sub3A_2562 = vector.broadcast %broadcast_in_dim3A_2561 : vector<32x1xf32> to vector<32x1024xf32>
    %sub3A_2563 = arith.subf %get3A_2558, %sub3A_2562 : vector<32x1024xf32>
    %exp3A_2564 = math.exp %sub3A_2563 : vector<32x1024xf32>
    %reduce_sum3A_2565 = arith.constant dense<0.000000e+00> : vector<32xf32>
    %reduce_sum3A_2566 = vector.multi_reduction <add>, %exp3A_2564, %reduce_sum3A_2565 [1] : vector<32x1024xf32> to vector<32xf32>
    %broadcast_in_dim3A_2567 = vector.shape_cast %reduce_sum3A_2566 : vector<32xf32> to vector<32x1xf32>
    %div3A_2568 = vector.broadcast %broadcast_in_dim3A_2567 : vector<32x1xf32> to vector<32x1024xf32>
    %div3A_2569 = arith.divf %exp3A_2564, %div3A_2568 : vector<32x1024xf32>
    %convert_element_type3A_2570 = arith.truncf %div3A_2569 : vector<32x1024xf32> to vector<32x1024xbf16>
    %dot_general3A_2571 = arith.constant dense<0.000000e+00> : vector<32x512xf32>
    %dot_general3A_2572 = tpu.matmul %convert_element_type3A_2570, %reshape3A_2553, %dot_general3A_2571 {dimension_numbers = #tpu.dot_dimension_numbers<[1], [0], [0], [1], [0, 0, 1, 1], [], []>, transpose_lhs_hint = false} : vector<32x1024xbf16>, vector<1024x512xbf16>, vector<32x512xf32> -> vector<32x512xf32>
    %add3A_2573 = arith.constant 9.99999991E-38 : f32
    %add3A_2574 = vector.broadcast %add3A_2573 : f32 to vector<32x512xf32>
    %add3A_2575 = arith.addf %dot_general3A_2572, %add3A_2574 : vector<32x512xf32>
    %log3A_2576 = math.log %add3A_2575 : vector<32x512xf32>
    %add3A_2577 = arith.addf %broadcast_in_dim3A_2536, %broadcast_in_dim3A_2539 : vector<1x512xf32>
    %add3A_2578 = vector.broadcast %add3A_2577 : vector<1x512xf32> to vector<32x512xf32>
    %add3A_2579 = arith.addf %log3A_2576, %add3A_2578 : vector<32x512xf32>
    %reduce_max3A_2580 = arith.constant dense<0xFF800000> : vector<512xf32>
    %reduce_max3A_2581 = vector.multi_reduction <maximumf>, %sub3A_1118, %reduce_max3A_2580 [0] : vector<32x512xf32> to vector<512xf32>
    %broadcast_in_dim3A_2582 = vector.shape_cast %reduce_max3A_2581 : vector<512xf32> to vector<1x512xf32>
    %reduce_max3A_2583 = arith.constant dense<0xFF800000> : vector<512xf32>
    %reduce_max3A_2584 = vector.multi_reduction <maximumf>, %sub3A_1142, %reduce_max3A_2583 [0] : vector<32x512xf32> to vector<512xf32>
    %broadcast_in_dim3A_2585 = vector.shape_cast %reduce_max3A_2584 : vector<512xf32> to vector<1x512xf32>
    %sub3A_2586 = vector.broadcast %broadcast_in_dim3A_2582 : vector<1x512xf32> to vector<32x512xf32>
    %sub3A_2587 = arith.subf %sub3A_1118, %sub3A_2586 : vector<32x512xf32>
    %exp3A_2588 = math.exp %sub3A_2587 : vector<32x512xf32>
    %convert_element_type3A_2589 = arith.truncf %exp3A_2588 : vector<32x512xf32> to vector<32x512xbf16>
    %sub3A_2590 = vector.broadcast %broadcast_in_dim3A_2585 : vector<1x512xf32> to vector<32x512xf32>
    %sub3A_2591 = arith.subf %sub3A_1142, %sub3A_2590 : vector<32x512xf32>
    %exp3A_2592 = math.exp %sub3A_2591 : vector<32x512xf32>
    %convert_element_type3A_2593 = arith.truncf %exp3A_2592 : vector<32x512xf32> to vector<32x512xbf16>
    %broadcast_in_dim3A_2594 = vector.shape_cast %convert_element_type3A_2589 : vector<32x512xbf16> to vector<32x1x512xbf16>
    %broadcast_in_dim3A_2595 = vector.shape_cast %convert_element_type3A_2593 : vector<32x512xbf16> to vector<1x32x512xbf16>
    %mul3A_2596 = vector.broadcast %broadcast_in_dim3A_2594 : vector<32x1x512xbf16> to vector<32x32x512xbf16>
    %mul3A_2597 = vector.broadcast %broadcast_in_dim3A_2595 : vector<1x32x512xbf16> to vector<32x32x512xbf16>
    %mul3A_2598 = arith.mulf %mul3A_2596, %mul3A_2597 : vector<32x32x512xbf16>
    %reshape3A_2599 = vector.shape_cast %mul3A_2598 : vector<32x32x512xbf16> to vector<1024x512xbf16>
    %get3A_2600 = arith.constant 23 : index
    %get3A_2601 = arith.constant 0 : index
    %get3A_2602 = arith.constant 0 : index
    %get3A_2603 = vector.load %arg2[%get3A_2600, %get3A_2601, %get3A_2602] : memref<32x32x1024xf32, #tpu.memory_space<vmem>>, vector<1x32x1024xf32>
    %get3A_2604 = vector.shape_cast %get3A_2603 : vector<1x32x1024xf32> to vector<32x1024xf32>
    %reduce_max3A_2605 = arith.constant dense<0xFF800000> : vector<32xf32>
    %reduce_max3A_2606 = vector.multi_reduction <maximumf>, %get3A_2604, %reduce_max3A_2605 [1] : vector<32x1024xf32> to vector<32xf32>
    %broadcast_in_dim3A_2607 = vector.shape_cast %reduce_max3A_2606 : vector<32xf32> to vector<32x1xf32>
    %sub3A_2608 = vector.broadcast %broadcast_in_dim3A_2607 : vector<32x1xf32> to vector<32x1024xf32>
    %sub3A_2609 = arith.subf %get3A_2604, %sub3A_2608 : vector<32x1024xf32>
    %exp3A_2610 = math.exp %sub3A_2609 : vector<32x1024xf32>
    %reduce_sum3A_2611 = arith.constant dense<0.000000e+00> : vector<32xf32>
    %reduce_sum3A_2612 = vector.multi_reduction <add>, %exp3A_2610, %reduce_sum3A_2611 [1] : vector<32x1024xf32> to vector<32xf32>
    %broadcast_in_dim3A_2613 = vector.shape_cast %reduce_sum3A_2612 : vector<32xf32> to vector<32x1xf32>
    %div3A_2614 = vector.broadcast %broadcast_in_dim3A_2613 : vector<32x1xf32> to vector<32x1024xf32>
    %div3A_2615 = arith.divf %exp3A_2610, %div3A_2614 : vector<32x1024xf32>
    %convert_element_type3A_2616 = arith.truncf %div3A_2615 : vector<32x1024xf32> to vector<32x1024xbf16>
    %dot_general3A_2617 = arith.constant dense<0.000000e+00> : vector<32x512xf32>
    %dot_general3A_2618 = tpu.matmul %convert_element_type3A_2616, %reshape3A_2599, %dot_general3A_2617 {dimension_numbers = #tpu.dot_dimension_numbers<[1], [0], [0], [1], [0, 0, 1, 1], [], []>, transpose_lhs_hint = false} : vector<32x1024xbf16>, vector<1024x512xbf16>, vector<32x512xf32> -> vector<32x512xf32>
    %add3A_2619 = arith.constant 9.99999991E-38 : f32
    %add3A_2620 = vector.broadcast %add3A_2619 : f32 to vector<32x512xf32>
    %add3A_2621 = arith.addf %dot_general3A_2618, %add3A_2620 : vector<32x512xf32>
    %log3A_2622 = math.log %add3A_2621 : vector<32x512xf32>
    %add3A_2623 = arith.addf %broadcast_in_dim3A_2582, %broadcast_in_dim3A_2585 : vector<1x512xf32>
    %add3A_2624 = vector.broadcast %add3A_2623 : vector<1x512xf32> to vector<32x512xf32>
    %add3A_2625 = arith.addf %log3A_2622, %add3A_2624 : vector<32x512xf32>
    %reduce_max3A_2626 = arith.constant dense<0xFF800000> : vector<512xf32>
    %reduce_max3A_2627 = vector.multi_reduction <maximumf>, %sub3A_1166, %reduce_max3A_2626 [0] : vector<32x512xf32> to vector<512xf32>
    %broadcast_in_dim3A_2628 = vector.shape_cast %reduce_max3A_2627 : vector<512xf32> to vector<1x512xf32>
    %reduce_max3A_2629 = arith.constant dense<0xFF800000> : vector<512xf32>
    %reduce_max3A_2630 = vector.multi_reduction <maximumf>, %sub3A_1190, %reduce_max3A_2629 [0] : vector<32x512xf32> to vector<512xf32>
    %broadcast_in_dim3A_2631 = vector.shape_cast %reduce_max3A_2630 : vector<512xf32> to vector<1x512xf32>
    %sub3A_2632 = vector.broadcast %broadcast_in_dim3A_2628 : vector<1x512xf32> to vector<32x512xf32>
    %sub3A_2633 = arith.subf %sub3A_1166, %sub3A_2632 : vector<32x512xf32>
    %exp3A_2634 = math.exp %sub3A_2633 : vector<32x512xf32>
    %convert_element_type3A_2635 = arith.truncf %exp3A_2634 : vector<32x512xf32> to vector<32x512xbf16>
    %sub3A_2636 = vector.broadcast %broadcast_in_dim3A_2631 : vector<1x512xf32> to vector<32x512xf32>
    %sub3A_2637 = arith.subf %sub3A_1190, %sub3A_2636 : vector<32x512xf32>
    %exp3A_2638 = math.exp %sub3A_2637 : vector<32x512xf32>
    %convert_element_type3A_2639 = arith.truncf %exp3A_2638 : vector<32x512xf32> to vector<32x512xbf16>
    %broadcast_in_dim3A_2640 = vector.shape_cast %convert_element_type3A_2635 : vector<32x512xbf16> to vector<32x1x512xbf16>
    %broadcast_in_dim3A_2641 = vector.shape_cast %convert_element_type3A_2639 : vector<32x512xbf16> to vector<1x32x512xbf16>
    %mul3A_2642 = vector.broadcast %broadcast_in_dim3A_2640 : vector<32x1x512xbf16> to vector<32x32x512xbf16>
    %mul3A_2643 = vector.broadcast %broadcast_in_dim3A_2641 : vector<1x32x512xbf16> to vector<32x32x512xbf16>
    %mul3A_2644 = arith.mulf %mul3A_2642, %mul3A_2643 : vector<32x32x512xbf16>
    %reshape3A_2645 = vector.shape_cast %mul3A_2644 : vector<32x32x512xbf16> to vector<1024x512xbf16>
    %get3A_2646 = arith.constant 24 : index
    %get3A_2647 = arith.constant 0 : index
    %get3A_2648 = arith.constant 0 : index
    %get3A_2649 = vector.load %arg2[%get3A_2646, %get3A_2647, %get3A_2648] : memref<32x32x1024xf32, #tpu.memory_space<vmem>>, vector<1x32x1024xf32>
    %get3A_2650 = vector.shape_cast %get3A_2649 : vector<1x32x1024xf32> to vector<32x1024xf32>
    %reduce_max3A_2651 = arith.constant dense<0xFF800000> : vector<32xf32>
    %reduce_max3A_2652 = vector.multi_reduction <maximumf>, %get3A_2650, %reduce_max3A_2651 [1] : vector<32x1024xf32> to vector<32xf32>
    %broadcast_in_dim3A_2653 = vector.shape_cast %reduce_max3A_2652 : vector<32xf32> to vector<32x1xf32>
    %sub3A_2654 = vector.broadcast %broadcast_in_dim3A_2653 : vector<32x1xf32> to vector<32x1024xf32>
    %sub3A_2655 = arith.subf %get3A_2650, %sub3A_2654 : vector<32x1024xf32>
    %exp3A_2656 = math.exp %sub3A_2655 : vector<32x1024xf32>
    %reduce_sum3A_2657 = arith.constant dense<0.000000e+00> : vector<32xf32>
    %reduce_sum3A_2658 = vector.multi_reduction <add>, %exp3A_2656, %reduce_sum3A_2657 [1] : vector<32x1024xf32> to vector<32xf32>
    %broadcast_in_dim3A_2659 = vector.shape_cast %reduce_sum3A_2658 : vector<32xf32> to vector<32x1xf32>
    %div3A_2660 = vector.broadcast %broadcast_in_dim3A_2659 : vector<32x1xf32> to vector<32x1024xf32>
    %div3A_2661 = arith.divf %exp3A_2656, %div3A_2660 : vector<32x1024xf32>
    %convert_element_type3A_2662 = arith.truncf %div3A_2661 : vector<32x1024xf32> to vector<32x1024xbf16>
    %dot_general3A_2663 = arith.constant dense<0.000000e+00> : vector<32x512xf32>
    %dot_general3A_2664 = tpu.matmul %convert_element_type3A_2662, %reshape3A_2645, %dot_general3A_2663 {dimension_numbers = #tpu.dot_dimension_numbers<[1], [0], [0], [1], [0, 0, 1, 1], [], []>, transpose_lhs_hint = false} : vector<32x1024xbf16>, vector<1024x512xbf16>, vector<32x512xf32> -> vector<32x512xf32>
    %add3A_2665 = arith.constant 9.99999991E-38 : f32
    %add3A_2666 = vector.broadcast %add3A_2665 : f32 to vector<32x512xf32>
    %add3A_2667 = arith.addf %dot_general3A_2664, %add3A_2666 : vector<32x512xf32>
    %log3A_2668 = math.log %add3A_2667 : vector<32x512xf32>
    %add3A_2669 = arith.addf %broadcast_in_dim3A_2628, %broadcast_in_dim3A_2631 : vector<1x512xf32>
    %add3A_2670 = vector.broadcast %add3A_2669 : vector<1x512xf32> to vector<32x512xf32>
    %add3A_2671 = arith.addf %log3A_2668, %add3A_2670 : vector<32x512xf32>
    %reduce_max3A_2672 = arith.constant dense<0xFF800000> : vector<512xf32>
    %reduce_max3A_2673 = vector.multi_reduction <maximumf>, %sub3A_1214, %reduce_max3A_2672 [0] : vector<32x512xf32> to vector<512xf32>
    %broadcast_in_dim3A_2674 = vector.shape_cast %reduce_max3A_2673 : vector<512xf32> to vector<1x512xf32>
    %reduce_max3A_2675 = arith.constant dense<0xFF800000> : vector<512xf32>
    %reduce_max3A_2676 = vector.multi_reduction <maximumf>, %sub3A_1238, %reduce_max3A_2675 [0] : vector<32x512xf32> to vector<512xf32>
    %broadcast_in_dim3A_2677 = vector.shape_cast %reduce_max3A_2676 : vector<512xf32> to vector<1x512xf32>
    %sub3A_2678 = vector.broadcast %broadcast_in_dim3A_2674 : vector<1x512xf32> to vector<32x512xf32>
    %sub3A_2679 = arith.subf %sub3A_1214, %sub3A_2678 : vector<32x512xf32>
    %exp3A_2680 = math.exp %sub3A_2679 : vector<32x512xf32>
    %convert_element_type3A_2681 = arith.truncf %exp3A_2680 : vector<32x512xf32> to vector<32x512xbf16>
    %sub3A_2682 = vector.broadcast %broadcast_in_dim3A_2677 : vector<1x512xf32> to vector<32x512xf32>
    %sub3A_2683 = arith.subf %sub3A_1238, %sub3A_2682 : vector<32x512xf32>
    %exp3A_2684 = math.exp %sub3A_2683 : vector<32x512xf32>
    %convert_element_type3A_2685 = arith.truncf %exp3A_2684 : vector<32x512xf32> to vector<32x512xbf16>
    %broadcast_in_dim3A_2686 = vector.shape_cast %convert_element_type3A_2681 : vector<32x512xbf16> to vector<32x1x512xbf16>
    %broadcast_in_dim3A_2687 = vector.shape_cast %convert_element_type3A_2685 : vector<32x512xbf16> to vector<1x32x512xbf16>
    %mul3A_2688 = vector.broadcast %broadcast_in_dim3A_2686 : vector<32x1x512xbf16> to vector<32x32x512xbf16>
    %mul3A_2689 = vector.broadcast %broadcast_in_dim3A_2687 : vector<1x32x512xbf16> to vector<32x32x512xbf16>
    %mul3A_2690 = arith.mulf %mul3A_2688, %mul3A_2689 : vector<32x32x512xbf16>
    %reshape3A_2691 = vector.shape_cast %mul3A_2690 : vector<32x32x512xbf16> to vector<1024x512xbf16>
    %get3A_2692 = arith.constant 25 : index
    %get3A_2693 = arith.constant 0 : index
    %get3A_2694 = arith.constant 0 : index
    %get3A_2695 = vector.load %arg2[%get3A_2692, %get3A_2693, %get3A_2694] : memref<32x32x1024xf32, #tpu.memory_space<vmem>>, vector<1x32x1024xf32>
    %get3A_2696 = vector.shape_cast %get3A_2695 : vector<1x32x1024xf32> to vector<32x1024xf32>
    %reduce_max3A_2697 = arith.constant dense<0xFF800000> : vector<32xf32>
    %reduce_max3A_2698 = vector.multi_reduction <maximumf>, %get3A_2696, %reduce_max3A_2697 [1] : vector<32x1024xf32> to vector<32xf32>
    %broadcast_in_dim3A_2699 = vector.shape_cast %reduce_max3A_2698 : vector<32xf32> to vector<32x1xf32>
    %sub3A_2700 = vector.broadcast %broadcast_in_dim3A_2699 : vector<32x1xf32> to vector<32x1024xf32>
    %sub3A_2701 = arith.subf %get3A_2696, %sub3A_2700 : vector<32x1024xf32>
    %exp3A_2702 = math.exp %sub3A_2701 : vector<32x1024xf32>
    %reduce_sum3A_2703 = arith.constant dense<0.000000e+00> : vector<32xf32>
    %reduce_sum3A_2704 = vector.multi_reduction <add>, %exp3A_2702, %reduce_sum3A_2703 [1] : vector<32x1024xf32> to vector<32xf32>
    %broadcast_in_dim3A_2705 = vector.shape_cast %reduce_sum3A_2704 : vector<32xf32> to vector<32x1xf32>
    %div3A_2706 = vector.broadcast %broadcast_in_dim3A_2705 : vector<32x1xf32> to vector<32x1024xf32>
    %div3A_2707 = arith.divf %exp3A_2702, %div3A_2706 : vector<32x1024xf32>
    %convert_element_type3A_2708 = arith.truncf %div3A_2707 : vector<32x1024xf32> to vector<32x1024xbf16>
    %dot_general3A_2709 = arith.constant dense<0.000000e+00> : vector<32x512xf32>
    %dot_general3A_2710 = tpu.matmul %convert_element_type3A_2708, %reshape3A_2691, %dot_general3A_2709 {dimension_numbers = #tpu.dot_dimension_numbers<[1], [0], [0], [1], [0, 0, 1, 1], [], []>, transpose_lhs_hint = false} : vector<32x1024xbf16>, vector<1024x512xbf16>, vector<32x512xf32> -> vector<32x512xf32>
    %add3A_2711 = arith.constant 9.99999991E-38 : f32
    %add3A_2712 = vector.broadcast %add3A_2711 : f32 to vector<32x512xf32>
    %add3A_2713 = arith.addf %dot_general3A_2710, %add3A_2712 : vector<32x512xf32>
    %log3A_2714 = math.log %add3A_2713 : vector<32x512xf32>
    %add3A_2715 = arith.addf %broadcast_in_dim3A_2674, %broadcast_in_dim3A_2677 : vector<1x512xf32>
    %add3A_2716 = vector.broadcast %add3A_2715 : vector<1x512xf32> to vector<32x512xf32>
    %add3A_2717 = arith.addf %log3A_2714, %add3A_2716 : vector<32x512xf32>
    %reduce_max3A_2718 = arith.constant dense<0xFF800000> : vector<512xf32>
    %reduce_max3A_2719 = vector.multi_reduction <maximumf>, %sub3A_1262, %reduce_max3A_2718 [0] : vector<32x512xf32> to vector<512xf32>
    %broadcast_in_dim3A_2720 = vector.shape_cast %reduce_max3A_2719 : vector<512xf32> to vector<1x512xf32>
    %reduce_max3A_2721 = arith.constant dense<0xFF800000> : vector<512xf32>
    %reduce_max3A_2722 = vector.multi_reduction <maximumf>, %sub3A_1286, %reduce_max3A_2721 [0] : vector<32x512xf32> to vector<512xf32>
    %broadcast_in_dim3A_2723 = vector.shape_cast %reduce_max3A_2722 : vector<512xf32> to vector<1x512xf32>
    %sub3A_2724 = vector.broadcast %broadcast_in_dim3A_2720 : vector<1x512xf32> to vector<32x512xf32>
    %sub3A_2725 = arith.subf %sub3A_1262, %sub3A_2724 : vector<32x512xf32>
    %exp3A_2726 = math.exp %sub3A_2725 : vector<32x512xf32>
    %convert_element_type3A_2727 = arith.truncf %exp3A_2726 : vector<32x512xf32> to vector<32x512xbf16>
    %sub3A_2728 = vector.broadcast %broadcast_in_dim3A_2723 : vector<1x512xf32> to vector<32x512xf32>
    %sub3A_2729 = arith.subf %sub3A_1286, %sub3A_2728 : vector<32x512xf32>
    %exp3A_2730 = math.exp %sub3A_2729 : vector<32x512xf32>
    %convert_element_type3A_2731 = arith.truncf %exp3A_2730 : vector<32x512xf32> to vector<32x512xbf16>
    %broadcast_in_dim3A_2732 = vector.shape_cast %convert_element_type3A_2727 : vector<32x512xbf16> to vector<32x1x512xbf16>
    %broadcast_in_dim3A_2733 = vector.shape_cast %convert_element_type3A_2731 : vector<32x512xbf16> to vector<1x32x512xbf16>
    %mul3A_2734 = vector.broadcast %broadcast_in_dim3A_2732 : vector<32x1x512xbf16> to vector<32x32x512xbf16>
    %mul3A_2735 = vector.broadcast %broadcast_in_dim3A_2733 : vector<1x32x512xbf16> to vector<32x32x512xbf16>
    %mul3A_2736 = arith.mulf %mul3A_2734, %mul3A_2735 : vector<32x32x512xbf16>
    %reshape3A_2737 = vector.shape_cast %mul3A_2736 : vector<32x32x512xbf16> to vector<1024x512xbf16>
    %get3A_2738 = arith.constant 26 : index
    %get3A_2739 = arith.constant 0 : index
    %get3A_2740 = arith.constant 0 : index
    %get3A_2741 = vector.load %arg2[%get3A_2738, %get3A_2739, %get3A_2740] : memref<32x32x1024xf32, #tpu.memory_space<vmem>>, vector<1x32x1024xf32>
    %get3A_2742 = vector.shape_cast %get3A_2741 : vector<1x32x1024xf32> to vector<32x1024xf32>
    %reduce_max3A_2743 = arith.constant dense<0xFF800000> : vector<32xf32>
    %reduce_max3A_2744 = vector.multi_reduction <maximumf>, %get3A_2742, %reduce_max3A_2743 [1] : vector<32x1024xf32> to vector<32xf32>
    %broadcast_in_dim3A_2745 = vector.shape_cast %reduce_max3A_2744 : vector<32xf32> to vector<32x1xf32>
    %sub3A_2746 = vector.broadcast %broadcast_in_dim3A_2745 : vector<32x1xf32> to vector<32x1024xf32>
    %sub3A_2747 = arith.subf %get3A_2742, %sub3A_2746 : vector<32x1024xf32>
    %exp3A_2748 = math.exp %sub3A_2747 : vector<32x1024xf32>
    %reduce_sum3A_2749 = arith.constant dense<0.000000e+00> : vector<32xf32>
    %reduce_sum3A_2750 = vector.multi_reduction <add>, %exp3A_2748, %reduce_sum3A_2749 [1] : vector<32x1024xf32> to vector<32xf32>
    %broadcast_in_dim3A_2751 = vector.shape_cast %reduce_sum3A_2750 : vector<32xf32> to vector<32x1xf32>
    %div3A_2752 = vector.broadcast %broadcast_in_dim3A_2751 : vector<32x1xf32> to vector<32x1024xf32>
    %div3A_2753 = arith.divf %exp3A_2748, %div3A_2752 : vector<32x1024xf32>
    %convert_element_type3A_2754 = arith.truncf %div3A_2753 : vector<32x1024xf32> to vector<32x1024xbf16>
    %dot_general3A_2755 = arith.constant dense<0.000000e+00> : vector<32x512xf32>
    %dot_general3A_2756 = tpu.matmul %convert_element_type3A_2754, %reshape3A_2737, %dot_general3A_2755 {dimension_numbers = #tpu.dot_dimension_numbers<[1], [0], [0], [1], [0, 0, 1, 1], [], []>, transpose_lhs_hint = false} : vector<32x1024xbf16>, vector<1024x512xbf16>, vector<32x512xf32> -> vector<32x512xf32>
    %add3A_2757 = arith.constant 9.99999991E-38 : f32
    %add3A_2758 = vector.broadcast %add3A_2757 : f32 to vector<32x512xf32>
    %add3A_2759 = arith.addf %dot_general3A_2756, %add3A_2758 : vector<32x512xf32>
    %log3A_2760 = math.log %add3A_2759 : vector<32x512xf32>
    %add3A_2761 = arith.addf %broadcast_in_dim3A_2720, %broadcast_in_dim3A_2723 : vector<1x512xf32>
    %add3A_2762 = vector.broadcast %add3A_2761 : vector<1x512xf32> to vector<32x512xf32>
    %add3A_2763 = arith.addf %log3A_2760, %add3A_2762 : vector<32x512xf32>
    %reduce_max3A_2764 = arith.constant dense<0xFF800000> : vector<512xf32>
    %reduce_max3A_2765 = vector.multi_reduction <maximumf>, %sub3A_1310, %reduce_max3A_2764 [0] : vector<32x512xf32> to vector<512xf32>
    %broadcast_in_dim3A_2766 = vector.shape_cast %reduce_max3A_2765 : vector<512xf32> to vector<1x512xf32>
    %reduce_max3A_2767 = arith.constant dense<0xFF800000> : vector<512xf32>
    %reduce_max3A_2768 = vector.multi_reduction <maximumf>, %sub3A_1334, %reduce_max3A_2767 [0] : vector<32x512xf32> to vector<512xf32>
    %broadcast_in_dim3A_2769 = vector.shape_cast %reduce_max3A_2768 : vector<512xf32> to vector<1x512xf32>
    %sub3A_2770 = vector.broadcast %broadcast_in_dim3A_2766 : vector<1x512xf32> to vector<32x512xf32>
    %sub3A_2771 = arith.subf %sub3A_1310, %sub3A_2770 : vector<32x512xf32>
    %exp3A_2772 = math.exp %sub3A_2771 : vector<32x512xf32>
    %convert_element_type3A_2773 = arith.truncf %exp3A_2772 : vector<32x512xf32> to vector<32x512xbf16>
    %sub3A_2774 = vector.broadcast %broadcast_in_dim3A_2769 : vector<1x512xf32> to vector<32x512xf32>
    %sub3A_2775 = arith.subf %sub3A_1334, %sub3A_2774 : vector<32x512xf32>
    %exp3A_2776 = math.exp %sub3A_2775 : vector<32x512xf32>
    %convert_element_type3A_2777 = arith.truncf %exp3A_2776 : vector<32x512xf32> to vector<32x512xbf16>
    %broadcast_in_dim3A_2778 = vector.shape_cast %convert_element_type3A_2773 : vector<32x512xbf16> to vector<32x1x512xbf16>
    %broadcast_in_dim3A_2779 = vector.shape_cast %convert_element_type3A_2777 : vector<32x512xbf16> to vector<1x32x512xbf16>
    %mul3A_2780 = vector.broadcast %broadcast_in_dim3A_2778 : vector<32x1x512xbf16> to vector<32x32x512xbf16>
    %mul3A_2781 = vector.broadcast %broadcast_in_dim3A_2779 : vector<1x32x512xbf16> to vector<32x32x512xbf16>
    %mul3A_2782 = arith.mulf %mul3A_2780, %mul3A_2781 : vector<32x32x512xbf16>
    %reshape3A_2783 = vector.shape_cast %mul3A_2782 : vector<32x32x512xbf16> to vector<1024x512xbf16>
    %get3A_2784 = arith.constant 27 : index
    %get3A_2785 = arith.constant 0 : index
    %get3A_2786 = arith.constant 0 : index
    %get3A_2787 = vector.load %arg2[%get3A_2784, %get3A_2785, %get3A_2786] : memref<32x32x1024xf32, #tpu.memory_space<vmem>>, vector<1x32x1024xf32>
    %get3A_2788 = vector.shape_cast %get3A_2787 : vector<1x32x1024xf32> to vector<32x1024xf32>
    %reduce_max3A_2789 = arith.constant dense<0xFF800000> : vector<32xf32>
    %reduce_max3A_2790 = vector.multi_reduction <maximumf>, %get3A_2788, %reduce_max3A_2789 [1] : vector<32x1024xf32> to vector<32xf32>
    %broadcast_in_dim3A_2791 = vector.shape_cast %reduce_max3A_2790 : vector<32xf32> to vector<32x1xf32>
    %sub3A_2792 = vector.broadcast %broadcast_in_dim3A_2791 : vector<32x1xf32> to vector<32x1024xf32>
    %sub3A_2793 = arith.subf %get3A_2788, %sub3A_2792 : vector<32x1024xf32>
    %exp3A_2794 = math.exp %sub3A_2793 : vector<32x1024xf32>
    %reduce_sum3A_2795 = arith.constant dense<0.000000e+00> : vector<32xf32>
    %reduce_sum3A_2796 = vector.multi_reduction <add>, %exp3A_2794, %reduce_sum3A_2795 [1] : vector<32x1024xf32> to vector<32xf32>
    %broadcast_in_dim3A_2797 = vector.shape_cast %reduce_sum3A_2796 : vector<32xf32> to vector<32x1xf32>
    %div3A_2798 = vector.broadcast %broadcast_in_dim3A_2797 : vector<32x1xf32> to vector<32x1024xf32>
    %div3A_2799 = arith.divf %exp3A_2794, %div3A_2798 : vector<32x1024xf32>
    %convert_element_type3A_2800 = arith.truncf %div3A_2799 : vector<32x1024xf32> to vector<32x1024xbf16>
    %dot_general3A_2801 = arith.constant dense<0.000000e+00> : vector<32x512xf32>
    %dot_general3A_2802 = tpu.matmul %convert_element_type3A_2800, %reshape3A_2783, %dot_general3A_2801 {dimension_numbers = #tpu.dot_dimension_numbers<[1], [0], [0], [1], [0, 0, 1, 1], [], []>, transpose_lhs_hint = false} : vector<32x1024xbf16>, vector<1024x512xbf16>, vector<32x512xf32> -> vector<32x512xf32>
    %add3A_2803 = arith.constant 9.99999991E-38 : f32
    %add3A_2804 = vector.broadcast %add3A_2803 : f32 to vector<32x512xf32>
    %add3A_2805 = arith.addf %dot_general3A_2802, %add3A_2804 : vector<32x512xf32>
    %log3A_2806 = math.log %add3A_2805 : vector<32x512xf32>
    %add3A_2807 = arith.addf %broadcast_in_dim3A_2766, %broadcast_in_dim3A_2769 : vector<1x512xf32>
    %add3A_2808 = vector.broadcast %add3A_2807 : vector<1x512xf32> to vector<32x512xf32>
    %add3A_2809 = arith.addf %log3A_2806, %add3A_2808 : vector<32x512xf32>
    %reduce_max3A_2810 = arith.constant dense<0xFF800000> : vector<512xf32>
    %reduce_max3A_2811 = vector.multi_reduction <maximumf>, %sub3A_1358, %reduce_max3A_2810 [0] : vector<32x512xf32> to vector<512xf32>
    %broadcast_in_dim3A_2812 = vector.shape_cast %reduce_max3A_2811 : vector<512xf32> to vector<1x512xf32>
    %reduce_max3A_2813 = arith.constant dense<0xFF800000> : vector<512xf32>
    %reduce_max3A_2814 = vector.multi_reduction <maximumf>, %sub3A_1382, %reduce_max3A_2813 [0] : vector<32x512xf32> to vector<512xf32>
    %broadcast_in_dim3A_2815 = vector.shape_cast %reduce_max3A_2814 : vector<512xf32> to vector<1x512xf32>
    %sub3A_2816 = vector.broadcast %broadcast_in_dim3A_2812 : vector<1x512xf32> to vector<32x512xf32>
    %sub3A_2817 = arith.subf %sub3A_1358, %sub3A_2816 : vector<32x512xf32>
    %exp3A_2818 = math.exp %sub3A_2817 : vector<32x512xf32>
    %convert_element_type3A_2819 = arith.truncf %exp3A_2818 : vector<32x512xf32> to vector<32x512xbf16>
    %sub3A_2820 = vector.broadcast %broadcast_in_dim3A_2815 : vector<1x512xf32> to vector<32x512xf32>
    %sub3A_2821 = arith.subf %sub3A_1382, %sub3A_2820 : vector<32x512xf32>
    %exp3A_2822 = math.exp %sub3A_2821 : vector<32x512xf32>
    %convert_element_type3A_2823 = arith.truncf %exp3A_2822 : vector<32x512xf32> to vector<32x512xbf16>
    %broadcast_in_dim3A_2824 = vector.shape_cast %convert_element_type3A_2819 : vector<32x512xbf16> to vector<32x1x512xbf16>
    %broadcast_in_dim3A_2825 = vector.shape_cast %convert_element_type3A_2823 : vector<32x512xbf16> to vector<1x32x512xbf16>
    %mul3A_2826 = vector.broadcast %broadcast_in_dim3A_2824 : vector<32x1x512xbf16> to vector<32x32x512xbf16>
    %mul3A_2827 = vector.broadcast %broadcast_in_dim3A_2825 : vector<1x32x512xbf16> to vector<32x32x512xbf16>
    %mul3A_2828 = arith.mulf %mul3A_2826, %mul3A_2827 : vector<32x32x512xbf16>
    %reshape3A_2829 = vector.shape_cast %mul3A_2828 : vector<32x32x512xbf16> to vector<1024x512xbf16>
    %get3A_2830 = arith.constant 28 : index
    %get3A_2831 = arith.constant 0 : index
    %get3A_2832 = arith.constant 0 : index
    %get3A_2833 = vector.load %arg2[%get3A_2830, %get3A_2831, %get3A_2832] : memref<32x32x1024xf32, #tpu.memory_space<vmem>>, vector<1x32x1024xf32>
    %get3A_2834 = vector.shape_cast %get3A_2833 : vector<1x32x1024xf32> to vector<32x1024xf32>
    %reduce_max3A_2835 = arith.constant dense<0xFF800000> : vector<32xf32>
    %reduce_max3A_2836 = vector.multi_reduction <maximumf>, %get3A_2834, %reduce_max3A_2835 [1] : vector<32x1024xf32> to vector<32xf32>
    %broadcast_in_dim3A_2837 = vector.shape_cast %reduce_max3A_2836 : vector<32xf32> to vector<32x1xf32>
    %sub3A_2838 = vector.broadcast %broadcast_in_dim3A_2837 : vector<32x1xf32> to vector<32x1024xf32>
    %sub3A_2839 = arith.subf %get3A_2834, %sub3A_2838 : vector<32x1024xf32>
    %exp3A_2840 = math.exp %sub3A_2839 : vector<32x1024xf32>
    %reduce_sum3A_2841 = arith.constant dense<0.000000e+00> : vector<32xf32>
    %reduce_sum3A_2842 = vector.multi_reduction <add>, %exp3A_2840, %reduce_sum3A_2841 [1] : vector<32x1024xf32> to vector<32xf32>
    %broadcast_in_dim3A_2843 = vector.shape_cast %reduce_sum3A_2842 : vector<32xf32> to vector<32x1xf32>
    %div3A_2844 = vector.broadcast %broadcast_in_dim3A_2843 : vector<32x1xf32> to vector<32x1024xf32>
    %div3A_2845 = arith.divf %exp3A_2840, %div3A_2844 : vector<32x1024xf32>
    %convert_element_type3A_2846 = arith.truncf %div3A_2845 : vector<32x1024xf32> to vector<32x1024xbf16>
    %dot_general3A_2847 = arith.constant dense<0.000000e+00> : vector<32x512xf32>
    %dot_general3A_2848 = tpu.matmul %convert_element_type3A_2846, %reshape3A_2829, %dot_general3A_2847 {dimension_numbers = #tpu.dot_dimension_numbers<[1], [0], [0], [1], [0, 0, 1, 1], [], []>, transpose_lhs_hint = false} : vector<32x1024xbf16>, vector<1024x512xbf16>, vector<32x512xf32> -> vector<32x512xf32>
    %add3A_2849 = arith.constant 9.99999991E-38 : f32
    %add3A_2850 = vector.broadcast %add3A_2849 : f32 to vector<32x512xf32>
    %add3A_2851 = arith.addf %dot_general3A_2848, %add3A_2850 : vector<32x512xf32>
    %log3A_2852 = math.log %add3A_2851 : vector<32x512xf32>
    %add3A_2853 = arith.addf %broadcast_in_dim3A_2812, %broadcast_in_dim3A_2815 : vector<1x512xf32>
    %add3A_2854 = vector.broadcast %add3A_2853 : vector<1x512xf32> to vector<32x512xf32>
    %add3A_2855 = arith.addf %log3A_2852, %add3A_2854 : vector<32x512xf32>
    %reduce_max3A_2856 = arith.constant dense<0xFF800000> : vector<512xf32>
    %reduce_max3A_2857 = vector.multi_reduction <maximumf>, %sub3A_1406, %reduce_max3A_2856 [0] : vector<32x512xf32> to vector<512xf32>
    %broadcast_in_dim3A_2858 = vector.shape_cast %reduce_max3A_2857 : vector<512xf32> to vector<1x512xf32>
    %reduce_max3A_2859 = arith.constant dense<0xFF800000> : vector<512xf32>
    %reduce_max3A_2860 = vector.multi_reduction <maximumf>, %sub3A_1430, %reduce_max3A_2859 [0] : vector<32x512xf32> to vector<512xf32>
    %broadcast_in_dim3A_2861 = vector.shape_cast %reduce_max3A_2860 : vector<512xf32> to vector<1x512xf32>
    %sub3A_2862 = vector.broadcast %broadcast_in_dim3A_2858 : vector<1x512xf32> to vector<32x512xf32>
    %sub3A_2863 = arith.subf %sub3A_1406, %sub3A_2862 : vector<32x512xf32>
    %exp3A_2864 = math.exp %sub3A_2863 : vector<32x512xf32>
    %convert_element_type3A_2865 = arith.truncf %exp3A_2864 : vector<32x512xf32> to vector<32x512xbf16>
    %sub3A_2866 = vector.broadcast %broadcast_in_dim3A_2861 : vector<1x512xf32> to vector<32x512xf32>
    %sub3A_2867 = arith.subf %sub3A_1430, %sub3A_2866 : vector<32x512xf32>
    %exp3A_2868 = math.exp %sub3A_2867 : vector<32x512xf32>
    %convert_element_type3A_2869 = arith.truncf %exp3A_2868 : vector<32x512xf32> to vector<32x512xbf16>
    %broadcast_in_dim3A_2870 = vector.shape_cast %convert_element_type3A_2865 : vector<32x512xbf16> to vector<32x1x512xbf16>
    %broadcast_in_dim3A_2871 = vector.shape_cast %convert_element_type3A_2869 : vector<32x512xbf16> to vector<1x32x512xbf16>
    %mul3A_2872 = vector.broadcast %broadcast_in_dim3A_2870 : vector<32x1x512xbf16> to vector<32x32x512xbf16>
    %mul3A_2873 = vector.broadcast %broadcast_in_dim3A_2871 : vector<1x32x512xbf16> to vector<32x32x512xbf16>
    %mul3A_2874 = arith.mulf %mul3A_2872, %mul3A_2873 : vector<32x32x512xbf16>
    %reshape3A_2875 = vector.shape_cast %mul3A_2874 : vector<32x32x512xbf16> to vector<1024x512xbf16>
    %get3A_2876 = arith.constant 29 : index
    %get3A_2877 = arith.constant 0 : index
    %get3A_2878 = arith.constant 0 : index
    %get3A_2879 = vector.load %arg2[%get3A_2876, %get3A_2877, %get3A_2878] : memref<32x32x1024xf32, #tpu.memory_space<vmem>>, vector<1x32x1024xf32>
    %get3A_2880 = vector.shape_cast %get3A_2879 : vector<1x32x1024xf32> to vector<32x1024xf32>
    %reduce_max3A_2881 = arith.constant dense<0xFF800000> : vector<32xf32>
    %reduce_max3A_2882 = vector.multi_reduction <maximumf>, %get3A_2880, %reduce_max3A_2881 [1] : vector<32x1024xf32> to vector<32xf32>
    %broadcast_in_dim3A_2883 = vector.shape_cast %reduce_max3A_2882 : vector<32xf32> to vector<32x1xf32>
    %sub3A_2884 = vector.broadcast %broadcast_in_dim3A_2883 : vector<32x1xf32> to vector<32x1024xf32>
    %sub3A_2885 = arith.subf %get3A_2880, %sub3A_2884 : vector<32x1024xf32>
    %exp3A_2886 = math.exp %sub3A_2885 : vector<32x1024xf32>
    %reduce_sum3A_2887 = arith.constant dense<0.000000e+00> : vector<32xf32>
    %reduce_sum3A_2888 = vector.multi_reduction <add>, %exp3A_2886, %reduce_sum3A_2887 [1] : vector<32x1024xf32> to vector<32xf32>
    %broadcast_in_dim3A_2889 = vector.shape_cast %reduce_sum3A_2888 : vector<32xf32> to vector<32x1xf32>
    %div3A_2890 = vector.broadcast %broadcast_in_dim3A_2889 : vector<32x1xf32> to vector<32x1024xf32>
    %div3A_2891 = arith.divf %exp3A_2886, %div3A_2890 : vector<32x1024xf32>
    %convert_element_type3A_2892 = arith.truncf %div3A_2891 : vector<32x1024xf32> to vector<32x1024xbf16>
    %dot_general3A_2893 = arith.constant dense<0.000000e+00> : vector<32x512xf32>
    %dot_general3A_2894 = tpu.matmul %convert_element_type3A_2892, %reshape3A_2875, %dot_general3A_2893 {dimension_numbers = #tpu.dot_dimension_numbers<[1], [0], [0], [1], [0, 0, 1, 1], [], []>, transpose_lhs_hint = false} : vector<32x1024xbf16>, vector<1024x512xbf16>, vector<32x512xf32> -> vector<32x512xf32>
    %add3A_2895 = arith.constant 9.99999991E-38 : f32
    %add3A_2896 = vector.broadcast %add3A_2895 : f32 to vector<32x512xf32>
    %add3A_2897 = arith.addf %dot_general3A_2894, %add3A_2896 : vector<32x512xf32>
    %log3A_2898 = math.log %add3A_2897 : vector<32x512xf32>
    %add3A_2899 = arith.addf %broadcast_in_dim3A_2858, %broadcast_in_dim3A_2861 : vector<1x512xf32>
    %add3A_2900 = vector.broadcast %add3A_2899 : vector<1x512xf32> to vector<32x512xf32>
    %add3A_2901 = arith.addf %log3A_2898, %add3A_2900 : vector<32x512xf32>
    %reduce_max3A_2902 = arith.constant dense<0xFF800000> : vector<512xf32>
    %reduce_max3A_2903 = vector.multi_reduction <maximumf>, %sub3A_1454, %reduce_max3A_2902 [0] : vector<32x512xf32> to vector<512xf32>
    %broadcast_in_dim3A_2904 = vector.shape_cast %reduce_max3A_2903 : vector<512xf32> to vector<1x512xf32>
    %reduce_max3A_2905 = arith.constant dense<0xFF800000> : vector<512xf32>
    %reduce_max3A_2906 = vector.multi_reduction <maximumf>, %sub3A_1478, %reduce_max3A_2905 [0] : vector<32x512xf32> to vector<512xf32>
    %broadcast_in_dim3A_2907 = vector.shape_cast %reduce_max3A_2906 : vector<512xf32> to vector<1x512xf32>
    %sub3A_2908 = vector.broadcast %broadcast_in_dim3A_2904 : vector<1x512xf32> to vector<32x512xf32>
    %sub3A_2909 = arith.subf %sub3A_1454, %sub3A_2908 : vector<32x512xf32>
    %exp3A_2910 = math.exp %sub3A_2909 : vector<32x512xf32>
    %convert_element_type3A_2911 = arith.truncf %exp3A_2910 : vector<32x512xf32> to vector<32x512xbf16>
    %sub3A_2912 = vector.broadcast %broadcast_in_dim3A_2907 : vector<1x512xf32> to vector<32x512xf32>
    %sub3A_2913 = arith.subf %sub3A_1478, %sub3A_2912 : vector<32x512xf32>
    %exp3A_2914 = math.exp %sub3A_2913 : vector<32x512xf32>
    %convert_element_type3A_2915 = arith.truncf %exp3A_2914 : vector<32x512xf32> to vector<32x512xbf16>
    %broadcast_in_dim3A_2916 = vector.shape_cast %convert_element_type3A_2911 : vector<32x512xbf16> to vector<32x1x512xbf16>
    %broadcast_in_dim3A_2917 = vector.shape_cast %convert_element_type3A_2915 : vector<32x512xbf16> to vector<1x32x512xbf16>
    %mul3A_2918 = vector.broadcast %broadcast_in_dim3A_2916 : vector<32x1x512xbf16> to vector<32x32x512xbf16>
    %mul3A_2919 = vector.broadcast %broadcast_in_dim3A_2917 : vector<1x32x512xbf16> to vector<32x32x512xbf16>
    %mul3A_2920 = arith.mulf %mul3A_2918, %mul3A_2919 : vector<32x32x512xbf16>
    %reshape3A_2921 = vector.shape_cast %mul3A_2920 : vector<32x32x512xbf16> to vector<1024x512xbf16>
    %get3A_2922 = arith.constant 30 : index
    %get3A_2923 = arith.constant 0 : index
    %get3A_2924 = arith.constant 0 : index
    %get3A_2925 = vector.load %arg2[%get3A_2922, %get3A_2923, %get3A_2924] : memref<32x32x1024xf32, #tpu.memory_space<vmem>>, vector<1x32x1024xf32>
    %get3A_2926 = vector.shape_cast %get3A_2925 : vector<1x32x1024xf32> to vector<32x1024xf32>
    %reduce_max3A_2927 = arith.constant dense<0xFF800000> : vector<32xf32>
    %reduce_max3A_2928 = vector.multi_reduction <maximumf>, %get3A_2926, %reduce_max3A_2927 [1] : vector<32x1024xf32> to vector<32xf32>
    %broadcast_in_dim3A_2929 = vector.shape_cast %reduce_max3A_2928 : vector<32xf32> to vector<32x1xf32>
    %sub3A_2930 = vector.broadcast %broadcast_in_dim3A_2929 : vector<32x1xf32> to vector<32x1024xf32>
    %sub3A_2931 = arith.subf %get3A_2926, %sub3A_2930 : vector<32x1024xf32>
    %exp3A_2932 = math.exp %sub3A_2931 : vector<32x1024xf32>
    %reduce_sum3A_2933 = arith.constant dense<0.000000e+00> : vector<32xf32>
    %reduce_sum3A_2934 = vector.multi_reduction <add>, %exp3A_2932, %reduce_sum3A_2933 [1] : vector<32x1024xf32> to vector<32xf32>
    %broadcast_in_dim3A_2935 = vector.shape_cast %reduce_sum3A_2934 : vector<32xf32> to vector<32x1xf32>
    %div3A_2936 = vector.broadcast %broadcast_in_dim3A_2935 : vector<32x1xf32> to vector<32x1024xf32>
    %div3A_2937 = arith.divf %exp3A_2932, %div3A_2936 : vector<32x1024xf32>
    %convert_element_type3A_2938 = arith.truncf %div3A_2937 : vector<32x1024xf32> to vector<32x1024xbf16>
    %dot_general3A_2939 = arith.constant dense<0.000000e+00> : vector<32x512xf32>
    %dot_general3A_2940 = tpu.matmul %convert_element_type3A_2938, %reshape3A_2921, %dot_general3A_2939 {dimension_numbers = #tpu.dot_dimension_numbers<[1], [0], [0], [1], [0, 0, 1, 1], [], []>, transpose_lhs_hint = false} : vector<32x1024xbf16>, vector<1024x512xbf16>, vector<32x512xf32> -> vector<32x512xf32>
    %add3A_2941 = arith.constant 9.99999991E-38 : f32
    %add3A_2942 = vector.broadcast %add3A_2941 : f32 to vector<32x512xf32>
    %add3A_2943 = arith.addf %dot_general3A_2940, %add3A_2942 : vector<32x512xf32>
    %log3A_2944 = math.log %add3A_2943 : vector<32x512xf32>
    %add3A_2945 = arith.addf %broadcast_in_dim3A_2904, %broadcast_in_dim3A_2907 : vector<1x512xf32>
    %add3A_2946 = vector.broadcast %add3A_2945 : vector<1x512xf32> to vector<32x512xf32>
    %add3A_2947 = arith.addf %log3A_2944, %add3A_2946 : vector<32x512xf32>
    %reduce_max3A_2948 = arith.constant dense<0xFF800000> : vector<512xf32>
    %reduce_max3A_2949 = vector.multi_reduction <maximumf>, %sub3A_1502, %reduce_max3A_2948 [0] : vector<32x512xf32> to vector<512xf32>
    %broadcast_in_dim3A_2950 = vector.shape_cast %reduce_max3A_2949 : vector<512xf32> to vector<1x512xf32>
    %reduce_max3A_2951 = arith.constant dense<0xFF800000> : vector<512xf32>
    %reduce_max3A_2952 = vector.multi_reduction <maximumf>, %sub3A_1526, %reduce_max3A_2951 [0] : vector<32x512xf32> to vector<512xf32>
    %broadcast_in_dim3A_2953 = vector.shape_cast %reduce_max3A_2952 : vector<512xf32> to vector<1x512xf32>
    %sub3A_2954 = vector.broadcast %broadcast_in_dim3A_2950 : vector<1x512xf32> to vector<32x512xf32>
    %sub3A_2955 = arith.subf %sub3A_1502, %sub3A_2954 : vector<32x512xf32>
    %exp3A_2956 = math.exp %sub3A_2955 : vector<32x512xf32>
    %convert_element_type3A_2957 = arith.truncf %exp3A_2956 : vector<32x512xf32> to vector<32x512xbf16>
    %sub3A_2958 = vector.broadcast %broadcast_in_dim3A_2953 : vector<1x512xf32> to vector<32x512xf32>
    %sub3A_2959 = arith.subf %sub3A_1526, %sub3A_2958 : vector<32x512xf32>
    %exp3A_2960 = math.exp %sub3A_2959 : vector<32x512xf32>
    %convert_element_type3A_2961 = arith.truncf %exp3A_2960 : vector<32x512xf32> to vector<32x512xbf16>
    %broadcast_in_dim3A_2962 = vector.shape_cast %convert_element_type3A_2957 : vector<32x512xbf16> to vector<32x1x512xbf16>
    %broadcast_in_dim3A_2963 = vector.shape_cast %convert_element_type3A_2961 : vector<32x512xbf16> to vector<1x32x512xbf16>
    %mul3A_2964 = vector.broadcast %broadcast_in_dim3A_2962 : vector<32x1x512xbf16> to vector<32x32x512xbf16>
    %mul3A_2965 = vector.broadcast %broadcast_in_dim3A_2963 : vector<1x32x512xbf16> to vector<32x32x512xbf16>
    %mul3A_2966 = arith.mulf %mul3A_2964, %mul3A_2965 : vector<32x32x512xbf16>
    %reshape3A_2967 = vector.shape_cast %mul3A_2966 : vector<32x32x512xbf16> to vector<1024x512xbf16>
    %get3A_2968 = arith.constant 31 : index
    %get3A_2969 = arith.constant 0 : index
    %get3A_2970 = arith.constant 0 : index
    %get3A_2971 = vector.load %arg2[%get3A_2968, %get3A_2969, %get3A_2970] : memref<32x32x1024xf32, #tpu.memory_space<vmem>>, vector<1x32x1024xf32>
    %get3A_2972 = vector.shape_cast %get3A_2971 : vector<1x32x1024xf32> to vector<32x1024xf32>
    %reduce_max3A_2973 = arith.constant dense<0xFF800000> : vector<32xf32>
    %reduce_max3A_2974 = vector.multi_reduction <maximumf>, %get3A_2972, %reduce_max3A_2973 [1] : vector<32x1024xf32> to vector<32xf32>
    %broadcast_in_dim3A_2975 = vector.shape_cast %reduce_max3A_2974 : vector<32xf32> to vector<32x1xf32>
    %sub3A_2976 = vector.broadcast %broadcast_in_dim3A_2975 : vector<32x1xf32> to vector<32x1024xf32>
    %sub3A_2977 = arith.subf %get3A_2972, %sub3A_2976 : vector<32x1024xf32>
    %exp3A_2978 = math.exp %sub3A_2977 : vector<32x1024xf32>
    %reduce_sum3A_2979 = arith.constant dense<0.000000e+00> : vector<32xf32>
    %reduce_sum3A_2980 = vector.multi_reduction <add>, %exp3A_2978, %reduce_sum3A_2979 [1] : vector<32x1024xf32> to vector<32xf32>
    %broadcast_in_dim3A_2981 = vector.shape_cast %reduce_sum3A_2980 : vector<32xf32> to vector<32x1xf32>
    %div3A_2982 = vector.broadcast %broadcast_in_dim3A_2981 : vector<32x1xf32> to vector<32x1024xf32>
    %div3A_2983 = arith.divf %exp3A_2978, %div3A_2982 : vector<32x1024xf32>
    %convert_element_type3A_2984 = arith.truncf %div3A_2983 : vector<32x1024xf32> to vector<32x1024xbf16>
    %dot_general3A_2985 = arith.constant dense<0.000000e+00> : vector<32x512xf32>
    %dot_general3A_2986 = tpu.matmul %convert_element_type3A_2984, %reshape3A_2967, %dot_general3A_2985 {dimension_numbers = #tpu.dot_dimension_numbers<[1], [0], [0], [1], [0, 0, 1, 1], [], []>, transpose_lhs_hint = false} : vector<32x1024xbf16>, vector<1024x512xbf16>, vector<32x512xf32> -> vector<32x512xf32>
    %add3A_2987 = arith.constant 9.99999991E-38 : f32
    %add3A_2988 = vector.broadcast %add3A_2987 : f32 to vector<32x512xf32>
    %add3A_2989 = arith.addf %dot_general3A_2986, %add3A_2988 : vector<32x512xf32>
    %log3A_2990 = math.log %add3A_2989 : vector<32x512xf32>
    %add3A_2991 = arith.addf %broadcast_in_dim3A_2950, %broadcast_in_dim3A_2953 : vector<1x512xf32>
    %add3A_2992 = vector.broadcast %add3A_2991 : vector<1x512xf32> to vector<32x512xf32>
    %add3A_2993 = arith.addf %log3A_2990, %add3A_2992 : vector<32x512xf32>
    %reduce_max3A_2994 = arith.constant dense<0xFF800000> : vector<512xf32>
    %reduce_max3A_2995 = vector.multi_reduction <maximumf>, %add3A_1567, %reduce_max3A_2994 [0] : vector<32x512xf32> to vector<512xf32>
    %broadcast_in_dim3A_2996 = vector.shape_cast %reduce_max3A_2995 : vector<512xf32> to vector<1x512xf32>
    %reduce_max3A_2997 = arith.constant dense<0xFF800000> : vector<512xf32>
    %reduce_max3A_2998 = vector.multi_reduction <maximumf>, %add3A_1613, %reduce_max3A_2997 [0] : vector<32x512xf32> to vector<512xf32>
    %broadcast_in_dim3A_2999 = vector.shape_cast %reduce_max3A_2998 : vector<512xf32> to vector<1x512xf32>
    %sub3A_3000 = vector.broadcast %broadcast_in_dim3A_2996 : vector<1x512xf32> to vector<32x512xf32>
    %sub3A_3001 = arith.subf %add3A_1567, %sub3A_3000 : vector<32x512xf32>
    %exp3A_3002 = math.exp %sub3A_3001 : vector<32x512xf32>
    %convert_element_type3A_3003 = arith.truncf %exp3A_3002 : vector<32x512xf32> to vector<32x512xbf16>
    %sub3A_3004 = vector.broadcast %broadcast_in_dim3A_2999 : vector<1x512xf32> to vector<32x512xf32>
    %sub3A_3005 = arith.subf %add3A_1613, %sub3A_3004 : vector<32x512xf32>
    %exp3A_3006 = math.exp %sub3A_3005 : vector<32x512xf32>
    %convert_element_type3A_3007 = arith.truncf %exp3A_3006 : vector<32x512xf32> to vector<32x512xbf16>
    %broadcast_in_dim3A_3008 = vector.shape_cast %convert_element_type3A_3003 : vector<32x512xbf16> to vector<32x1x512xbf16>
    %broadcast_in_dim3A_3009 = vector.shape_cast %convert_element_type3A_3007 : vector<32x512xbf16> to vector<1x32x512xbf16>
    %mul3A_3010 = vector.broadcast %broadcast_in_dim3A_3008 : vector<32x1x512xbf16> to vector<32x32x512xbf16>
    %mul3A_3011 = vector.broadcast %broadcast_in_dim3A_3009 : vector<1x32x512xbf16> to vector<32x32x512xbf16>
    %mul3A_3012 = arith.mulf %mul3A_3010, %mul3A_3011 : vector<32x32x512xbf16>
    %reshape3A_3013 = vector.shape_cast %mul3A_3012 : vector<32x32x512xbf16> to vector<1024x512xbf16>
    %get3A_3014 = arith.constant 0 : index
    %get3A_3015 = arith.constant 0 : index
    %get3A_3016 = arith.constant 0 : index
    %get3A_3017 = vector.load %arg3[%get3A_3014, %get3A_3015, %get3A_3016] : memref<16x32x1024xf32, #tpu.memory_space<vmem>>, vector<1x32x1024xf32>
    %get3A_3018 = vector.shape_cast %get3A_3017 : vector<1x32x1024xf32> to vector<32x1024xf32>
    %reduce_max3A_3019 = arith.constant dense<0xFF800000> : vector<32xf32>
    %reduce_max3A_3020 = vector.multi_reduction <maximumf>, %get3A_3018, %reduce_max3A_3019 [1] : vector<32x1024xf32> to vector<32xf32>
    %broadcast_in_dim3A_3021 = vector.shape_cast %reduce_max3A_3020 : vector<32xf32> to vector<32x1xf32>
    %sub3A_3022 = vector.broadcast %broadcast_in_dim3A_3021 : vector<32x1xf32> to vector<32x1024xf32>
    %sub3A_3023 = arith.subf %get3A_3018, %sub3A_3022 : vector<32x1024xf32>
    %exp3A_3024 = math.exp %sub3A_3023 : vector<32x1024xf32>
    %reduce_sum3A_3025 = arith.constant dense<0.000000e+00> : vector<32xf32>
    %reduce_sum3A_3026 = vector.multi_reduction <add>, %exp3A_3024, %reduce_sum3A_3025 [1] : vector<32x1024xf32> to vector<32xf32>
    %broadcast_in_dim3A_3027 = vector.shape_cast %reduce_sum3A_3026 : vector<32xf32> to vector<32x1xf32>
    %div3A_3028 = vector.broadcast %broadcast_in_dim3A_3027 : vector<32x1xf32> to vector<32x1024xf32>
    %div3A_3029 = arith.divf %exp3A_3024, %div3A_3028 : vector<32x1024xf32>
    %convert_element_type3A_3030 = arith.truncf %div3A_3029 : vector<32x1024xf32> to vector<32x1024xbf16>
    %dot_general3A_3031 = arith.constant dense<0.000000e+00> : vector<32x512xf32>
    %dot_general3A_3032 = tpu.matmul %convert_element_type3A_3030, %reshape3A_3013, %dot_general3A_3031 {dimension_numbers = #tpu.dot_dimension_numbers<[1], [0], [0], [1], [0, 0, 1, 1], [], []>, transpose_lhs_hint = false} : vector<32x1024xbf16>, vector<1024x512xbf16>, vector<32x512xf32> -> vector<32x512xf32>
    %add3A_3033 = arith.constant 9.99999991E-38 : f32
    %add3A_3034 = vector.broadcast %add3A_3033 : f32 to vector<32x512xf32>
    %add3A_3035 = arith.addf %dot_general3A_3032, %add3A_3034 : vector<32x512xf32>
    %log3A_3036 = math.log %add3A_3035 : vector<32x512xf32>
    %add3A_3037 = arith.addf %broadcast_in_dim3A_2996, %broadcast_in_dim3A_2999 : vector<1x512xf32>
    %add3A_3038 = vector.broadcast %add3A_3037 : vector<1x512xf32> to vector<32x512xf32>
    %add3A_3039 = arith.addf %log3A_3036, %add3A_3038 : vector<32x512xf32>
    %reduce_max3A_3040 = arith.constant dense<0xFF800000> : vector<512xf32>
    %reduce_max3A_3041 = vector.multi_reduction <maximumf>, %add3A_1659, %reduce_max3A_3040 [0] : vector<32x512xf32> to vector<512xf32>
    %broadcast_in_dim3A_3042 = vector.shape_cast %reduce_max3A_3041 : vector<512xf32> to vector<1x512xf32>
    %reduce_max3A_3043 = arith.constant dense<0xFF800000> : vector<512xf32>
    %reduce_max3A_3044 = vector.multi_reduction <maximumf>, %add3A_1705, %reduce_max3A_3043 [0] : vector<32x512xf32> to vector<512xf32>
    %broadcast_in_dim3A_3045 = vector.shape_cast %reduce_max3A_3044 : vector<512xf32> to vector<1x512xf32>
    %sub3A_3046 = vector.broadcast %broadcast_in_dim3A_3042 : vector<1x512xf32> to vector<32x512xf32>
    %sub3A_3047 = arith.subf %add3A_1659, %sub3A_3046 : vector<32x512xf32>
    %exp3A_3048 = math.exp %sub3A_3047 : vector<32x512xf32>
    %convert_element_type3A_3049 = arith.truncf %exp3A_3048 : vector<32x512xf32> to vector<32x512xbf16>
    %sub3A_3050 = vector.broadcast %broadcast_in_dim3A_3045 : vector<1x512xf32> to vector<32x512xf32>
    %sub3A_3051 = arith.subf %add3A_1705, %sub3A_3050 : vector<32x512xf32>
    %exp3A_3052 = math.exp %sub3A_3051 : vector<32x512xf32>
    %convert_element_type3A_3053 = arith.truncf %exp3A_3052 : vector<32x512xf32> to vector<32x512xbf16>
    %broadcast_in_dim3A_3054 = vector.shape_cast %convert_element_type3A_3049 : vector<32x512xbf16> to vector<32x1x512xbf16>
    %broadcast_in_dim3A_3055 = vector.shape_cast %convert_element_type3A_3053 : vector<32x512xbf16> to vector<1x32x512xbf16>
    %mul3A_3056 = vector.broadcast %broadcast_in_dim3A_3054 : vector<32x1x512xbf16> to vector<32x32x512xbf16>
    %mul3A_3057 = vector.broadcast %broadcast_in_dim3A_3055 : vector<1x32x512xbf16> to vector<32x32x512xbf16>
    %mul3A_3058 = arith.mulf %mul3A_3056, %mul3A_3057 : vector<32x32x512xbf16>
    %reshape3A_3059 = vector.shape_cast %mul3A_3058 : vector<32x32x512xbf16> to vector<1024x512xbf16>
    %get3A_3060 = arith.constant 1 : index
    %get3A_3061 = arith.constant 0 : index
    %get3A_3062 = arith.constant 0 : index
    %get3A_3063 = vector.load %arg3[%get3A_3060, %get3A_3061, %get3A_3062] : memref<16x32x1024xf32, #tpu.memory_space<vmem>>, vector<1x32x1024xf32>
    %get3A_3064 = vector.shape_cast %get3A_3063 : vector<1x32x1024xf32> to vector<32x1024xf32>
    %reduce_max3A_3065 = arith.constant dense<0xFF800000> : vector<32xf32>
    %reduce_max3A_3066 = vector.multi_reduction <maximumf>, %get3A_3064, %reduce_max3A_3065 [1] : vector<32x1024xf32> to vector<32xf32>
    %broadcast_in_dim3A_3067 = vector.shape_cast %reduce_max3A_3066 : vector<32xf32> to vector<32x1xf32>
    %sub3A_3068 = vector.broadcast %broadcast_in_dim3A_3067 : vector<32x1xf32> to vector<32x1024xf32>
    %sub3A_3069 = arith.subf %get3A_3064, %sub3A_3068 : vector<32x1024xf32>
    %exp3A_3070 = math.exp %sub3A_3069 : vector<32x1024xf32>
    %reduce_sum3A_3071 = arith.constant dense<0.000000e+00> : vector<32xf32>
    %reduce_sum3A_3072 = vector.multi_reduction <add>, %exp3A_3070, %reduce_sum3A_3071 [1] : vector<32x1024xf32> to vector<32xf32>
    %broadcast_in_dim3A_3073 = vector.shape_cast %reduce_sum3A_3072 : vector<32xf32> to vector<32x1xf32>
    %div3A_3074 = vector.broadcast %broadcast_in_dim3A_3073 : vector<32x1xf32> to vector<32x1024xf32>
    %div3A_3075 = arith.divf %exp3A_3070, %div3A_3074 : vector<32x1024xf32>
    %convert_element_type3A_3076 = arith.truncf %div3A_3075 : vector<32x1024xf32> to vector<32x1024xbf16>
    %dot_general3A_3077 = arith.constant dense<0.000000e+00> : vector<32x512xf32>
    %dot_general3A_3078 = tpu.matmul %convert_element_type3A_3076, %reshape3A_3059, %dot_general3A_3077 {dimension_numbers = #tpu.dot_dimension_numbers<[1], [0], [0], [1], [0, 0, 1, 1], [], []>, transpose_lhs_hint = false} : vector<32x1024xbf16>, vector<1024x512xbf16>, vector<32x512xf32> -> vector<32x512xf32>
    %add3A_3079 = arith.constant 9.99999991E-38 : f32
    %add3A_3080 = vector.broadcast %add3A_3079 : f32 to vector<32x512xf32>
    %add3A_3081 = arith.addf %dot_general3A_3078, %add3A_3080 : vector<32x512xf32>
    %log3A_3082 = math.log %add3A_3081 : vector<32x512xf32>
    %add3A_3083 = arith.addf %broadcast_in_dim3A_3042, %broadcast_in_dim3A_3045 : vector<1x512xf32>
    %add3A_3084 = vector.broadcast %add3A_3083 : vector<1x512xf32> to vector<32x512xf32>
    %add3A_3085 = arith.addf %log3A_3082, %add3A_3084 : vector<32x512xf32>
    %reduce_max3A_3086 = arith.constant dense<0xFF800000> : vector<512xf32>
    %reduce_max3A_3087 = vector.multi_reduction <maximumf>, %add3A_1751, %reduce_max3A_3086 [0] : vector<32x512xf32> to vector<512xf32>
    %broadcast_in_dim3A_3088 = vector.shape_cast %reduce_max3A_3087 : vector<512xf32> to vector<1x512xf32>
    %reduce_max3A_3089 = arith.constant dense<0xFF800000> : vector<512xf32>
    %reduce_max3A_3090 = vector.multi_reduction <maximumf>, %add3A_1797, %reduce_max3A_3089 [0] : vector<32x512xf32> to vector<512xf32>
    %broadcast_in_dim3A_3091 = vector.shape_cast %reduce_max3A_3090 : vector<512xf32> to vector<1x512xf32>
    %sub3A_3092 = vector.broadcast %broadcast_in_dim3A_3088 : vector<1x512xf32> to vector<32x512xf32>
    %sub3A_3093 = arith.subf %add3A_1751, %sub3A_3092 : vector<32x512xf32>
    %exp3A_3094 = math.exp %sub3A_3093 : vector<32x512xf32>
    %convert_element_type3A_3095 = arith.truncf %exp3A_3094 : vector<32x512xf32> to vector<32x512xbf16>
    %sub3A_3096 = vector.broadcast %broadcast_in_dim3A_3091 : vector<1x512xf32> to vector<32x512xf32>
    %sub3A_3097 = arith.subf %add3A_1797, %sub3A_3096 : vector<32x512xf32>
    %exp3A_3098 = math.exp %sub3A_3097 : vector<32x512xf32>
    %convert_element_type3A_3099 = arith.truncf %exp3A_3098 : vector<32x512xf32> to vector<32x512xbf16>
    %broadcast_in_dim3A_3100 = vector.shape_cast %convert_element_type3A_3095 : vector<32x512xbf16> to vector<32x1x512xbf16>
    %broadcast_in_dim3A_3101 = vector.shape_cast %convert_element_type3A_3099 : vector<32x512xbf16> to vector<1x32x512xbf16>
    %mul3A_3102 = vector.broadcast %broadcast_in_dim3A_3100 : vector<32x1x512xbf16> to vector<32x32x512xbf16>
    %mul3A_3103 = vector.broadcast %broadcast_in_dim3A_3101 : vector<1x32x512xbf16> to vector<32x32x512xbf16>
    %mul3A_3104 = arith.mulf %mul3A_3102, %mul3A_3103 : vector<32x32x512xbf16>
    %reshape3A_3105 = vector.shape_cast %mul3A_3104 : vector<32x32x512xbf16> to vector<1024x512xbf16>
    %get3A_3106 = arith.constant 2 : index
    %get3A_3107 = arith.constant 0 : index
    %get3A_3108 = arith.constant 0 : index
    %get3A_3109 = vector.load %arg3[%get3A_3106, %get3A_3107, %get3A_3108] : memref<16x32x1024xf32, #tpu.memory_space<vmem>>, vector<1x32x1024xf32>
    %get3A_3110 = vector.shape_cast %get3A_3109 : vector<1x32x1024xf32> to vector<32x1024xf32>
    %reduce_max3A_3111 = arith.constant dense<0xFF800000> : vector<32xf32>
    %reduce_max3A_3112 = vector.multi_reduction <maximumf>, %get3A_3110, %reduce_max3A_3111 [1] : vector<32x1024xf32> to vector<32xf32>
    %broadcast_in_dim3A_3113 = vector.shape_cast %reduce_max3A_3112 : vector<32xf32> to vector<32x1xf32>
    %sub3A_3114 = vector.broadcast %broadcast_in_dim3A_3113 : vector<32x1xf32> to vector<32x1024xf32>
    %sub3A_3115 = arith.subf %get3A_3110, %sub3A_3114 : vector<32x1024xf32>
    %exp3A_3116 = math.exp %sub3A_3115 : vector<32x1024xf32>
    %reduce_sum3A_3117 = arith.constant dense<0.000000e+00> : vector<32xf32>
    %reduce_sum3A_3118 = vector.multi_reduction <add>, %exp3A_3116, %reduce_sum3A_3117 [1] : vector<32x1024xf32> to vector<32xf32>
    %broadcast_in_dim3A_3119 = vector.shape_cast %reduce_sum3A_3118 : vector<32xf32> to vector<32x1xf32>
    %div3A_3120 = vector.broadcast %broadcast_in_dim3A_3119 : vector<32x1xf32> to vector<32x1024xf32>
    %div3A_3121 = arith.divf %exp3A_3116, %div3A_3120 : vector<32x1024xf32>
    %convert_element_type3A_3122 = arith.truncf %div3A_3121 : vector<32x1024xf32> to vector<32x1024xbf16>
    %dot_general3A_3123 = arith.constant dense<0.000000e+00> : vector<32x512xf32>
    %dot_general3A_3124 = tpu.matmul %convert_element_type3A_3122, %reshape3A_3105, %dot_general3A_3123 {dimension_numbers = #tpu.dot_dimension_numbers<[1], [0], [0], [1], [0, 0, 1, 1], [], []>, transpose_lhs_hint = false} : vector<32x1024xbf16>, vector<1024x512xbf16>, vector<32x512xf32> -> vector<32x512xf32>
    %add3A_3125 = arith.constant 9.99999991E-38 : f32
    %add3A_3126 = vector.broadcast %add3A_3125 : f32 to vector<32x512xf32>
    %add3A_3127 = arith.addf %dot_general3A_3124, %add3A_3126 : vector<32x512xf32>
    %log3A_3128 = math.log %add3A_3127 : vector<32x512xf32>
    %add3A_3129 = arith.addf %broadcast_in_dim3A_3088, %broadcast_in_dim3A_3091 : vector<1x512xf32>
    %add3A_3130 = vector.broadcast %add3A_3129 : vector<1x512xf32> to vector<32x512xf32>
    %add3A_3131 = arith.addf %log3A_3128, %add3A_3130 : vector<32x512xf32>
    %reduce_max3A_3132 = arith.constant dense<0xFF800000> : vector<512xf32>
    %reduce_max3A_3133 = vector.multi_reduction <maximumf>, %add3A_1843, %reduce_max3A_3132 [0] : vector<32x512xf32> to vector<512xf32>
    %broadcast_in_dim3A_3134 = vector.shape_cast %reduce_max3A_3133 : vector<512xf32> to vector<1x512xf32>
    %reduce_max3A_3135 = arith.constant dense<0xFF800000> : vector<512xf32>
    %reduce_max3A_3136 = vector.multi_reduction <maximumf>, %add3A_1889, %reduce_max3A_3135 [0] : vector<32x512xf32> to vector<512xf32>
    %broadcast_in_dim3A_3137 = vector.shape_cast %reduce_max3A_3136 : vector<512xf32> to vector<1x512xf32>
    %sub3A_3138 = vector.broadcast %broadcast_in_dim3A_3134 : vector<1x512xf32> to vector<32x512xf32>
    %sub3A_3139 = arith.subf %add3A_1843, %sub3A_3138 : vector<32x512xf32>
    %exp3A_3140 = math.exp %sub3A_3139 : vector<32x512xf32>
    %convert_element_type3A_3141 = arith.truncf %exp3A_3140 : vector<32x512xf32> to vector<32x512xbf16>
    %sub3A_3142 = vector.broadcast %broadcast_in_dim3A_3137 : vector<1x512xf32> to vector<32x512xf32>
    %sub3A_3143 = arith.subf %add3A_1889, %sub3A_3142 : vector<32x512xf32>
    %exp3A_3144 = math.exp %sub3A_3143 : vector<32x512xf32>
    %convert_element_type3A_3145 = arith.truncf %exp3A_3144 : vector<32x512xf32> to vector<32x512xbf16>
    %broadcast_in_dim3A_3146 = vector.shape_cast %convert_element_type3A_3141 : vector<32x512xbf16> to vector<32x1x512xbf16>
    %broadcast_in_dim3A_3147 = vector.shape_cast %convert_element_type3A_3145 : vector<32x512xbf16> to vector<1x32x512xbf16>
    %mul3A_3148 = vector.broadcast %broadcast_in_dim3A_3146 : vector<32x1x512xbf16> to vector<32x32x512xbf16>
    %mul3A_3149 = vector.broadcast %broadcast_in_dim3A_3147 : vector<1x32x512xbf16> to vector<32x32x512xbf16>
    %mul3A_3150 = arith.mulf %mul3A_3148, %mul3A_3149 : vector<32x32x512xbf16>
    %reshape3A_3151 = vector.shape_cast %mul3A_3150 : vector<32x32x512xbf16> to vector<1024x512xbf16>
    %get3A_3152 = arith.constant 3 : index
    %get3A_3153 = arith.constant 0 : index
    %get3A_3154 = arith.constant 0 : index
    %get3A_3155 = vector.load %arg3[%get3A_3152, %get3A_3153, %get3A_3154] : memref<16x32x1024xf32, #tpu.memory_space<vmem>>, vector<1x32x1024xf32>
    %get3A_3156 = vector.shape_cast %get3A_3155 : vector<1x32x1024xf32> to vector<32x1024xf32>
    %reduce_max3A_3157 = arith.constant dense<0xFF800000> : vector<32xf32>
    %reduce_max3A_3158 = vector.multi_reduction <maximumf>, %get3A_3156, %reduce_max3A_3157 [1] : vector<32x1024xf32> to vector<32xf32>
    %broadcast_in_dim3A_3159 = vector.shape_cast %reduce_max3A_3158 : vector<32xf32> to vector<32x1xf32>
    %sub3A_3160 = vector.broadcast %broadcast_in_dim3A_3159 : vector<32x1xf32> to vector<32x1024xf32>
    %sub3A_3161 = arith.subf %get3A_3156, %sub3A_3160 : vector<32x1024xf32>
    %exp3A_3162 = math.exp %sub3A_3161 : vector<32x1024xf32>
    %reduce_sum3A_3163 = arith.constant dense<0.000000e+00> : vector<32xf32>
    %reduce_sum3A_3164 = vector.multi_reduction <add>, %exp3A_3162, %reduce_sum3A_3163 [1] : vector<32x1024xf32> to vector<32xf32>
    %broadcast_in_dim3A_3165 = vector.shape_cast %reduce_sum3A_3164 : vector<32xf32> to vector<32x1xf32>
    %div3A_3166 = vector.broadcast %broadcast_in_dim3A_3165 : vector<32x1xf32> to vector<32x1024xf32>
    %div3A_3167 = arith.divf %exp3A_3162, %div3A_3166 : vector<32x1024xf32>
    %convert_element_type3A_3168 = arith.truncf %div3A_3167 : vector<32x1024xf32> to vector<32x1024xbf16>
    %dot_general3A_3169 = arith.constant dense<0.000000e+00> : vector<32x512xf32>
    %dot_general3A_3170 = tpu.matmul %convert_element_type3A_3168, %reshape3A_3151, %dot_general3A_3169 {dimension_numbers = #tpu.dot_dimension_numbers<[1], [0], [0], [1], [0, 0, 1, 1], [], []>, transpose_lhs_hint = false} : vector<32x1024xbf16>, vector<1024x512xbf16>, vector<32x512xf32> -> vector<32x512xf32>
    %add3A_3171 = arith.constant 9.99999991E-38 : f32
    %add3A_3172 = vector.broadcast %add3A_3171 : f32 to vector<32x512xf32>
    %add3A_3173 = arith.addf %dot_general3A_3170, %add3A_3172 : vector<32x512xf32>
    %log3A_3174 = math.log %add3A_3173 : vector<32x512xf32>
    %add3A_3175 = arith.addf %broadcast_in_dim3A_3134, %broadcast_in_dim3A_3137 : vector<1x512xf32>
    %add3A_3176 = vector.broadcast %add3A_3175 : vector<1x512xf32> to vector<32x512xf32>
    %add3A_3177 = arith.addf %log3A_3174, %add3A_3176 : vector<32x512xf32>
    %reduce_max3A_3178 = arith.constant dense<0xFF800000> : vector<512xf32>
    %reduce_max3A_3179 = vector.multi_reduction <maximumf>, %add3A_1935, %reduce_max3A_3178 [0] : vector<32x512xf32> to vector<512xf32>
    %broadcast_in_dim3A_3180 = vector.shape_cast %reduce_max3A_3179 : vector<512xf32> to vector<1x512xf32>
    %reduce_max3A_3181 = arith.constant dense<0xFF800000> : vector<512xf32>
    %reduce_max3A_3182 = vector.multi_reduction <maximumf>, %add3A_1981, %reduce_max3A_3181 [0] : vector<32x512xf32> to vector<512xf32>
    %broadcast_in_dim3A_3183 = vector.shape_cast %reduce_max3A_3182 : vector<512xf32> to vector<1x512xf32>
    %sub3A_3184 = vector.broadcast %broadcast_in_dim3A_3180 : vector<1x512xf32> to vector<32x512xf32>
    %sub3A_3185 = arith.subf %add3A_1935, %sub3A_3184 : vector<32x512xf32>
    %exp3A_3186 = math.exp %sub3A_3185 : vector<32x512xf32>
    %convert_element_type3A_3187 = arith.truncf %exp3A_3186 : vector<32x512xf32> to vector<32x512xbf16>
    %sub3A_3188 = vector.broadcast %broadcast_in_dim3A_3183 : vector<1x512xf32> to vector<32x512xf32>
    %sub3A_3189 = arith.subf %add3A_1981, %sub3A_3188 : vector<32x512xf32>
    %exp3A_3190 = math.exp %sub3A_3189 : vector<32x512xf32>
    %convert_element_type3A_3191 = arith.truncf %exp3A_3190 : vector<32x512xf32> to vector<32x512xbf16>
    %broadcast_in_dim3A_3192 = vector.shape_cast %convert_element_type3A_3187 : vector<32x512xbf16> to vector<32x1x512xbf16>
    %broadcast_in_dim3A_3193 = vector.shape_cast %convert_element_type3A_3191 : vector<32x512xbf16> to vector<1x32x512xbf16>
    %mul3A_3194 = vector.broadcast %broadcast_in_dim3A_3192 : vector<32x1x512xbf16> to vector<32x32x512xbf16>
    %mul3A_3195 = vector.broadcast %broadcast_in_dim3A_3193 : vector<1x32x512xbf16> to vector<32x32x512xbf16>
    %mul3A_3196 = arith.mulf %mul3A_3194, %mul3A_3195 : vector<32x32x512xbf16>
    %reshape3A_3197 = vector.shape_cast %mul3A_3196 : vector<32x32x512xbf16> to vector<1024x512xbf16>
    %get3A_3198 = arith.constant 4 : index
    %get3A_3199 = arith.constant 0 : index
    %get3A_3200 = arith.constant 0 : index
    %get3A_3201 = vector.load %arg3[%get3A_3198, %get3A_3199, %get3A_3200] : memref<16x32x1024xf32, #tpu.memory_space<vmem>>, vector<1x32x1024xf32>
    %get3A_3202 = vector.shape_cast %get3A_3201 : vector<1x32x1024xf32> to vector<32x1024xf32>
    %reduce_max3A_3203 = arith.constant dense<0xFF800000> : vector<32xf32>
    %reduce_max3A_3204 = vector.multi_reduction <maximumf>, %get3A_3202, %reduce_max3A_3203 [1] : vector<32x1024xf32> to vector<32xf32>
    %broadcast_in_dim3A_3205 = vector.shape_cast %reduce_max3A_3204 : vector<32xf32> to vector<32x1xf32>
    %sub3A_3206 = vector.broadcast %broadcast_in_dim3A_3205 : vector<32x1xf32> to vector<32x1024xf32>
    %sub3A_3207 = arith.subf %get3A_3202, %sub3A_3206 : vector<32x1024xf32>
    %exp3A_3208 = math.exp %sub3A_3207 : vector<32x1024xf32>
    %reduce_sum3A_3209 = arith.constant dense<0.000000e+00> : vector<32xf32>
    %reduce_sum3A_3210 = vector.multi_reduction <add>, %exp3A_3208, %reduce_sum3A_3209 [1] : vector<32x1024xf32> to vector<32xf32>
    %broadcast_in_dim3A_3211 = vector.shape_cast %reduce_sum3A_3210 : vector<32xf32> to vector<32x1xf32>
    %div3A_3212 = vector.broadcast %broadcast_in_dim3A_3211 : vector<32x1xf32> to vector<32x1024xf32>
    %div3A_3213 = arith.divf %exp3A_3208, %div3A_3212 : vector<32x1024xf32>
    %convert_element_type3A_3214 = arith.truncf %div3A_3213 : vector<32x1024xf32> to vector<32x1024xbf16>
    %dot_general3A_3215 = arith.constant dense<0.000000e+00> : vector<32x512xf32>
    %dot_general3A_3216 = tpu.matmul %convert_element_type3A_3214, %reshape3A_3197, %dot_general3A_3215 {dimension_numbers = #tpu.dot_dimension_numbers<[1], [0], [0], [1], [0, 0, 1, 1], [], []>, transpose_lhs_hint = false} : vector<32x1024xbf16>, vector<1024x512xbf16>, vector<32x512xf32> -> vector<32x512xf32>
    %add3A_3217 = arith.constant 9.99999991E-38 : f32
    %add3A_3218 = vector.broadcast %add3A_3217 : f32 to vector<32x512xf32>
    %add3A_3219 = arith.addf %dot_general3A_3216, %add3A_3218 : vector<32x512xf32>
    %log3A_3220 = math.log %add3A_3219 : vector<32x512xf32>
    %add3A_3221 = arith.addf %broadcast_in_dim3A_3180, %broadcast_in_dim3A_3183 : vector<1x512xf32>
    %add3A_3222 = vector.broadcast %add3A_3221 : vector<1x512xf32> to vector<32x512xf32>
    %add3A_3223 = arith.addf %log3A_3220, %add3A_3222 : vector<32x512xf32>
    %reduce_max3A_3224 = arith.constant dense<0xFF800000> : vector<512xf32>
    %reduce_max3A_3225 = vector.multi_reduction <maximumf>, %add3A_2027, %reduce_max3A_3224 [0] : vector<32x512xf32> to vector<512xf32>
    %broadcast_in_dim3A_3226 = vector.shape_cast %reduce_max3A_3225 : vector<512xf32> to vector<1x512xf32>
    %reduce_max3A_3227 = arith.constant dense<0xFF800000> : vector<512xf32>
    %reduce_max3A_3228 = vector.multi_reduction <maximumf>, %add3A_2073, %reduce_max3A_3227 [0] : vector<32x512xf32> to vector<512xf32>
    %broadcast_in_dim3A_3229 = vector.shape_cast %reduce_max3A_3228 : vector<512xf32> to vector<1x512xf32>
    %sub3A_3230 = vector.broadcast %broadcast_in_dim3A_3226 : vector<1x512xf32> to vector<32x512xf32>
    %sub3A_3231 = arith.subf %add3A_2027, %sub3A_3230 : vector<32x512xf32>
    %exp3A_3232 = math.exp %sub3A_3231 : vector<32x512xf32>
    %convert_element_type3A_3233 = arith.truncf %exp3A_3232 : vector<32x512xf32> to vector<32x512xbf16>
    %sub3A_3234 = vector.broadcast %broadcast_in_dim3A_3229 : vector<1x512xf32> to vector<32x512xf32>
    %sub3A_3235 = arith.subf %add3A_2073, %sub3A_3234 : vector<32x512xf32>
    %exp3A_3236 = math.exp %sub3A_3235 : vector<32x512xf32>
    %convert_element_type3A_3237 = arith.truncf %exp3A_3236 : vector<32x512xf32> to vector<32x512xbf16>
    %broadcast_in_dim3A_3238 = vector.shape_cast %convert_element_type3A_3233 : vector<32x512xbf16> to vector<32x1x512xbf16>
    %broadcast_in_dim3A_3239 = vector.shape_cast %convert_element_type3A_3237 : vector<32x512xbf16> to vector<1x32x512xbf16>
    %mul3A_3240 = vector.broadcast %broadcast_in_dim3A_3238 : vector<32x1x512xbf16> to vector<32x32x512xbf16>
    %mul3A_3241 = vector.broadcast %broadcast_in_dim3A_3239 : vector<1x32x512xbf16> to vector<32x32x512xbf16>
    %mul3A_3242 = arith.mulf %mul3A_3240, %mul3A_3241 : vector<32x32x512xbf16>
    %reshape3A_3243 = vector.shape_cast %mul3A_3242 : vector<32x32x512xbf16> to vector<1024x512xbf16>
    %get3A_3244 = arith.constant 5 : index
    %get3A_3245 = arith.constant 0 : index
    %get3A_3246 = arith.constant 0 : index
    %get3A_3247 = vector.load %arg3[%get3A_3244, %get3A_3245, %get3A_3246] : memref<16x32x1024xf32, #tpu.memory_space<vmem>>, vector<1x32x1024xf32>
    %get3A_3248 = vector.shape_cast %get3A_3247 : vector<1x32x1024xf32> to vector<32x1024xf32>
    %reduce_max3A_3249 = arith.constant dense<0xFF800000> : vector<32xf32>
    %reduce_max3A_3250 = vector.multi_reduction <maximumf>, %get3A_3248, %reduce_max3A_3249 [1] : vector<32x1024xf32> to vector<32xf32>
    %broadcast_in_dim3A_3251 = vector.shape_cast %reduce_max3A_3250 : vector<32xf32> to vector<32x1xf32>
    %sub3A_3252 = vector.broadcast %broadcast_in_dim3A_3251 : vector<32x1xf32> to vector<32x1024xf32>
    %sub3A_3253 = arith.subf %get3A_3248, %sub3A_3252 : vector<32x1024xf32>
    %exp3A_3254 = math.exp %sub3A_3253 : vector<32x1024xf32>
    %reduce_sum3A_3255 = arith.constant dense<0.000000e+00> : vector<32xf32>
    %reduce_sum3A_3256 = vector.multi_reduction <add>, %exp3A_3254, %reduce_sum3A_3255 [1] : vector<32x1024xf32> to vector<32xf32>
    %broadcast_in_dim3A_3257 = vector.shape_cast %reduce_sum3A_3256 : vector<32xf32> to vector<32x1xf32>
    %div3A_3258 = vector.broadcast %broadcast_in_dim3A_3257 : vector<32x1xf32> to vector<32x1024xf32>
    %div3A_3259 = arith.divf %exp3A_3254, %div3A_3258 : vector<32x1024xf32>
    %convert_element_type3A_3260 = arith.truncf %div3A_3259 : vector<32x1024xf32> to vector<32x1024xbf16>
    %dot_general3A_3261 = arith.constant dense<0.000000e+00> : vector<32x512xf32>
    %dot_general3A_3262 = tpu.matmul %convert_element_type3A_3260, %reshape3A_3243, %dot_general3A_3261 {dimension_numbers = #tpu.dot_dimension_numbers<[1], [0], [0], [1], [0, 0, 1, 1], [], []>, transpose_lhs_hint = false} : vector<32x1024xbf16>, vector<1024x512xbf16>, vector<32x512xf32> -> vector<32x512xf32>
    %add3A_3263 = arith.constant 9.99999991E-38 : f32
    %add3A_3264 = vector.broadcast %add3A_3263 : f32 to vector<32x512xf32>
    %add3A_3265 = arith.addf %dot_general3A_3262, %add3A_3264 : vector<32x512xf32>
    %log3A_3266 = math.log %add3A_3265 : vector<32x512xf32>
    %add3A_3267 = arith.addf %broadcast_in_dim3A_3226, %broadcast_in_dim3A_3229 : vector<1x512xf32>
    %add3A_3268 = vector.broadcast %add3A_3267 : vector<1x512xf32> to vector<32x512xf32>
    %add3A_3269 = arith.addf %log3A_3266, %add3A_3268 : vector<32x512xf32>
    %reduce_max3A_3270 = arith.constant dense<0xFF800000> : vector<512xf32>
    %reduce_max3A_3271 = vector.multi_reduction <maximumf>, %add3A_2119, %reduce_max3A_3270 [0] : vector<32x512xf32> to vector<512xf32>
    %broadcast_in_dim3A_3272 = vector.shape_cast %reduce_max3A_3271 : vector<512xf32> to vector<1x512xf32>
    %reduce_max3A_3273 = arith.constant dense<0xFF800000> : vector<512xf32>
    %reduce_max3A_3274 = vector.multi_reduction <maximumf>, %add3A_2165, %reduce_max3A_3273 [0] : vector<32x512xf32> to vector<512xf32>
    %broadcast_in_dim3A_3275 = vector.shape_cast %reduce_max3A_3274 : vector<512xf32> to vector<1x512xf32>
    %sub3A_3276 = vector.broadcast %broadcast_in_dim3A_3272 : vector<1x512xf32> to vector<32x512xf32>
    %sub3A_3277 = arith.subf %add3A_2119, %sub3A_3276 : vector<32x512xf32>
    %exp3A_3278 = math.exp %sub3A_3277 : vector<32x512xf32>
    %convert_element_type3A_3279 = arith.truncf %exp3A_3278 : vector<32x512xf32> to vector<32x512xbf16>
    %sub3A_3280 = vector.broadcast %broadcast_in_dim3A_3275 : vector<1x512xf32> to vector<32x512xf32>
    %sub3A_3281 = arith.subf %add3A_2165, %sub3A_3280 : vector<32x512xf32>
    %exp3A_3282 = math.exp %sub3A_3281 : vector<32x512xf32>
    %convert_element_type3A_3283 = arith.truncf %exp3A_3282 : vector<32x512xf32> to vector<32x512xbf16>
    %broadcast_in_dim3A_3284 = vector.shape_cast %convert_element_type3A_3279 : vector<32x512xbf16> to vector<32x1x512xbf16>
    %broadcast_in_dim3A_3285 = vector.shape_cast %convert_element_type3A_3283 : vector<32x512xbf16> to vector<1x32x512xbf16>
    %mul3A_3286 = vector.broadcast %broadcast_in_dim3A_3284 : vector<32x1x512xbf16> to vector<32x32x512xbf16>
    %mul3A_3287 = vector.broadcast %broadcast_in_dim3A_3285 : vector<1x32x512xbf16> to vector<32x32x512xbf16>
    %mul3A_3288 = arith.mulf %mul3A_3286, %mul3A_3287 : vector<32x32x512xbf16>
    %reshape3A_3289 = vector.shape_cast %mul3A_3288 : vector<32x32x512xbf16> to vector<1024x512xbf16>
    %get3A_3290 = arith.constant 6 : index
    %get3A_3291 = arith.constant 0 : index
    %get3A_3292 = arith.constant 0 : index
    %get3A_3293 = vector.load %arg3[%get3A_3290, %get3A_3291, %get3A_3292] : memref<16x32x1024xf32, #tpu.memory_space<vmem>>, vector<1x32x1024xf32>
    %get3A_3294 = vector.shape_cast %get3A_3293 : vector<1x32x1024xf32> to vector<32x1024xf32>
    %reduce_max3A_3295 = arith.constant dense<0xFF800000> : vector<32xf32>
    %reduce_max3A_3296 = vector.multi_reduction <maximumf>, %get3A_3294, %reduce_max3A_3295 [1] : vector<32x1024xf32> to vector<32xf32>
    %broadcast_in_dim3A_3297 = vector.shape_cast %reduce_max3A_3296 : vector<32xf32> to vector<32x1xf32>
    %sub3A_3298 = vector.broadcast %broadcast_in_dim3A_3297 : vector<32x1xf32> to vector<32x1024xf32>
    %sub3A_3299 = arith.subf %get3A_3294, %sub3A_3298 : vector<32x1024xf32>
    %exp3A_3300 = math.exp %sub3A_3299 : vector<32x1024xf32>
    %reduce_sum3A_3301 = arith.constant dense<0.000000e+00> : vector<32xf32>
    %reduce_sum3A_3302 = vector.multi_reduction <add>, %exp3A_3300, %reduce_sum3A_3301 [1] : vector<32x1024xf32> to vector<32xf32>
    %broadcast_in_dim3A_3303 = vector.shape_cast %reduce_sum3A_3302 : vector<32xf32> to vector<32x1xf32>
    %div3A_3304 = vector.broadcast %broadcast_in_dim3A_3303 : vector<32x1xf32> to vector<32x1024xf32>
    %div3A_3305 = arith.divf %exp3A_3300, %div3A_3304 : vector<32x1024xf32>
    %convert_element_type3A_3306 = arith.truncf %div3A_3305 : vector<32x1024xf32> to vector<32x1024xbf16>
    %dot_general3A_3307 = arith.constant dense<0.000000e+00> : vector<32x512xf32>
    %dot_general3A_3308 = tpu.matmul %convert_element_type3A_3306, %reshape3A_3289, %dot_general3A_3307 {dimension_numbers = #tpu.dot_dimension_numbers<[1], [0], [0], [1], [0, 0, 1, 1], [], []>, transpose_lhs_hint = false} : vector<32x1024xbf16>, vector<1024x512xbf16>, vector<32x512xf32> -> vector<32x512xf32>
    %add3A_3309 = arith.constant 9.99999991E-38 : f32
    %add3A_3310 = vector.broadcast %add3A_3309 : f32 to vector<32x512xf32>
    %add3A_3311 = arith.addf %dot_general3A_3308, %add3A_3310 : vector<32x512xf32>
    %log3A_3312 = math.log %add3A_3311 : vector<32x512xf32>
    %add3A_3313 = arith.addf %broadcast_in_dim3A_3272, %broadcast_in_dim3A_3275 : vector<1x512xf32>
    %add3A_3314 = vector.broadcast %add3A_3313 : vector<1x512xf32> to vector<32x512xf32>
    %add3A_3315 = arith.addf %log3A_3312, %add3A_3314 : vector<32x512xf32>
    %reduce_max3A_3316 = arith.constant dense<0xFF800000> : vector<512xf32>
    %reduce_max3A_3317 = vector.multi_reduction <maximumf>, %add3A_2211, %reduce_max3A_3316 [0] : vector<32x512xf32> to vector<512xf32>
    %broadcast_in_dim3A_3318 = vector.shape_cast %reduce_max3A_3317 : vector<512xf32> to vector<1x512xf32>
    %reduce_max3A_3319 = arith.constant dense<0xFF800000> : vector<512xf32>
    %reduce_max3A_3320 = vector.multi_reduction <maximumf>, %add3A_2257, %reduce_max3A_3319 [0] : vector<32x512xf32> to vector<512xf32>
    %broadcast_in_dim3A_3321 = vector.shape_cast %reduce_max3A_3320 : vector<512xf32> to vector<1x512xf32>
    %sub3A_3322 = vector.broadcast %broadcast_in_dim3A_3318 : vector<1x512xf32> to vector<32x512xf32>
    %sub3A_3323 = arith.subf %add3A_2211, %sub3A_3322 : vector<32x512xf32>
    %exp3A_3324 = math.exp %sub3A_3323 : vector<32x512xf32>
    %convert_element_type3A_3325 = arith.truncf %exp3A_3324 : vector<32x512xf32> to vector<32x512xbf16>
    %sub3A_3326 = vector.broadcast %broadcast_in_dim3A_3321 : vector<1x512xf32> to vector<32x512xf32>
    %sub3A_3327 = arith.subf %add3A_2257, %sub3A_3326 : vector<32x512xf32>
    %exp3A_3328 = math.exp %sub3A_3327 : vector<32x512xf32>
    %convert_element_type3A_3329 = arith.truncf %exp3A_3328 : vector<32x512xf32> to vector<32x512xbf16>
    %broadcast_in_dim3A_3330 = vector.shape_cast %convert_element_type3A_3325 : vector<32x512xbf16> to vector<32x1x512xbf16>
    %broadcast_in_dim3A_3331 = vector.shape_cast %convert_element_type3A_3329 : vector<32x512xbf16> to vector<1x32x512xbf16>
    %mul3A_3332 = vector.broadcast %broadcast_in_dim3A_3330 : vector<32x1x512xbf16> to vector<32x32x512xbf16>
    %mul3A_3333 = vector.broadcast %broadcast_in_dim3A_3331 : vector<1x32x512xbf16> to vector<32x32x512xbf16>
    %mul3A_3334 = arith.mulf %mul3A_3332, %mul3A_3333 : vector<32x32x512xbf16>
    %reshape3A_3335 = vector.shape_cast %mul3A_3334 : vector<32x32x512xbf16> to vector<1024x512xbf16>
    %get3A_3336 = arith.constant 7 : index
    %get3A_3337 = arith.constant 0 : index
    %get3A_3338 = arith.constant 0 : index
    %get3A_3339 = vector.load %arg3[%get3A_3336, %get3A_3337, %get3A_3338] : memref<16x32x1024xf32, #tpu.memory_space<vmem>>, vector<1x32x1024xf32>
    %get3A_3340 = vector.shape_cast %get3A_3339 : vector<1x32x1024xf32> to vector<32x1024xf32>
    %reduce_max3A_3341 = arith.constant dense<0xFF800000> : vector<32xf32>
    %reduce_max3A_3342 = vector.multi_reduction <maximumf>, %get3A_3340, %reduce_max3A_3341 [1] : vector<32x1024xf32> to vector<32xf32>
    %broadcast_in_dim3A_3343 = vector.shape_cast %reduce_max3A_3342 : vector<32xf32> to vector<32x1xf32>
    %sub3A_3344 = vector.broadcast %broadcast_in_dim3A_3343 : vector<32x1xf32> to vector<32x1024xf32>
    %sub3A_3345 = arith.subf %get3A_3340, %sub3A_3344 : vector<32x1024xf32>
    %exp3A_3346 = math.exp %sub3A_3345 : vector<32x1024xf32>
    %reduce_sum3A_3347 = arith.constant dense<0.000000e+00> : vector<32xf32>
    %reduce_sum3A_3348 = vector.multi_reduction <add>, %exp3A_3346, %reduce_sum3A_3347 [1] : vector<32x1024xf32> to vector<32xf32>
    %broadcast_in_dim3A_3349 = vector.shape_cast %reduce_sum3A_3348 : vector<32xf32> to vector<32x1xf32>
    %div3A_3350 = vector.broadcast %broadcast_in_dim3A_3349 : vector<32x1xf32> to vector<32x1024xf32>
    %div3A_3351 = arith.divf %exp3A_3346, %div3A_3350 : vector<32x1024xf32>
    %convert_element_type3A_3352 = arith.truncf %div3A_3351 : vector<32x1024xf32> to vector<32x1024xbf16>
    %dot_general3A_3353 = arith.constant dense<0.000000e+00> : vector<32x512xf32>
    %dot_general3A_3354 = tpu.matmul %convert_element_type3A_3352, %reshape3A_3335, %dot_general3A_3353 {dimension_numbers = #tpu.dot_dimension_numbers<[1], [0], [0], [1], [0, 0, 1, 1], [], []>, transpose_lhs_hint = false} : vector<32x1024xbf16>, vector<1024x512xbf16>, vector<32x512xf32> -> vector<32x512xf32>
    %add3A_3355 = arith.constant 9.99999991E-38 : f32
    %add3A_3356 = vector.broadcast %add3A_3355 : f32 to vector<32x512xf32>
    %add3A_3357 = arith.addf %dot_general3A_3354, %add3A_3356 : vector<32x512xf32>
    %log3A_3358 = math.log %add3A_3357 : vector<32x512xf32>
    %add3A_3359 = arith.addf %broadcast_in_dim3A_3318, %broadcast_in_dim3A_3321 : vector<1x512xf32>
    %add3A_3360 = vector.broadcast %add3A_3359 : vector<1x512xf32> to vector<32x512xf32>
    %add3A_3361 = arith.addf %log3A_3358, %add3A_3360 : vector<32x512xf32>
    %reduce_max3A_3362 = arith.constant dense<0xFF800000> : vector<512xf32>
    %reduce_max3A_3363 = vector.multi_reduction <maximumf>, %add3A_2303, %reduce_max3A_3362 [0] : vector<32x512xf32> to vector<512xf32>
    %broadcast_in_dim3A_3364 = vector.shape_cast %reduce_max3A_3363 : vector<512xf32> to vector<1x512xf32>
    %reduce_max3A_3365 = arith.constant dense<0xFF800000> : vector<512xf32>
    %reduce_max3A_3366 = vector.multi_reduction <maximumf>, %add3A_2349, %reduce_max3A_3365 [0] : vector<32x512xf32> to vector<512xf32>
    %broadcast_in_dim3A_3367 = vector.shape_cast %reduce_max3A_3366 : vector<512xf32> to vector<1x512xf32>
    %sub3A_3368 = vector.broadcast %broadcast_in_dim3A_3364 : vector<1x512xf32> to vector<32x512xf32>
    %sub3A_3369 = arith.subf %add3A_2303, %sub3A_3368 : vector<32x512xf32>
    %exp3A_3370 = math.exp %sub3A_3369 : vector<32x512xf32>
    %convert_element_type3A_3371 = arith.truncf %exp3A_3370 : vector<32x512xf32> to vector<32x512xbf16>
    %sub3A_3372 = vector.broadcast %broadcast_in_dim3A_3367 : vector<1x512xf32> to vector<32x512xf32>
    %sub3A_3373 = arith.subf %add3A_2349, %sub3A_3372 : vector<32x512xf32>
    %exp3A_3374 = math.exp %sub3A_3373 : vector<32x512xf32>
    %convert_element_type3A_3375 = arith.truncf %exp3A_3374 : vector<32x512xf32> to vector<32x512xbf16>
    %broadcast_in_dim3A_3376 = vector.shape_cast %convert_element_type3A_3371 : vector<32x512xbf16> to vector<32x1x512xbf16>
    %broadcast_in_dim3A_3377 = vector.shape_cast %convert_element_type3A_3375 : vector<32x512xbf16> to vector<1x32x512xbf16>
    %mul3A_3378 = vector.broadcast %broadcast_in_dim3A_3376 : vector<32x1x512xbf16> to vector<32x32x512xbf16>
    %mul3A_3379 = vector.broadcast %broadcast_in_dim3A_3377 : vector<1x32x512xbf16> to vector<32x32x512xbf16>
    %mul3A_3380 = arith.mulf %mul3A_3378, %mul3A_3379 : vector<32x32x512xbf16>
    %reshape3A_3381 = vector.shape_cast %mul3A_3380 : vector<32x32x512xbf16> to vector<1024x512xbf16>
    %get3A_3382 = arith.constant 8 : index
    %get3A_3383 = arith.constant 0 : index
    %get3A_3384 = arith.constant 0 : index
    %get3A_3385 = vector.load %arg3[%get3A_3382, %get3A_3383, %get3A_3384] : memref<16x32x1024xf32, #tpu.memory_space<vmem>>, vector<1x32x1024xf32>
    %get3A_3386 = vector.shape_cast %get3A_3385 : vector<1x32x1024xf32> to vector<32x1024xf32>
    %reduce_max3A_3387 = arith.constant dense<0xFF800000> : vector<32xf32>
    %reduce_max3A_3388 = vector.multi_reduction <maximumf>, %get3A_3386, %reduce_max3A_3387 [1] : vector<32x1024xf32> to vector<32xf32>
    %broadcast_in_dim3A_3389 = vector.shape_cast %reduce_max3A_3388 : vector<32xf32> to vector<32x1xf32>
    %sub3A_3390 = vector.broadcast %broadcast_in_dim3A_3389 : vector<32x1xf32> to vector<32x1024xf32>
    %sub3A_3391 = arith.subf %get3A_3386, %sub3A_3390 : vector<32x1024xf32>
    %exp3A_3392 = math.exp %sub3A_3391 : vector<32x1024xf32>
    %reduce_sum3A_3393 = arith.constant dense<0.000000e+00> : vector<32xf32>
    %reduce_sum3A_3394 = vector.multi_reduction <add>, %exp3A_3392, %reduce_sum3A_3393 [1] : vector<32x1024xf32> to vector<32xf32>
    %broadcast_in_dim3A_3395 = vector.shape_cast %reduce_sum3A_3394 : vector<32xf32> to vector<32x1xf32>
    %div3A_3396 = vector.broadcast %broadcast_in_dim3A_3395 : vector<32x1xf32> to vector<32x1024xf32>
    %div3A_3397 = arith.divf %exp3A_3392, %div3A_3396 : vector<32x1024xf32>
    %convert_element_type3A_3398 = arith.truncf %div3A_3397 : vector<32x1024xf32> to vector<32x1024xbf16>
    %dot_general3A_3399 = arith.constant dense<0.000000e+00> : vector<32x512xf32>
    %dot_general3A_3400 = tpu.matmul %convert_element_type3A_3398, %reshape3A_3381, %dot_general3A_3399 {dimension_numbers = #tpu.dot_dimension_numbers<[1], [0], [0], [1], [0, 0, 1, 1], [], []>, transpose_lhs_hint = false} : vector<32x1024xbf16>, vector<1024x512xbf16>, vector<32x512xf32> -> vector<32x512xf32>
    %add3A_3401 = arith.constant 9.99999991E-38 : f32
    %add3A_3402 = vector.broadcast %add3A_3401 : f32 to vector<32x512xf32>
    %add3A_3403 = arith.addf %dot_general3A_3400, %add3A_3402 : vector<32x512xf32>
    %log3A_3404 = math.log %add3A_3403 : vector<32x512xf32>
    %add3A_3405 = arith.addf %broadcast_in_dim3A_3364, %broadcast_in_dim3A_3367 : vector<1x512xf32>
    %add3A_3406 = vector.broadcast %add3A_3405 : vector<1x512xf32> to vector<32x512xf32>
    %add3A_3407 = arith.addf %log3A_3404, %add3A_3406 : vector<32x512xf32>
    %reduce_max3A_3408 = arith.constant dense<0xFF800000> : vector<512xf32>
    %reduce_max3A_3409 = vector.multi_reduction <maximumf>, %add3A_2395, %reduce_max3A_3408 [0] : vector<32x512xf32> to vector<512xf32>
    %broadcast_in_dim3A_3410 = vector.shape_cast %reduce_max3A_3409 : vector<512xf32> to vector<1x512xf32>
    %reduce_max3A_3411 = arith.constant dense<0xFF800000> : vector<512xf32>
    %reduce_max3A_3412 = vector.multi_reduction <maximumf>, %add3A_2441, %reduce_max3A_3411 [0] : vector<32x512xf32> to vector<512xf32>
    %broadcast_in_dim3A_3413 = vector.shape_cast %reduce_max3A_3412 : vector<512xf32> to vector<1x512xf32>
    %sub3A_3414 = vector.broadcast %broadcast_in_dim3A_3410 : vector<1x512xf32> to vector<32x512xf32>
    %sub3A_3415 = arith.subf %add3A_2395, %sub3A_3414 : vector<32x512xf32>
    %exp3A_3416 = math.exp %sub3A_3415 : vector<32x512xf32>
    %convert_element_type3A_3417 = arith.truncf %exp3A_3416 : vector<32x512xf32> to vector<32x512xbf16>
    %sub3A_3418 = vector.broadcast %broadcast_in_dim3A_3413 : vector<1x512xf32> to vector<32x512xf32>
    %sub3A_3419 = arith.subf %add3A_2441, %sub3A_3418 : vector<32x512xf32>
    %exp3A_3420 = math.exp %sub3A_3419 : vector<32x512xf32>
    %convert_element_type3A_3421 = arith.truncf %exp3A_3420 : vector<32x512xf32> to vector<32x512xbf16>
    %broadcast_in_dim3A_3422 = vector.shape_cast %convert_element_type3A_3417 : vector<32x512xbf16> to vector<32x1x512xbf16>
    %broadcast_in_dim3A_3423 = vector.shape_cast %convert_element_type3A_3421 : vector<32x512xbf16> to vector<1x32x512xbf16>
    %mul3A_3424 = vector.broadcast %broadcast_in_dim3A_3422 : vector<32x1x512xbf16> to vector<32x32x512xbf16>
    %mul3A_3425 = vector.broadcast %broadcast_in_dim3A_3423 : vector<1x32x512xbf16> to vector<32x32x512xbf16>
    %mul3A_3426 = arith.mulf %mul3A_3424, %mul3A_3425 : vector<32x32x512xbf16>
    %reshape3A_3427 = vector.shape_cast %mul3A_3426 : vector<32x32x512xbf16> to vector<1024x512xbf16>
    %get3A_3428 = arith.constant 9 : index
    %get3A_3429 = arith.constant 0 : index
    %get3A_3430 = arith.constant 0 : index
    %get3A_3431 = vector.load %arg3[%get3A_3428, %get3A_3429, %get3A_3430] : memref<16x32x1024xf32, #tpu.memory_space<vmem>>, vector<1x32x1024xf32>
    %get3A_3432 = vector.shape_cast %get3A_3431 : vector<1x32x1024xf32> to vector<32x1024xf32>
    %reduce_max3A_3433 = arith.constant dense<0xFF800000> : vector<32xf32>
    %reduce_max3A_3434 = vector.multi_reduction <maximumf>, %get3A_3432, %reduce_max3A_3433 [1] : vector<32x1024xf32> to vector<32xf32>
    %broadcast_in_dim3A_3435 = vector.shape_cast %reduce_max3A_3434 : vector<32xf32> to vector<32x1xf32>
    %sub3A_3436 = vector.broadcast %broadcast_in_dim3A_3435 : vector<32x1xf32> to vector<32x1024xf32>
    %sub3A_3437 = arith.subf %get3A_3432, %sub3A_3436 : vector<32x1024xf32>
    %exp3A_3438 = math.exp %sub3A_3437 : vector<32x1024xf32>
    %reduce_sum3A_3439 = arith.constant dense<0.000000e+00> : vector<32xf32>
    %reduce_sum3A_3440 = vector.multi_reduction <add>, %exp3A_3438, %reduce_sum3A_3439 [1] : vector<32x1024xf32> to vector<32xf32>
    %broadcast_in_dim3A_3441 = vector.shape_cast %reduce_sum3A_3440 : vector<32xf32> to vector<32x1xf32>
    %div3A_3442 = vector.broadcast %broadcast_in_dim3A_3441 : vector<32x1xf32> to vector<32x1024xf32>
    %div3A_3443 = arith.divf %exp3A_3438, %div3A_3442 : vector<32x1024xf32>
    %convert_element_type3A_3444 = arith.truncf %div3A_3443 : vector<32x1024xf32> to vector<32x1024xbf16>
    %dot_general3A_3445 = arith.constant dense<0.000000e+00> : vector<32x512xf32>
    %dot_general3A_3446 = tpu.matmul %convert_element_type3A_3444, %reshape3A_3427, %dot_general3A_3445 {dimension_numbers = #tpu.dot_dimension_numbers<[1], [0], [0], [1], [0, 0, 1, 1], [], []>, transpose_lhs_hint = false} : vector<32x1024xbf16>, vector<1024x512xbf16>, vector<32x512xf32> -> vector<32x512xf32>
    %add3A_3447 = arith.constant 9.99999991E-38 : f32
    %add3A_3448 = vector.broadcast %add3A_3447 : f32 to vector<32x512xf32>
    %add3A_3449 = arith.addf %dot_general3A_3446, %add3A_3448 : vector<32x512xf32>
    %log3A_3450 = math.log %add3A_3449 : vector<32x512xf32>
    %add3A_3451 = arith.addf %broadcast_in_dim3A_3410, %broadcast_in_dim3A_3413 : vector<1x512xf32>
    %add3A_3452 = vector.broadcast %add3A_3451 : vector<1x512xf32> to vector<32x512xf32>
    %add3A_3453 = arith.addf %log3A_3450, %add3A_3452 : vector<32x512xf32>
    %reduce_max3A_3454 = arith.constant dense<0xFF800000> : vector<512xf32>
    %reduce_max3A_3455 = vector.multi_reduction <maximumf>, %add3A_2487, %reduce_max3A_3454 [0] : vector<32x512xf32> to vector<512xf32>
    %broadcast_in_dim3A_3456 = vector.shape_cast %reduce_max3A_3455 : vector<512xf32> to vector<1x512xf32>
    %reduce_max3A_3457 = arith.constant dense<0xFF800000> : vector<512xf32>
    %reduce_max3A_3458 = vector.multi_reduction <maximumf>, %add3A_2533, %reduce_max3A_3457 [0] : vector<32x512xf32> to vector<512xf32>
    %broadcast_in_dim3A_3459 = vector.shape_cast %reduce_max3A_3458 : vector<512xf32> to vector<1x512xf32>
    %sub3A_3460 = vector.broadcast %broadcast_in_dim3A_3456 : vector<1x512xf32> to vector<32x512xf32>
    %sub3A_3461 = arith.subf %add3A_2487, %sub3A_3460 : vector<32x512xf32>
    %exp3A_3462 = math.exp %sub3A_3461 : vector<32x512xf32>
    %convert_element_type3A_3463 = arith.truncf %exp3A_3462 : vector<32x512xf32> to vector<32x512xbf16>
    %sub3A_3464 = vector.broadcast %broadcast_in_dim3A_3459 : vector<1x512xf32> to vector<32x512xf32>
    %sub3A_3465 = arith.subf %add3A_2533, %sub3A_3464 : vector<32x512xf32>
    %exp3A_3466 = math.exp %sub3A_3465 : vector<32x512xf32>
    %convert_element_type3A_3467 = arith.truncf %exp3A_3466 : vector<32x512xf32> to vector<32x512xbf16>
    %broadcast_in_dim3A_3468 = vector.shape_cast %convert_element_type3A_3463 : vector<32x512xbf16> to vector<32x1x512xbf16>
    %broadcast_in_dim3A_3469 = vector.shape_cast %convert_element_type3A_3467 : vector<32x512xbf16> to vector<1x32x512xbf16>
    %mul3A_3470 = vector.broadcast %broadcast_in_dim3A_3468 : vector<32x1x512xbf16> to vector<32x32x512xbf16>
    %mul3A_3471 = vector.broadcast %broadcast_in_dim3A_3469 : vector<1x32x512xbf16> to vector<32x32x512xbf16>
    %mul3A_3472 = arith.mulf %mul3A_3470, %mul3A_3471 : vector<32x32x512xbf16>
    %reshape3A_3473 = vector.shape_cast %mul3A_3472 : vector<32x32x512xbf16> to vector<1024x512xbf16>
    %get3A_3474 = arith.constant 10 : index
    %get3A_3475 = arith.constant 0 : index
    %get3A_3476 = arith.constant 0 : index
    %get3A_3477 = vector.load %arg3[%get3A_3474, %get3A_3475, %get3A_3476] : memref<16x32x1024xf32, #tpu.memory_space<vmem>>, vector<1x32x1024xf32>
    %get3A_3478 = vector.shape_cast %get3A_3477 : vector<1x32x1024xf32> to vector<32x1024xf32>
    %reduce_max3A_3479 = arith.constant dense<0xFF800000> : vector<32xf32>
    %reduce_max3A_3480 = vector.multi_reduction <maximumf>, %get3A_3478, %reduce_max3A_3479 [1] : vector<32x1024xf32> to vector<32xf32>
    %broadcast_in_dim3A_3481 = vector.shape_cast %reduce_max3A_3480 : vector<32xf32> to vector<32x1xf32>
    %sub3A_3482 = vector.broadcast %broadcast_in_dim3A_3481 : vector<32x1xf32> to vector<32x1024xf32>
    %sub3A_3483 = arith.subf %get3A_3478, %sub3A_3482 : vector<32x1024xf32>
    %exp3A_3484 = math.exp %sub3A_3483 : vector<32x1024xf32>
    %reduce_sum3A_3485 = arith.constant dense<0.000000e+00> : vector<32xf32>
    %reduce_sum3A_3486 = vector.multi_reduction <add>, %exp3A_3484, %reduce_sum3A_3485 [1] : vector<32x1024xf32> to vector<32xf32>
    %broadcast_in_dim3A_3487 = vector.shape_cast %reduce_sum3A_3486 : vector<32xf32> to vector<32x1xf32>
    %div3A_3488 = vector.broadcast %broadcast_in_dim3A_3487 : vector<32x1xf32> to vector<32x1024xf32>
    %div3A_3489 = arith.divf %exp3A_3484, %div3A_3488 : vector<32x1024xf32>
    %convert_element_type3A_3490 = arith.truncf %div3A_3489 : vector<32x1024xf32> to vector<32x1024xbf16>
    %dot_general3A_3491 = arith.constant dense<0.000000e+00> : vector<32x512xf32>
    %dot_general3A_3492 = tpu.matmul %convert_element_type3A_3490, %reshape3A_3473, %dot_general3A_3491 {dimension_numbers = #tpu.dot_dimension_numbers<[1], [0], [0], [1], [0, 0, 1, 1], [], []>, transpose_lhs_hint = false} : vector<32x1024xbf16>, vector<1024x512xbf16>, vector<32x512xf32> -> vector<32x512xf32>
    %add3A_3493 = arith.constant 9.99999991E-38 : f32
    %add3A_3494 = vector.broadcast %add3A_3493 : f32 to vector<32x512xf32>
    %add3A_3495 = arith.addf %dot_general3A_3492, %add3A_3494 : vector<32x512xf32>
    %log3A_3496 = math.log %add3A_3495 : vector<32x512xf32>
    %add3A_3497 = arith.addf %broadcast_in_dim3A_3456, %broadcast_in_dim3A_3459 : vector<1x512xf32>
    %add3A_3498 = vector.broadcast %add3A_3497 : vector<1x512xf32> to vector<32x512xf32>
    %add3A_3499 = arith.addf %log3A_3496, %add3A_3498 : vector<32x512xf32>
    %reduce_max3A_3500 = arith.constant dense<0xFF800000> : vector<512xf32>
    %reduce_max3A_3501 = vector.multi_reduction <maximumf>, %add3A_2579, %reduce_max3A_3500 [0] : vector<32x512xf32> to vector<512xf32>
    %broadcast_in_dim3A_3502 = vector.shape_cast %reduce_max3A_3501 : vector<512xf32> to vector<1x512xf32>
    %reduce_max3A_3503 = arith.constant dense<0xFF800000> : vector<512xf32>
    %reduce_max3A_3504 = vector.multi_reduction <maximumf>, %add3A_2625, %reduce_max3A_3503 [0] : vector<32x512xf32> to vector<512xf32>
    %broadcast_in_dim3A_3505 = vector.shape_cast %reduce_max3A_3504 : vector<512xf32> to vector<1x512xf32>
    %sub3A_3506 = vector.broadcast %broadcast_in_dim3A_3502 : vector<1x512xf32> to vector<32x512xf32>
    %sub3A_3507 = arith.subf %add3A_2579, %sub3A_3506 : vector<32x512xf32>
    %exp3A_3508 = math.exp %sub3A_3507 : vector<32x512xf32>
    %convert_element_type3A_3509 = arith.truncf %exp3A_3508 : vector<32x512xf32> to vector<32x512xbf16>
    %sub3A_3510 = vector.broadcast %broadcast_in_dim3A_3505 : vector<1x512xf32> to vector<32x512xf32>
    %sub3A_3511 = arith.subf %add3A_2625, %sub3A_3510 : vector<32x512xf32>
    %exp3A_3512 = math.exp %sub3A_3511 : vector<32x512xf32>
    %convert_element_type3A_3513 = arith.truncf %exp3A_3512 : vector<32x512xf32> to vector<32x512xbf16>
    %broadcast_in_dim3A_3514 = vector.shape_cast %convert_element_type3A_3509 : vector<32x512xbf16> to vector<32x1x512xbf16>
    %broadcast_in_dim3A_3515 = vector.shape_cast %convert_element_type3A_3513 : vector<32x512xbf16> to vector<1x32x512xbf16>
    %mul3A_3516 = vector.broadcast %broadcast_in_dim3A_3514 : vector<32x1x512xbf16> to vector<32x32x512xbf16>
    %mul3A_3517 = vector.broadcast %broadcast_in_dim3A_3515 : vector<1x32x512xbf16> to vector<32x32x512xbf16>
    %mul3A_3518 = arith.mulf %mul3A_3516, %mul3A_3517 : vector<32x32x512xbf16>
    %reshape3A_3519 = vector.shape_cast %mul3A_3518 : vector<32x32x512xbf16> to vector<1024x512xbf16>
    %get3A_3520 = arith.constant 11 : index
    %get3A_3521 = arith.constant 0 : index
    %get3A_3522 = arith.constant 0 : index
    %get3A_3523 = vector.load %arg3[%get3A_3520, %get3A_3521, %get3A_3522] : memref<16x32x1024xf32, #tpu.memory_space<vmem>>, vector<1x32x1024xf32>
    %get3A_3524 = vector.shape_cast %get3A_3523 : vector<1x32x1024xf32> to vector<32x1024xf32>
    %reduce_max3A_3525 = arith.constant dense<0xFF800000> : vector<32xf32>
    %reduce_max3A_3526 = vector.multi_reduction <maximumf>, %get3A_3524, %reduce_max3A_3525 [1] : vector<32x1024xf32> to vector<32xf32>
    %broadcast_in_dim3A_3527 = vector.shape_cast %reduce_max3A_3526 : vector<32xf32> to vector<32x1xf32>
    %sub3A_3528 = vector.broadcast %broadcast_in_dim3A_3527 : vector<32x1xf32> to vector<32x1024xf32>
    %sub3A_3529 = arith.subf %get3A_3524, %sub3A_3528 : vector<32x1024xf32>
    %exp3A_3530 = math.exp %sub3A_3529 : vector<32x1024xf32>
    %reduce_sum3A_3531 = arith.constant dense<0.000000e+00> : vector<32xf32>
    %reduce_sum3A_3532 = vector.multi_reduction <add>, %exp3A_3530, %reduce_sum3A_3531 [1] : vector<32x1024xf32> to vector<32xf32>
    %broadcast_in_dim3A_3533 = vector.shape_cast %reduce_sum3A_3532 : vector<32xf32> to vector<32x1xf32>
    %div3A_3534 = vector.broadcast %broadcast_in_dim3A_3533 : vector<32x1xf32> to vector<32x1024xf32>
    %div3A_3535 = arith.divf %exp3A_3530, %div3A_3534 : vector<32x1024xf32>
    %convert_element_type3A_3536 = arith.truncf %div3A_3535 : vector<32x1024xf32> to vector<32x1024xbf16>
    %dot_general3A_3537 = arith.constant dense<0.000000e+00> : vector<32x512xf32>
    %dot_general3A_3538 = tpu.matmul %convert_element_type3A_3536, %reshape3A_3519, %dot_general3A_3537 {dimension_numbers = #tpu.dot_dimension_numbers<[1], [0], [0], [1], [0, 0, 1, 1], [], []>, transpose_lhs_hint = false} : vector<32x1024xbf16>, vector<1024x512xbf16>, vector<32x512xf32> -> vector<32x512xf32>
    %add3A_3539 = arith.constant 9.99999991E-38 : f32
    %add3A_3540 = vector.broadcast %add3A_3539 : f32 to vector<32x512xf32>
    %add3A_3541 = arith.addf %dot_general3A_3538, %add3A_3540 : vector<32x512xf32>
    %log3A_3542 = math.log %add3A_3541 : vector<32x512xf32>
    %add3A_3543 = arith.addf %broadcast_in_dim3A_3502, %broadcast_in_dim3A_3505 : vector<1x512xf32>
    %add3A_3544 = vector.broadcast %add3A_3543 : vector<1x512xf32> to vector<32x512xf32>
    %add3A_3545 = arith.addf %log3A_3542, %add3A_3544 : vector<32x512xf32>
    %reduce_max3A_3546 = arith.constant dense<0xFF800000> : vector<512xf32>
    %reduce_max3A_3547 = vector.multi_reduction <maximumf>, %add3A_2671, %reduce_max3A_3546 [0] : vector<32x512xf32> to vector<512xf32>
    %broadcast_in_dim3A_3548 = vector.shape_cast %reduce_max3A_3547 : vector<512xf32> to vector<1x512xf32>
    %reduce_max3A_3549 = arith.constant dense<0xFF800000> : vector<512xf32>
    %reduce_max3A_3550 = vector.multi_reduction <maximumf>, %add3A_2717, %reduce_max3A_3549 [0] : vector<32x512xf32> to vector<512xf32>
    %broadcast_in_dim3A_3551 = vector.shape_cast %reduce_max3A_3550 : vector<512xf32> to vector<1x512xf32>
    %sub3A_3552 = vector.broadcast %broadcast_in_dim3A_3548 : vector<1x512xf32> to vector<32x512xf32>
    %sub3A_3553 = arith.subf %add3A_2671, %sub3A_3552 : vector<32x512xf32>
    %exp3A_3554 = math.exp %sub3A_3553 : vector<32x512xf32>
    %convert_element_type3A_3555 = arith.truncf %exp3A_3554 : vector<32x512xf32> to vector<32x512xbf16>
    %sub3A_3556 = vector.broadcast %broadcast_in_dim3A_3551 : vector<1x512xf32> to vector<32x512xf32>
    %sub3A_3557 = arith.subf %add3A_2717, %sub3A_3556 : vector<32x512xf32>
    %exp3A_3558 = math.exp %sub3A_3557 : vector<32x512xf32>
    %convert_element_type3A_3559 = arith.truncf %exp3A_3558 : vector<32x512xf32> to vector<32x512xbf16>
    %broadcast_in_dim3A_3560 = vector.shape_cast %convert_element_type3A_3555 : vector<32x512xbf16> to vector<32x1x512xbf16>
    %broadcast_in_dim3A_3561 = vector.shape_cast %convert_element_type3A_3559 : vector<32x512xbf16> to vector<1x32x512xbf16>
    %mul3A_3562 = vector.broadcast %broadcast_in_dim3A_3560 : vector<32x1x512xbf16> to vector<32x32x512xbf16>
    %mul3A_3563 = vector.broadcast %broadcast_in_dim3A_3561 : vector<1x32x512xbf16> to vector<32x32x512xbf16>
    %mul3A_3564 = arith.mulf %mul3A_3562, %mul3A_3563 : vector<32x32x512xbf16>
    %reshape3A_3565 = vector.shape_cast %mul3A_3564 : vector<32x32x512xbf16> to vector<1024x512xbf16>
    %get3A_3566 = arith.constant 12 : index
    %get3A_3567 = arith.constant 0 : index
    %get3A_3568 = arith.constant 0 : index
    %get3A_3569 = vector.load %arg3[%get3A_3566, %get3A_3567, %get3A_3568] : memref<16x32x1024xf32, #tpu.memory_space<vmem>>, vector<1x32x1024xf32>
    %get3A_3570 = vector.shape_cast %get3A_3569 : vector<1x32x1024xf32> to vector<32x1024xf32>
    %reduce_max3A_3571 = arith.constant dense<0xFF800000> : vector<32xf32>
    %reduce_max3A_3572 = vector.multi_reduction <maximumf>, %get3A_3570, %reduce_max3A_3571 [1] : vector<32x1024xf32> to vector<32xf32>
    %broadcast_in_dim3A_3573 = vector.shape_cast %reduce_max3A_3572 : vector<32xf32> to vector<32x1xf32>
    %sub3A_3574 = vector.broadcast %broadcast_in_dim3A_3573 : vector<32x1xf32> to vector<32x1024xf32>
    %sub3A_3575 = arith.subf %get3A_3570, %sub3A_3574 : vector<32x1024xf32>
    %exp3A_3576 = math.exp %sub3A_3575 : vector<32x1024xf32>
    %reduce_sum3A_3577 = arith.constant dense<0.000000e+00> : vector<32xf32>
    %reduce_sum3A_3578 = vector.multi_reduction <add>, %exp3A_3576, %reduce_sum3A_3577 [1] : vector<32x1024xf32> to vector<32xf32>
    %broadcast_in_dim3A_3579 = vector.shape_cast %reduce_sum3A_3578 : vector<32xf32> to vector<32x1xf32>
    %div3A_3580 = vector.broadcast %broadcast_in_dim3A_3579 : vector<32x1xf32> to vector<32x1024xf32>
    %div3A_3581 = arith.divf %exp3A_3576, %div3A_3580 : vector<32x1024xf32>
    %convert_element_type3A_3582 = arith.truncf %div3A_3581 : vector<32x1024xf32> to vector<32x1024xbf16>
    %dot_general3A_3583 = arith.constant dense<0.000000e+00> : vector<32x512xf32>
    %dot_general3A_3584 = tpu.matmul %convert_element_type3A_3582, %reshape3A_3565, %dot_general3A_3583 {dimension_numbers = #tpu.dot_dimension_numbers<[1], [0], [0], [1], [0, 0, 1, 1], [], []>, transpose_lhs_hint = false} : vector<32x1024xbf16>, vector<1024x512xbf16>, vector<32x512xf32> -> vector<32x512xf32>
    %add3A_3585 = arith.constant 9.99999991E-38 : f32
    %add3A_3586 = vector.broadcast %add3A_3585 : f32 to vector<32x512xf32>
    %add3A_3587 = arith.addf %dot_general3A_3584, %add3A_3586 : vector<32x512xf32>
    %log3A_3588 = math.log %add3A_3587 : vector<32x512xf32>
    %add3A_3589 = arith.addf %broadcast_in_dim3A_3548, %broadcast_in_dim3A_3551 : vector<1x512xf32>
    %add3A_3590 = vector.broadcast %add3A_3589 : vector<1x512xf32> to vector<32x512xf32>
    %add3A_3591 = arith.addf %log3A_3588, %add3A_3590 : vector<32x512xf32>
    %reduce_max3A_3592 = arith.constant dense<0xFF800000> : vector<512xf32>
    %reduce_max3A_3593 = vector.multi_reduction <maximumf>, %add3A_2763, %reduce_max3A_3592 [0] : vector<32x512xf32> to vector<512xf32>
    %broadcast_in_dim3A_3594 = vector.shape_cast %reduce_max3A_3593 : vector<512xf32> to vector<1x512xf32>
    %reduce_max3A_3595 = arith.constant dense<0xFF800000> : vector<512xf32>
    %reduce_max3A_3596 = vector.multi_reduction <maximumf>, %add3A_2809, %reduce_max3A_3595 [0] : vector<32x512xf32> to vector<512xf32>
    %broadcast_in_dim3A_3597 = vector.shape_cast %reduce_max3A_3596 : vector<512xf32> to vector<1x512xf32>
    %sub3A_3598 = vector.broadcast %broadcast_in_dim3A_3594 : vector<1x512xf32> to vector<32x512xf32>
    %sub3A_3599 = arith.subf %add3A_2763, %sub3A_3598 : vector<32x512xf32>
    %exp3A_3600 = math.exp %sub3A_3599 : vector<32x512xf32>
    %convert_element_type3A_3601 = arith.truncf %exp3A_3600 : vector<32x512xf32> to vector<32x512xbf16>
    %sub3A_3602 = vector.broadcast %broadcast_in_dim3A_3597 : vector<1x512xf32> to vector<32x512xf32>
    %sub3A_3603 = arith.subf %add3A_2809, %sub3A_3602 : vector<32x512xf32>
    %exp3A_3604 = math.exp %sub3A_3603 : vector<32x512xf32>
    %convert_element_type3A_3605 = arith.truncf %exp3A_3604 : vector<32x512xf32> to vector<32x512xbf16>
    %broadcast_in_dim3A_3606 = vector.shape_cast %convert_element_type3A_3601 : vector<32x512xbf16> to vector<32x1x512xbf16>
    %broadcast_in_dim3A_3607 = vector.shape_cast %convert_element_type3A_3605 : vector<32x512xbf16> to vector<1x32x512xbf16>
    %mul3A_3608 = vector.broadcast %broadcast_in_dim3A_3606 : vector<32x1x512xbf16> to vector<32x32x512xbf16>
    %mul3A_3609 = vector.broadcast %broadcast_in_dim3A_3607 : vector<1x32x512xbf16> to vector<32x32x512xbf16>
    %mul3A_3610 = arith.mulf %mul3A_3608, %mul3A_3609 : vector<32x32x512xbf16>
    %reshape3A_3611 = vector.shape_cast %mul3A_3610 : vector<32x32x512xbf16> to vector<1024x512xbf16>
    %get3A_3612 = arith.constant 13 : index
    %get3A_3613 = arith.constant 0 : index
    %get3A_3614 = arith.constant 0 : index
    %get3A_3615 = vector.load %arg3[%get3A_3612, %get3A_3613, %get3A_3614] : memref<16x32x1024xf32, #tpu.memory_space<vmem>>, vector<1x32x1024xf32>
    %get3A_3616 = vector.shape_cast %get3A_3615 : vector<1x32x1024xf32> to vector<32x1024xf32>
    %reduce_max3A_3617 = arith.constant dense<0xFF800000> : vector<32xf32>
    %reduce_max3A_3618 = vector.multi_reduction <maximumf>, %get3A_3616, %reduce_max3A_3617 [1] : vector<32x1024xf32> to vector<32xf32>
    %broadcast_in_dim3A_3619 = vector.shape_cast %reduce_max3A_3618 : vector<32xf32> to vector<32x1xf32>
    %sub3A_3620 = vector.broadcast %broadcast_in_dim3A_3619 : vector<32x1xf32> to vector<32x1024xf32>
    %sub3A_3621 = arith.subf %get3A_3616, %sub3A_3620 : vector<32x1024xf32>
    %exp3A_3622 = math.exp %sub3A_3621 : vector<32x1024xf32>
    %reduce_sum3A_3623 = arith.constant dense<0.000000e+00> : vector<32xf32>
    %reduce_sum3A_3624 = vector.multi_reduction <add>, %exp3A_3622, %reduce_sum3A_3623 [1] : vector<32x1024xf32> to vector<32xf32>
    %broadcast_in_dim3A_3625 = vector.shape_cast %reduce_sum3A_3624 : vector<32xf32> to vector<32x1xf32>
    %div3A_3626 = vector.broadcast %broadcast_in_dim3A_3625 : vector<32x1xf32> to vector<32x1024xf32>
    %div3A_3627 = arith.divf %exp3A_3622, %div3A_3626 : vector<32x1024xf32>
    %convert_element_type3A_3628 = arith.truncf %div3A_3627 : vector<32x1024xf32> to vector<32x1024xbf16>
    %dot_general3A_3629 = arith.constant dense<0.000000e+00> : vector<32x512xf32>
    %dot_general3A_3630 = tpu.matmul %convert_element_type3A_3628, %reshape3A_3611, %dot_general3A_3629 {dimension_numbers = #tpu.dot_dimension_numbers<[1], [0], [0], [1], [0, 0, 1, 1], [], []>, transpose_lhs_hint = false} : vector<32x1024xbf16>, vector<1024x512xbf16>, vector<32x512xf32> -> vector<32x512xf32>
    %add3A_3631 = arith.constant 9.99999991E-38 : f32
    %add3A_3632 = vector.broadcast %add3A_3631 : f32 to vector<32x512xf32>
    %add3A_3633 = arith.addf %dot_general3A_3630, %add3A_3632 : vector<32x512xf32>
    %log3A_3634 = math.log %add3A_3633 : vector<32x512xf32>
    %add3A_3635 = arith.addf %broadcast_in_dim3A_3594, %broadcast_in_dim3A_3597 : vector<1x512xf32>
    %add3A_3636 = vector.broadcast %add3A_3635 : vector<1x512xf32> to vector<32x512xf32>
    %add3A_3637 = arith.addf %log3A_3634, %add3A_3636 : vector<32x512xf32>
    %reduce_max3A_3638 = arith.constant dense<0xFF800000> : vector<512xf32>
    %reduce_max3A_3639 = vector.multi_reduction <maximumf>, %add3A_2855, %reduce_max3A_3638 [0] : vector<32x512xf32> to vector<512xf32>
    %broadcast_in_dim3A_3640 = vector.shape_cast %reduce_max3A_3639 : vector<512xf32> to vector<1x512xf32>
    %reduce_max3A_3641 = arith.constant dense<0xFF800000> : vector<512xf32>
    %reduce_max3A_3642 = vector.multi_reduction <maximumf>, %add3A_2901, %reduce_max3A_3641 [0] : vector<32x512xf32> to vector<512xf32>
    %broadcast_in_dim3A_3643 = vector.shape_cast %reduce_max3A_3642 : vector<512xf32> to vector<1x512xf32>
    %sub3A_3644 = vector.broadcast %broadcast_in_dim3A_3640 : vector<1x512xf32> to vector<32x512xf32>
    %sub3A_3645 = arith.subf %add3A_2855, %sub3A_3644 : vector<32x512xf32>
    %exp3A_3646 = math.exp %sub3A_3645 : vector<32x512xf32>
    %convert_element_type3A_3647 = arith.truncf %exp3A_3646 : vector<32x512xf32> to vector<32x512xbf16>
    %sub3A_3648 = vector.broadcast %broadcast_in_dim3A_3643 : vector<1x512xf32> to vector<32x512xf32>
    %sub3A_3649 = arith.subf %add3A_2901, %sub3A_3648 : vector<32x512xf32>
    %exp3A_3650 = math.exp %sub3A_3649 : vector<32x512xf32>
    %convert_element_type3A_3651 = arith.truncf %exp3A_3650 : vector<32x512xf32> to vector<32x512xbf16>
    %broadcast_in_dim3A_3652 = vector.shape_cast %convert_element_type3A_3647 : vector<32x512xbf16> to vector<32x1x512xbf16>
    %broadcast_in_dim3A_3653 = vector.shape_cast %convert_element_type3A_3651 : vector<32x512xbf16> to vector<1x32x512xbf16>
    %mul3A_3654 = vector.broadcast %broadcast_in_dim3A_3652 : vector<32x1x512xbf16> to vector<32x32x512xbf16>
    %mul3A_3655 = vector.broadcast %broadcast_in_dim3A_3653 : vector<1x32x512xbf16> to vector<32x32x512xbf16>
    %mul3A_3656 = arith.mulf %mul3A_3654, %mul3A_3655 : vector<32x32x512xbf16>
    %reshape3A_3657 = vector.shape_cast %mul3A_3656 : vector<32x32x512xbf16> to vector<1024x512xbf16>
    %get3A_3658 = arith.constant 14 : index
    %get3A_3659 = arith.constant 0 : index
    %get3A_3660 = arith.constant 0 : index
    %get3A_3661 = vector.load %arg3[%get3A_3658, %get3A_3659, %get3A_3660] : memref<16x32x1024xf32, #tpu.memory_space<vmem>>, vector<1x32x1024xf32>
    %get3A_3662 = vector.shape_cast %get3A_3661 : vector<1x32x1024xf32> to vector<32x1024xf32>
    %reduce_max3A_3663 = arith.constant dense<0xFF800000> : vector<32xf32>
    %reduce_max3A_3664 = vector.multi_reduction <maximumf>, %get3A_3662, %reduce_max3A_3663 [1] : vector<32x1024xf32> to vector<32xf32>
    %broadcast_in_dim3A_3665 = vector.shape_cast %reduce_max3A_3664 : vector<32xf32> to vector<32x1xf32>
    %sub3A_3666 = vector.broadcast %broadcast_in_dim3A_3665 : vector<32x1xf32> to vector<32x1024xf32>
    %sub3A_3667 = arith.subf %get3A_3662, %sub3A_3666 : vector<32x1024xf32>
    %exp3A_3668 = math.exp %sub3A_3667 : vector<32x1024xf32>
    %reduce_sum3A_3669 = arith.constant dense<0.000000e+00> : vector<32xf32>
    %reduce_sum3A_3670 = vector.multi_reduction <add>, %exp3A_3668, %reduce_sum3A_3669 [1] : vector<32x1024xf32> to vector<32xf32>
    %broadcast_in_dim3A_3671 = vector.shape_cast %reduce_sum3A_3670 : vector<32xf32> to vector<32x1xf32>
    %div3A_3672 = vector.broadcast %broadcast_in_dim3A_3671 : vector<32x1xf32> to vector<32x1024xf32>
    %div3A_3673 = arith.divf %exp3A_3668, %div3A_3672 : vector<32x1024xf32>
    %convert_element_type3A_3674 = arith.truncf %div3A_3673 : vector<32x1024xf32> to vector<32x1024xbf16>
    %dot_general3A_3675 = arith.constant dense<0.000000e+00> : vector<32x512xf32>
    %dot_general3A_3676 = tpu.matmul %convert_element_type3A_3674, %reshape3A_3657, %dot_general3A_3675 {dimension_numbers = #tpu.dot_dimension_numbers<[1], [0], [0], [1], [0, 0, 1, 1], [], []>, transpose_lhs_hint = false} : vector<32x1024xbf16>, vector<1024x512xbf16>, vector<32x512xf32> -> vector<32x512xf32>
    %add3A_3677 = arith.constant 9.99999991E-38 : f32
    %add3A_3678 = vector.broadcast %add3A_3677 : f32 to vector<32x512xf32>
    %add3A_3679 = arith.addf %dot_general3A_3676, %add3A_3678 : vector<32x512xf32>
    %log3A_3680 = math.log %add3A_3679 : vector<32x512xf32>
    %add3A_3681 = arith.addf %broadcast_in_dim3A_3640, %broadcast_in_dim3A_3643 : vector<1x512xf32>
    %add3A_3682 = vector.broadcast %add3A_3681 : vector<1x512xf32> to vector<32x512xf32>
    %add3A_3683 = arith.addf %log3A_3680, %add3A_3682 : vector<32x512xf32>
    %reduce_max3A_3684 = arith.constant dense<0xFF800000> : vector<512xf32>
    %reduce_max3A_3685 = vector.multi_reduction <maximumf>, %add3A_2947, %reduce_max3A_3684 [0] : vector<32x512xf32> to vector<512xf32>
    %broadcast_in_dim3A_3686 = vector.shape_cast %reduce_max3A_3685 : vector<512xf32> to vector<1x512xf32>
    %reduce_max3A_3687 = arith.constant dense<0xFF800000> : vector<512xf32>
    %reduce_max3A_3688 = vector.multi_reduction <maximumf>, %add3A_2993, %reduce_max3A_3687 [0] : vector<32x512xf32> to vector<512xf32>
    %broadcast_in_dim3A_3689 = vector.shape_cast %reduce_max3A_3688 : vector<512xf32> to vector<1x512xf32>
    %sub3A_3690 = vector.broadcast %broadcast_in_dim3A_3686 : vector<1x512xf32> to vector<32x512xf32>
    %sub3A_3691 = arith.subf %add3A_2947, %sub3A_3690 : vector<32x512xf32>
    %exp3A_3692 = math.exp %sub3A_3691 : vector<32x512xf32>
    %convert_element_type3A_3693 = arith.truncf %exp3A_3692 : vector<32x512xf32> to vector<32x512xbf16>
    %sub3A_3694 = vector.broadcast %broadcast_in_dim3A_3689 : vector<1x512xf32> to vector<32x512xf32>
    %sub3A_3695 = arith.subf %add3A_2993, %sub3A_3694 : vector<32x512xf32>
    %exp3A_3696 = math.exp %sub3A_3695 : vector<32x512xf32>
    %convert_element_type3A_3697 = arith.truncf %exp3A_3696 : vector<32x512xf32> to vector<32x512xbf16>
    %broadcast_in_dim3A_3698 = vector.shape_cast %convert_element_type3A_3693 : vector<32x512xbf16> to vector<32x1x512xbf16>
    %broadcast_in_dim3A_3699 = vector.shape_cast %convert_element_type3A_3697 : vector<32x512xbf16> to vector<1x32x512xbf16>
    %mul3A_3700 = vector.broadcast %broadcast_in_dim3A_3698 : vector<32x1x512xbf16> to vector<32x32x512xbf16>
    %mul3A_3701 = vector.broadcast %broadcast_in_dim3A_3699 : vector<1x32x512xbf16> to vector<32x32x512xbf16>
    %mul3A_3702 = arith.mulf %mul3A_3700, %mul3A_3701 : vector<32x32x512xbf16>
    %reshape3A_3703 = vector.shape_cast %mul3A_3702 : vector<32x32x512xbf16> to vector<1024x512xbf16>
    %get3A_3704 = arith.constant 15 : index
    %get3A_3705 = arith.constant 0 : index
    %get3A_3706 = arith.constant 0 : index
    %get3A_3707 = vector.load %arg3[%get3A_3704, %get3A_3705, %get3A_3706] : memref<16x32x1024xf32, #tpu.memory_space<vmem>>, vector<1x32x1024xf32>
    %get3A_3708 = vector.shape_cast %get3A_3707 : vector<1x32x1024xf32> to vector<32x1024xf32>
    %reduce_max3A_3709 = arith.constant dense<0xFF800000> : vector<32xf32>
    %reduce_max3A_3710 = vector.multi_reduction <maximumf>, %get3A_3708, %reduce_max3A_3709 [1] : vector<32x1024xf32> to vector<32xf32>
    %broadcast_in_dim3A_3711 = vector.shape_cast %reduce_max3A_3710 : vector<32xf32> to vector<32x1xf32>
    %sub3A_3712 = vector.broadcast %broadcast_in_dim3A_3711 : vector<32x1xf32> to vector<32x1024xf32>
    %sub3A_3713 = arith.subf %get3A_3708, %sub3A_3712 : vector<32x1024xf32>
    %exp3A_3714 = math.exp %sub3A_3713 : vector<32x1024xf32>
    %reduce_sum3A_3715 = arith.constant dense<0.000000e+00> : vector<32xf32>
    %reduce_sum3A_3716 = vector.multi_reduction <add>, %exp3A_3714, %reduce_sum3A_3715 [1] : vector<32x1024xf32> to vector<32xf32>
    %broadcast_in_dim3A_3717 = vector.shape_cast %reduce_sum3A_3716 : vector<32xf32> to vector<32x1xf32>
    %div3A_3718 = vector.broadcast %broadcast_in_dim3A_3717 : vector<32x1xf32> to vector<32x1024xf32>
    %div3A_3719 = arith.divf %exp3A_3714, %div3A_3718 : vector<32x1024xf32>
    %convert_element_type3A_3720 = arith.truncf %div3A_3719 : vector<32x1024xf32> to vector<32x1024xbf16>
    %dot_general3A_3721 = arith.constant dense<0.000000e+00> : vector<32x512xf32>
    %dot_general3A_3722 = tpu.matmul %convert_element_type3A_3720, %reshape3A_3703, %dot_general3A_3721 {dimension_numbers = #tpu.dot_dimension_numbers<[1], [0], [0], [1], [0, 0, 1, 1], [], []>, transpose_lhs_hint = false} : vector<32x1024xbf16>, vector<1024x512xbf16>, vector<32x512xf32> -> vector<32x512xf32>
    %add3A_3723 = arith.constant 9.99999991E-38 : f32
    %add3A_3724 = vector.broadcast %add3A_3723 : f32 to vector<32x512xf32>
    %add3A_3725 = arith.addf %dot_general3A_3722, %add3A_3724 : vector<32x512xf32>
    %log3A_3726 = math.log %add3A_3725 : vector<32x512xf32>
    %add3A_3727 = arith.addf %broadcast_in_dim3A_3686, %broadcast_in_dim3A_3689 : vector<1x512xf32>
    %add3A_3728 = vector.broadcast %add3A_3727 : vector<1x512xf32> to vector<32x512xf32>
    %add3A_3729 = arith.addf %log3A_3726, %add3A_3728 : vector<32x512xf32>
    %reduce_max3A_3730 = arith.constant dense<0xFF800000> : vector<512xf32>
    %reduce_max3A_3731 = vector.multi_reduction <maximumf>, %add3A_3039, %reduce_max3A_3730 [0] : vector<32x512xf32> to vector<512xf32>
    %broadcast_in_dim3A_3732 = vector.shape_cast %reduce_max3A_3731 : vector<512xf32> to vector<1x512xf32>
    %reduce_max3A_3733 = arith.constant dense<0xFF800000> : vector<512xf32>
    %reduce_max3A_3734 = vector.multi_reduction <maximumf>, %add3A_3085, %reduce_max3A_3733 [0] : vector<32x512xf32> to vector<512xf32>
    %broadcast_in_dim3A_3735 = vector.shape_cast %reduce_max3A_3734 : vector<512xf32> to vector<1x512xf32>
    %sub3A_3736 = vector.broadcast %broadcast_in_dim3A_3732 : vector<1x512xf32> to vector<32x512xf32>
    %sub3A_3737 = arith.subf %add3A_3039, %sub3A_3736 : vector<32x512xf32>
    %exp3A_3738 = math.exp %sub3A_3737 : vector<32x512xf32>
    %convert_element_type3A_3739 = arith.truncf %exp3A_3738 : vector<32x512xf32> to vector<32x512xbf16>
    %sub3A_3740 = vector.broadcast %broadcast_in_dim3A_3735 : vector<1x512xf32> to vector<32x512xf32>
    %sub3A_3741 = arith.subf %add3A_3085, %sub3A_3740 : vector<32x512xf32>
    %exp3A_3742 = math.exp %sub3A_3741 : vector<32x512xf32>
    %convert_element_type3A_3743 = arith.truncf %exp3A_3742 : vector<32x512xf32> to vector<32x512xbf16>
    %broadcast_in_dim3A_3744 = vector.shape_cast %convert_element_type3A_3739 : vector<32x512xbf16> to vector<32x1x512xbf16>
    %broadcast_in_dim3A_3745 = vector.shape_cast %convert_element_type3A_3743 : vector<32x512xbf16> to vector<1x32x512xbf16>
    %mul3A_3746 = vector.broadcast %broadcast_in_dim3A_3744 : vector<32x1x512xbf16> to vector<32x32x512xbf16>
    %mul3A_3747 = vector.broadcast %broadcast_in_dim3A_3745 : vector<1x32x512xbf16> to vector<32x32x512xbf16>
    %mul3A_3748 = arith.mulf %mul3A_3746, %mul3A_3747 : vector<32x32x512xbf16>
    %reshape3A_3749 = vector.shape_cast %mul3A_3748 : vector<32x32x512xbf16> to vector<1024x512xbf16>
    %get3A_3750 = arith.constant 0 : index
    %get3A_3751 = arith.constant 0 : index
    %get3A_3752 = arith.constant 0 : index
    %get3A_3753 = vector.load %arg4[%get3A_3750, %get3A_3751, %get3A_3752] : memref<8x32x1024xf32, #tpu.memory_space<vmem>>, vector<1x32x1024xf32>
    %get3A_3754 = vector.shape_cast %get3A_3753 : vector<1x32x1024xf32> to vector<32x1024xf32>
    %reduce_max3A_3755 = arith.constant dense<0xFF800000> : vector<32xf32>
    %reduce_max3A_3756 = vector.multi_reduction <maximumf>, %get3A_3754, %reduce_max3A_3755 [1] : vector<32x1024xf32> to vector<32xf32>
    %broadcast_in_dim3A_3757 = vector.shape_cast %reduce_max3A_3756 : vector<32xf32> to vector<32x1xf32>
    %sub3A_3758 = vector.broadcast %broadcast_in_dim3A_3757 : vector<32x1xf32> to vector<32x1024xf32>
    %sub3A_3759 = arith.subf %get3A_3754, %sub3A_3758 : vector<32x1024xf32>
    %exp3A_3760 = math.exp %sub3A_3759 : vector<32x1024xf32>
    %reduce_sum3A_3761 = arith.constant dense<0.000000e+00> : vector<32xf32>
    %reduce_sum3A_3762 = vector.multi_reduction <add>, %exp3A_3760, %reduce_sum3A_3761 [1] : vector<32x1024xf32> to vector<32xf32>
    %broadcast_in_dim3A_3763 = vector.shape_cast %reduce_sum3A_3762 : vector<32xf32> to vector<32x1xf32>
    %div3A_3764 = vector.broadcast %broadcast_in_dim3A_3763 : vector<32x1xf32> to vector<32x1024xf32>
    %div3A_3765 = arith.divf %exp3A_3760, %div3A_3764 : vector<32x1024xf32>
    %convert_element_type3A_3766 = arith.truncf %div3A_3765 : vector<32x1024xf32> to vector<32x1024xbf16>
    %dot_general3A_3767 = arith.constant dense<0.000000e+00> : vector<32x512xf32>
    %dot_general3A_3768 = tpu.matmul %convert_element_type3A_3766, %reshape3A_3749, %dot_general3A_3767 {dimension_numbers = #tpu.dot_dimension_numbers<[1], [0], [0], [1], [0, 0, 1, 1], [], []>, transpose_lhs_hint = false} : vector<32x1024xbf16>, vector<1024x512xbf16>, vector<32x512xf32> -> vector<32x512xf32>
    %add3A_3769 = arith.constant 9.99999991E-38 : f32
    %add3A_3770 = vector.broadcast %add3A_3769 : f32 to vector<32x512xf32>
    %add3A_3771 = arith.addf %dot_general3A_3768, %add3A_3770 : vector<32x512xf32>
    %log3A_3772 = math.log %add3A_3771 : vector<32x512xf32>
    %add3A_3773 = arith.addf %broadcast_in_dim3A_3732, %broadcast_in_dim3A_3735 : vector<1x512xf32>
    %add3A_3774 = vector.broadcast %add3A_3773 : vector<1x512xf32> to vector<32x512xf32>
    %add3A_3775 = arith.addf %log3A_3772, %add3A_3774 : vector<32x512xf32>
    %reduce_max3A_3776 = arith.constant dense<0xFF800000> : vector<512xf32>
    %reduce_max3A_3777 = vector.multi_reduction <maximumf>, %add3A_3131, %reduce_max3A_3776 [0] : vector<32x512xf32> to vector<512xf32>
    %broadcast_in_dim3A_3778 = vector.shape_cast %reduce_max3A_3777 : vector<512xf32> to vector<1x512xf32>
    %reduce_max3A_3779 = arith.constant dense<0xFF800000> : vector<512xf32>
    %reduce_max3A_3780 = vector.multi_reduction <maximumf>, %add3A_3177, %reduce_max3A_3779 [0] : vector<32x512xf32> to vector<512xf32>
    %broadcast_in_dim3A_3781 = vector.shape_cast %reduce_max3A_3780 : vector<512xf32> to vector<1x512xf32>
    %sub3A_3782 = vector.broadcast %broadcast_in_dim3A_3778 : vector<1x512xf32> to vector<32x512xf32>
    %sub3A_3783 = arith.subf %add3A_3131, %sub3A_3782 : vector<32x512xf32>
    %exp3A_3784 = math.exp %sub3A_3783 : vector<32x512xf32>
    %convert_element_type3A_3785 = arith.truncf %exp3A_3784 : vector<32x512xf32> to vector<32x512xbf16>
    %sub3A_3786 = vector.broadcast %broadcast_in_dim3A_3781 : vector<1x512xf32> to vector<32x512xf32>
    %sub3A_3787 = arith.subf %add3A_3177, %sub3A_3786 : vector<32x512xf32>
    %exp3A_3788 = math.exp %sub3A_3787 : vector<32x512xf32>
    %convert_element_type3A_3789 = arith.truncf %exp3A_3788 : vector<32x512xf32> to vector<32x512xbf16>
    %broadcast_in_dim3A_3790 = vector.shape_cast %convert_element_type3A_3785 : vector<32x512xbf16> to vector<32x1x512xbf16>
    %broadcast_in_dim3A_3791 = vector.shape_cast %convert_element_type3A_3789 : vector<32x512xbf16> to vector<1x32x512xbf16>
    %mul3A_3792 = vector.broadcast %broadcast_in_dim3A_3790 : vector<32x1x512xbf16> to vector<32x32x512xbf16>
    %mul3A_3793 = vector.broadcast %broadcast_in_dim3A_3791 : vector<1x32x512xbf16> to vector<32x32x512xbf16>
    %mul3A_3794 = arith.mulf %mul3A_3792, %mul3A_3793 : vector<32x32x512xbf16>
    %reshape3A_3795 = vector.shape_cast %mul3A_3794 : vector<32x32x512xbf16> to vector<1024x512xbf16>
    %get3A_3796 = arith.constant 1 : index
    %get3A_3797 = arith.constant 0 : index
    %get3A_3798 = arith.constant 0 : index
    %get3A_3799 = vector.load %arg4[%get3A_3796, %get3A_3797, %get3A_3798] : memref<8x32x1024xf32, #tpu.memory_space<vmem>>, vector<1x32x1024xf32>
    %get3A_3800 = vector.shape_cast %get3A_3799 : vector<1x32x1024xf32> to vector<32x1024xf32>
    %reduce_max3A_3801 = arith.constant dense<0xFF800000> : vector<32xf32>
    %reduce_max3A_3802 = vector.multi_reduction <maximumf>, %get3A_3800, %reduce_max3A_3801 [1] : vector<32x1024xf32> to vector<32xf32>
    %broadcast_in_dim3A_3803 = vector.shape_cast %reduce_max3A_3802 : vector<32xf32> to vector<32x1xf32>
    %sub3A_3804 = vector.broadcast %broadcast_in_dim3A_3803 : vector<32x1xf32> to vector<32x1024xf32>
    %sub3A_3805 = arith.subf %get3A_3800, %sub3A_3804 : vector<32x1024xf32>
    %exp3A_3806 = math.exp %sub3A_3805 : vector<32x1024xf32>
    %reduce_sum3A_3807 = arith.constant dense<0.000000e+00> : vector<32xf32>
    %reduce_sum3A_3808 = vector.multi_reduction <add>, %exp3A_3806, %reduce_sum3A_3807 [1] : vector<32x1024xf32> to vector<32xf32>
    %broadcast_in_dim3A_3809 = vector.shape_cast %reduce_sum3A_3808 : vector<32xf32> to vector<32x1xf32>
    %div3A_3810 = vector.broadcast %broadcast_in_dim3A_3809 : vector<32x1xf32> to vector<32x1024xf32>
    %div3A_3811 = arith.divf %exp3A_3806, %div3A_3810 : vector<32x1024xf32>
    %convert_element_type3A_3812 = arith.truncf %div3A_3811 : vector<32x1024xf32> to vector<32x1024xbf16>
    %dot_general3A_3813 = arith.constant dense<0.000000e+00> : vector<32x512xf32>
    %dot_general3A_3814 = tpu.matmul %convert_element_type3A_3812, %reshape3A_3795, %dot_general3A_3813 {dimension_numbers = #tpu.dot_dimension_numbers<[1], [0], [0], [1], [0, 0, 1, 1], [], []>, transpose_lhs_hint = false} : vector<32x1024xbf16>, vector<1024x512xbf16>, vector<32x512xf32> -> vector<32x512xf32>
    %add3A_3815 = arith.constant 9.99999991E-38 : f32
    %add3A_3816 = vector.broadcast %add3A_3815 : f32 to vector<32x512xf32>
    %add3A_3817 = arith.addf %dot_general3A_3814, %add3A_3816 : vector<32x512xf32>
    %log3A_3818 = math.log %add3A_3817 : vector<32x512xf32>
    %add3A_3819 = arith.addf %broadcast_in_dim3A_3778, %broadcast_in_dim3A_3781 : vector<1x512xf32>
    %add3A_3820 = vector.broadcast %add3A_3819 : vector<1x512xf32> to vector<32x512xf32>
    %add3A_3821 = arith.addf %log3A_3818, %add3A_3820 : vector<32x512xf32>
    %reduce_max3A_3822 = arith.constant dense<0xFF800000> : vector<512xf32>
    %reduce_max3A_3823 = vector.multi_reduction <maximumf>, %add3A_3223, %reduce_max3A_3822 [0] : vector<32x512xf32> to vector<512xf32>
    %broadcast_in_dim3A_3824 = vector.shape_cast %reduce_max3A_3823 : vector<512xf32> to vector<1x512xf32>
    %reduce_max3A_3825 = arith.constant dense<0xFF800000> : vector<512xf32>
    %reduce_max3A_3826 = vector.multi_reduction <maximumf>, %add3A_3269, %reduce_max3A_3825 [0] : vector<32x512xf32> to vector<512xf32>
    %broadcast_in_dim3A_3827 = vector.shape_cast %reduce_max3A_3826 : vector<512xf32> to vector<1x512xf32>
    %sub3A_3828 = vector.broadcast %broadcast_in_dim3A_3824 : vector<1x512xf32> to vector<32x512xf32>
    %sub3A_3829 = arith.subf %add3A_3223, %sub3A_3828 : vector<32x512xf32>
    %exp3A_3830 = math.exp %sub3A_3829 : vector<32x512xf32>
    %convert_element_type3A_3831 = arith.truncf %exp3A_3830 : vector<32x512xf32> to vector<32x512xbf16>
    %sub3A_3832 = vector.broadcast %broadcast_in_dim3A_3827 : vector<1x512xf32> to vector<32x512xf32>
    %sub3A_3833 = arith.subf %add3A_3269, %sub3A_3832 : vector<32x512xf32>
    %exp3A_3834 = math.exp %sub3A_3833 : vector<32x512xf32>
    %convert_element_type3A_3835 = arith.truncf %exp3A_3834 : vector<32x512xf32> to vector<32x512xbf16>
    %broadcast_in_dim3A_3836 = vector.shape_cast %convert_element_type3A_3831 : vector<32x512xbf16> to vector<32x1x512xbf16>
    %broadcast_in_dim3A_3837 = vector.shape_cast %convert_element_type3A_3835 : vector<32x512xbf16> to vector<1x32x512xbf16>
    %mul3A_3838 = vector.broadcast %broadcast_in_dim3A_3836 : vector<32x1x512xbf16> to vector<32x32x512xbf16>
    %mul3A_3839 = vector.broadcast %broadcast_in_dim3A_3837 : vector<1x32x512xbf16> to vector<32x32x512xbf16>
    %mul3A_3840 = arith.mulf %mul3A_3838, %mul3A_3839 : vector<32x32x512xbf16>
    %reshape3A_3841 = vector.shape_cast %mul3A_3840 : vector<32x32x512xbf16> to vector<1024x512xbf16>
    %get3A_3842 = arith.constant 2 : index
    %get3A_3843 = arith.constant 0 : index
    %get3A_3844 = arith.constant 0 : index
    %get3A_3845 = vector.load %arg4[%get3A_3842, %get3A_3843, %get3A_3844] : memref<8x32x1024xf32, #tpu.memory_space<vmem>>, vector<1x32x1024xf32>
    %get3A_3846 = vector.shape_cast %get3A_3845 : vector<1x32x1024xf32> to vector<32x1024xf32>
    %reduce_max3A_3847 = arith.constant dense<0xFF800000> : vector<32xf32>
    %reduce_max3A_3848 = vector.multi_reduction <maximumf>, %get3A_3846, %reduce_max3A_3847 [1] : vector<32x1024xf32> to vector<32xf32>
    %broadcast_in_dim3A_3849 = vector.shape_cast %reduce_max3A_3848 : vector<32xf32> to vector<32x1xf32>
    %sub3A_3850 = vector.broadcast %broadcast_in_dim3A_3849 : vector<32x1xf32> to vector<32x1024xf32>
    %sub3A_3851 = arith.subf %get3A_3846, %sub3A_3850 : vector<32x1024xf32>
    %exp3A_3852 = math.exp %sub3A_3851 : vector<32x1024xf32>
    %reduce_sum3A_3853 = arith.constant dense<0.000000e+00> : vector<32xf32>
    %reduce_sum3A_3854 = vector.multi_reduction <add>, %exp3A_3852, %reduce_sum3A_3853 [1] : vector<32x1024xf32> to vector<32xf32>
    %broadcast_in_dim3A_3855 = vector.shape_cast %reduce_sum3A_3854 : vector<32xf32> to vector<32x1xf32>
    %div3A_3856 = vector.broadcast %broadcast_in_dim3A_3855 : vector<32x1xf32> to vector<32x1024xf32>
    %div3A_3857 = arith.divf %exp3A_3852, %div3A_3856 : vector<32x1024xf32>
    %convert_element_type3A_3858 = arith.truncf %div3A_3857 : vector<32x1024xf32> to vector<32x1024xbf16>
    %dot_general3A_3859 = arith.constant dense<0.000000e+00> : vector<32x512xf32>
    %dot_general3A_3860 = tpu.matmul %convert_element_type3A_3858, %reshape3A_3841, %dot_general3A_3859 {dimension_numbers = #tpu.dot_dimension_numbers<[1], [0], [0], [1], [0, 0, 1, 1], [], []>, transpose_lhs_hint = false} : vector<32x1024xbf16>, vector<1024x512xbf16>, vector<32x512xf32> -> vector<32x512xf32>
    %add3A_3861 = arith.constant 9.99999991E-38 : f32
    %add3A_3862 = vector.broadcast %add3A_3861 : f32 to vector<32x512xf32>
    %add3A_3863 = arith.addf %dot_general3A_3860, %add3A_3862 : vector<32x512xf32>
    %log3A_3864 = math.log %add3A_3863 : vector<32x512xf32>
    %add3A_3865 = arith.addf %broadcast_in_dim3A_3824, %broadcast_in_dim3A_3827 : vector<1x512xf32>
    %add3A_3866 = vector.broadcast %add3A_3865 : vector<1x512xf32> to vector<32x512xf32>
    %add3A_3867 = arith.addf %log3A_3864, %add3A_3866 : vector<32x512xf32>
    %reduce_max3A_3868 = arith.constant dense<0xFF800000> : vector<512xf32>
    %reduce_max3A_3869 = vector.multi_reduction <maximumf>, %add3A_3315, %reduce_max3A_3868 [0] : vector<32x512xf32> to vector<512xf32>
    %broadcast_in_dim3A_3870 = vector.shape_cast %reduce_max3A_3869 : vector<512xf32> to vector<1x512xf32>
    %reduce_max3A_3871 = arith.constant dense<0xFF800000> : vector<512xf32>
    %reduce_max3A_3872 = vector.multi_reduction <maximumf>, %add3A_3361, %reduce_max3A_3871 [0] : vector<32x512xf32> to vector<512xf32>
    %broadcast_in_dim3A_3873 = vector.shape_cast %reduce_max3A_3872 : vector<512xf32> to vector<1x512xf32>
    %sub3A_3874 = vector.broadcast %broadcast_in_dim3A_3870 : vector<1x512xf32> to vector<32x512xf32>
    %sub3A_3875 = arith.subf %add3A_3315, %sub3A_3874 : vector<32x512xf32>
    %exp3A_3876 = math.exp %sub3A_3875 : vector<32x512xf32>
    %convert_element_type3A_3877 = arith.truncf %exp3A_3876 : vector<32x512xf32> to vector<32x512xbf16>
    %sub3A_3878 = vector.broadcast %broadcast_in_dim3A_3873 : vector<1x512xf32> to vector<32x512xf32>
    %sub3A_3879 = arith.subf %add3A_3361, %sub3A_3878 : vector<32x512xf32>
    %exp3A_3880 = math.exp %sub3A_3879 : vector<32x512xf32>
    %convert_element_type3A_3881 = arith.truncf %exp3A_3880 : vector<32x512xf32> to vector<32x512xbf16>
    %broadcast_in_dim3A_3882 = vector.shape_cast %convert_element_type3A_3877 : vector<32x512xbf16> to vector<32x1x512xbf16>
    %broadcast_in_dim3A_3883 = vector.shape_cast %convert_element_type3A_3881 : vector<32x512xbf16> to vector<1x32x512xbf16>
    %mul3A_3884 = vector.broadcast %broadcast_in_dim3A_3882 : vector<32x1x512xbf16> to vector<32x32x512xbf16>
    %mul3A_3885 = vector.broadcast %broadcast_in_dim3A_3883 : vector<1x32x512xbf16> to vector<32x32x512xbf16>
    %mul3A_3886 = arith.mulf %mul3A_3884, %mul3A_3885 : vector<32x32x512xbf16>
    %reshape3A_3887 = vector.shape_cast %mul3A_3886 : vector<32x32x512xbf16> to vector<1024x512xbf16>
    %get3A_3888 = arith.constant 3 : index
    %get3A_3889 = arith.constant 0 : index
    %get3A_3890 = arith.constant 0 : index
    %get3A_3891 = vector.load %arg4[%get3A_3888, %get3A_3889, %get3A_3890] : memref<8x32x1024xf32, #tpu.memory_space<vmem>>, vector<1x32x1024xf32>
    %get3A_3892 = vector.shape_cast %get3A_3891 : vector<1x32x1024xf32> to vector<32x1024xf32>
    %reduce_max3A_3893 = arith.constant dense<0xFF800000> : vector<32xf32>
    %reduce_max3A_3894 = vector.multi_reduction <maximumf>, %get3A_3892, %reduce_max3A_3893 [1] : vector<32x1024xf32> to vector<32xf32>
    %broadcast_in_dim3A_3895 = vector.shape_cast %reduce_max3A_3894 : vector<32xf32> to vector<32x1xf32>
    %sub3A_3896 = vector.broadcast %broadcast_in_dim3A_3895 : vector<32x1xf32> to vector<32x1024xf32>
    %sub3A_3897 = arith.subf %get3A_3892, %sub3A_3896 : vector<32x1024xf32>
    %exp3A_3898 = math.exp %sub3A_3897 : vector<32x1024xf32>
    %reduce_sum3A_3899 = arith.constant dense<0.000000e+00> : vector<32xf32>
    %reduce_sum3A_3900 = vector.multi_reduction <add>, %exp3A_3898, %reduce_sum3A_3899 [1] : vector<32x1024xf32> to vector<32xf32>
    %broadcast_in_dim3A_3901 = vector.shape_cast %reduce_sum3A_3900 : vector<32xf32> to vector<32x1xf32>
    %div3A_3902 = vector.broadcast %broadcast_in_dim3A_3901 : vector<32x1xf32> to vector<32x1024xf32>
    %div3A_3903 = arith.divf %exp3A_3898, %div3A_3902 : vector<32x1024xf32>
    %convert_element_type3A_3904 = arith.truncf %div3A_3903 : vector<32x1024xf32> to vector<32x1024xbf16>
    %dot_general3A_3905 = arith.constant dense<0.000000e+00> : vector<32x512xf32>
    %dot_general3A_3906 = tpu.matmul %convert_element_type3A_3904, %reshape3A_3887, %dot_general3A_3905 {dimension_numbers = #tpu.dot_dimension_numbers<[1], [0], [0], [1], [0, 0, 1, 1], [], []>, transpose_lhs_hint = false} : vector<32x1024xbf16>, vector<1024x512xbf16>, vector<32x512xf32> -> vector<32x512xf32>
    %add3A_3907 = arith.constant 9.99999991E-38 : f32
    %add3A_3908 = vector.broadcast %add3A_3907 : f32 to vector<32x512xf32>
    %add3A_3909 = arith.addf %dot_general3A_3906, %add3A_3908 : vector<32x512xf32>
    %log3A_3910 = math.log %add3A_3909 : vector<32x512xf32>
    %add3A_3911 = arith.addf %broadcast_in_dim3A_3870, %broadcast_in_dim3A_3873 : vector<1x512xf32>
    %add3A_3912 = vector.broadcast %add3A_3911 : vector<1x512xf32> to vector<32x512xf32>
    %add3A_3913 = arith.addf %log3A_3910, %add3A_3912 : vector<32x512xf32>
    %reduce_max3A_3914 = arith.constant dense<0xFF800000> : vector<512xf32>
    %reduce_max3A_3915 = vector.multi_reduction <maximumf>, %add3A_3407, %reduce_max3A_3914 [0] : vector<32x512xf32> to vector<512xf32>
    %broadcast_in_dim3A_3916 = vector.shape_cast %reduce_max3A_3915 : vector<512xf32> to vector<1x512xf32>
    %reduce_max3A_3917 = arith.constant dense<0xFF800000> : vector<512xf32>
    %reduce_max3A_3918 = vector.multi_reduction <maximumf>, %add3A_3453, %reduce_max3A_3917 [0] : vector<32x512xf32> to vector<512xf32>
    %broadcast_in_dim3A_3919 = vector.shape_cast %reduce_max3A_3918 : vector<512xf32> to vector<1x512xf32>
    %sub3A_3920 = vector.broadcast %broadcast_in_dim3A_3916 : vector<1x512xf32> to vector<32x512xf32>
    %sub3A_3921 = arith.subf %add3A_3407, %sub3A_3920 : vector<32x512xf32>
    %exp3A_3922 = math.exp %sub3A_3921 : vector<32x512xf32>
    %convert_element_type3A_3923 = arith.truncf %exp3A_3922 : vector<32x512xf32> to vector<32x512xbf16>
    %sub3A_3924 = vector.broadcast %broadcast_in_dim3A_3919 : vector<1x512xf32> to vector<32x512xf32>
    %sub3A_3925 = arith.subf %add3A_3453, %sub3A_3924 : vector<32x512xf32>
    %exp3A_3926 = math.exp %sub3A_3925 : vector<32x512xf32>
    %convert_element_type3A_3927 = arith.truncf %exp3A_3926 : vector<32x512xf32> to vector<32x512xbf16>
    %broadcast_in_dim3A_3928 = vector.shape_cast %convert_element_type3A_3923 : vector<32x512xbf16> to vector<32x1x512xbf16>
    %broadcast_in_dim3A_3929 = vector.shape_cast %convert_element_type3A_3927 : vector<32x512xbf16> to vector<1x32x512xbf16>
    %mul3A_3930 = vector.broadcast %broadcast_in_dim3A_3928 : vector<32x1x512xbf16> to vector<32x32x512xbf16>
    %mul3A_3931 = vector.broadcast %broadcast_in_dim3A_3929 : vector<1x32x512xbf16> to vector<32x32x512xbf16>
    %mul3A_3932 = arith.mulf %mul3A_3930, %mul3A_3931 : vector<32x32x512xbf16>
    %reshape3A_3933 = vector.shape_cast %mul3A_3932 : vector<32x32x512xbf16> to vector<1024x512xbf16>
    %get3A_3934 = arith.constant 4 : index
    %get3A_3935 = arith.constant 0 : index
    %get3A_3936 = arith.constant 0 : index
    %get3A_3937 = vector.load %arg4[%get3A_3934, %get3A_3935, %get3A_3936] : memref<8x32x1024xf32, #tpu.memory_space<vmem>>, vector<1x32x1024xf32>
    %get3A_3938 = vector.shape_cast %get3A_3937 : vector<1x32x1024xf32> to vector<32x1024xf32>
    %reduce_max3A_3939 = arith.constant dense<0xFF800000> : vector<32xf32>
    %reduce_max3A_3940 = vector.multi_reduction <maximumf>, %get3A_3938, %reduce_max3A_3939 [1] : vector<32x1024xf32> to vector<32xf32>
    %broadcast_in_dim3A_3941 = vector.shape_cast %reduce_max3A_3940 : vector<32xf32> to vector<32x1xf32>
    %sub3A_3942 = vector.broadcast %broadcast_in_dim3A_3941 : vector<32x1xf32> to vector<32x1024xf32>
    %sub3A_3943 = arith.subf %get3A_3938, %sub3A_3942 : vector<32x1024xf32>
    %exp3A_3944 = math.exp %sub3A_3943 : vector<32x1024xf32>
    %reduce_sum3A_3945 = arith.constant dense<0.000000e+00> : vector<32xf32>
    %reduce_sum3A_3946 = vector.multi_reduction <add>, %exp3A_3944, %reduce_sum3A_3945 [1] : vector<32x1024xf32> to vector<32xf32>
    %broadcast_in_dim3A_3947 = vector.shape_cast %reduce_sum3A_3946 : vector<32xf32> to vector<32x1xf32>
    %div3A_3948 = vector.broadcast %broadcast_in_dim3A_3947 : vector<32x1xf32> to vector<32x1024xf32>
    %div3A_3949 = arith.divf %exp3A_3944, %div3A_3948 : vector<32x1024xf32>
    %convert_element_type3A_3950 = arith.truncf %div3A_3949 : vector<32x1024xf32> to vector<32x1024xbf16>
    %dot_general3A_3951 = arith.constant dense<0.000000e+00> : vector<32x512xf32>
    %dot_general3A_3952 = tpu.matmul %convert_element_type3A_3950, %reshape3A_3933, %dot_general3A_3951 {dimension_numbers = #tpu.dot_dimension_numbers<[1], [0], [0], [1], [0, 0, 1, 1], [], []>, transpose_lhs_hint = false} : vector<32x1024xbf16>, vector<1024x512xbf16>, vector<32x512xf32> -> vector<32x512xf32>
    %add3A_3953 = arith.constant 9.99999991E-38 : f32
    %add3A_3954 = vector.broadcast %add3A_3953 : f32 to vector<32x512xf32>
    %add3A_3955 = arith.addf %dot_general3A_3952, %add3A_3954 : vector<32x512xf32>
    %log3A_3956 = math.log %add3A_3955 : vector<32x512xf32>
    %add3A_3957 = arith.addf %broadcast_in_dim3A_3916, %broadcast_in_dim3A_3919 : vector<1x512xf32>
    %add3A_3958 = vector.broadcast %add3A_3957 : vector<1x512xf32> to vector<32x512xf32>
    %add3A_3959 = arith.addf %log3A_3956, %add3A_3958 : vector<32x512xf32>
    %reduce_max3A_3960 = arith.constant dense<0xFF800000> : vector<512xf32>
    %reduce_max3A_3961 = vector.multi_reduction <maximumf>, %add3A_3499, %reduce_max3A_3960 [0] : vector<32x512xf32> to vector<512xf32>
    %broadcast_in_dim3A_3962 = vector.shape_cast %reduce_max3A_3961 : vector<512xf32> to vector<1x512xf32>
    %reduce_max3A_3963 = arith.constant dense<0xFF800000> : vector<512xf32>
    %reduce_max3A_3964 = vector.multi_reduction <maximumf>, %add3A_3545, %reduce_max3A_3963 [0] : vector<32x512xf32> to vector<512xf32>
    %broadcast_in_dim3A_3965 = vector.shape_cast %reduce_max3A_3964 : vector<512xf32> to vector<1x512xf32>
    %sub3A_3966 = vector.broadcast %broadcast_in_dim3A_3962 : vector<1x512xf32> to vector<32x512xf32>
    %sub3A_3967 = arith.subf %add3A_3499, %sub3A_3966 : vector<32x512xf32>
    %exp3A_3968 = math.exp %sub3A_3967 : vector<32x512xf32>
    %convert_element_type3A_3969 = arith.truncf %exp3A_3968 : vector<32x512xf32> to vector<32x512xbf16>
    %sub3A_3970 = vector.broadcast %broadcast_in_dim3A_3965 : vector<1x512xf32> to vector<32x512xf32>
    %sub3A_3971 = arith.subf %add3A_3545, %sub3A_3970 : vector<32x512xf32>
    %exp3A_3972 = math.exp %sub3A_3971 : vector<32x512xf32>
    %convert_element_type3A_3973 = arith.truncf %exp3A_3972 : vector<32x512xf32> to vector<32x512xbf16>
    %broadcast_in_dim3A_3974 = vector.shape_cast %convert_element_type3A_3969 : vector<32x512xbf16> to vector<32x1x512xbf16>
    %broadcast_in_dim3A_3975 = vector.shape_cast %convert_element_type3A_3973 : vector<32x512xbf16> to vector<1x32x512xbf16>
    %mul3A_3976 = vector.broadcast %broadcast_in_dim3A_3974 : vector<32x1x512xbf16> to vector<32x32x512xbf16>
    %mul3A_3977 = vector.broadcast %broadcast_in_dim3A_3975 : vector<1x32x512xbf16> to vector<32x32x512xbf16>
    %mul3A_3978 = arith.mulf %mul3A_3976, %mul3A_3977 : vector<32x32x512xbf16>
    %reshape3A_3979 = vector.shape_cast %mul3A_3978 : vector<32x32x512xbf16> to vector<1024x512xbf16>
    %get3A_3980 = arith.constant 5 : index
    %get3A_3981 = arith.constant 0 : index
    %get3A_3982 = arith.constant 0 : index
    %get3A_3983 = vector.load %arg4[%get3A_3980, %get3A_3981, %get3A_3982] : memref<8x32x1024xf32, #tpu.memory_space<vmem>>, vector<1x32x1024xf32>
    %get3A_3984 = vector.shape_cast %get3A_3983 : vector<1x32x1024xf32> to vector<32x1024xf32>
    %reduce_max3A_3985 = arith.constant dense<0xFF800000> : vector<32xf32>
    %reduce_max3A_3986 = vector.multi_reduction <maximumf>, %get3A_3984, %reduce_max3A_3985 [1] : vector<32x1024xf32> to vector<32xf32>
    %broadcast_in_dim3A_3987 = vector.shape_cast %reduce_max3A_3986 : vector<32xf32> to vector<32x1xf32>
    %sub3A_3988 = vector.broadcast %broadcast_in_dim3A_3987 : vector<32x1xf32> to vector<32x1024xf32>
    %sub3A_3989 = arith.subf %get3A_3984, %sub3A_3988 : vector<32x1024xf32>
    %exp3A_3990 = math.exp %sub3A_3989 : vector<32x1024xf32>
    %reduce_sum3A_3991 = arith.constant dense<0.000000e+00> : vector<32xf32>
    %reduce_sum3A_3992 = vector.multi_reduction <add>, %exp3A_3990, %reduce_sum3A_3991 [1] : vector<32x1024xf32> to vector<32xf32>
    %broadcast_in_dim3A_3993 = vector.shape_cast %reduce_sum3A_3992 : vector<32xf32> to vector<32x1xf32>
    %div3A_3994 = vector.broadcast %broadcast_in_dim3A_3993 : vector<32x1xf32> to vector<32x1024xf32>
    %div3A_3995 = arith.divf %exp3A_3990, %div3A_3994 : vector<32x1024xf32>
    %convert_element_type3A_3996 = arith.truncf %div3A_3995 : vector<32x1024xf32> to vector<32x1024xbf16>
    %dot_general3A_3997 = arith.constant dense<0.000000e+00> : vector<32x512xf32>
    %dot_general3A_3998 = tpu.matmul %convert_element_type3A_3996, %reshape3A_3979, %dot_general3A_3997 {dimension_numbers = #tpu.dot_dimension_numbers<[1], [0], [0], [1], [0, 0, 1, 1], [], []>, transpose_lhs_hint = false} : vector<32x1024xbf16>, vector<1024x512xbf16>, vector<32x512xf32> -> vector<32x512xf32>
    %add3A_3999 = arith.constant 9.99999991E-38 : f32
    %add3A_4000 = vector.broadcast %add3A_3999 : f32 to vector<32x512xf32>
    %add3A_4001 = arith.addf %dot_general3A_3998, %add3A_4000 : vector<32x512xf32>
    %log3A_4002 = math.log %add3A_4001 : vector<32x512xf32>
    %add3A_4003 = arith.addf %broadcast_in_dim3A_3962, %broadcast_in_dim3A_3965 : vector<1x512xf32>
    %add3A_4004 = vector.broadcast %add3A_4003 : vector<1x512xf32> to vector<32x512xf32>
    %add3A_4005 = arith.addf %log3A_4002, %add3A_4004 : vector<32x512xf32>
    %reduce_max3A_4006 = arith.constant dense<0xFF800000> : vector<512xf32>
    %reduce_max3A_4007 = vector.multi_reduction <maximumf>, %add3A_3591, %reduce_max3A_4006 [0] : vector<32x512xf32> to vector<512xf32>
    %broadcast_in_dim3A_4008 = vector.shape_cast %reduce_max3A_4007 : vector<512xf32> to vector<1x512xf32>
    %reduce_max3A_4009 = arith.constant dense<0xFF800000> : vector<512xf32>
    %reduce_max3A_4010 = vector.multi_reduction <maximumf>, %add3A_3637, %reduce_max3A_4009 [0] : vector<32x512xf32> to vector<512xf32>
    %broadcast_in_dim3A_4011 = vector.shape_cast %reduce_max3A_4010 : vector<512xf32> to vector<1x512xf32>
    %sub3A_4012 = vector.broadcast %broadcast_in_dim3A_4008 : vector<1x512xf32> to vector<32x512xf32>
    %sub3A_4013 = arith.subf %add3A_3591, %sub3A_4012 : vector<32x512xf32>
    %exp3A_4014 = math.exp %sub3A_4013 : vector<32x512xf32>
    %convert_element_type3A_4015 = arith.truncf %exp3A_4014 : vector<32x512xf32> to vector<32x512xbf16>
    %sub3A_4016 = vector.broadcast %broadcast_in_dim3A_4011 : vector<1x512xf32> to vector<32x512xf32>
    %sub3A_4017 = arith.subf %add3A_3637, %sub3A_4016 : vector<32x512xf32>
    %exp3A_4018 = math.exp %sub3A_4017 : vector<32x512xf32>
    %convert_element_type3A_4019 = arith.truncf %exp3A_4018 : vector<32x512xf32> to vector<32x512xbf16>
    %broadcast_in_dim3A_4020 = vector.shape_cast %convert_element_type3A_4015 : vector<32x512xbf16> to vector<32x1x512xbf16>
    %broadcast_in_dim3A_4021 = vector.shape_cast %convert_element_type3A_4019 : vector<32x512xbf16> to vector<1x32x512xbf16>
    %mul3A_4022 = vector.broadcast %broadcast_in_dim3A_4020 : vector<32x1x512xbf16> to vector<32x32x512xbf16>
    %mul3A_4023 = vector.broadcast %broadcast_in_dim3A_4021 : vector<1x32x512xbf16> to vector<32x32x512xbf16>
    %mul3A_4024 = arith.mulf %mul3A_4022, %mul3A_4023 : vector<32x32x512xbf16>
    %reshape3A_4025 = vector.shape_cast %mul3A_4024 : vector<32x32x512xbf16> to vector<1024x512xbf16>
    %get3A_4026 = arith.constant 6 : index
    %get3A_4027 = arith.constant 0 : index
    %get3A_4028 = arith.constant 0 : index
    %get3A_4029 = vector.load %arg4[%get3A_4026, %get3A_4027, %get3A_4028] : memref<8x32x1024xf32, #tpu.memory_space<vmem>>, vector<1x32x1024xf32>
    %get3A_4030 = vector.shape_cast %get3A_4029 : vector<1x32x1024xf32> to vector<32x1024xf32>
    %reduce_max3A_4031 = arith.constant dense<0xFF800000> : vector<32xf32>
    %reduce_max3A_4032 = vector.multi_reduction <maximumf>, %get3A_4030, %reduce_max3A_4031 [1] : vector<32x1024xf32> to vector<32xf32>
    %broadcast_in_dim3A_4033 = vector.shape_cast %reduce_max3A_4032 : vector<32xf32> to vector<32x1xf32>
    %sub3A_4034 = vector.broadcast %broadcast_in_dim3A_4033 : vector<32x1xf32> to vector<32x1024xf32>
    %sub3A_4035 = arith.subf %get3A_4030, %sub3A_4034 : vector<32x1024xf32>
    %exp3A_4036 = math.exp %sub3A_4035 : vector<32x1024xf32>
    %reduce_sum3A_4037 = arith.constant dense<0.000000e+00> : vector<32xf32>
    %reduce_sum3A_4038 = vector.multi_reduction <add>, %exp3A_4036, %reduce_sum3A_4037 [1] : vector<32x1024xf32> to vector<32xf32>
    %broadcast_in_dim3A_4039 = vector.shape_cast %reduce_sum3A_4038 : vector<32xf32> to vector<32x1xf32>
    %div3A_4040 = vector.broadcast %broadcast_in_dim3A_4039 : vector<32x1xf32> to vector<32x1024xf32>
    %div3A_4041 = arith.divf %exp3A_4036, %div3A_4040 : vector<32x1024xf32>
    %convert_element_type3A_4042 = arith.truncf %div3A_4041 : vector<32x1024xf32> to vector<32x1024xbf16>
    %dot_general3A_4043 = arith.constant dense<0.000000e+00> : vector<32x512xf32>
    %dot_general3A_4044 = tpu.matmul %convert_element_type3A_4042, %reshape3A_4025, %dot_general3A_4043 {dimension_numbers = #tpu.dot_dimension_numbers<[1], [0], [0], [1], [0, 0, 1, 1], [], []>, transpose_lhs_hint = false} : vector<32x1024xbf16>, vector<1024x512xbf16>, vector<32x512xf32> -> vector<32x512xf32>
    %add3A_4045 = arith.constant 9.99999991E-38 : f32
    %add3A_4046 = vector.broadcast %add3A_4045 : f32 to vector<32x512xf32>
    %add3A_4047 = arith.addf %dot_general3A_4044, %add3A_4046 : vector<32x512xf32>
    %log3A_4048 = math.log %add3A_4047 : vector<32x512xf32>
    %add3A_4049 = arith.addf %broadcast_in_dim3A_4008, %broadcast_in_dim3A_4011 : vector<1x512xf32>
    %add3A_4050 = vector.broadcast %add3A_4049 : vector<1x512xf32> to vector<32x512xf32>
    %add3A_4051 = arith.addf %log3A_4048, %add3A_4050 : vector<32x512xf32>
    %reduce_max3A_4052 = arith.constant dense<0xFF800000> : vector<512xf32>
    %reduce_max3A_4053 = vector.multi_reduction <maximumf>, %add3A_3683, %reduce_max3A_4052 [0] : vector<32x512xf32> to vector<512xf32>
    %broadcast_in_dim3A_4054 = vector.shape_cast %reduce_max3A_4053 : vector<512xf32> to vector<1x512xf32>
    %reduce_max3A_4055 = arith.constant dense<0xFF800000> : vector<512xf32>
    %reduce_max3A_4056 = vector.multi_reduction <maximumf>, %add3A_3729, %reduce_max3A_4055 [0] : vector<32x512xf32> to vector<512xf32>
    %broadcast_in_dim3A_4057 = vector.shape_cast %reduce_max3A_4056 : vector<512xf32> to vector<1x512xf32>
    %sub3A_4058 = vector.broadcast %broadcast_in_dim3A_4054 : vector<1x512xf32> to vector<32x512xf32>
    %sub3A_4059 = arith.subf %add3A_3683, %sub3A_4058 : vector<32x512xf32>
    %exp3A_4060 = math.exp %sub3A_4059 : vector<32x512xf32>
    %convert_element_type3A_4061 = arith.truncf %exp3A_4060 : vector<32x512xf32> to vector<32x512xbf16>
    %sub3A_4062 = vector.broadcast %broadcast_in_dim3A_4057 : vector<1x512xf32> to vector<32x512xf32>
    %sub3A_4063 = arith.subf %add3A_3729, %sub3A_4062 : vector<32x512xf32>
    %exp3A_4064 = math.exp %sub3A_4063 : vector<32x512xf32>
    %convert_element_type3A_4065 = arith.truncf %exp3A_4064 : vector<32x512xf32> to vector<32x512xbf16>
    %broadcast_in_dim3A_4066 = vector.shape_cast %convert_element_type3A_4061 : vector<32x512xbf16> to vector<32x1x512xbf16>
    %broadcast_in_dim3A_4067 = vector.shape_cast %convert_element_type3A_4065 : vector<32x512xbf16> to vector<1x32x512xbf16>
    %mul3A_4068 = vector.broadcast %broadcast_in_dim3A_4066 : vector<32x1x512xbf16> to vector<32x32x512xbf16>
    %mul3A_4069 = vector.broadcast %broadcast_in_dim3A_4067 : vector<1x32x512xbf16> to vector<32x32x512xbf16>
    %mul3A_4070 = arith.mulf %mul3A_4068, %mul3A_4069 : vector<32x32x512xbf16>
    %reshape3A_4071 = vector.shape_cast %mul3A_4070 : vector<32x32x512xbf16> to vector<1024x512xbf16>
    %get3A_4072 = arith.constant 7 : index
    %get3A_4073 = arith.constant 0 : index
    %get3A_4074 = arith.constant 0 : index
    %get3A_4075 = vector.load %arg4[%get3A_4072, %get3A_4073, %get3A_4074] : memref<8x32x1024xf32, #tpu.memory_space<vmem>>, vector<1x32x1024xf32>
    %get3A_4076 = vector.shape_cast %get3A_4075 : vector<1x32x1024xf32> to vector<32x1024xf32>
    %reduce_max3A_4077 = arith.constant dense<0xFF800000> : vector<32xf32>
    %reduce_max3A_4078 = vector.multi_reduction <maximumf>, %get3A_4076, %reduce_max3A_4077 [1] : vector<32x1024xf32> to vector<32xf32>
    %broadcast_in_dim3A_4079 = vector.shape_cast %reduce_max3A_4078 : vector<32xf32> to vector<32x1xf32>
    %sub3A_4080 = vector.broadcast %broadcast_in_dim3A_4079 : vector<32x1xf32> to vector<32x1024xf32>
    %sub3A_4081 = arith.subf %get3A_4076, %sub3A_4080 : vector<32x1024xf32>
    %exp3A_4082 = math.exp %sub3A_4081 : vector<32x1024xf32>
    %reduce_sum3A_4083 = arith.constant dense<0.000000e+00> : vector<32xf32>
    %reduce_sum3A_4084 = vector.multi_reduction <add>, %exp3A_4082, %reduce_sum3A_4083 [1] : vector<32x1024xf32> to vector<32xf32>
    %broadcast_in_dim3A_4085 = vector.shape_cast %reduce_sum3A_4084 : vector<32xf32> to vector<32x1xf32>
    %div3A_4086 = vector.broadcast %broadcast_in_dim3A_4085 : vector<32x1xf32> to vector<32x1024xf32>
    %div3A_4087 = arith.divf %exp3A_4082, %div3A_4086 : vector<32x1024xf32>
    %convert_element_type3A_4088 = arith.truncf %div3A_4087 : vector<32x1024xf32> to vector<32x1024xbf16>
    %dot_general3A_4089 = arith.constant dense<0.000000e+00> : vector<32x512xf32>
    %dot_general3A_4090 = tpu.matmul %convert_element_type3A_4088, %reshape3A_4071, %dot_general3A_4089 {dimension_numbers = #tpu.dot_dimension_numbers<[1], [0], [0], [1], [0, 0, 1, 1], [], []>, transpose_lhs_hint = false} : vector<32x1024xbf16>, vector<1024x512xbf16>, vector<32x512xf32> -> vector<32x512xf32>
    %add3A_4091 = arith.constant 9.99999991E-38 : f32
    %add3A_4092 = vector.broadcast %add3A_4091 : f32 to vector<32x512xf32>
    %add3A_4093 = arith.addf %dot_general3A_4090, %add3A_4092 : vector<32x512xf32>
    %log3A_4094 = math.log %add3A_4093 : vector<32x512xf32>
    %add3A_4095 = arith.addf %broadcast_in_dim3A_4054, %broadcast_in_dim3A_4057 : vector<1x512xf32>
    %add3A_4096 = vector.broadcast %add3A_4095 : vector<1x512xf32> to vector<32x512xf32>
    %add3A_4097 = arith.addf %log3A_4094, %add3A_4096 : vector<32x512xf32>
    %reduce_max3A_4098 = arith.constant dense<0xFF800000> : vector<512xf32>
    %reduce_max3A_4099 = vector.multi_reduction <maximumf>, %add3A_3775, %reduce_max3A_4098 [0] : vector<32x512xf32> to vector<512xf32>
    %broadcast_in_dim3A_4100 = vector.shape_cast %reduce_max3A_4099 : vector<512xf32> to vector<1x512xf32>
    %reduce_max3A_4101 = arith.constant dense<0xFF800000> : vector<512xf32>
    %reduce_max3A_4102 = vector.multi_reduction <maximumf>, %add3A_3821, %reduce_max3A_4101 [0] : vector<32x512xf32> to vector<512xf32>
    %broadcast_in_dim3A_4103 = vector.shape_cast %reduce_max3A_4102 : vector<512xf32> to vector<1x512xf32>
    %sub3A_4104 = vector.broadcast %broadcast_in_dim3A_4100 : vector<1x512xf32> to vector<32x512xf32>
    %sub3A_4105 = arith.subf %add3A_3775, %sub3A_4104 : vector<32x512xf32>
    %exp3A_4106 = math.exp %sub3A_4105 : vector<32x512xf32>
    %convert_element_type3A_4107 = arith.truncf %exp3A_4106 : vector<32x512xf32> to vector<32x512xbf16>
    %sub3A_4108 = vector.broadcast %broadcast_in_dim3A_4103 : vector<1x512xf32> to vector<32x512xf32>
    %sub3A_4109 = arith.subf %add3A_3821, %sub3A_4108 : vector<32x512xf32>
    %exp3A_4110 = math.exp %sub3A_4109 : vector<32x512xf32>
    %convert_element_type3A_4111 = arith.truncf %exp3A_4110 : vector<32x512xf32> to vector<32x512xbf16>
    %broadcast_in_dim3A_4112 = vector.shape_cast %convert_element_type3A_4107 : vector<32x512xbf16> to vector<32x1x512xbf16>
    %broadcast_in_dim3A_4113 = vector.shape_cast %convert_element_type3A_4111 : vector<32x512xbf16> to vector<1x32x512xbf16>
    %mul3A_4114 = vector.broadcast %broadcast_in_dim3A_4112 : vector<32x1x512xbf16> to vector<32x32x512xbf16>
    %mul3A_4115 = vector.broadcast %broadcast_in_dim3A_4113 : vector<1x32x512xbf16> to vector<32x32x512xbf16>
    %mul3A_4116 = arith.mulf %mul3A_4114, %mul3A_4115 : vector<32x32x512xbf16>
    %reshape3A_4117 = vector.shape_cast %mul3A_4116 : vector<32x32x512xbf16> to vector<1024x512xbf16>
    %get3A_4118 = arith.constant 0 : index
    %get3A_4119 = arith.constant 0 : index
    %get3A_4120 = arith.constant 0 : index
    %get3A_4121 = vector.load %arg5[%get3A_4118, %get3A_4119, %get3A_4120] : memref<4x32x1024xf32, #tpu.memory_space<vmem>>, vector<1x32x1024xf32>
    %get3A_4122 = vector.shape_cast %get3A_4121 : vector<1x32x1024xf32> to vector<32x1024xf32>
    %reduce_max3A_4123 = arith.constant dense<0xFF800000> : vector<32xf32>
    %reduce_max3A_4124 = vector.multi_reduction <maximumf>, %get3A_4122, %reduce_max3A_4123 [1] : vector<32x1024xf32> to vector<32xf32>
    %broadcast_in_dim3A_4125 = vector.shape_cast %reduce_max3A_4124 : vector<32xf32> to vector<32x1xf32>
    %sub3A_4126 = vector.broadcast %broadcast_in_dim3A_4125 : vector<32x1xf32> to vector<32x1024xf32>
    %sub3A_4127 = arith.subf %get3A_4122, %sub3A_4126 : vector<32x1024xf32>
    %exp3A_4128 = math.exp %sub3A_4127 : vector<32x1024xf32>
    %reduce_sum3A_4129 = arith.constant dense<0.000000e+00> : vector<32xf32>
    %reduce_sum3A_4130 = vector.multi_reduction <add>, %exp3A_4128, %reduce_sum3A_4129 [1] : vector<32x1024xf32> to vector<32xf32>
    %broadcast_in_dim3A_4131 = vector.shape_cast %reduce_sum3A_4130 : vector<32xf32> to vector<32x1xf32>
    %div3A_4132 = vector.broadcast %broadcast_in_dim3A_4131 : vector<32x1xf32> to vector<32x1024xf32>
    %div3A_4133 = arith.divf %exp3A_4128, %div3A_4132 : vector<32x1024xf32>
    %convert_element_type3A_4134 = arith.truncf %div3A_4133 : vector<32x1024xf32> to vector<32x1024xbf16>
    %dot_general3A_4135 = arith.constant dense<0.000000e+00> : vector<32x512xf32>
    %dot_general3A_4136 = tpu.matmul %convert_element_type3A_4134, %reshape3A_4117, %dot_general3A_4135 {dimension_numbers = #tpu.dot_dimension_numbers<[1], [0], [0], [1], [0, 0, 1, 1], [], []>, transpose_lhs_hint = false} : vector<32x1024xbf16>, vector<1024x512xbf16>, vector<32x512xf32> -> vector<32x512xf32>
    %add3A_4137 = arith.constant 9.99999991E-38 : f32
    %add3A_4138 = vector.broadcast %add3A_4137 : f32 to vector<32x512xf32>
    %add3A_4139 = arith.addf %dot_general3A_4136, %add3A_4138 : vector<32x512xf32>
    %log3A_4140 = math.log %add3A_4139 : vector<32x512xf32>
    %add3A_4141 = arith.addf %broadcast_in_dim3A_4100, %broadcast_in_dim3A_4103 : vector<1x512xf32>
    %add3A_4142 = vector.broadcast %add3A_4141 : vector<1x512xf32> to vector<32x512xf32>
    %add3A_4143 = arith.addf %log3A_4140, %add3A_4142 : vector<32x512xf32>
    %reduce_max3A_4144 = arith.constant dense<0xFF800000> : vector<512xf32>
    %reduce_max3A_4145 = vector.multi_reduction <maximumf>, %add3A_3867, %reduce_max3A_4144 [0] : vector<32x512xf32> to vector<512xf32>
    %broadcast_in_dim3A_4146 = vector.shape_cast %reduce_max3A_4145 : vector<512xf32> to vector<1x512xf32>
    %reduce_max3A_4147 = arith.constant dense<0xFF800000> : vector<512xf32>
    %reduce_max3A_4148 = vector.multi_reduction <maximumf>, %add3A_3913, %reduce_max3A_4147 [0] : vector<32x512xf32> to vector<512xf32>
    %broadcast_in_dim3A_4149 = vector.shape_cast %reduce_max3A_4148 : vector<512xf32> to vector<1x512xf32>
    %sub3A_4150 = vector.broadcast %broadcast_in_dim3A_4146 : vector<1x512xf32> to vector<32x512xf32>
    %sub3A_4151 = arith.subf %add3A_3867, %sub3A_4150 : vector<32x512xf32>
    %exp3A_4152 = math.exp %sub3A_4151 : vector<32x512xf32>
    %convert_element_type3A_4153 = arith.truncf %exp3A_4152 : vector<32x512xf32> to vector<32x512xbf16>
    %sub3A_4154 = vector.broadcast %broadcast_in_dim3A_4149 : vector<1x512xf32> to vector<32x512xf32>
    %sub3A_4155 = arith.subf %add3A_3913, %sub3A_4154 : vector<32x512xf32>
    %exp3A_4156 = math.exp %sub3A_4155 : vector<32x512xf32>
    %convert_element_type3A_4157 = arith.truncf %exp3A_4156 : vector<32x512xf32> to vector<32x512xbf16>
    %broadcast_in_dim3A_4158 = vector.shape_cast %convert_element_type3A_4153 : vector<32x512xbf16> to vector<32x1x512xbf16>
    %broadcast_in_dim3A_4159 = vector.shape_cast %convert_element_type3A_4157 : vector<32x512xbf16> to vector<1x32x512xbf16>
    %mul3A_4160 = vector.broadcast %broadcast_in_dim3A_4158 : vector<32x1x512xbf16> to vector<32x32x512xbf16>
    %mul3A_4161 = vector.broadcast %broadcast_in_dim3A_4159 : vector<1x32x512xbf16> to vector<32x32x512xbf16>
    %mul3A_4162 = arith.mulf %mul3A_4160, %mul3A_4161 : vector<32x32x512xbf16>
    %reshape3A_4163 = vector.shape_cast %mul3A_4162 : vector<32x32x512xbf16> to vector<1024x512xbf16>
    %get3A_4164 = arith.constant 1 : index
    %get3A_4165 = arith.constant 0 : index
    %get3A_4166 = arith.constant 0 : index
    %get3A_4167 = vector.load %arg5[%get3A_4164, %get3A_4165, %get3A_4166] : memref<4x32x1024xf32, #tpu.memory_space<vmem>>, vector<1x32x1024xf32>
    %get3A_4168 = vector.shape_cast %get3A_4167 : vector<1x32x1024xf32> to vector<32x1024xf32>
    %reduce_max3A_4169 = arith.constant dense<0xFF800000> : vector<32xf32>
    %reduce_max3A_4170 = vector.multi_reduction <maximumf>, %get3A_4168, %reduce_max3A_4169 [1] : vector<32x1024xf32> to vector<32xf32>
    %broadcast_in_dim3A_4171 = vector.shape_cast %reduce_max3A_4170 : vector<32xf32> to vector<32x1xf32>
    %sub3A_4172 = vector.broadcast %broadcast_in_dim3A_4171 : vector<32x1xf32> to vector<32x1024xf32>
    %sub3A_4173 = arith.subf %get3A_4168, %sub3A_4172 : vector<32x1024xf32>
    %exp3A_4174 = math.exp %sub3A_4173 : vector<32x1024xf32>
    %reduce_sum3A_4175 = arith.constant dense<0.000000e+00> : vector<32xf32>
    %reduce_sum3A_4176 = vector.multi_reduction <add>, %exp3A_4174, %reduce_sum3A_4175 [1] : vector<32x1024xf32> to vector<32xf32>
    %broadcast_in_dim3A_4177 = vector.shape_cast %reduce_sum3A_4176 : vector<32xf32> to vector<32x1xf32>
    %div3A_4178 = vector.broadcast %broadcast_in_dim3A_4177 : vector<32x1xf32> to vector<32x1024xf32>
    %div3A_4179 = arith.divf %exp3A_4174, %div3A_4178 : vector<32x1024xf32>
    %convert_element_type3A_4180 = arith.truncf %div3A_4179 : vector<32x1024xf32> to vector<32x1024xbf16>
    %dot_general3A_4181 = arith.constant dense<0.000000e+00> : vector<32x512xf32>
    %dot_general3A_4182 = tpu.matmul %convert_element_type3A_4180, %reshape3A_4163, %dot_general3A_4181 {dimension_numbers = #tpu.dot_dimension_numbers<[1], [0], [0], [1], [0, 0, 1, 1], [], []>, transpose_lhs_hint = false} : vector<32x1024xbf16>, vector<1024x512xbf16>, vector<32x512xf32> -> vector<32x512xf32>
    %add3A_4183 = arith.constant 9.99999991E-38 : f32
    %add3A_4184 = vector.broadcast %add3A_4183 : f32 to vector<32x512xf32>
    %add3A_4185 = arith.addf %dot_general3A_4182, %add3A_4184 : vector<32x512xf32>
    %log3A_4186 = math.log %add3A_4185 : vector<32x512xf32>
    %add3A_4187 = arith.addf %broadcast_in_dim3A_4146, %broadcast_in_dim3A_4149 : vector<1x512xf32>
    %add3A_4188 = vector.broadcast %add3A_4187 : vector<1x512xf32> to vector<32x512xf32>
    %add3A_4189 = arith.addf %log3A_4186, %add3A_4188 : vector<32x512xf32>
    %reduce_max3A_4190 = arith.constant dense<0xFF800000> : vector<512xf32>
    %reduce_max3A_4191 = vector.multi_reduction <maximumf>, %add3A_3959, %reduce_max3A_4190 [0] : vector<32x512xf32> to vector<512xf32>
    %broadcast_in_dim3A_4192 = vector.shape_cast %reduce_max3A_4191 : vector<512xf32> to vector<1x512xf32>
    %reduce_max3A_4193 = arith.constant dense<0xFF800000> : vector<512xf32>
    %reduce_max3A_4194 = vector.multi_reduction <maximumf>, %add3A_4005, %reduce_max3A_4193 [0] : vector<32x512xf32> to vector<512xf32>
    %broadcast_in_dim3A_4195 = vector.shape_cast %reduce_max3A_4194 : vector<512xf32> to vector<1x512xf32>
    %sub3A_4196 = vector.broadcast %broadcast_in_dim3A_4192 : vector<1x512xf32> to vector<32x512xf32>
    %sub3A_4197 = arith.subf %add3A_3959, %sub3A_4196 : vector<32x512xf32>
    %exp3A_4198 = math.exp %sub3A_4197 : vector<32x512xf32>
    %convert_element_type3A_4199 = arith.truncf %exp3A_4198 : vector<32x512xf32> to vector<32x512xbf16>
    %sub3A_4200 = vector.broadcast %broadcast_in_dim3A_4195 : vector<1x512xf32> to vector<32x512xf32>
    %sub3A_4201 = arith.subf %add3A_4005, %sub3A_4200 : vector<32x512xf32>
    %exp3A_4202 = math.exp %sub3A_4201 : vector<32x512xf32>
    %convert_element_type3A_4203 = arith.truncf %exp3A_4202 : vector<32x512xf32> to vector<32x512xbf16>
    %broadcast_in_dim3A_4204 = vector.shape_cast %convert_element_type3A_4199 : vector<32x512xbf16> to vector<32x1x512xbf16>
    %broadcast_in_dim3A_4205 = vector.shape_cast %convert_element_type3A_4203 : vector<32x512xbf16> to vector<1x32x512xbf16>
    %mul3A_4206 = vector.broadcast %broadcast_in_dim3A_4204 : vector<32x1x512xbf16> to vector<32x32x512xbf16>
    %mul3A_4207 = vector.broadcast %broadcast_in_dim3A_4205 : vector<1x32x512xbf16> to vector<32x32x512xbf16>
    %mul3A_4208 = arith.mulf %mul3A_4206, %mul3A_4207 : vector<32x32x512xbf16>
    %reshape3A_4209 = vector.shape_cast %mul3A_4208 : vector<32x32x512xbf16> to vector<1024x512xbf16>
    %get3A_4210 = arith.constant 2 : index
    %get3A_4211 = arith.constant 0 : index
    %get3A_4212 = arith.constant 0 : index
    %get3A_4213 = vector.load %arg5[%get3A_4210, %get3A_4211, %get3A_4212] : memref<4x32x1024xf32, #tpu.memory_space<vmem>>, vector<1x32x1024xf32>
    %get3A_4214 = vector.shape_cast %get3A_4213 : vector<1x32x1024xf32> to vector<32x1024xf32>
    %reduce_max3A_4215 = arith.constant dense<0xFF800000> : vector<32xf32>
    %reduce_max3A_4216 = vector.multi_reduction <maximumf>, %get3A_4214, %reduce_max3A_4215 [1] : vector<32x1024xf32> to vector<32xf32>
    %broadcast_in_dim3A_4217 = vector.shape_cast %reduce_max3A_4216 : vector<32xf32> to vector<32x1xf32>
    %sub3A_4218 = vector.broadcast %broadcast_in_dim3A_4217 : vector<32x1xf32> to vector<32x1024xf32>
    %sub3A_4219 = arith.subf %get3A_4214, %sub3A_4218 : vector<32x1024xf32>
    %exp3A_4220 = math.exp %sub3A_4219 : vector<32x1024xf32>
    %reduce_sum3A_4221 = arith.constant dense<0.000000e+00> : vector<32xf32>
    %reduce_sum3A_4222 = vector.multi_reduction <add>, %exp3A_4220, %reduce_sum3A_4221 [1] : vector<32x1024xf32> to vector<32xf32>
    %broadcast_in_dim3A_4223 = vector.shape_cast %reduce_sum3A_4222 : vector<32xf32> to vector<32x1xf32>
    %div3A_4224 = vector.broadcast %broadcast_in_dim3A_4223 : vector<32x1xf32> to vector<32x1024xf32>
    %div3A_4225 = arith.divf %exp3A_4220, %div3A_4224 : vector<32x1024xf32>
    %convert_element_type3A_4226 = arith.truncf %div3A_4225 : vector<32x1024xf32> to vector<32x1024xbf16>
    %dot_general3A_4227 = arith.constant dense<0.000000e+00> : vector<32x512xf32>
    %dot_general3A_4228 = tpu.matmul %convert_element_type3A_4226, %reshape3A_4209, %dot_general3A_4227 {dimension_numbers = #tpu.dot_dimension_numbers<[1], [0], [0], [1], [0, 0, 1, 1], [], []>, transpose_lhs_hint = false} : vector<32x1024xbf16>, vector<1024x512xbf16>, vector<32x512xf32> -> vector<32x512xf32>
    %add3A_4229 = arith.constant 9.99999991E-38 : f32
    %add3A_4230 = vector.broadcast %add3A_4229 : f32 to vector<32x512xf32>
    %add3A_4231 = arith.addf %dot_general3A_4228, %add3A_4230 : vector<32x512xf32>
    %log3A_4232 = math.log %add3A_4231 : vector<32x512xf32>
    %add3A_4233 = arith.addf %broadcast_in_dim3A_4192, %broadcast_in_dim3A_4195 : vector<1x512xf32>
    %add3A_4234 = vector.broadcast %add3A_4233 : vector<1x512xf32> to vector<32x512xf32>
    %add3A_4235 = arith.addf %log3A_4232, %add3A_4234 : vector<32x512xf32>
    %reduce_max3A_4236 = arith.constant dense<0xFF800000> : vector<512xf32>
    %reduce_max3A_4237 = vector.multi_reduction <maximumf>, %add3A_4051, %reduce_max3A_4236 [0] : vector<32x512xf32> to vector<512xf32>
    %broadcast_in_dim3A_4238 = vector.shape_cast %reduce_max3A_4237 : vector<512xf32> to vector<1x512xf32>
    %reduce_max3A_4239 = arith.constant dense<0xFF800000> : vector<512xf32>
    %reduce_max3A_4240 = vector.multi_reduction <maximumf>, %add3A_4097, %reduce_max3A_4239 [0] : vector<32x512xf32> to vector<512xf32>
    %broadcast_in_dim3A_4241 = vector.shape_cast %reduce_max3A_4240 : vector<512xf32> to vector<1x512xf32>
    %sub3A_4242 = vector.broadcast %broadcast_in_dim3A_4238 : vector<1x512xf32> to vector<32x512xf32>
    %sub3A_4243 = arith.subf %add3A_4051, %sub3A_4242 : vector<32x512xf32>
    %exp3A_4244 = math.exp %sub3A_4243 : vector<32x512xf32>
    %convert_element_type3A_4245 = arith.truncf %exp3A_4244 : vector<32x512xf32> to vector<32x512xbf16>
    %sub3A_4246 = vector.broadcast %broadcast_in_dim3A_4241 : vector<1x512xf32> to vector<32x512xf32>
    %sub3A_4247 = arith.subf %add3A_4097, %sub3A_4246 : vector<32x512xf32>
    %exp3A_4248 = math.exp %sub3A_4247 : vector<32x512xf32>
    %convert_element_type3A_4249 = arith.truncf %exp3A_4248 : vector<32x512xf32> to vector<32x512xbf16>
    %broadcast_in_dim3A_4250 = vector.shape_cast %convert_element_type3A_4245 : vector<32x512xbf16> to vector<32x1x512xbf16>
    %broadcast_in_dim3A_4251 = vector.shape_cast %convert_element_type3A_4249 : vector<32x512xbf16> to vector<1x32x512xbf16>
    %mul3A_4252 = vector.broadcast %broadcast_in_dim3A_4250 : vector<32x1x512xbf16> to vector<32x32x512xbf16>
    %mul3A_4253 = vector.broadcast %broadcast_in_dim3A_4251 : vector<1x32x512xbf16> to vector<32x32x512xbf16>
    %mul3A_4254 = arith.mulf %mul3A_4252, %mul3A_4253 : vector<32x32x512xbf16>
    %reshape3A_4255 = vector.shape_cast %mul3A_4254 : vector<32x32x512xbf16> to vector<1024x512xbf16>
    %get3A_4256 = arith.constant 3 : index
    %get3A_4257 = arith.constant 0 : index
    %get3A_4258 = arith.constant 0 : index
    %get3A_4259 = vector.load %arg5[%get3A_4256, %get3A_4257, %get3A_4258] : memref<4x32x1024xf32, #tpu.memory_space<vmem>>, vector<1x32x1024xf32>
    %get3A_4260 = vector.shape_cast %get3A_4259 : vector<1x32x1024xf32> to vector<32x1024xf32>
    %reduce_max3A_4261 = arith.constant dense<0xFF800000> : vector<32xf32>
    %reduce_max3A_4262 = vector.multi_reduction <maximumf>, %get3A_4260, %reduce_max3A_4261 [1] : vector<32x1024xf32> to vector<32xf32>
    %broadcast_in_dim3A_4263 = vector.shape_cast %reduce_max3A_4262 : vector<32xf32> to vector<32x1xf32>
    %sub3A_4264 = vector.broadcast %broadcast_in_dim3A_4263 : vector<32x1xf32> to vector<32x1024xf32>
    %sub3A_4265 = arith.subf %get3A_4260, %sub3A_4264 : vector<32x1024xf32>
    %exp3A_4266 = math.exp %sub3A_4265 : vector<32x1024xf32>
    %reduce_sum3A_4267 = arith.constant dense<0.000000e+00> : vector<32xf32>
    %reduce_sum3A_4268 = vector.multi_reduction <add>, %exp3A_4266, %reduce_sum3A_4267 [1] : vector<32x1024xf32> to vector<32xf32>
    %broadcast_in_dim3A_4269 = vector.shape_cast %reduce_sum3A_4268 : vector<32xf32> to vector<32x1xf32>
    %div3A_4270 = vector.broadcast %broadcast_in_dim3A_4269 : vector<32x1xf32> to vector<32x1024xf32>
    %div3A_4271 = arith.divf %exp3A_4266, %div3A_4270 : vector<32x1024xf32>
    %convert_element_type3A_4272 = arith.truncf %div3A_4271 : vector<32x1024xf32> to vector<32x1024xbf16>
    %dot_general3A_4273 = arith.constant dense<0.000000e+00> : vector<32x512xf32>
    %dot_general3A_4274 = tpu.matmul %convert_element_type3A_4272, %reshape3A_4255, %dot_general3A_4273 {dimension_numbers = #tpu.dot_dimension_numbers<[1], [0], [0], [1], [0, 0, 1, 1], [], []>, transpose_lhs_hint = false} : vector<32x1024xbf16>, vector<1024x512xbf16>, vector<32x512xf32> -> vector<32x512xf32>
    %add3A_4275 = arith.constant 9.99999991E-38 : f32
    %add3A_4276 = vector.broadcast %add3A_4275 : f32 to vector<32x512xf32>
    %add3A_4277 = arith.addf %dot_general3A_4274, %add3A_4276 : vector<32x512xf32>
    %log3A_4278 = math.log %add3A_4277 : vector<32x512xf32>
    %add3A_4279 = arith.addf %broadcast_in_dim3A_4238, %broadcast_in_dim3A_4241 : vector<1x512xf32>
    %add3A_4280 = vector.broadcast %add3A_4279 : vector<1x512xf32> to vector<32x512xf32>
    %add3A_4281 = arith.addf %log3A_4278, %add3A_4280 : vector<32x512xf32>
    %reduce_max3A_4282 = arith.constant dense<0xFF800000> : vector<512xf32>
    %reduce_max3A_4283 = vector.multi_reduction <maximumf>, %add3A_4143, %reduce_max3A_4282 [0] : vector<32x512xf32> to vector<512xf32>
    %broadcast_in_dim3A_4284 = vector.shape_cast %reduce_max3A_4283 : vector<512xf32> to vector<1x512xf32>
    %reduce_max3A_4285 = arith.constant dense<0xFF800000> : vector<512xf32>
    %reduce_max3A_4286 = vector.multi_reduction <maximumf>, %add3A_4189, %reduce_max3A_4285 [0] : vector<32x512xf32> to vector<512xf32>
    %broadcast_in_dim3A_4287 = vector.shape_cast %reduce_max3A_4286 : vector<512xf32> to vector<1x512xf32>
    %sub3A_4288 = vector.broadcast %broadcast_in_dim3A_4284 : vector<1x512xf32> to vector<32x512xf32>
    %sub3A_4289 = arith.subf %add3A_4143, %sub3A_4288 : vector<32x512xf32>
    %exp3A_4290 = math.exp %sub3A_4289 : vector<32x512xf32>
    %convert_element_type3A_4291 = arith.truncf %exp3A_4290 : vector<32x512xf32> to vector<32x512xbf16>
    %sub3A_4292 = vector.broadcast %broadcast_in_dim3A_4287 : vector<1x512xf32> to vector<32x512xf32>
    %sub3A_4293 = arith.subf %add3A_4189, %sub3A_4292 : vector<32x512xf32>
    %exp3A_4294 = math.exp %sub3A_4293 : vector<32x512xf32>
    %convert_element_type3A_4295 = arith.truncf %exp3A_4294 : vector<32x512xf32> to vector<32x512xbf16>
    %broadcast_in_dim3A_4296 = vector.shape_cast %convert_element_type3A_4291 : vector<32x512xbf16> to vector<32x1x512xbf16>
    %broadcast_in_dim3A_4297 = vector.shape_cast %convert_element_type3A_4295 : vector<32x512xbf16> to vector<1x32x512xbf16>
    %mul3A_4298 = vector.broadcast %broadcast_in_dim3A_4296 : vector<32x1x512xbf16> to vector<32x32x512xbf16>
    %mul3A_4299 = vector.broadcast %broadcast_in_dim3A_4297 : vector<1x32x512xbf16> to vector<32x32x512xbf16>
    %mul3A_4300 = arith.mulf %mul3A_4298, %mul3A_4299 : vector<32x32x512xbf16>
    %reshape3A_4301 = vector.shape_cast %mul3A_4300 : vector<32x32x512xbf16> to vector<1024x512xbf16>
    %get3A_4302 = arith.constant 0 : index
    %get3A_4303 = arith.constant 0 : index
    %get3A_4304 = arith.constant 0 : index
    %get3A_4305 = vector.load %arg6[%get3A_4302, %get3A_4303, %get3A_4304] : memref<2x32x1024xf32, #tpu.memory_space<vmem>>, vector<1x32x1024xf32>
    %get3A_4306 = vector.shape_cast %get3A_4305 : vector<1x32x1024xf32> to vector<32x1024xf32>
    %reduce_max3A_4307 = arith.constant dense<0xFF800000> : vector<32xf32>
    %reduce_max3A_4308 = vector.multi_reduction <maximumf>, %get3A_4306, %reduce_max3A_4307 [1] : vector<32x1024xf32> to vector<32xf32>
    %broadcast_in_dim3A_4309 = vector.shape_cast %reduce_max3A_4308 : vector<32xf32> to vector<32x1xf32>
    %sub3A_4310 = vector.broadcast %broadcast_in_dim3A_4309 : vector<32x1xf32> to vector<32x1024xf32>
    %sub3A_4311 = arith.subf %get3A_4306, %sub3A_4310 : vector<32x1024xf32>
    %exp3A_4312 = math.exp %sub3A_4311 : vector<32x1024xf32>
    %reduce_sum3A_4313 = arith.constant dense<0.000000e+00> : vector<32xf32>
    %reduce_sum3A_4314 = vector.multi_reduction <add>, %exp3A_4312, %reduce_sum3A_4313 [1] : vector<32x1024xf32> to vector<32xf32>
    %broadcast_in_dim3A_4315 = vector.shape_cast %reduce_sum3A_4314 : vector<32xf32> to vector<32x1xf32>
    %div3A_4316 = vector.broadcast %broadcast_in_dim3A_4315 : vector<32x1xf32> to vector<32x1024xf32>
    %div3A_4317 = arith.divf %exp3A_4312, %div3A_4316 : vector<32x1024xf32>
    %convert_element_type3A_4318 = arith.truncf %div3A_4317 : vector<32x1024xf32> to vector<32x1024xbf16>
    %dot_general3A_4319 = arith.constant dense<0.000000e+00> : vector<32x512xf32>
    %dot_general3A_4320 = tpu.matmul %convert_element_type3A_4318, %reshape3A_4301, %dot_general3A_4319 {dimension_numbers = #tpu.dot_dimension_numbers<[1], [0], [0], [1], [0, 0, 1, 1], [], []>, transpose_lhs_hint = false} : vector<32x1024xbf16>, vector<1024x512xbf16>, vector<32x512xf32> -> vector<32x512xf32>
    %add3A_4321 = arith.constant 9.99999991E-38 : f32
    %add3A_4322 = vector.broadcast %add3A_4321 : f32 to vector<32x512xf32>
    %add3A_4323 = arith.addf %dot_general3A_4320, %add3A_4322 : vector<32x512xf32>
    %log3A_4324 = math.log %add3A_4323 : vector<32x512xf32>
    %add3A_4325 = arith.addf %broadcast_in_dim3A_4284, %broadcast_in_dim3A_4287 : vector<1x512xf32>
    %add3A_4326 = vector.broadcast %add3A_4325 : vector<1x512xf32> to vector<32x512xf32>
    %add3A_4327 = arith.addf %log3A_4324, %add3A_4326 : vector<32x512xf32>
    %reduce_max3A_4328 = arith.constant dense<0xFF800000> : vector<512xf32>
    %reduce_max3A_4329 = vector.multi_reduction <maximumf>, %add3A_4235, %reduce_max3A_4328 [0] : vector<32x512xf32> to vector<512xf32>
    %broadcast_in_dim3A_4330 = vector.shape_cast %reduce_max3A_4329 : vector<512xf32> to vector<1x512xf32>
    %reduce_max3A_4331 = arith.constant dense<0xFF800000> : vector<512xf32>
    %reduce_max3A_4332 = vector.multi_reduction <maximumf>, %add3A_4281, %reduce_max3A_4331 [0] : vector<32x512xf32> to vector<512xf32>
    %broadcast_in_dim3A_4333 = vector.shape_cast %reduce_max3A_4332 : vector<512xf32> to vector<1x512xf32>
    %sub3A_4334 = vector.broadcast %broadcast_in_dim3A_4330 : vector<1x512xf32> to vector<32x512xf32>
    %sub3A_4335 = arith.subf %add3A_4235, %sub3A_4334 : vector<32x512xf32>
    %exp3A_4336 = math.exp %sub3A_4335 : vector<32x512xf32>
    %convert_element_type3A_4337 = arith.truncf %exp3A_4336 : vector<32x512xf32> to vector<32x512xbf16>
    %sub3A_4338 = vector.broadcast %broadcast_in_dim3A_4333 : vector<1x512xf32> to vector<32x512xf32>
    %sub3A_4339 = arith.subf %add3A_4281, %sub3A_4338 : vector<32x512xf32>
    %exp3A_4340 = math.exp %sub3A_4339 : vector<32x512xf32>
    %convert_element_type3A_4341 = arith.truncf %exp3A_4340 : vector<32x512xf32> to vector<32x512xbf16>
    %broadcast_in_dim3A_4342 = vector.shape_cast %convert_element_type3A_4337 : vector<32x512xbf16> to vector<32x1x512xbf16>
    %broadcast_in_dim3A_4343 = vector.shape_cast %convert_element_type3A_4341 : vector<32x512xbf16> to vector<1x32x512xbf16>
    %mul3A_4344 = vector.broadcast %broadcast_in_dim3A_4342 : vector<32x1x512xbf16> to vector<32x32x512xbf16>
    %mul3A_4345 = vector.broadcast %broadcast_in_dim3A_4343 : vector<1x32x512xbf16> to vector<32x32x512xbf16>
    %mul3A_4346 = arith.mulf %mul3A_4344, %mul3A_4345 : vector<32x32x512xbf16>
    %reshape3A_4347 = vector.shape_cast %mul3A_4346 : vector<32x32x512xbf16> to vector<1024x512xbf16>
    %get3A_4348 = arith.constant 1 : index
    %get3A_4349 = arith.constant 0 : index
    %get3A_4350 = arith.constant 0 : index
    %get3A_4351 = vector.load %arg6[%get3A_4348, %get3A_4349, %get3A_4350] : memref<2x32x1024xf32, #tpu.memory_space<vmem>>, vector<1x32x1024xf32>
    %get3A_4352 = vector.shape_cast %get3A_4351 : vector<1x32x1024xf32> to vector<32x1024xf32>
    %reduce_max3A_4353 = arith.constant dense<0xFF800000> : vector<32xf32>
    %reduce_max3A_4354 = vector.multi_reduction <maximumf>, %get3A_4352, %reduce_max3A_4353 [1] : vector<32x1024xf32> to vector<32xf32>
    %broadcast_in_dim3A_4355 = vector.shape_cast %reduce_max3A_4354 : vector<32xf32> to vector<32x1xf32>
    %sub3A_4356 = vector.broadcast %broadcast_in_dim3A_4355 : vector<32x1xf32> to vector<32x1024xf32>
    %sub3A_4357 = arith.subf %get3A_4352, %sub3A_4356 : vector<32x1024xf32>
    %exp3A_4358 = math.exp %sub3A_4357 : vector<32x1024xf32>
    %reduce_sum3A_4359 = arith.constant dense<0.000000e+00> : vector<32xf32>
    %reduce_sum3A_4360 = vector.multi_reduction <add>, %exp3A_4358, %reduce_sum3A_4359 [1] : vector<32x1024xf32> to vector<32xf32>
    %broadcast_in_dim3A_4361 = vector.shape_cast %reduce_sum3A_4360 : vector<32xf32> to vector<32x1xf32>
    %div3A_4362 = vector.broadcast %broadcast_in_dim3A_4361 : vector<32x1xf32> to vector<32x1024xf32>
    %div3A_4363 = arith.divf %exp3A_4358, %div3A_4362 : vector<32x1024xf32>
    %convert_element_type3A_4364 = arith.truncf %div3A_4363 : vector<32x1024xf32> to vector<32x1024xbf16>
    %dot_general3A_4365 = arith.constant dense<0.000000e+00> : vector<32x512xf32>
    %dot_general3A_4366 = tpu.matmul %convert_element_type3A_4364, %reshape3A_4347, %dot_general3A_4365 {dimension_numbers = #tpu.dot_dimension_numbers<[1], [0], [0], [1], [0, 0, 1, 1], [], []>, transpose_lhs_hint = false} : vector<32x1024xbf16>, vector<1024x512xbf16>, vector<32x512xf32> -> vector<32x512xf32>
    %add3A_4367 = arith.constant 9.99999991E-38 : f32
    %add3A_4368 = vector.broadcast %add3A_4367 : f32 to vector<32x512xf32>
    %add3A_4369 = arith.addf %dot_general3A_4366, %add3A_4368 : vector<32x512xf32>
    %log3A_4370 = math.log %add3A_4369 : vector<32x512xf32>
    %add3A_4371 = arith.addf %broadcast_in_dim3A_4330, %broadcast_in_dim3A_4333 : vector<1x512xf32>
    %add3A_4372 = vector.broadcast %add3A_4371 : vector<1x512xf32> to vector<32x512xf32>
    %add3A_4373 = arith.addf %log3A_4370, %add3A_4372 : vector<32x512xf32>
    %reduce_max3A_4374 = arith.constant dense<0xFF800000> : vector<512xf32>
    %reduce_max3A_4375 = vector.multi_reduction <maximumf>, %add3A_4327, %reduce_max3A_4374 [0] : vector<32x512xf32> to vector<512xf32>
    %broadcast_in_dim3A_4376 = vector.shape_cast %reduce_max3A_4375 : vector<512xf32> to vector<1x512xf32>
    %reduce_max3A_4377 = arith.constant dense<0xFF800000> : vector<512xf32>
    %reduce_max3A_4378 = vector.multi_reduction <maximumf>, %add3A_4373, %reduce_max3A_4377 [0] : vector<32x512xf32> to vector<512xf32>
    %broadcast_in_dim3A_4379 = vector.shape_cast %reduce_max3A_4378 : vector<512xf32> to vector<1x512xf32>
    %sub3A_4380 = vector.broadcast %broadcast_in_dim3A_4376 : vector<1x512xf32> to vector<32x512xf32>
    %sub3A_4381 = arith.subf %add3A_4327, %sub3A_4380 : vector<32x512xf32>
    %exp3A_4382 = math.exp %sub3A_4381 : vector<32x512xf32>
    %convert_element_type3A_4383 = arith.truncf %exp3A_4382 : vector<32x512xf32> to vector<32x512xbf16>
    %sub3A_4384 = vector.broadcast %broadcast_in_dim3A_4379 : vector<1x512xf32> to vector<32x512xf32>
    %sub3A_4385 = arith.subf %add3A_4373, %sub3A_4384 : vector<32x512xf32>
    %exp3A_4386 = math.exp %sub3A_4385 : vector<32x512xf32>
    %convert_element_type3A_4387 = arith.truncf %exp3A_4386 : vector<32x512xf32> to vector<32x512xbf16>
    %broadcast_in_dim3A_4388 = vector.shape_cast %convert_element_type3A_4383 : vector<32x512xbf16> to vector<32x1x512xbf16>
    %broadcast_in_dim3A_4389 = vector.shape_cast %convert_element_type3A_4387 : vector<32x512xbf16> to vector<1x32x512xbf16>
    %mul3A_4390 = vector.broadcast %broadcast_in_dim3A_4388 : vector<32x1x512xbf16> to vector<32x32x512xbf16>
    %mul3A_4391 = vector.broadcast %broadcast_in_dim3A_4389 : vector<1x32x512xbf16> to vector<32x32x512xbf16>
    %mul3A_4392 = arith.mulf %mul3A_4390, %mul3A_4391 : vector<32x32x512xbf16>
    %reshape3A_4393 = vector.shape_cast %mul3A_4392 : vector<32x32x512xbf16> to vector<1024x512xbf16>
    %get3A_4394 = arith.constant 0 : index
    %get3A_4395 = arith.constant 0 : index
    %get3A_4396 = arith.constant 0 : index
    %get3A_4397 = vector.load %arg7[%get3A_4394, %get3A_4395, %get3A_4396] : memref<1x32x1024xf32, #tpu.memory_space<vmem>>, vector<1x32x1024xf32>
    %get3A_4398 = vector.shape_cast %get3A_4397 : vector<1x32x1024xf32> to vector<32x1024xf32>
    %reduce_max3A_4399 = arith.constant dense<0xFF800000> : vector<32xf32>
    %reduce_max3A_4400 = vector.multi_reduction <maximumf>, %get3A_4398, %reduce_max3A_4399 [1] : vector<32x1024xf32> to vector<32xf32>
    %broadcast_in_dim3A_4401 = vector.shape_cast %reduce_max3A_4400 : vector<32xf32> to vector<32x1xf32>
    %sub3A_4402 = vector.broadcast %broadcast_in_dim3A_4401 : vector<32x1xf32> to vector<32x1024xf32>
    %sub3A_4403 = arith.subf %get3A_4398, %sub3A_4402 : vector<32x1024xf32>
    %exp3A_4404 = math.exp %sub3A_4403 : vector<32x1024xf32>
    %reduce_sum3A_4405 = arith.constant dense<0.000000e+00> : vector<32xf32>
    %reduce_sum3A_4406 = vector.multi_reduction <add>, %exp3A_4404, %reduce_sum3A_4405 [1] : vector<32x1024xf32> to vector<32xf32>
    %broadcast_in_dim3A_4407 = vector.shape_cast %reduce_sum3A_4406 : vector<32xf32> to vector<32x1xf32>
    %div3A_4408 = vector.broadcast %broadcast_in_dim3A_4407 : vector<32x1xf32> to vector<32x1024xf32>
    %div3A_4409 = arith.divf %exp3A_4404, %div3A_4408 : vector<32x1024xf32>
    %convert_element_type3A_4410 = arith.truncf %div3A_4409 : vector<32x1024xf32> to vector<32x1024xbf16>
    %dot_general3A_4411 = arith.constant dense<0.000000e+00> : vector<32x512xf32>
    %dot_general3A_4412 = tpu.matmul %convert_element_type3A_4410, %reshape3A_4393, %dot_general3A_4411 {dimension_numbers = #tpu.dot_dimension_numbers<[1], [0], [0], [1], [0, 0, 1, 1], [], []>, transpose_lhs_hint = false} : vector<32x1024xbf16>, vector<1024x512xbf16>, vector<32x512xf32> -> vector<32x512xf32>
    %add3A_4413 = arith.constant 9.99999991E-38 : f32
    %add3A_4414 = vector.broadcast %add3A_4413 : f32 to vector<32x512xf32>
    %add3A_4415 = arith.addf %dot_general3A_4412, %add3A_4414 : vector<32x512xf32>
    %log3A_4416 = math.log %add3A_4415 : vector<32x512xf32>
    %add3A_4417 = arith.addf %broadcast_in_dim3A_4376, %broadcast_in_dim3A_4379 : vector<1x512xf32>
    %add3A_4418 = vector.broadcast %add3A_4417 : vector<1x512xf32> to vector<32x512xf32>
    %add3A_4419 = arith.addf %log3A_4416, %add3A_4418 : vector<32x512xf32>
    %get3A_4420 = arith.constant 0 : index
    %get3A_4421 = arith.constant 0 : index
    %get3A_4422 = vector.load %arg8[%get3A_4420, %get3A_4421] : memref<32x1xf32, #tpu.memory_space<vmem>>, vector<32x1xf32>
    %reduce_max3A_4423 = vector.shape_cast %get3A_4422 : vector<32x1xf32> to vector<1x32x1xf32>
    %reduce_max3A_4424 = arith.constant dense<0xFF800000> : vector<1xf32>
    %reduce_max3A_4425 = vector.multi_reduction <maximumf>, %reduce_max3A_4423, %reduce_max3A_4424 [1, 2] : vector<1x32x1xf32> to vector<1xf32>
    %reduce_max3A_4426 = vector.shape_cast %reduce_max3A_4425 : vector<1xf32> to vector<1x1x1xf32>
    %reduce_max3A_4427 = vector.extract %reduce_max3A_4426[0, 0, 0] : f32 from vector<1x1x1xf32>
    %sub3A_4428 = vector.broadcast %reduce_max3A_4427 : f32 to vector<32x1xf32>
    %sub3A_4429 = arith.subf %get3A_4422, %sub3A_4428 : vector<32x1xf32>
    %exp3A_4430 = math.exp %sub3A_4429 : vector<32x1xf32>
    %reduce_sum3A_4431 = vector.shape_cast %exp3A_4430 : vector<32x1xf32> to vector<1x32x1xf32>
    %reduce_sum3A_4432 = arith.constant dense<0.000000e+00> : vector<1xf32>
    %reduce_sum3A_4433 = vector.multi_reduction <add>, %reduce_sum3A_4431, %reduce_sum3A_4432 [1, 2] : vector<1x32x1xf32> to vector<1xf32>
    %reduce_sum3A_4434 = vector.shape_cast %reduce_sum3A_4433 : vector<1xf32> to vector<1x1x1xf32>
    %reduce_sum3A_4435 = vector.extract %reduce_sum3A_4434[0, 0, 0] : f32 from vector<1x1x1xf32>
    %log3A_4436 = math.log %reduce_sum3A_4435 : f32
    %add3A_4437 = arith.addf %log3A_4436, %reduce_max3A_4427 : f32
    %sub3A_4438 = vector.broadcast %add3A_4437 : f32 to vector<32x1xf32>
    %sub3A_4439 = arith.subf %get3A_4422, %sub3A_4438 : vector<32x1xf32>
    %add3A_4440 = vector.broadcast %sub3A_4439 : vector<32x1xf32> to vector<32x512xf32>
    %add3A_4441 = arith.addf %add3A_4419, %add3A_4440 : vector<32x512xf32>
    %reduce_max3A_4442 = arith.constant dense<0xFF800000> : vector<512xf32>
    %reduce_max3A_4443 = vector.multi_reduction <maximumf>, %add3A_4441, %reduce_max3A_4442 [0] : vector<32x512xf32> to vector<512xf32>
    %broadcast_in_dim3A_4444 = vector.shape_cast %reduce_max3A_4443 : vector<512xf32> to vector<1x512xf32>
    %sub3A_4445 = vector.broadcast %broadcast_in_dim3A_4444 : vector<1x512xf32> to vector<32x512xf32>
    %sub3A_4446 = arith.subf %add3A_4441, %sub3A_4445 : vector<32x512xf32>
    %exp3A_4447 = math.exp %sub3A_4446 : vector<32x512xf32>
    %reduce_sum3A_4448 = arith.constant dense<0.000000e+00> : vector<512xf32>
    %reduce_sum3A_4449 = vector.multi_reduction <add>, %exp3A_4447, %reduce_sum3A_4448 [0] : vector<32x512xf32> to vector<512xf32>
    %broadcast_in_dim3A_4450 = vector.shape_cast %reduce_sum3A_4449 : vector<512xf32> to vector<1x512xf32>
    %log3A_4451 = math.log %broadcast_in_dim3A_4450 : vector<1x512xf32>
    %add3A_4452 = arith.addf %log3A_4451, %broadcast_in_dim3A_4444 : vector<1x512xf32>
    %swap3A = arith.constant 0 : index
    %swap3A_4453 = arith.constant 0 : index
    %swap3A_4454 = vector.load %arg9[%swap3A, %swap3A_4453] : memref<1x512xf32, #tpu.memory_space<vmem>>, vector<1x512xf32>
    tpu.vector_store %arg9[%swap3A, %swap3A_4453], %add3A_4452 {strides = array<i32>} : memref<1x512xf32, #tpu.memory_space<vmem>>, vector<1x512xf32>,
    return
  }
}

</mosaic_0001>

<sc_bundles>
// kernel: kernel.4.cloned.1.call-start
scs
__scs_entry_jumppad:
0x0: {  	(pc) =	sbr.rel $0x88, $3  }
0x1: {  	(tag) =	ssettag $0x0;
	lr =	simm.s32 $0x1  }
0x2: {  	[smem:$0x3F98] =	sst lr;
	_ =	strace $0xD0000000  }
0x3: {  	_ = 	snop  }
0x4: {  	_ = 	snop  }
0x5: {  	_ = 	snop  }
0x6: {  	_ = 	snop  }
0x7: {  	_ = 	snop  }
__scs_overlays_trampoline_lowered:
0x8: {  	[smem:$0x3FA7] =	sst s0  }
0x9: {  	[smem:$0x3FA8] =	sst s1  }
0xa: {  	[smem:$0x3FA9] =	sst s2  }
0xb: {  	[smem:$0x3FAA] =	sst s3  }
0xc: {  	[smem:$0x3FAB] =	sst s4  }
0xd: {  	[smem:$0x3FAC] =	sst s5  }
0xe: {  	[smem:$0x3FAD] =	sst s6  }
0xf: {  	[smem:$0x3FAE] =	sst s7  }
0x10: {  	[smem:$0x3FAF] =	sst s8  }
0x11: {  	[smem:$0x3FB0] =	sst s9;
	s0 =	simm.s32 @!p0 $0x0  }
0x12: {  	s1 =	sld [smem:$0x3F96];
	s0 =	simm.s32 @p0 $0x1  }
0x13: {  	[smem:$0x3FB1] =	sst s0;
	s0 =	simm.s32 @!p1 $0x0  }
0x14: {  	s2 =	sld [smem:$0x3F95];
	s0 =	simm.s32 @p1 $0x1  }
0x15: {  	[smem:$0x3FB2] =	sst s0;
	s0 =	simm.s32 @!p2 $0x0  }
0x16: {  	s3 =	sld [smem:$0x3FDB];
	s0 =	simm.s32 @p2 $0x1  }
0x17: {  	s4 =	simm.s32 $0x1BF5;
	[smem:$0x3FB4] =	sst s0  }
0x18: {  	s0 =	sld [smem:$0x3F97];
	_ =	swait.ge [sflag:s4], $0x0  }
0x19: {  	s7 =	sld [smem:$0x3F98]  }
0x1a: {  	s8 =	sadd.s32 $0xFFFFE003, lr  }
0x1b: {  	s9 =	sadd.s32 $0xFFFFFEF7, lr;
	s5 =	simm.s32 $0xFFFFFFFF;
	p2 =	slt.u32 s8, $0xFFFFF086  }
0x1c: {  	p1 =	slt.u32 s9, $0xF7A;
	s5 =	simm.s32 @!p2 $0x0  }
0x1d: {  	s5 =	simm.s32 @p1 $0x1;
	p0 =	seq.s32 s7, s2  }
0x1e: {  	s7 =	smul.u32 @!p0 $0xF7A, s2;
	p2 =	seq.s32 @!p0 s5, $0x0  }
0x1f: {  	s9 =	smul.u32 $0xF7A, s1;
	s8 =	simm.s32 @!p0 $0x1BF5;
	p2 =	por !p2, p0  }
0x20: {  	[sflag:s8] =	ssyncset.s32 @!p0 $0xFFFFF086;
	s6 =	sadd.s32 @!p0 s3, s7;
	s7 =	simm.s32 @!p0 $0x108  }
0x21: {  	s3 =	sadd.s32 s3, s9;
	s6 =	sadd.s32 @!p0 $0x88, s6;
	s7 =	simm.s32 @p2 $0x1082  }
0x22: {  	[simem:s7], [sflag:s8] =	dma.local @!p0 [hbm:s6], $0xF7A  }
0x23: {  	s9 =	sor.u32 $0xD0000000, s2;
	s6 =	simm.s32 $0x108;
	_ =	swait.ge @!p0 [sflag:s8], $0x0  }
0x24: {  	s3 =	sadd.s32 $0x88, s3;
	s6 =	simm.s32 @!p1 $0x1082;
	[sflag:s4] =	ssyncset.s32 $0xFFFFF086  }
0x25: {  	[simem:s6], [sflag:s4] =	dma.local [hbm:s3], $0xF7A  }
0x26: {  	[smem:$0x3F98] =	sst s1;
	(tag) =	ssettag s2;
	_ =	strace s9  }
0x27: {  	s1 =	sld [smem:$0x3FA8]  }
0x28: {  	s2 =	sld [smem:$0x3FA9]  }
0x29: {  	s4 =	sld [smem:$0x3FAB]  }
0x2a: {  	p0 =	seq.s32 s5, $0x0;
	s5 =	sld [smem:$0x3FAC]  }
0x2b: {  	s6 =	sld [smem:$0x3FAD]  }
0x2c: {  	s7 =	sld [smem:$0x3FAE]  }
0x2d: {  	s3 =	simm.s32 $0x108;
	s8 =	sld [smem:$0x3FAF]  }
0x2e: {  	s3 =	simm.s32 @!p0 $0x1082;
	s9 =	sld [smem:$0x3FB0]  }
0x2f: {  	lr =	sadd.s32 s0, s3;
	s0 =	sld [smem:$0x3FA7]  }
0x30: {  	s3 =	sld [smem:$0x3FAA]  }
0x31: {  	[smem:$0x3FB3] =	sst s10  }
0x32: {  	s10 =	sld [smem:$0x3FB1];
	_ =	sdelay $0x3  }
0x33: {  	p0 =	seq.s32 s10, $0x1;
	s10 =	sld [smem:$0x3FB3];
	_ =	sdelay $0x3  }
0x34: {  	[smem:$0x3FB3] =	sst s10  }
0x35: {  	s10 =	sld [smem:$0x3FB2];
	_ =	sdelay $0x3  }
0x36: {  	p1 =	seq.s32 s10, $0x1;
	s10 =	sld [smem:$0x3FB3];
	_ =	sdelay $0x3  }
0x37: {  	[smem:$0x3FB3] =	sst s10  }
0x38: {  	s10 =	sld [smem:$0x3FB4]  }
0x39: {  	_ = 	snop;
	(pc) =	sbr.ind lr, $3  }
0x3a: {  	_ = 	snop  }
0x3b: {  	_ = 	snop  }
0x3c: {  	p2 =	seq.s32 s10, $0x1;
	s10 =	sld [smem:$0x3FB3]  }
0x3d: {  	_ =	shalt  }
0x3e: {  	_ =	shalt  }
0x3f: {  	_ =	shalt  }
0x40: {  	_ =	shalt  }
0x41: {  	_ =	shalt  }
0x42: {  	_ =	shalt  }
0x43: {  	_ =	shalt  }
0x44: {  	_ =	shalt  }
0x45: {  	_ =	shalt  }
0x46: {  	_ =	shalt  }
0x47: {  	_ =	shalt  }
0x48: {  	_ =	shalt  }
0x49: {  	_ =	shalt  }
0x4a: {  	_ =	shalt  }
0x4b: {  	_ =	shalt  }
0x4c: {  	_ =	shalt  }
0x4d: {  	_ =	shalt  }
0x4e: {  	_ =	shalt  }
0x4f: {  	_ =	shalt  }
0x50: {  	_ =	shalt  }
0x51: {  	_ =	shalt  }
0x52: {  	_ =	shalt  }
0x53: {  	_ =	shalt  }
0x54: {  	_ =	shalt  }
0x55: {  	_ =	shalt  }
0x56: {  	_ =	shalt  }
0x57: {  	_ =	shalt  }
0x58: {  	_ =	shalt  }
0x59: {  	_ =	shalt  }
0x5a: {  	_ =	shalt  }
0x5b: {  	_ =	shalt  }
0x5c: {  	_ =	shalt  }
0x5d: {  	_ =	shalt  }
0x5e: {  	_ =	shalt  }
0x5f: {  	_ =	shalt  }
0x60: {  	_ =	shalt  }
0x61: {  	_ =	shalt  }
0x62: {  	_ =	shalt  }
0x63: {  	_ =	shalt  }
0x64: {  	_ =	shalt  }
0x65: {  	_ =	shalt  }
0x66: {  	_ =	shalt  }
0x67: {  	_ =	shalt  }
0x68: {  	_ =	shalt  }
0x69: {  	_ =	shalt  }
0x6a: {  	_ =	shalt  }
0x6b: {  	_ =	shalt  }
0x6c: {  	_ =	shalt  }
0x6d: {  	_ =	shalt  }
0x6e: {  	_ =	shalt  }
0x6f: {  	_ =	shalt  }
0x70: {  	_ =	shalt  }
0x71: {  	_ =	shalt  }
0x72: {  	_ =	shalt  }
0x73: {  	_ =	shalt  }
0x74: {  	_ =	shalt  }
0x75: {  	_ =	shalt  }
0x76: {  	_ =	shalt  }
0x77: {  	_ =	shalt  }
0x78: {  	_ =	shalt  }
0x79: {  	_ =	shalt  }
0x7a: {  	_ =	shalt  }
0x7b: {  	_ =	shalt  }
0x7c: {  	_ =	shalt  }
0x7d: {  	_ =	shalt  }
0x7e: {  	_ =	shalt  }
0x7f: {  	_ =	shalt  }
0x80: {  	_ =	shalt  }
0x81: {  	_ =	shalt  }
0x82: {  	_ =	shalt  }
0x83: {  	_ =	shalt  }
0x84: {  	_ =	shalt  }
0x85: {  	_ =	shalt  }
0x86: {  	_ =	shalt  }
0x87: {  	_ =	shalt  }
.Lfunc_end0:
.L_simem_size_0:
called_computation_lowered:
.L_overlay_start_0:
0x88: {  	s2 =	sld [smem:$0x3FD9]  }
0x89: {  	s3 =	sld [smem:$0x3FFE];
	_ =	sdelay $0x1  }
0x8a: {  	s1 =	srdreg.scid  }
0x8b: {  	s0 =	sand.u32 $0x1, s1  }
0x8c: {  	s16 =	sshll.u32 s0, $0xA;
	s2 =	sadd.s32 s3, s2  }
0x8d: {  	s2 =	sadd.s32 s2, s16  }
0x8e: {  	[smem:$0x3FBF] =	sst s2  }
0x8f: {  	_ = 	snop  }
0x90: {  	(tm) =	ssettm $0x1  }
0x91: {  	s17 =	sld [smem:$0x3FFB];
	_ =	sdelay $0x3  }
0x92: {  	_ =	strace s17  }
0x93: {  	s2 =	sld [smem:$0x3FFC];
	_ =	sdelay $0x3  }
0x94: {  	_ =	strace s2  }
0x95: {  	s2 =	sld [smem:$0x3FFD];
	_ =	sdelay $0x3  }
0x96: {  	_ =	strace s2  }
0x97: {  	_ =	strace $0x8FFFFFFF  }
0x98: {  	s18 =	sld [smem:$0x3FDB];
	_ =	sdelay $0x1  }
0x99: {  	s19 =	simm.s32 $_scs_section_size  }
0x9a: {  	s4 =	simm.s32 $_size__tile_overlayer_lowered;
	s5 =	simm.s32 $_tile_overlayer_lowered  }
0x9b: {  	s22 =	simm.s32 $0x1BFF;
	s21 =	sshll.u32 s5, $0x1;
	s2 =	sadd.s32 s19, s18  }
0x9c: {  	s6 =	simm.s32 $0x0;
	s20 =	sshll.u32 s4, $0x1;
	s4 =	sadd.s32 s21, s2  }
0x9d: {  	[timem:s6], [sflag:s22] =	dma.local [hbm:s4], s20  }
0x9e: {  	_ =	swait.ge [sflag:s22], s20  }
0x9f: {  	s3 =	ssub.s32 $0x0, s20;
	[sflag:s22] =	ssyncset.done $0x0  }
0xa0: {  	[sflag:s22] =	ssyncadd.s32 s3;
	_ =	sdelay $0x1  }
0xa1: {  	s23 =	simm.s32 $0x1B8B  }
0xa2: {  	_ =	swait.ge [sflag:s23], $0x1  }
0xa3: {  	[sflag:s23] =	ssyncset.done $0x0  }
0xa4: {  	s25 =	simm.s32 $0x1B8E;
	s24 =	sld [smem:$0x3FFE];
	[sflag:s23] =	ssyncadd.s32 $0xFFFFFFFF  }
0xa5: {  	s26 =	simm.s32 $execute0_lowered;
	[smem:$0x3FD2] =	sst s25  }
0xa6: {  	s4 =	sshll.u32 s26, $0x1;
	_ =	strace $0x80000046;
	[dreg:$0x1] =	wrdreg $0xFFFFFFFF  }
0xa7: {  	s28 =	simm.s32 $_size_execute0_lowered;
	s2 =	sadd.s32 s2, s4;
	[dreg:$0x0] =	wrdreg $0x0  }
0xa8: {  	s4 =	sshll.u32 s28, $0x1;
	[dreg:$0x2] =	wrdreg s2  }
0xa9: {  	[dreg:$0x3] =	wrdreg s4  }
0xaa: {  	[dreg:$0x4] =	wrdreg $0xC0  }
0xab: {  	_ =	task [dreg:s6], $0x5FFFF  }
0xac: {  	[dreg:$0x1] =	wrdreg $0xFFFFFFFF  }
0xad: {  	[dreg:$0x0] =	wrdreg $0x60  }
0xae: {  	[dreg:$0x2] =	wrdreg s24  }
0xaf: {  	[dreg:$0x3] =	wrdreg $0x9  }
0xb0: {  	_ =	task.clear_ibuf [dreg:s6], $0x4FFFF;
	_ =	strace $0x90000046  }
0xb1: {  	s29 =	simm.s32 $0x9;
	_ =	strace $0x80000048  }
0xb2: {  	_ =	swait.ge [sflag:s29], $0x1  }
0xb3: {  	[sflag:s29] =	ssyncadd.s32 $0xFFFFFFFF  }
0xb4: {  	_ =	strace $0x90000048  }
0xb5: {  	_ =	sfence  }
0xb6: {  	s30 =	sld [smem:$0x0];
	_ =	sdelay $0x2  }
0xb7: {  	s31 =	sshll.u32 s1, $0xD;
	s1 =	sshrl.u32 s1, $0x2  }
0xb8: {  	s3 =	sand.u32 $0x4000, s31;
	s1 =	sadd.s32 s1, s30  }
0xb9: {  	s0 =	sor.u32 s3, s0;
	s1 =	sshll.u32 s1, $0x11  }
0xba: {  	s0 =	sor.u32 s1, s0  }
0xbb: {  	s0 =	sadd.s32 $0x8F2B, s0  }
0xbc: {  	[sflag:s0] =	ssyncadd.remote.s32 $0x1  }
0xbd: {  	_ =	sfence.sel $0xFFFF  }
0xbe: {  	[dreg:$0x0] =	wrdreg $0xFFFFFFFF;
	(pc) =	sbr.abs _section_cstart, $3  }
0xbf: {  	[dreg:$0x1] =	wrdreg $0xFFFFFFFF  }
0xc0: {  	_ =	task.clear_ibuf [dreg:s6], $0x2FFFF;
	_ =	strace $0x9FFFFFFF  }
0xc1: {  	(tm) =	ssettm $0x7FFFFFFF  }
tec
execute0_lowered:
.L_overlay_start_1:
0x0: {  	(tag) =	ssettag $0x1  }
0x1: {  	s4 =	rddreg [dreg:$0x0]  }
0x2: {  	s0 =	rddreg [dreg:$0x1];
	s2 =	simm.s32 $0x0;
	s5 =	srdreg.scid  }
0x3: {  	s1 =	stileid.u32;
	s11 =	simm.s32 $0x200;
	s12 =	simm.s32 $0x1  }
0x4: {  	s13 =	simm.s32 $0x1200;
	s14 =	simm.s32 $0x100;
	s17 =	simm.s32 $0x3200  }
0x5: {  	[smem:$0x7FF] =	sst s2;
	s3 =	sadd.s32 $0x1600, s4;
	s5 =	sand.u32 $0x1, s5  }
0x6: {  	s6 =	sshll.u32 s1, $0x1;
	s7 =	sadd.s32 $0x11600, s4;
	s9 =	sadd.s32 $0x12600, s4  }
0x7: {  	_ =	strace $0x80000047;
	s8 =	ssub.s32 $0x2, s5;
	s5 =	sor.u32 s5, s6  }
0x8: {  	s29 =	sshrl.u32 s8, $0x1;
	s6 =	sshll.u32 s5, $0x7;
	s10 =	sshllo.u32 s5, $0x1  }
0x9: {  	s15 =	sshll.u32 s5, $0x9;
	s5 =	sshll.u32 s5, $0xC;
	s8 =	ssub.s32 s8, s29  }
0xa: {  	s4 =	sadd.s32 s7, s6;
	s30 =	sshll.u32 s10, $0x6;
	s5 =	sadd.s32 s9, s5  }
0xb: {  	s31 =	sshll.u32 s10, $0xB;
	s16 =	sshll.u32 s10, $0x8;
	s10 =	simm.s32 $0x80  }
0xc: {  	v0 =	vmov s15;
	s15 =	simm.s32 $0x2200;
	s6 =	sadd.s32 s7, s30;
	s7 =	sadd.s32 s9, s31  }
0xd: {  	s8 =	smax.u32 s8, $0x1;
	s9 =	simm.s32 $0x2;
	v1 =	vmov s16;
	s16 =	simm.s32 $0x180  }
.LBB2_1:
0xe: {  	[tilespmem:s2], [sflag:$0x2] =	stream.linear.gather [hbm4b:s4+s2], $0x200, $0x38;
	[tilespmem:$0x4200] =	vst v63  }
0xf: {  	_ =	swait.ge [sflag:s9], $0x200  }
0x10: {  	[sflag:s9] =	ssyncset.done $0x0  }
0x11: {  	[sflag:s9] =	ssyncadd.s32 $0xFFFFFE00  }
0x12: {  	v2 =	vld [tilespmem:$0x0]  }
0x13: {  	v3 =	vld [tilespmem:$0x10]  }
0x14: {  	v4 =	vld [tilespmem:$0x20]  }
0x15: {  	v5 =	vld [tilespmem:$0x30]  }
0x16: {  	v6 =	vld [tilespmem:$0x40]  }
0x17: {  	v7 =	vld [tilespmem:$0x50];
	v2 =	vadd.s32 v0, v2  }
0x18: {  	[tilespmem:$0x0] =	vst v2;
	v2 =	vadd.s32 v0, v3;
	v3 =	vld [tilespmem:$0x60]  }
0x19: {  	v20 =	vld [tilespmem:$0x70];
	[tilespmem:$0x10] =	vst v2;
	v2 =	vadd.s32 v0, v4  }
0x1a: {  	v21 =	vld [tilespmem:$0x80];
	[tilespmem:$0x20] =	vst v2;
	v2 =	vadd.s32 v0, v5  }
0x1b: {  	v22 =	vld [tilespmem:$0x90];
	[tilespmem:$0x30] =	vst v2;
	v2 =	vadd.s32 v0, v6  }
0x1c: {  	v23 =	vld [tilespmem:$0xA0];
	[tilespmem:$0x40] =	vst v2;
	v2 =	vadd.s32 v0, v7  }
0x1d: {  	[tilespmem:$0x50] =	vst v2;
	v2 =	vadd.s32 v0, v3;
	v3 =	vld [tilespmem:$0xB0]  }
0x1e: {  	v24 =	vld [tilespmem:$0xC0];
	[tilespmem:$0x60] =	vst v2;
	v2 =	vadd.s32 v0, v20  }
0x1f: {  	v25 =	vld [tilespmem:$0xD0];
	[tilespmem:$0x70] =	vst v2;
	v2 =	vadd.s32 v0, v21  }
0x20: {  	v26 =	vld [tilespmem:$0xE0];
	[tilespmem:$0x80] =	vst v2;
	v2 =	vadd.s32 v0, v22  }
0x21: {  	v27 =	vld [tilespmem:$0xF0];
	[tilespmem:$0x90] =	vst v2;
	v2 =	vadd.s32 v0, v23  }
0x22: {  	[tilespmem:$0xA0] =	vst v2;
	v2 =	vadd.s32 v0, v3;
	v3 =	vld [tilespmem:$0x100]  }
0x23: {  	v28 =	vld [tilespmem:$0x110];
	[tilespmem:$0xB0] =	vst v2;
	v2 =	vadd.s32 v0, v24  }
0x24: {  	v29 =	vld [tilespmem:$0x120];
	[tilespmem:$0xC0] =	vst v2;
	v2 =	vadd.s32 v0, v25  }
0x25: {  	v30 =	vld [tilespmem:$0x130];
	[tilespmem:$0xD0] =	vst v2;
	v2 =	vadd.s32 v0, v26  }
0x26: {  	v31 =	vld [tilespmem:$0x140];
	[tilespmem:$0xE0] =	vst v2;
	v2 =	vadd.s32 v0, v27  }
0x27: {  	[tilespmem:$0xF0] =	vst v2;
	v2 =	vadd.s32 v0, v3;
	v3 =	vld [tilespmem:$0x150]  }
0x28: {  	v32 =	vld [tilespmem:$0x160];
	[tilespmem:$0x100] =	vst v2;
	v2 =	vadd.s32 v0, v28  }
0x29: {  	v33 =	vld [tilespmem:$0x170];
	[tilespmem:$0x110] =	vst v2;
	v2 =	vadd.s32 v0, v29  }
0x2a: {  	v34 =	vld [tilespmem:$0x180];
	[tilespmem:$0x120] =	vst v2;
	v2 =	vadd.s32 v0, v30  }
0x2b: {  	v35 =	vld [tilespmem:$0x190];
	[tilespmem:$0x130] =	vst v2;
	v2 =	vadd.s32 v0, v31  }
0x2c: {  	[tilespmem:$0x140] =	vst v2;
	v2 =	vadd.s32 v0, v3;
	v3 =	vld [tilespmem:$0x1A0]  }
0x2d: {  	v36 =	vld [tilespmem:$0x1B0];
	[tilespmem:$0x150] =	vst v2;
	v2 =	vadd.s32 v0, v32  }
0x2e: {  	v37 =	vld [tilespmem:$0x1C0];
	[tilespmem:$0x160] =	vst v2;
	v2 =	vadd.s32 v0, v33  }
0x2f: {  	v38 =	vld [tilespmem:$0x1D0];
	[tilespmem:$0x170] =	vst v2;
	v2 =	vadd.s32 v0, v34  }
0x30: {  	v39 =	vld [tilespmem:$0x1E0];
	[tilespmem:$0x180] =	vst v2;
	v2 =	vadd.s32 v0, v35  }
0x31: {  	[tilespmem:$0x190] =	vst v2;
	v2 =	vadd.s32 v0, v3;
	v3 =	vld [tilespmem:$0x1F0]  }
0x32: {  	[tilespmem:$0x1A0] =	vst v2;
	v2 =	vadd.s32 v0, v36  }
0x33: {  	[tilespmem:$0x1B0] =	vst v2;
	v2 =	vadd.s32 v0, v37  }
0x34: {  	[tilespmem:$0x1C0] =	vst v2;
	v2 =	vadd.s32 v0, v38  }
0x35: {  	[tilespmem:$0x1D0] =	vst v2;
	v2 =	vadd.s32 v0, v39  }
0x36: {  	[tilespmem:$0x1E0] =	vst v2;
	v2 =	vadd.s32 v0, v3  }
0x37: {  	[tilespmem:$0x1F0] =	vst v2  }
0x38: {  	[tilespmem:s11], [sflag:$0x1] =	stream.indirect.gather [hbm4b:s3+s10], $0x20, s2, s10, $0xb8;
	[tilespmem:$0x4200] =	vst v63  }
0x39: {  	_ =	swait.ge [sflag:s12], $0x1000  }
0x3a: {  	[sflag:s12] =	ssyncset.done $0x0  }
0x3b: {  	[sflag:s12] =	ssyncadd.s32 $0xFFFFF000  }
0x3c: {  	[tilespmem:s13], [sflag:$0x1] =	stream.indirect.gather [hbm4b:s3+s10], $0x20, s10, s10, $0xb8;
	[tilespmem:$0x4200] =	vst v63  }
0x3d: {  	_ =	swait.ge [sflag:s12], $0x1000  }
0x3e: {  	[sflag:s12] =	ssyncset.done $0x0  }
0x3f: {  	[sflag:s12] =	ssyncadd.s32 $0xFFFFF000  }
0x40: {  	[tilespmem:s15], [sflag:$0x1] =	stream.indirect.gather [hbm4b:s3+s10], $0x20, s14, s10, $0xb8;
	[tilespmem:$0x4200] =	vst v63  }
0x41: {  	_ =	swait.ge [sflag:s12], $0x1000  }
0x42: {  	[sflag:s12] =	ssyncset.done $0x0  }
0x43: {  	[sflag:s12] =	ssyncadd.s32 $0xFFFFF000  }
0x44: {  	[tilespmem:s17], [sflag:$0x1] =	stream.indirect.gather [hbm4b:s3+s10], $0x20, s16, s10, $0xb8;
	[tilespmem:$0x4200] =	vst v63  }
0x45: {  	_ =	swait.ge [sflag:s12], $0x1000  }
0x46: {  	[sflag:s12] =	ssyncset.done $0x0  }
0x47: {  	[sflag:s12] =	ssyncadd.s32 $0xFFFFF000  }
0x48: {  	[hbm4b:s5+s2] =	stream.linear.scatter [tilespmem:s11], [sflag:$0x2], $0x4000, $0x38;
	[tilespmem:$0x4200] =	vst v63  }
0x49: {  	_ =	swait.ge [sflag:s9], $0x4000  }
0x4a: {  	[sflag:s9] =	ssyncset.done $0x0  }
0x4b: {  	[sflag:s9] =	ssyncadd.s32 $0xFFFFC000  }
0x4c: {  	[tilespmem:s2], [sflag:$0x2] =	stream.linear.gather [hbm4b:s6+s2], $0x200, $0x38;
	[tilespmem:$0x4200] =	vst v63  }
0x4d: {  	_ =	swait.ge [sflag:s9], $0x200  }
0x4e: {  	[sflag:s9] =	ssyncset.done $0x0  }
0x4f: {  	[sflag:s9] =	ssyncadd.s32 $0xFFFFFE00  }
0x50: {  	v2 =	vld [tilespmem:$0x0]  }
0x51: {  	v3 =	vld [tilespmem:$0x10]  }
0x52: {  	v40 =	vld [tilespmem:$0x20]  }
0x53: {  	v41 =	vld [tilespmem:$0x30]  }
0x54: {  	v42 =	vld [tilespmem:$0x40]  }
0x55: {  	v43 =	vld [tilespmem:$0x50];
	v2 =	vadd.s32 v1, v2  }
0x56: {  	[tilespmem:$0x0] =	vst v2;
	v2 =	vadd.s32 v1, v3;
	v3 =	vld [tilespmem:$0x60]  }
0x57: {  	v44 =	vld [tilespmem:$0x70];
	[tilespmem:$0x10] =	vst v2;
	v2 =	vadd.s32 v1, v40  }
0x58: {  	v45 =	vld [tilespmem:$0x80];
	[tilespmem:$0x20] =	vst v2;
	v2 =	vadd.s32 v1, v41  }
0x59: {  	v46 =	vld [tilespmem:$0x90];
	[tilespmem:$0x30] =	vst v2;
	v2 =	vadd.s32 v1, v42  }
0x5a: {  	v47 =	vld [tilespmem:$0xA0];
	[tilespmem:$0x40] =	vst v2;
	v2 =	vadd.s32 v1, v43  }
0x5b: {  	[tilespmem:$0x50] =	vst v2;
	v2 =	vadd.s32 v1, v3;
	v3 =	vld [tilespmem:$0xB0]  }
0x5c: {  	v48 =	vld [tilespmem:$0xC0];
	[tilespmem:$0x60] =	vst v2;
	v2 =	vadd.s32 v1, v44  }
0x5d: {  	v49 =	vld [tilespmem:$0xD0];
	[tilespmem:$0x70] =	vst v2;
	v2 =	vadd.s32 v1, v45  }
0x5e: {  	v50 =	vld [tilespmem:$0xE0];
	[tilespmem:$0x80] =	vst v2;
	v2 =	vadd.s32 v1, v46  }
0x5f: {  	v51 =	vld [tilespmem:$0xF0];
	[tilespmem:$0x90] =	vst v2;
	v2 =	vadd.s32 v1, v47  }
0x60: {  	[tilespmem:$0xA0] =	vst v2;
	v2 =	vadd.s32 v1, v3;
	v3 =	vld [tilespmem:$0x100]  }
0x61: {  	v52 =	vld [tilespmem:$0x110];
	[tilespmem:$0xB0] =	vst v2;
	v2 =	vadd.s32 v1, v48  }
0x62: {  	v53 =	vld [tilespmem:$0x120];
	[tilespmem:$0xC0] =	vst v2;
	v2 =	vadd.s32 v1, v49  }
0x63: {  	v54 =	vld [tilespmem:$0x130];
	[tilespmem:$0xD0] =	vst v2;
	v2 =	vadd.s32 v1, v50  }
0x64: {  	v55 =	vld [tilespmem:$0x140];
	[tilespmem:$0xE0] =	vst v2;
	v2 =	vadd.s32 v1, v51  }
0x65: {  	[tilespmem:$0xF0] =	vst v2;
	v2 =	vadd.s32 v1, v3;
	v3 =	vld [tilespmem:$0x150]  }
0x66: {  	v56 =	vld [tilespmem:$0x160];
	[tilespmem:$0x100] =	vst v2;
	v2 =	vadd.s32 v1, v52  }
0x67: {  	v57 =	vld [tilespmem:$0x170];
	[tilespmem:$0x110] =	vst v2;
	v2 =	vadd.s32 v1, v53  }
0x68: {  	v58 =	vld [tilespmem:$0x180];
	[tilespmem:$0x120] =	vst v2;
	v2 =	vadd.s32 v1, v54  }
0x69: {  	v59 =	vld [tilespmem:$0x190];
	[tilespmem:$0x130] =	vst v2;
	v2 =	vadd.s32 v1, v55  }
0x6a: {  	[tilespmem:$0x140] =	vst v2;
	v2 =	vadd.s32 v1, v3;
	v3 =	vld [tilespmem:$0x1A0]  }
0x6b: {  	v60 =	vld [tilespmem:$0x1B0];
	[tilespmem:$0x150] =	vst v2;
	v2 =	vadd.s32 v1, v56  }
0x6c: {  	v61 =	vld [tilespmem:$0x1C0];
	[tilespmem:$0x160] =	vst v2;
	v2 =	vadd.s32 v1, v57  }
0x6d: {  	v62 =	vld [tilespmem:$0x1D0];
	[tilespmem:$0x170] =	vst v2;
	v2 =	vadd.s32 v1, v58  }
0x6e: {  	v63 =	vld [tilespmem:$0x1E0];
	[tilespmem:$0x180] =	vst v2;
	v2 =	vadd.s32 v1, v59  }
0x6f: {  	[tilespmem:$0x190] =	vst v2;
	v2 =	vadd.s32 v1, v3;
	v3 =	vld [tilespmem:$0x1F0]  }
0x70: {  	[tilespmem:$0x1A0] =	vst v2;
	v2 =	vadd.s32 v1, v60  }
0x71: {  	[tilespmem:$0x1B0] =	vst v2;
	v2 =	vadd.s32 v1, v61  }
0x72: {  	[tilespmem:$0x1C0] =	vst v2;
	v2 =	vadd.s32 v1, v62  }
0x73: {  	[tilespmem:$0x1D0] =	vst v2;
	v2 =	vadd.s32 v1, v63  }
0x74: {  	[tilespmem:$0x1E0] =	vst v2;
	v2 =	vadd.s32 v1, v3  }
0x75: {  	[tilespmem:$0x1F0] =	vst v2  }
0x76: {  	[tilespmem:s11], [sflag:$0x1] =	stream.indirect.gather [hbm4b:s3+s10], $0x20, s2, s10, $0xb8;
	[tilespmem:$0x4200] =	vst v63  }
0x77: {  	_ =	swait.ge [sflag:s12], $0x1000  }
0x78: {  	[sflag:s12] =	ssyncset.done $0x0  }
0x79: {  	[sflag:s12] =	ssyncadd.s32 $0xFFFFF000  }
0x7a: {  	[tilespmem:s13], [sflag:$0x1] =	stream.indirect.gather [hbm4b:s3+s10], $0x20, s10, s10, $0xb8;
	[tilespmem:$0x4200] =	vst v63  }
0x7b: {  	_ =	swait.ge [sflag:s12], $0x1000  }
0x7c: {  	[sflag:s12] =	ssyncset.done $0x0  }
0x7d: {  	[sflag:s12] =	ssyncadd.s32 $0xFFFFF000  }
0x7e: {  	[tilespmem:s15], [sflag:$0x1] =	stream.indirect.gather [hbm4b:s3+s10], $0x20, s14, s10, $0xb8;
	[tilespmem:$0x4200] =	vst v63  }
0x7f: {  	_ =	swait.ge [sflag:s12], $0x1000  }
0x80: {  	[sflag:s12] =	ssyncset.done $0x0  }
0x81: {  	[sflag:s12] =	ssyncadd.s32 $0xFFFFF000  }
0x82: {  	[tilespmem:s17], [sflag:$0x1] =	stream.indirect.gather [hbm4b:s3+s10], $0x20, s16, s10, $0xb8;
	[tilespmem:$0x4200] =	vst v63  }
0x83: {  	_ =	swait.ge [sflag:s12], $0x1000  }
0x84: {  	p0 =	sne.s32 s8, $0x1;
	[sflag:s12] =	ssyncset.done $0x0  }
.Ltmp0:
0x85: {  	[sflag:s12] =	ssyncadd.s32 $0xFFFFF000;
	(pc) =	sbr.rel @p0 .LBB2_1-.Ltmp0, $4  }
0x86: {  	[hbm4b:s7+s2] =	stream.linear.scatter [tilespmem:s11], [sflag:$0x2], $0x4000, $0x38;
	[tilespmem:$0x4200] =	vst v63  }
0x87: {  	_ =	swait.ge [sflag:s9], $0x4000  }
0x88: {  	[sflag:s9] =	ssyncset.done $0x0  }
0x89: {  	s8 =	sadd.s32 $0xFFFFFFFF, s8;
	[sflag:s9] =	ssyncadd.s32 $0xFFFFC000  }
0x8a: {  	_ =	sfence.sel $0x180000  }
0x8b: {  	[bflag:$0x0] =	sbarrier.arrive $0xFFFF  }
0x8c: {  	p0 =	sne.s32 s1, $0x0;
	_ =	strace $0x90000047  }
0x8d: {  	s0 =	sadd.s32 @!p0 $0x100000, s0;
	[bflag:$0x2] =	sbarrier.arrive $0xFFFF  }
0x8e: {  	[sflag:s0] =	ssyncadd.tile.s32 @!p0 $0x1;
	_ =	shalt  }
.Lfunc_end2:
_tile_overlayer_lowered:
.L_overlay_start_2:
0x8f: {  	(tag) =	ssettag $0x2  }
0x90: {  	s0 =	rddreg [dreg:$0x0];
	s2 =	stileid.u32  }
0x91: {  	s1 =	rddreg [dreg:$0x1];
	p0 =	sne.s32 s2, $0x0  }
0x92: {  	s3 =	rddreg [dreg:$0x2];
	[bflag:$0x3] =	sbarrier.arrive $0xFFFF;
	s2 =	simm.s32 @!p0 $0x1C02  }
0x93: {  	[timem:s3], [sflag:s2] =	dma.local @!p0 [hbm:s0], s1  }
0x94: {  	s0 =	simm.s32 @!p0 $0x2  }
0x95: {  	_ =	swait.ge @!p0 [sflag:s0], s1  }
0x96: {  	s1 =	ssub.s32 @!p0 $0x0, s1;
	[sflag:s0] =	ssyncset.done @!p0 $0x0  }
0x97: {  	[sflag:s0] =	ssyncadd.s32 @!p0 s1  }
0x98: {  	[bflag:$0x3] =	sbarrier.arrive $0xFFFF  }
0x99: {  	_ =	shalt  }

</sc_bundles>
